<compile_context>
chip_gen: v7x
topology: tpu7x:2x2x1
jax: 0.10.2.dev20260603
libtpu: 0.0.44.dev20260713+nightly
codegen_flags: <defaults>
</compile_context>

<pallas_src>
import functools

import jax
import jax.numpy as jnp
from jax import lax
from jax.experimental import pallas as pl
from jax.experimental.pallas import tpu as pltpu
from jax.experimental.pallas import tpu_sc as plsc

NNODES = 10000
NPAD = 10240
NEDGES = 320000
NC = 2
NS = 16
NW = NC * NS
CHUNK = 128
CPW = 80
EPAD = NW * CPW * CHUNK
RPS = NPAD // NS
EPS = 1e-5


RING = 8
NBURST = CPW // RING


@functools.cache
def _make_sc_degree():
  mesh = plsc.VectorSubcoreMesh(core_axis_name="c", subcore_axis_name="s",
                                num_cores=NC, num_subcores=NS)

  @functools.partial(
      pl.kernel,
      out_type=jax.ShapeDtypeStruct((NC, NPAD, 8), jnp.float32),
      mesh=mesh,
      compiler_params=pltpu.CompilerParams(use_tc_tiling_on_sc=False),
      scratch_types=[
          pltpu.VMEM((CPW, CHUNK), jnp.int32),
          pltpu.VMEM((CHUNK, 8), jnp.float32),
          pltpu.VMEM_SHARED((NPAD, 8), jnp.float32),
      ] + [pltpu.SemaphoreType.DMA] * RING,
  )
  def k(dst_hbm, ones_hbm, zeros_hbm, out_hbm, dst_v, ones_v, acc_sh, *sems):
    c = lax.axis_index("c")
    s = lax.axis_index("s")
    w = c * NS + s
    pltpu.sync_copy(zeros_hbm.at[pl.ds(s * RPS, RPS)],
                    acc_sh.at[pl.ds(s * RPS, RPS)])
    pltpu.sync_copy(dst_hbm.at[pl.ds(w * CPW, CPW)], dst_v)
    pltpu.sync_copy(ones_hbm, ones_v)
    plsc.subcore_barrier()

    def scat(j, kslot):
      return pltpu.make_async_copy(ones_v, acc_sh.at[dst_v.at[j]],
                                   sems[kslot])

    for kk in range(RING):
      scat(kk, kk).start(add=True)

    def body(t, carry):
      base = t * RING
      for kk in range(RING):
        scat(base + kk, kk).wait()
        scat(base + kk, kk).start(add=True)
      return carry

    lax.fori_loop(1, NBURST, body, 0)
    for kk in range(RING):
      scat(kk, kk).wait()
    plsc.subcore_barrier()
    pltpu.sync_copy(acc_sh.at[pl.ds(s * RPS, RPS)],
                    out_hbm.at[c, pl.ds(s * RPS, RPS)])

  return k


@functools.cache
def _make_sc_agg(feat, stage):
  mesh = plsc.VectorSubcoreMesh(core_axis_name="c", subcore_axis_name="s",
                                num_cores=NC, num_subcores=NS)

  @functools.partial(
      pl.kernel,
      out_type=jax.ShapeDtypeStruct((NC, NPAD, feat), jnp.float32),
      mesh=mesh,
      compiler_params=pltpu.CompilerParams(use_tc_tiling_on_sc=False),
      scratch_types=[
          pltpu.VMEM((CPW, CHUNK), jnp.int32),
          pltpu.VMEM((CPW, CHUNK), jnp.int32),
          pltpu.VMEM_SHARED((NPAD, feat), jnp.float32),
      ] + ([pltpu.VMEM_SHARED((NPAD, feat), jnp.float32)] if stage else [])
        + [pltpu.VMEM((CHUNK, feat), jnp.float32)] * RING
        + [pltpu.SemaphoreType.DMA] * (2 * RING),
  )
  def k(ht_hbm, src_hbm, dst_hbm, zeros_hbm, out_hbm,
        src_v, dst_v, acc_sh, *rest):
    if stage:
      ht_sh, *rest = rest
    rows = rest[:RING]
    gsem = rest[RING:2 * RING]
    ssem = rest[2 * RING:]
    c = lax.axis_index("c")
    s = lax.axis_index("s")
    w = c * NS + s
    if stage:
      pltpu.sync_copy(ht_hbm.at[pl.ds(s * RPS, RPS)],
                      ht_sh.at[pl.ds(s * RPS, RPS)])
      gsrc = ht_sh
    else:
      gsrc = ht_hbm
    pltpu.sync_copy(zeros_hbm.at[pl.ds(s * RPS, RPS)],
                    acc_sh.at[pl.ds(s * RPS, RPS)])
    pltpu.sync_copy(src_hbm.at[pl.ds(w * CPW, CPW)], src_v)
    pltpu.sync_copy(dst_hbm.at[pl.ds(w * CPW, CPW)], dst_v)
    plsc.subcore_barrier()

    def gat(j, kslot):
      return pltpu.make_async_copy(gsrc.at[src_v.at[j]], rows[kslot],
                                   gsem[kslot])

    def scat(j, kslot):
      return pltpu.make_async_copy(rows[kslot], acc_sh.at[dst_v.at[j]],
                                   ssem[kslot])

    for kk in range(RING):
      gat(kk, kk).start()
    for kk in range(RING):
      gat(kk, kk).wait()
      scat(kk, kk).start(add=True)

    def body(t, carry):
      base = t * RING
      for kk in range(RING):
        scat(base + kk, kk).wait()
        gat(base + kk, kk).start()
      for kk in range(RING):
        gat(base + kk, kk).wait()
        scat(base + kk, kk).start(add=True)
      return carry

    lax.fori_loop(1, NBURST, body, 0)
    for kk in range(RING):
      scat(kk, kk).wait()
    plsc.subcore_barrier()
    pltpu.sync_copy(acc_sh.at[pl.ds(s * RPS, RPS)],
                    out_hbm.at[c, pl.ds(s * RPS, RPS)])

  return k


def _row_mask(ncols):
  rows = lax.broadcasted_iota(jnp.int32, (NPAD, ncols), 0)
  return rows < NNODES


def _bn_relu(a, g, b, mask):
  am = jnp.where(mask, a, 0.0)
  mu = jnp.sum(am, axis=0, keepdims=True) / NNODES
  d = jnp.where(mask, a - mu, 0.0)
  var = jnp.sum(d * d, axis=0, keepdims=True) / NNODES
  h = (a - mu) * lax.rsqrt(var + EPS) * g + b
  return jnp.maximum(h, 0.0)


def _tc_pre_body(deg_ref, x_ref, w1_ref, ht1_ref, dinv_ref):
  deg = deg_ref[0] + deg_ref[1] + 1.0
  dinv = jnp.where(_row_mask(8), lax.rsqrt(deg), 0.0)
  dinv_ref[...] = dinv
  t1 = jnp.dot(x_ref[...], w1_ref[...], preferred_element_type=jnp.float32)
  ht1_ref[...] = dinv[:, 0:1] * t1


_TC_PRE = pl.pallas_call(
    _tc_pre_body,
    out_shape=(jax.ShapeDtypeStruct((NPAD, 32), jnp.float32),
               jax.ShapeDtypeStruct((NPAD, 8), jnp.float32)))


def _tc_mid1_body(acc_ref, ht_ref, dinv_ref, b_ref, g_ref, be_ref, out_ref):
  dinv = dinv_ref[...][:, 0:1]
  a = dinv * (acc_ref[0] + acc_ref[1] + ht_ref[...]) + b_ref[...]
  mask = _row_mask(a.shape[1])
  h = _bn_relu(a, g_ref[...], be_ref[...], mask)
  out_ref[...] = jnp.where(mask, dinv * h, 0.0)


_TC_MID1 = pl.pallas_call(
    _tc_mid1_body,
    out_shape=jax.ShapeDtypeStruct((NPAD, 32), jnp.float32))


def _tc_mid2_body(acc_ref, ht_ref, dinv_ref, w_ref, b_ref, g_ref, be_ref,
                  out_ref):
  dinv = dinv_ref[...][:, 0:1]
  u = dinv * (acc_ref[0] + acc_ref[1] + ht_ref[...])
  a = jnp.dot(u, w_ref[...], preferred_element_type=jnp.float32) + b_ref[...]
  mask = _row_mask(a.shape[1])
  h = _bn_relu(a, g_ref[...], be_ref[...], mask)
  out_ref[...] = jnp.where(mask, dinv * h, 0.0)


_TC_MID2 = pl.pallas_call(
    _tc_mid2_body,
    out_shape=jax.ShapeDtypeStruct((NPAD, 64), jnp.float32))


def _tc_fin_body(acca_ref, accb_ref, ht_ref, dinv_ref, w3_ref, b3_ref,
                 g3_ref, be3_ref, wf_ref, bf_ref, out_ref):
  dinv = dinv_ref[...][:, 0:1]
  agg = jnp.concatenate([acca_ref[0] + acca_ref[1],
                         accb_ref[0] + accb_ref[1]], axis=1)
  u = dinv * (agg + ht_ref[...])
  a = jnp.dot(u, w3_ref[...], preferred_element_type=jnp.float32) + b3_ref[...]
  mask = _row_mask(a.shape[1])
  h = _bn_relu(a, g3_ref[...], be3_ref[...], mask)
  logits = jnp.dot(h, wf_ref[...], preferred_element_type=jnp.float32)
  logits = logits + bf_ref[...]
  m = jnp.max(logits, axis=1, keepdims=True)
  lse = jnp.log(jnp.sum(jnp.exp(logits - m), axis=1, keepdims=True)) + m
  out_ref[...] = logits - lse


_TC_FIN = pl.pallas_call(
    _tc_fin_body,
    out_shape=jax.ShapeDtypeStruct((NPAD, 16), jnp.float32))


def kernel(x, edge_index, W1, b1, g1, be1, W2, b2, g2, be2, W3, b3, g3, be3,
           Wf, bf):
  src = edge_index[0]
  dst = edge_index[1]
  fill_src = jnp.full((EPAD - NEDGES,), NNODES, jnp.int32)
  fill_dst = NNODES + jnp.arange(EPAD - NEDGES, dtype=jnp.int32) % (
      NPAD - NNODES)
  src2 = jnp.concatenate([src, fill_src]).reshape(NW * CPW, CHUNK)
  dst2 = jnp.concatenate([dst, fill_dst]).reshape(NW * CPW, CHUNK)
  xp = jnp.pad(x, ((0, NPAD - NNODES), (0, 0)))
  z8 = jnp.zeros((NPAD, 8), jnp.float32)
  z32 = jnp.zeros((NPAD, 32), jnp.float32)
  ones8 = jnp.ones((CHUNK, 8), jnp.float32)
  wfp = jnp.pad(Wf, ((0, 0), (0, 6)))
  bfp = jnp.concatenate([bf, jnp.full((6,), -1e30, jnp.float32)])

  degp = _make_sc_degree()(dst2, ones8, z8)
  ht1, dinv8 = _TC_PRE(degp, xp, W1)
  acc1 = _make_sc_agg(32, True)(ht1, src2, dst2, z32)
  ht2 = _TC_MID1(acc1, ht1, dinv8, b1.reshape(1, -1), g1.reshape(1, -1),
                 be1.reshape(1, -1))
  acc2 = _make_sc_agg(32, True)(ht2, src2, dst2, z32)
  ht3 = _TC_MID2(acc2, ht2, dinv8, W2, b2.reshape(1, -1), g2.reshape(1, -1),
                 be2.reshape(1, -1))
  acc3a = _make_sc_agg(32, True)(ht3[:, :32], src2, dst2, z32)
  acc3b = _make_sc_agg(32, True)(ht3[:, 32:], src2, dst2, z32)
  outp = _TC_FIN(acc3a, acc3b, ht3, dinv8, W3, b3.reshape(1, -1),
                 g3.reshape(1, -1), be3.reshape(1, -1), wfp,
                 bfp.reshape(1, -1))
  return outp[:NNODES, :10]

# --- scband reference (transcript-rebuilt; emitter-appended) ---
"""Pipeline reference for scband-gcn-50843822850247 (READ-ONLY COPY).

The authoritative reference and input builder live on the scoring server;
editing this copy changes nothing except your own understanding.
"""

import jax, jax.numpy as jnp
import numpy as np

N = 10000
E = 320000
D_IN = 128
N_CLASSES = 10

def gcn_conv(x, src, dst, W, b, num_nodes):
    # GCNConv: linear transform, add self-loops, symmetric normalization, scatter-add aggregate
    h = x @ W
    loop = jnp.arange(num_nodes, dtype=src.dtype)
    s = jnp.concatenate([src, loop])
    d = jnp.concatenate([dst, loop])
    deg = jnp.zeros((num_nodes,), dtype=h.dtype).at[d].add(1.0)
    dinv = jnp.where(deg > 0, 1.0 / jnp.sqrt(deg), 0.0)
    norm = dinv[s] * dinv[d]
    msg = h[s] * norm[:, None]
    out = jnp.zeros((num_nodes, h.shape[1]), dtype=h.dtype).at[d].add(msg)
    return out + b

def batchnorm(x, gamma, beta, eps=1e-5):
    mu = jnp.mean(x, axis=0)
    var = jnp.var(x, axis=0)
    return (x - mu) / jnp.sqrt(var + eps) * gamma + beta

def setup_inputs(seed: int = 0):
    key = jax.random.key(seed)
    ks = jax.random.split(key, 8)
    def lin(k, fin, fout):
        return jax.random.normal(k, (fin, fout), dtype=jnp.float32) / np.sqrt(fin)
    inp = {}
    inp["x"] = jax.random.normal(ks[0], (N, D_IN), dtype=jnp.float32)
    inp["edge_index"] = jax.random.randint(ks[1], (2, E), 0, N, dtype=jnp.int32)
    inp["W1"] = lin(ks[2], D_IN, 32); inp["b1"] = jnp.zeros((32,), jnp.float32)
    inp["g1"] = jnp.ones((32,), jnp.float32); inp["be1"] = jnp.zeros((32,), jnp.float32)
    inp["W2"] = lin(ks[3], 32, 64); inp["b2"] = jnp.zeros((64,), jnp.float32)
    inp["g2"] = jnp.ones((64,), jnp.float32); inp["be2"] = jnp.zeros((64,), jnp.float32)
    inp["W3"] = lin(ks[4], 64, 128); inp["b3"] = jnp.zeros((128,), jnp.float32)
    inp["g3"] = jnp.ones((128,), jnp.float32); inp["be3"] = jnp.zeros((128,), jnp.float32)
    inp["Wf"] = lin(ks[5], 128, N_CLASSES); inp["bf"] = jnp.zeros((N_CLASSES,), jnp.float32)
    return inp

def reference(x, edge_index, W1, b1, g1, be1, W2, b2, g2, be2, W3, b3, g3, be3, Wf, bf):
    src = edge_index[0]
    dst = edge_index[1]
    h = gcn_conv(x, src, dst, W1, b1, N)
    h = jax.nn.relu(batchnorm(h, g1, be1))
    h = gcn_conv(h, src, dst, W2, b2, N)
    h = jax.nn.relu(batchnorm(h, g2, be2))
    h = gcn_conv(h, src, dst, W3, b3, N)
    h = jax.nn.relu(batchnorm(h, g3, be3))
    # dropout is identity in eval mode
    logits = h @ Wf + bf
    return jax.nn.log_softmax(logits, axis=1)

if __name__ == "__main__":
    import jax
    _d = setup_inputs()
    print(jax.jit(kernel)(*tuple(_d.values())))

</pallas_src>

<mosaic_0001>
#map = affine_map<(d0, d1) -> (0, 0)>
#map1 = affine_map<(d0, d1) -> (0, 0, 0)>
module attributes {stable_mosaic.version = 14 : i64} {
  func.func @k(%arg0: i32, %arg1: i32, %arg2: memref<10240x32xf32, #tpu.memory_space<hbm>>, %arg3: memref<2560x128xi32, #tpu.memory_space<hbm>>, %arg4: memref<2560x128xi32, #tpu.memory_space<hbm>>, %arg5: memref<10240x32xf32, #tpu.memory_space<hbm>>, %arg6: memref<2x10240x32xf32, #tpu.memory_space<hbm>>, %arg7: memref<80x128xi32, #tpu.memory_space<vmem>>, %arg8: memref<80x128xi32, #tpu.memory_space<vmem>>, %arg9: memref<10240x32xf32, #tpu.memory_space<vmem_shared>>, %arg10: memref<10240x32xf32, #tpu.memory_space<vmem_shared>>, %arg11: memref<128x32xf32, #tpu.memory_space<vmem>>, %arg12: memref<128x32xf32, #tpu.memory_space<vmem>>, %arg13: memref<128x32xf32, #tpu.memory_space<vmem>>, %arg14: memref<128x32xf32, #tpu.memory_space<vmem>>, %arg15: memref<128x32xf32, #tpu.memory_space<vmem>>, %arg16: memref<128x32xf32, #tpu.memory_space<vmem>>, %arg17: memref<128x32xf32, #tpu.memory_space<vmem>>, %arg18: memref<128x32xf32, #tpu.memory_space<vmem>>, %arg19: memref<!tpu.dma_semaphore, #tpu.memory_space<semaphore_mem>>, %arg20: memref<!tpu.dma_semaphore, #tpu.memory_space<semaphore_mem>>, %arg21: memref<!tpu.dma_semaphore, #tpu.memory_space<semaphore_mem>>, %arg22: memref<!tpu.dma_semaphore, #tpu.memory_space<semaphore_mem>>, %arg23: memref<!tpu.dma_semaphore, #tpu.memory_space<semaphore_mem>>, %arg24: memref<!tpu.dma_semaphore, #tpu.memory_space<semaphore_mem>>, %arg25: memref<!tpu.dma_semaphore, #tpu.memory_space<semaphore_mem>>, %arg26: memref<!tpu.dma_semaphore, #tpu.memory_space<semaphore_mem>>, %arg27: memref<!tpu.dma_semaphore, #tpu.memory_space<semaphore_mem>>, %arg28: memref<!tpu.dma_semaphore, #tpu.memory_space<semaphore_mem>>, %arg29: memref<!tpu.dma_semaphore, #tpu.memory_space<semaphore_mem>>, %arg30: memref<!tpu.dma_semaphore, #tpu.memory_space<semaphore_mem>>, %arg31: memref<!tpu.dma_semaphore, #tpu.memory_space<semaphore_mem>>, %arg32: memref<!tpu.dma_semaphore, #tpu.memory_space<semaphore_mem>>, %arg33: memref<!tpu.dma_semaphore, #tpu.memory_space<semaphore_mem>>, %arg34: memref<!tpu.dma_semaphore, #tpu.memory_space<semaphore_mem>>) attributes {dimension_semantics = [#tpu.dimension_semantics<core_parallel>, #tpu.dimension_semantics<subcore_parallel>], iteration_bounds = array<i64: 2, 16>, scalar_prefetch = 0 : i64, scratch_operands = 28 : i64, tpu.core_type = #tpu.core_type<sc_vector_subcore>, window_params = [{transform_indices = #map}, {transform_indices = #map}, {transform_indices = #map}, {transform_indices = #map}, {transform_indices = #map1}]} {
    %mul3A = arith.constant 16 : i32
    %mul3A_0 = arith.muli %arg0, %mul3A : i32
    %add3A = arith.addi %mul3A_0, %arg1 : i32
    %mul3A_1 = arith.constant 640 : i32
    %mul3A_2 = arith.muli %arg1, %mul3A_1 : i32
    %mul3A_3 = arith.constant 640 : i32
    %mul3A_4 = arith.muli %arg1, %mul3A_3 : i32
    "tpu.region"() ({
      %run_scoped3A = tpu.sem_alloc : memref<!tpu.dma_semaphore, #tpu.memory_space<semaphore_mem>>
      %dma_start3A_245 = arith.constant 0 : i32
      %dma_start3A_246 = tpu.memref_slice %arg10[%mul3A_4, %dma_start3A_245] : memref<10240x32xf32, #tpu.memory_space<vmem_shared>> -> memref<640x32xf32, #tpu.memory_space<vmem_shared>>
      %dma_start3A_247 = arith.constant 0 : i32
      %dma_start3A_248 = tpu.memref_slice %arg2[%mul3A_2, %dma_start3A_247] : memref<10240x32xf32, #tpu.memory_space<hbm>> -> memref<640x32xf32, #tpu.memory_space<hbm>>
      tpu.enqueue_dma source(%dma_start3A_248 : memref<640x32xf32, #tpu.memory_space<hbm>>) target(%dma_start3A_246 : memref<640x32xf32, #tpu.memory_space<vmem_shared>>) target_semaphore(%run_scoped3A : memref<!tpu.dma_semaphore, #tpu.memory_space<semaphore_mem>>)
      %dma_wait3A_249 = arith.constant 0 : i32
      %dma_wait3A_250 = tpu.memref_slice %arg10[%mul3A_4, %dma_wait3A_249] : memref<10240x32xf32, #tpu.memory_space<vmem_shared>> -> memref<640x32xf32, #tpu.memory_space<vmem_shared>>
      %dma_wait3A_251 = arith.constant 0 : i32
      %dma_wait3A_252 = tpu.memref_slice %arg2[%mul3A_2, %dma_wait3A_251] : memref<10240x32xf32, #tpu.memory_space<hbm>> -> memref<640x32xf32, #tpu.memory_space<hbm>>
      tpu.wait_dma2 semaphore(%run_scoped3A : memref<!tpu.dma_semaphore, #tpu.memory_space<semaphore_mem>>) src(%dma_wait3A_252 : memref<640x32xf32, #tpu.memory_space<hbm>>) dst(%dma_wait3A_250 : memref<640x32xf32, #tpu.memory_space<vmem_shared>>)
      tpu.yield
    }) : () -> ()
    %mul3A_5 = arith.constant 640 : i32
    %mul3A_6 = arith.muli %arg1, %mul3A_5 : i32
    %mul3A_7 = arith.constant 640 : i32
    %mul3A_8 = arith.muli %arg1, %mul3A_7 : i32
    "tpu.region"() ({
      %run_scoped3A = tpu.sem_alloc : memref<!tpu.dma_semaphore, #tpu.memory_space<semaphore_mem>>
      %dma_start3A_245 = arith.constant 0 : i32
      %dma_start3A_246 = tpu.memref_slice %arg9[%mul3A_8, %dma_start3A_245] : memref<10240x32xf32, #tpu.memory_space<vmem_shared>> -> memref<640x32xf32, #tpu.memory_space<vmem_shared>>
      %dma_start3A_247 = arith.constant 0 : i32
      %dma_start3A_248 = tpu.memref_slice %arg5[%mul3A_6, %dma_start3A_247] : memref<10240x32xf32, #tpu.memory_space<hbm>> -> memref<640x32xf32, #tpu.memory_space<hbm>>
      tpu.enqueue_dma source(%dma_start3A_248 : memref<640x32xf32, #tpu.memory_space<hbm>>) target(%dma_start3A_246 : memref<640x32xf32, #tpu.memory_space<vmem_shared>>) target_semaphore(%run_scoped3A : memref<!tpu.dma_semaphore, #tpu.memory_space<semaphore_mem>>)
      %dma_wait3A_249 = arith.constant 0 : i32
      %dma_wait3A_250 = tpu.memref_slice %arg9[%mul3A_8, %dma_wait3A_249] : memref<10240x32xf32, #tpu.memory_space<vmem_shared>> -> memref<640x32xf32, #tpu.memory_space<vmem_shared>>
      %dma_wait3A_251 = arith.constant 0 : i32
      %dma_wait3A_252 = tpu.memref_slice %arg5[%mul3A_6, %dma_wait3A_251] : memref<10240x32xf32, #tpu.memory_space<hbm>> -> memref<640x32xf32, #tpu.memory_space<hbm>>
      tpu.wait_dma2 semaphore(%run_scoped3A : memref<!tpu.dma_semaphore, #tpu.memory_space<semaphore_mem>>) src(%dma_wait3A_252 : memref<640x32xf32, #tpu.memory_space<hbm>>) dst(%dma_wait3A_250 : memref<640x32xf32, #tpu.memory_space<vmem_shared>>)
      tpu.yield
    }) : () -> ()
    %mul3A_9 = arith.constant 80 : i32
    %mul3A_10 = arith.muli %add3A, %mul3A_9 : i32
    "tpu.region"() ({
      %run_scoped3A = tpu.sem_alloc : memref<!tpu.dma_semaphore, #tpu.memory_space<semaphore_mem>>
      %dma_start3A_245 = arith.constant 0 : i32
      %dma_start3A_246 = tpu.memref_slice %arg3[%mul3A_10, %dma_start3A_245] : memref<2560x128xi32, #tpu.memory_space<hbm>> -> memref<80x128xi32, #tpu.memory_space<hbm>>
      %dma_start3A_247 = arith.constant 0 : i32
      %dma_start3A_248 = tpu.memref_slice %arg3[%mul3A_10, %dma_start3A_247] : memref<2560x128xi32, #tpu.memory_space<hbm>> -> memref<80x128xi32, #tpu.memory_space<hbm>>
      tpu.enqueue_dma source(%dma_start3A_248 : memref<80x128xi32, #tpu.memory_space<hbm>>) target(%arg7 : memref<80x128xi32, #tpu.memory_space<vmem>>) target_semaphore(%run_scoped3A : memref<!tpu.dma_semaphore, #tpu.memory_space<semaphore_mem>>)
      %dma_wait3A_249 = arith.constant 0 : i32
      %dma_wait3A_250 = tpu.memref_slice %arg3[%mul3A_10, %dma_wait3A_249] : memref<2560x128xi32, #tpu.memory_space<hbm>> -> memref<80x128xi32, #tpu.memory_space<hbm>>
      %dma_wait3A_251 = arith.constant 0 : i32
      %dma_wait3A_252 = tpu.memref_slice %arg3[%mul3A_10, %dma_wait3A_251] : memref<2560x128xi32, #tpu.memory_space<hbm>> -> memref<80x128xi32, #tpu.memory_space<hbm>>
      tpu.wait_dma2 semaphore(%run_scoped3A : memref<!tpu.dma_semaphore, #tpu.memory_space<semaphore_mem>>) src(%dma_wait3A_252 : memref<80x128xi32, #tpu.memory_space<hbm>>) dst(%arg7 : memref<80x128xi32, #tpu.memory_space<vmem>>)
      tpu.yield
    }) : () -> ()
    %mul3A_11 = arith.constant 80 : i32
    %mul3A_12 = arith.muli %add3A, %mul3A_11 : i32
    "tpu.region"() ({
      %run_scoped3A = tpu.sem_alloc : memref<!tpu.dma_semaphore, #tpu.memory_space<semaphore_mem>>
      %dma_start3A_245 = arith.constant 0 : i32
      %dma_start3A_246 = tpu.memref_slice %arg4[%mul3A_12, %dma_start3A_245] : memref<2560x128xi32, #tpu.memory_space<hbm>> -> memref<80x128xi32, #tpu.memory_space<hbm>>
      %dma_start3A_247 = arith.constant 0 : i32
      %dma_start3A_248 = tpu.memref_slice %arg4[%mul3A_12, %dma_start3A_247] : memref<2560x128xi32, #tpu.memory_space<hbm>> -> memref<80x128xi32, #tpu.memory_space<hbm>>
      tpu.enqueue_dma source(%dma_start3A_248 : memref<80x128xi32, #tpu.memory_space<hbm>>) target(%arg8 : memref<80x128xi32, #tpu.memory_space<vmem>>) target_semaphore(%run_scoped3A : memref<!tpu.dma_semaphore, #tpu.memory_space<semaphore_mem>>)
      %dma_wait3A_249 = arith.constant 0 : i32
      %dma_wait3A_250 = tpu.memref_slice %arg4[%mul3A_12, %dma_wait3A_249] : memref<2560x128xi32, #tpu.memory_space<hbm>> -> memref<80x128xi32, #tpu.memory_space<hbm>>
      %dma_wait3A_251 = arith.constant 0 : i32
      %dma_wait3A_252 = tpu.memref_slice %arg4[%mul3A_12, %dma_wait3A_251] : memref<2560x128xi32, #tpu.memory_space<hbm>> -> memref<80x128xi32, #tpu.memory_space<hbm>>
      tpu.wait_dma2 semaphore(%run_scoped3A : memref<!tpu.dma_semaphore, #tpu.memory_space<semaphore_mem>>) src(%dma_wait3A_252 : memref<80x128xi32, #tpu.memory_space<hbm>>) dst(%arg8 : memref<80x128xi32, #tpu.memory_space<vmem>>)
      tpu.yield
    }) : () -> ()
    %barrier3A = arith.constant 0 : index
    tpu.barrier barrier_id(%barrier3A)
    %dma_start3A = arith.constant 0 : i32
    %dma_start3A_13 = arith.constant 0 : i32
    %dma_start3A_14 = tpu.memref_slice %arg7[%dma_start3A, %dma_start3A_13] : memref<80x128xi32, #tpu.memory_space<vmem>> -> memref<1x128xi32, #tpu.memory_space<vmem>>
    %dma_start3A_15 = tpu.memref_squeeze %dma_start3A_14 : memref<1x128xi32, #tpu.memory_space<vmem>> -> memref<128xi32, #tpu.memory_space<vmem>>
    %dma_start3A_16 = arith.constant 0 : i32
    %dma_start3A_17 = arith.constant 0 : i32
    %dma_start3A_18 = tpu.memref_slice %arg10[%dma_start3A_16, %dma_start3A_17] : memref<10240x32xf32, #tpu.memory_space<vmem_shared>> -> memref<10240x32xf32, #tpu.memory_space<vmem_shared>>
    tpu.enqueue_indirect_dma source(%dma_start3A_18 : memref<10240x32xf32, #tpu.memory_space<vmem_shared>>) target(%arg11 : memref<128x32xf32, #tpu.memory_space<vmem>>) offsets(%dma_start3A_15 : memref<128xi32, #tpu.memory_space<vmem>>) semaphore(%arg19 : memref<!tpu.dma_semaphore, #tpu.memory_space<semaphore_mem>>)
    %dma_start3A_19 = arith.constant 1 : i32
    %dma_start3A_20 = arith.constant 0 : i32
    %dma_start3A_21 = tpu.memref_slice %arg7[%dma_start3A_19, %dma_start3A_20] : memref<80x128xi32, #tpu.memory_space<vmem>> -> memref<1x128xi32, #tpu.memory_space<vmem>>
    %dma_start3A_22 = tpu.memref_squeeze %dma_start3A_21 : memref<1x128xi32, #tpu.memory_space<vmem>> -> memref<128xi32, #tpu.memory_space<vmem>>
    %dma_start3A_23 = arith.constant 0 : i32
    %dma_start3A_24 = arith.constant 0 : i32
    %dma_start3A_25 = tpu.memref_slice %arg10[%dma_start3A_23, %dma_start3A_24] : memref<10240x32xf32, #tpu.memory_space<vmem_shared>> -> memref<10240x32xf32, #tpu.memory_space<vmem_shared>>
    tpu.enqueue_indirect_dma source(%dma_start3A_25 : memref<10240x32xf32, #tpu.memory_space<vmem_shared>>) target(%arg12 : memref<128x32xf32, #tpu.memory_space<vmem>>) offsets(%dma_start3A_22 : memref<128xi32, #tpu.memory_space<vmem>>) semaphore(%arg20 : memref<!tpu.dma_semaphore, #tpu.memory_space<semaphore_mem>>)
    %dma_start3A_26 = arith.constant 2 : i32
    %dma_start3A_27 = arith.constant 0 : i32
    %dma_start3A_28 = tpu.memref_slice %arg7[%dma_start3A_26, %dma_start3A_27] : memref<80x128xi32, #tpu.memory_space<vmem>> -> memref<1x128xi32, #tpu.memory_space<vmem>>
    %dma_start3A_29 = tpu.memref_squeeze %dma_start3A_28 : memref<1x128xi32, #tpu.memory_space<vmem>> -> memref<128xi32, #tpu.memory_space<vmem>>
    %dma_start3A_30 = arith.constant 0 : i32
    %dma_start3A_31 = arith.constant 0 : i32
    %dma_start3A_32 = tpu.memref_slice %arg10[%dma_start3A_30, %dma_start3A_31] : memref<10240x32xf32, #tpu.memory_space<vmem_shared>> -> memref<10240x32xf32, #tpu.memory_space<vmem_shared>>
    tpu.enqueue_indirect_dma source(%dma_start3A_32 : memref<10240x32xf32, #tpu.memory_space<vmem_shared>>) target(%arg13 : memref<128x32xf32, #tpu.memory_space<vmem>>) offsets(%dma_start3A_29 : memref<128xi32, #tpu.memory_space<vmem>>) semaphore(%arg21 : memref<!tpu.dma_semaphore, #tpu.memory_space<semaphore_mem>>)
    %dma_start3A_33 = arith.constant 3 : i32
    %dma_start3A_34 = arith.constant 0 : i32
    %dma_start3A_35 = tpu.memref_slice %arg7[%dma_start3A_33, %dma_start3A_34] : memref<80x128xi32, #tpu.memory_space<vmem>> -> memref<1x128xi32, #tpu.memory_space<vmem>>
    %dma_start3A_36 = tpu.memref_squeeze %dma_start3A_35 : memref<1x128xi32, #tpu.memory_space<vmem>> -> memref<128xi32, #tpu.memory_space<vmem>>
    %dma_start3A_37 = arith.constant 0 : i32
    %dma_start3A_38 = arith.constant 0 : i32
    %dma_start3A_39 = tpu.memref_slice %arg10[%dma_start3A_37, %dma_start3A_38] : memref<10240x32xf32, #tpu.memory_space<vmem_shared>> -> memref<10240x32xf32, #tpu.memory_space<vmem_shared>>
    tpu.enqueue_indirect_dma source(%dma_start3A_39 : memref<10240x32xf32, #tpu.memory_space<vmem_shared>>) target(%arg14 : memref<128x32xf32, #tpu.memory_space<vmem>>) offsets(%dma_start3A_36 : memref<128xi32, #tpu.memory_space<vmem>>) semaphore(%arg22 : memref<!tpu.dma_semaphore, #tpu.memory_space<semaphore_mem>>)
    %dma_start3A_40 = arith.constant 4 : i32
    %dma_start3A_41 = arith.constant 0 : i32
    %dma_start3A_42 = tpu.memref_slice %arg7[%dma_start3A_40, %dma_start3A_41] : memref<80x128xi32, #tpu.memory_space<vmem>> -> memref<1x128xi32, #tpu.memory_space<vmem>>
    %dma_start3A_43 = tpu.memref_squeeze %dma_start3A_42 : memref<1x128xi32, #tpu.memory_space<vmem>> -> memref<128xi32, #tpu.memory_space<vmem>>
    %dma_start3A_44 = arith.constant 0 : i32
    %dma_start3A_45 = arith.constant 0 : i32
    %dma_start3A_46 = tpu.memref_slice %arg10[%dma_start3A_44, %dma_start3A_45] : memref<10240x32xf32, #tpu.memory_space<vmem_shared>> -> memref<10240x32xf32, #tpu.memory_space<vmem_shared>>
    tpu.enqueue_indirect_dma source(%dma_start3A_46 : memref<10240x32xf32, #tpu.memory_space<vmem_shared>>) target(%arg15 : memref<128x32xf32, #tpu.memory_space<vmem>>) offsets(%dma_start3A_43 : memref<128xi32, #tpu.memory_space<vmem>>) semaphore(%arg23 : memref<!tpu.dma_semaphore, #tpu.memory_space<semaphore_mem>>)
    %dma_start3A_47 = arith.constant 5 : i32
    %dma_start3A_48 = arith.constant 0 : i32
    %dma_start3A_49 = tpu.memref_slice %arg7[%dma_start3A_47, %dma_start3A_48] : memref<80x128xi32, #tpu.memory_space<vmem>> -> memref<1x128xi32, #tpu.memory_space<vmem>>
    %dma_start3A_50 = tpu.memref_squeeze %dma_start3A_49 : memref<1x128xi32, #tpu.memory_space<vmem>> -> memref<128xi32, #tpu.memory_space<vmem>>
    %dma_start3A_51 = arith.constant 0 : i32
    %dma_start3A_52 = arith.constant 0 : i32
    %dma_start3A_53 = tpu.memref_slice %arg10[%dma_start3A_51, %dma_start3A_52] : memref<10240x32xf32, #tpu.memory_space<vmem_shared>> -> memref<10240x32xf32, #tpu.memory_space<vmem_shared>>
    tpu.enqueue_indirect_dma source(%dma_start3A_53 : memref<10240x32xf32, #tpu.memory_space<vmem_shared>>) target(%arg16 : memref<128x32xf32, #tpu.memory_space<vmem>>) offsets(%dma_start3A_50 : memref<128xi32, #tpu.memory_space<vmem>>) semaphore(%arg24 : memref<!tpu.dma_semaphore, #tpu.memory_space<semaphore_mem>>)
    %dma_start3A_54 = arith.constant 6 : i32
    %dma_start3A_55 = arith.constant 0 : i32
    %dma_start3A_56 = tpu.memref_slice %arg7[%dma_start3A_54, %dma_start3A_55] : memref<80x128xi32, #tpu.memory_space<vmem>> -> memref<1x128xi32, #tpu.memory_space<vmem>>
    %dma_start3A_57 = tpu.memref_squeeze %dma_start3A_56 : memref<1x128xi32, #tpu.memory_space<vmem>> -> memref<128xi32, #tpu.memory_space<vmem>>
    %dma_start3A_58 = arith.constant 0 : i32
    %dma_start3A_59 = arith.constant 0 : i32
    %dma_start3A_60 = tpu.memref_slice %arg10[%dma_start3A_58, %dma_start3A_59] : memref<10240x32xf32, #tpu.memory_space<vmem_shared>> -> memref<10240x32xf32, #tpu.memory_space<vmem_shared>>
    tpu.enqueue_indirect_dma source(%dma_start3A_60 : memref<10240x32xf32, #tpu.memory_space<vmem_shared>>) target(%arg17 : memref<128x32xf32, #tpu.memory_space<vmem>>) offsets(%dma_start3A_57 : memref<128xi32, #tpu.memory_space<vmem>>) semaphore(%arg25 : memref<!tpu.dma_semaphore, #tpu.memory_space<semaphore_mem>>)
    %dma_start3A_61 = arith.constant 7 : i32
    %dma_start3A_62 = arith.constant 0 : i32
    %dma_start3A_63 = tpu.memref_slice %arg7[%dma_start3A_61, %dma_start3A_62] : memref<80x128xi32, #tpu.memory_space<vmem>> -> memref<1x128xi32, #tpu.memory_space<vmem>>
    %dma_start3A_64 = tpu.memref_squeeze %dma_start3A_63 : memref<1x128xi32, #tpu.memory_space<vmem>> -> memref<128xi32, #tpu.memory_space<vmem>>
    %dma_start3A_65 = arith.constant 0 : i32
    %dma_start3A_66 = arith.constant 0 : i32
    %dma_start3A_67 = tpu.memref_slice %arg10[%dma_start3A_65, %dma_start3A_66] : memref<10240x32xf32, #tpu.memory_space<vmem_shared>> -> memref<10240x32xf32, #tpu.memory_space<vmem_shared>>
    tpu.enqueue_indirect_dma source(%dma_start3A_67 : memref<10240x32xf32, #tpu.memory_space<vmem_shared>>) target(%arg18 : memref<128x32xf32, #tpu.memory_space<vmem>>) offsets(%dma_start3A_64 : memref<128xi32, #tpu.memory_space<vmem>>) semaphore(%arg26 : memref<!tpu.dma_semaphore, #tpu.memory_space<semaphore_mem>>)
    %dma_wait3A = arith.constant 0 : i32
    %dma_wait3A_68 = arith.constant 0 : i32
    %dma_wait3A_69 = tpu.memref_slice %arg7[%dma_wait3A, %dma_wait3A_68] : memref<80x128xi32, #tpu.memory_space<vmem>> -> memref<1x128xi32, #tpu.memory_space<vmem>>
    %dma_wait3A_70 = tpu.memref_squeeze %dma_wait3A_69 : memref<1x128xi32, #tpu.memory_space<vmem>> -> memref<128xi32, #tpu.memory_space<vmem>>
    %dma_wait3A_71 = arith.constant 0 : i32
    %dma_wait3A_72 = arith.constant 0 : i32
    %dma_wait3A_73 = tpu.memref_slice %arg10[%dma_wait3A_71, %dma_wait3A_72] : memref<10240x32xf32, #tpu.memory_space<vmem_shared>> -> memref<10240x32xf32, #tpu.memory_space<vmem_shared>>
    tpu.wait_indirect_dma semaphore(%arg19 : memref<!tpu.dma_semaphore, #tpu.memory_space<semaphore_mem>>) src(%dma_wait3A_73 : memref<10240x32xf32, #tpu.memory_space<vmem_shared>>) dst(%arg11 : memref<128x32xf32, #tpu.memory_space<vmem>>)
    %dma_start3A_74 = arith.constant 0 : i32
    %dma_start3A_75 = arith.constant 0 : i32
    %dma_start3A_76 = tpu.memref_slice %arg8[%dma_start3A_74, %dma_start3A_75] : memref<80x128xi32, #tpu.memory_space<vmem>> -> memref<1x128xi32, #tpu.memory_space<vmem>>
    %dma_start3A_77 = tpu.memref_squeeze %dma_start3A_76 : memref<1x128xi32, #tpu.memory_space<vmem>> -> memref<128xi32, #tpu.memory_space<vmem>>
    %dma_start3A_78 = arith.constant 0 : i32
    %dma_start3A_79 = arith.constant 0 : i32
    %dma_start3A_80 = tpu.memref_slice %arg9[%dma_start3A_78, %dma_start3A_79] : memref<10240x32xf32, #tpu.memory_space<vmem_shared>> -> memref<10240x32xf32, #tpu.memory_space<vmem_shared>>
    tpu.enqueue_indirect_dma source(%arg11 : memref<128x32xf32, #tpu.memory_space<vmem>>) target(%dma_start3A_80 : memref<10240x32xf32, #tpu.memory_space<vmem_shared>>) offsets(%dma_start3A_77 : memref<128xi32, #tpu.memory_space<vmem>>) semaphore(%arg27 : memref<!tpu.dma_semaphore, #tpu.memory_space<semaphore_mem>>) {add = true}
    %dma_wait3A_81 = arith.constant 1 : i32
    %dma_wait3A_82 = arith.constant 0 : i32
    %dma_wait3A_83 = tpu.memref_slice %arg7[%dma_wait3A_81, %dma_wait3A_82] : memref<80x128xi32, #tpu.memory_space<vmem>> -> memref<1x128xi32, #tpu.memory_space<vmem>>
    %dma_wait3A_84 = tpu.memref_squeeze %dma_wait3A_83 : memref<1x128xi32, #tpu.memory_space<vmem>> -> memref<128xi32, #tpu.memory_space<vmem>>
    %dma_wait3A_85 = arith.constant 0 : i32
    %dma_wait3A_86 = arith.constant 0 : i32
    %dma_wait3A_87 = tpu.memref_slice %arg10[%dma_wait3A_85, %dma_wait3A_86] : memref<10240x32xf32, #tpu.memory_space<vmem_shared>> -> memref<10240x32xf32, #tpu.memory_space<vmem_shared>>
    tpu.wait_indirect_dma semaphore(%arg20 : memref<!tpu.dma_semaphore, #tpu.memory_space<semaphore_mem>>) src(%dma_wait3A_87 : memref<10240x32xf32, #tpu.memory_space<vmem_shared>>) dst(%arg12 : memref<128x32xf32, #tpu.memory_space<vmem>>)
    %dma_start3A_88 = arith.constant 1 : i32
    %dma_start3A_89 = arith.constant 0 : i32
    %dma_start3A_90 = tpu.memref_slice %arg8[%dma_start3A_88, %dma_start3A_89] : memref<80x128xi32, #tpu.memory_space<vmem>> -> memref<1x128xi32, #tpu.memory_space<vmem>>
    %dma_start3A_91 = tpu.memref_squeeze %dma_start3A_90 : memref<1x128xi32, #tpu.memory_space<vmem>> -> memref<128xi32, #tpu.memory_space<vmem>>
    %dma_start3A_92 = arith.constant 0 : i32
    %dma_start3A_93 = arith.constant 0 : i32
    %dma_start3A_94 = tpu.memref_slice %arg9[%dma_start3A_92, %dma_start3A_93] : memref<10240x32xf32, #tpu.memory_space<vmem_shared>> -> memref<10240x32xf32, #tpu.memory_space<vmem_shared>>
    tpu.enqueue_indirect_dma source(%arg12 : memref<128x32xf32, #tpu.memory_space<vmem>>) target(%dma_start3A_94 : memref<10240x32xf32, #tpu.memory_space<vmem_shared>>) offsets(%dma_start3A_91 : memref<128xi32, #tpu.memory_space<vmem>>) semaphore(%arg28 : memref<!tpu.dma_semaphore, #tpu.memory_space<semaphore_mem>>) {add = true}
    %dma_wait3A_95 = arith.constant 2 : i32
    %dma_wait3A_96 = arith.constant 0 : i32
    %dma_wait3A_97 = tpu.memref_slice %arg7[%dma_wait3A_95, %dma_wait3A_96] : memref<80x128xi32, #tpu.memory_space<vmem>> -> memref<1x128xi32, #tpu.memory_space<vmem>>
    %dma_wait3A_98 = tpu.memref_squeeze %dma_wait3A_97 : memref<1x128xi32, #tpu.memory_space<vmem>> -> memref<128xi32, #tpu.memory_space<vmem>>
    %dma_wait3A_99 = arith.constant 0 : i32
    %dma_wait3A_100 = arith.constant 0 : i32
    %dma_wait3A_101 = tpu.memref_slice %arg10[%dma_wait3A_99, %dma_wait3A_100] : memref<10240x32xf32, #tpu.memory_space<vmem_shared>> -> memref<10240x32xf32, #tpu.memory_space<vmem_shared>>
    tpu.wait_indirect_dma semaphore(%arg21 : memref<!tpu.dma_semaphore, #tpu.memory_space<semaphore_mem>>) src(%dma_wait3A_101 : memref<10240x32xf32, #tpu.memory_space<vmem_shared>>) dst(%arg13 : memref<128x32xf32, #tpu.memory_space<vmem>>)
    %dma_start3A_102 = arith.constant 2 : i32
    %dma_start3A_103 = arith.constant 0 : i32
    %dma_start3A_104 = tpu.memref_slice %arg8[%dma_start3A_102, %dma_start3A_103] : memref<80x128xi32, #tpu.memory_space<vmem>> -> memref<1x128xi32, #tpu.memory_space<vmem>>
    %dma_start3A_105 = tpu.memref_squeeze %dma_start3A_104 : memref<1x128xi32, #tpu.memory_space<vmem>> -> memref<128xi32, #tpu.memory_space<vmem>>
    %dma_start3A_106 = arith.constant 0 : i32
    %dma_start3A_107 = arith.constant 0 : i32
    %dma_start3A_108 = tpu.memref_slice %arg9[%dma_start3A_106, %dma_start3A_107] : memref<10240x32xf32, #tpu.memory_space<vmem_shared>> -> memref<10240x32xf32, #tpu.memory_space<vmem_shared>>
    tpu.enqueue_indirect_dma source(%arg13 : memref<128x32xf32, #tpu.memory_space<vmem>>) target(%dma_start3A_108 : memref<10240x32xf32, #tpu.memory_space<vmem_shared>>) offsets(%dma_start3A_105 : memref<128xi32, #tpu.memory_space<vmem>>) semaphore(%arg29 : memref<!tpu.dma_semaphore, #tpu.memory_space<semaphore_mem>>) {add = true}
    %dma_wait3A_109 = arith.constant 3 : i32
    %dma_wait3A_110 = arith.constant 0 : i32
    %dma_wait3A_111 = tpu.memref_slice %arg7[%dma_wait3A_109, %dma_wait3A_110] : memref<80x128xi32, #tpu.memory_space<vmem>> -> memref<1x128xi32, #tpu.memory_space<vmem>>
    %dma_wait3A_112 = tpu.memref_squeeze %dma_wait3A_111 : memref<1x128xi32, #tpu.memory_space<vmem>> -> memref<128xi32, #tpu.memory_space<vmem>>
    %dma_wait3A_113 = arith.constant 0 : i32
    %dma_wait3A_114 = arith.constant 0 : i32
    %dma_wait3A_115 = tpu.memref_slice %arg10[%dma_wait3A_113, %dma_wait3A_114] : memref<10240x32xf32, #tpu.memory_space<vmem_shared>> -> memref<10240x32xf32, #tpu.memory_space<vmem_shared>>
    tpu.wait_indirect_dma semaphore(%arg22 : memref<!tpu.dma_semaphore, #tpu.memory_space<semaphore_mem>>) src(%dma_wait3A_115 : memref<10240x32xf32, #tpu.memory_space<vmem_shared>>) dst(%arg14 : memref<128x32xf32, #tpu.memory_space<vmem>>)
    %dma_start3A_116 = arith.constant 3 : i32
    %dma_start3A_117 = arith.constant 0 : i32
    %dma_start3A_118 = tpu.memref_slice %arg8[%dma_start3A_116, %dma_start3A_117] : memref<80x128xi32, #tpu.memory_space<vmem>> -> memref<1x128xi32, #tpu.memory_space<vmem>>
    %dma_start3A_119 = tpu.memref_squeeze %dma_start3A_118 : memref<1x128xi32, #tpu.memory_space<vmem>> -> memref<128xi32, #tpu.memory_space<vmem>>
    %dma_start3A_120 = arith.constant 0 : i32
    %dma_start3A_121 = arith.constant 0 : i32
    %dma_start3A_122 = tpu.memref_slice %arg9[%dma_start3A_120, %dma_start3A_121] : memref<10240x32xf32, #tpu.memory_space<vmem_shared>> -> memref<10240x32xf32, #tpu.memory_space<vmem_shared>>
    tpu.enqueue_indirect_dma source(%arg14 : memref<128x32xf32, #tpu.memory_space<vmem>>) target(%dma_start3A_122 : memref<10240x32xf32, #tpu.memory_space<vmem_shared>>) offsets(%dma_start3A_119 : memref<128xi32, #tpu.memory_space<vmem>>) semaphore(%arg30 : memref<!tpu.dma_semaphore, #tpu.memory_space<semaphore_mem>>) {add = true}
    %dma_wait3A_123 = arith.constant 4 : i32
    %dma_wait3A_124 = arith.constant 0 : i32
    %dma_wait3A_125 = tpu.memref_slice %arg7[%dma_wait3A_123, %dma_wait3A_124] : memref<80x128xi32, #tpu.memory_space<vmem>> -> memref<1x128xi32, #tpu.memory_space<vmem>>
    %dma_wait3A_126 = tpu.memref_squeeze %dma_wait3A_125 : memref<1x128xi32, #tpu.memory_space<vmem>> -> memref<128xi32, #tpu.memory_space<vmem>>
    %dma_wait3A_127 = arith.constant 0 : i32
    %dma_wait3A_128 = arith.constant 0 : i32
    %dma_wait3A_129 = tpu.memref_slice %arg10[%dma_wait3A_127, %dma_wait3A_128] : memref<10240x32xf32, #tpu.memory_space<vmem_shared>> -> memref<10240x32xf32, #tpu.memory_space<vmem_shared>>
    tpu.wait_indirect_dma semaphore(%arg23 : memref<!tpu.dma_semaphore, #tpu.memory_space<semaphore_mem>>) src(%dma_wait3A_129 : memref<10240x32xf32, #tpu.memory_space<vmem_shared>>) dst(%arg15 : memref<128x32xf32, #tpu.memory_space<vmem>>)
    %dma_start3A_130 = arith.constant 4 : i32
    %dma_start3A_131 = arith.constant 0 : i32
    %dma_start3A_132 = tpu.memref_slice %arg8[%dma_start3A_130, %dma_start3A_131] : memref<80x128xi32, #tpu.memory_space<vmem>> -> memref<1x128xi32, #tpu.memory_space<vmem>>
    %dma_start3A_133 = tpu.memref_squeeze %dma_start3A_132 : memref<1x128xi32, #tpu.memory_space<vmem>> -> memref<128xi32, #tpu.memory_space<vmem>>
    %dma_start3A_134 = arith.constant 0 : i32
    %dma_start3A_135 = arith.constant 0 : i32
    %dma_start3A_136 = tpu.memref_slice %arg9[%dma_start3A_134, %dma_start3A_135] : memref<10240x32xf32, #tpu.memory_space<vmem_shared>> -> memref<10240x32xf32, #tpu.memory_space<vmem_shared>>
    tpu.enqueue_indirect_dma source(%arg15 : memref<128x32xf32, #tpu.memory_space<vmem>>) target(%dma_start3A_136 : memref<10240x32xf32, #tpu.memory_space<vmem_shared>>) offsets(%dma_start3A_133 : memref<128xi32, #tpu.memory_space<vmem>>) semaphore(%arg31 : memref<!tpu.dma_semaphore, #tpu.memory_space<semaphore_mem>>) {add = true}
    %dma_wait3A_137 = arith.constant 5 : i32
    %dma_wait3A_138 = arith.constant 0 : i32
    %dma_wait3A_139 = tpu.memref_slice %arg7[%dma_wait3A_137, %dma_wait3A_138] : memref<80x128xi32, #tpu.memory_space<vmem>> -> memref<1x128xi32, #tpu.memory_space<vmem>>
    %dma_wait3A_140 = tpu.memref_squeeze %dma_wait3A_139 : memref<1x128xi32, #tpu.memory_space<vmem>> -> memref<128xi32, #tpu.memory_space<vmem>>
    %dma_wait3A_141 = arith.constant 0 : i32
    %dma_wait3A_142 = arith.constant 0 : i32
    %dma_wait3A_143 = tpu.memref_slice %arg10[%dma_wait3A_141, %dma_wait3A_142] : memref<10240x32xf32, #tpu.memory_space<vmem_shared>> -> memref<10240x32xf32, #tpu.memory_space<vmem_shared>>
    tpu.wait_indirect_dma semaphore(%arg24 : memref<!tpu.dma_semaphore, #tpu.memory_space<semaphore_mem>>) src(%dma_wait3A_143 : memref<10240x32xf32, #tpu.memory_space<vmem_shared>>) dst(%arg16 : memref<128x32xf32, #tpu.memory_space<vmem>>)
    %dma_start3A_144 = arith.constant 5 : i32
    %dma_start3A_145 = arith.constant 0 : i32
    %dma_start3A_146 = tpu.memref_slice %arg8[%dma_start3A_144, %dma_start3A_145] : memref<80x128xi32, #tpu.memory_space<vmem>> -> memref<1x128xi32, #tpu.memory_space<vmem>>
    %dma_start3A_147 = tpu.memref_squeeze %dma_start3A_146 : memref<1x128xi32, #tpu.memory_space<vmem>> -> memref<128xi32, #tpu.memory_space<vmem>>
    %dma_start3A_148 = arith.constant 0 : i32
    %dma_start3A_149 = arith.constant 0 : i32
    %dma_start3A_150 = tpu.memref_slice %arg9[%dma_start3A_148, %dma_start3A_149] : memref<10240x32xf32, #tpu.memory_space<vmem_shared>> -> memref<10240x32xf32, #tpu.memory_space<vmem_shared>>
    tpu.enqueue_indirect_dma source(%arg16 : memref<128x32xf32, #tpu.memory_space<vmem>>) target(%dma_start3A_150 : memref<10240x32xf32, #tpu.memory_space<vmem_shared>>) offsets(%dma_start3A_147 : memref<128xi32, #tpu.memory_space<vmem>>) semaphore(%arg32 : memref<!tpu.dma_semaphore, #tpu.memory_space<semaphore_mem>>) {add = true}
    %dma_wait3A_151 = arith.constant 6 : i32
    %dma_wait3A_152 = arith.constant 0 : i32
    %dma_wait3A_153 = tpu.memref_slice %arg7[%dma_wait3A_151, %dma_wait3A_152] : memref<80x128xi32, #tpu.memory_space<vmem>> -> memref<1x128xi32, #tpu.memory_space<vmem>>
    %dma_wait3A_154 = tpu.memref_squeeze %dma_wait3A_153 : memref<1x128xi32, #tpu.memory_space<vmem>> -> memref<128xi32, #tpu.memory_space<vmem>>
    %dma_wait3A_155 = arith.constant 0 : i32
    %dma_wait3A_156 = arith.constant 0 : i32
    %dma_wait3A_157 = tpu.memref_slice %arg10[%dma_wait3A_155, %dma_wait3A_156] : memref<10240x32xf32, #tpu.memory_space<vmem_shared>> -> memref<10240x32xf32, #tpu.memory_space<vmem_shared>>
    tpu.wait_indirect_dma semaphore(%arg25 : memref<!tpu.dma_semaphore, #tpu.memory_space<semaphore_mem>>) src(%dma_wait3A_157 : memref<10240x32xf32, #tpu.memory_space<vmem_shared>>) dst(%arg17 : memref<128x32xf32, #tpu.memory_space<vmem>>)
    %dma_start3A_158 = arith.constant 6 : i32
    %dma_start3A_159 = arith.constant 0 : i32
    %dma_start3A_160 = tpu.memref_slice %arg8[%dma_start3A_158, %dma_start3A_159] : memref<80x128xi32, #tpu.memory_space<vmem>> -> memref<1x128xi32, #tpu.memory_space<vmem>>
    %dma_start3A_161 = tpu.memref_squeeze %dma_start3A_160 : memref<1x128xi32, #tpu.memory_space<vmem>> -> memref<128xi32, #tpu.memory_space<vmem>>
    %dma_start3A_162 = arith.constant 0 : i32
    %dma_start3A_163 = arith.constant 0 : i32
    %dma_start3A_164 = tpu.memref_slice %arg9[%dma_start3A_162, %dma_start3A_163] : memref<10240x32xf32, #tpu.memory_space<vmem_shared>> -> memref<10240x32xf32, #tpu.memory_space<vmem_shared>>
    tpu.enqueue_indirect_dma source(%arg17 : memref<128x32xf32, #tpu.memory_space<vmem>>) target(%dma_start3A_164 : memref<10240x32xf32, #tpu.memory_space<vmem_shared>>) offsets(%dma_start3A_161 : memref<128xi32, #tpu.memory_space<vmem>>) semaphore(%arg33 : memref<!tpu.dma_semaphore, #tpu.memory_space<semaphore_mem>>) {add = true}
    %dma_wait3A_165 = arith.constant 7 : i32
    %dma_wait3A_166 = arith.constant 0 : i32
    %dma_wait3A_167 = tpu.memref_slice %arg7[%dma_wait3A_165, %dma_wait3A_166] : memref<80x128xi32, #tpu.memory_space<vmem>> -> memref<1x128xi32, #tpu.memory_space<vmem>>
    %dma_wait3A_168 = tpu.memref_squeeze %dma_wait3A_167 : memref<1x128xi32, #tpu.memory_space<vmem>> -> memref<128xi32, #tpu.memory_space<vmem>>
    %dma_wait3A_169 = arith.constant 0 : i32
    %dma_wait3A_170 = arith.constant 0 : i32
    %dma_wait3A_171 = tpu.memref_slice %arg10[%dma_wait3A_169, %dma_wait3A_170] : memref<10240x32xf32, #tpu.memory_space<vmem_shared>> -> memref<10240x32xf32, #tpu.memory_space<vmem_shared>>
    tpu.wait_indirect_dma semaphore(%arg26 : memref<!tpu.dma_semaphore, #tpu.memory_space<semaphore_mem>>) src(%dma_wait3A_171 : memref<10240x32xf32, #tpu.memory_space<vmem_shared>>) dst(%arg18 : memref<128x32xf32, #tpu.memory_space<vmem>>)
    %dma_start3A_172 = arith.constant 7 : i32
    %dma_start3A_173 = arith.constant 0 : i32
    %dma_start3A_174 = tpu.memref_slice %arg8[%dma_start3A_172, %dma_start3A_173] : memref<80x128xi32, #tpu.memory_space<vmem>> -> memref<1x128xi32, #tpu.memory_space<vmem>>
    %dma_start3A_175 = tpu.memref_squeeze %dma_start3A_174 : memref<1x128xi32, #tpu.memory_space<vmem>> -> memref<128xi32, #tpu.memory_space<vmem>>
    %dma_start3A_176 = arith.constant 0 : i32
    %dma_start3A_177 = arith.constant 0 : i32
    %dma_start3A_178 = tpu.memref_slice %arg9[%dma_start3A_176, %dma_start3A_177] : memref<10240x32xf32, #tpu.memory_space<vmem_shared>> -> memref<10240x32xf32, #tpu.memory_space<vmem_shared>>
    tpu.enqueue_indirect_dma source(%arg18 : memref<128x32xf32, #tpu.memory_space<vmem>>) target(%dma_start3A_178 : memref<10240x32xf32, #tpu.memory_space<vmem_shared>>) offsets(%dma_start3A_175 : memref<128xi32, #tpu.memory_space<vmem>>) semaphore(%arg34 : memref<!tpu.dma_semaphore, #tpu.memory_space<semaphore_mem>>) {add = true}
    %scan3A = arith.constant 0 : i32
    %scan3A_179 = arith.constant 1 : i32
    %scan3A_180 = arith.constant 9 : i32
    %scan3A_181 = arith.addi %scan3A_179, %scan3A_180 : i32
    %scan3A_182 = arith.constant 1 : i32
    scf.for %scan3A_245 = %scan3A_179 to %scan3A_181 step %scan3A_182  : i32 {
      %mul3A_246 = arith.constant 8 : i32
      %mul3A_247 = arith.muli %scan3A_245, %mul3A_246 : i32
      %add3A_248 = arith.constant 0 : i32
      %add3A_249 = arith.addi %mul3A_247, %add3A_248 : i32
      %dma_wait3A_250 = arith.constant 0 : i32
      %dma_wait3A_251 = tpu.memref_slice %arg8[%add3A_249, %dma_wait3A_250] : memref<80x128xi32, #tpu.memory_space<vmem>> -> memref<1x128xi32, #tpu.memory_space<vmem>>
      %dma_wait3A_252 = tpu.memref_squeeze %dma_wait3A_251 : memref<1x128xi32, #tpu.memory_space<vmem>> -> memref<128xi32, #tpu.memory_space<vmem>>
      %dma_wait3A_253 = arith.constant 0 : i32
      %dma_wait3A_254 = arith.constant 0 : i32
      %dma_wait3A_255 = tpu.memref_slice %arg9[%dma_wait3A_253, %dma_wait3A_254] : memref<10240x32xf32, #tpu.memory_space<vmem_shared>> -> memref<10240x32xf32, #tpu.memory_space<vmem_shared>>
      tpu.wait_indirect_dma semaphore(%arg27 : memref<!tpu.dma_semaphore, #tpu.memory_space<semaphore_mem>>) src(%arg11 : memref<128x32xf32, #tpu.memory_space<vmem>>) dst(%dma_wait3A_255 : memref<10240x32xf32, #tpu.memory_space<vmem_shared>>)
      %add3A_256 = arith.constant 0 : i32
      %add3A_257 = arith.addi %mul3A_247, %add3A_256 : i32
      %dma_start3A_258 = arith.constant 0 : i32
      %dma_start3A_259 = tpu.memref_slice %arg7[%add3A_257, %dma_start3A_258] : memref<80x128xi32, #tpu.memory_space<vmem>> -> memref<1x128xi32, #tpu.memory_space<vmem>>
      %dma_start3A_260 = tpu.memref_squeeze %dma_start3A_259 : memref<1x128xi32, #tpu.memory_space<vmem>> -> memref<128xi32, #tpu.memory_space<vmem>>
      %dma_start3A_261 = arith.constant 0 : i32
      %dma_start3A_262 = arith.constant 0 : i32
      %dma_start3A_263 = tpu.memref_slice %arg10[%dma_start3A_261, %dma_start3A_262] : memref<10240x32xf32, #tpu.memory_space<vmem_shared>> -> memref<10240x32xf32, #tpu.memory_space<vmem_shared>>
      tpu.enqueue_indirect_dma source(%dma_start3A_263 : memref<10240x32xf32, #tpu.memory_space<vmem_shared>>) target(%arg11 : memref<128x32xf32, #tpu.memory_space<vmem>>) offsets(%dma_start3A_260 : memref<128xi32, #tpu.memory_space<vmem>>) semaphore(%arg19 : memref<!tpu.dma_semaphore, #tpu.memory_space<semaphore_mem>>)
      %add3A_264 = arith.constant 1 : i32
      %add3A_265 = arith.addi %mul3A_247, %add3A_264 : i32
      %dma_wait3A_266 = arith.constant 0 : i32
      %dma_wait3A_267 = tpu.memref_slice %arg8[%add3A_265, %dma_wait3A_266] : memref<80x128xi32, #tpu.memory_space<vmem>> -> memref<1x128xi32, #tpu.memory_space<vmem>>
      %dma_wait3A_268 = tpu.memref_squeeze %dma_wait3A_267 : memref<1x128xi32, #tpu.memory_space<vmem>> -> memref<128xi32, #tpu.memory_space<vmem>>
      %dma_wait3A_269 = arith.constant 0 : i32
      %dma_wait3A_270 = arith.constant 0 : i32
      %dma_wait3A_271 = tpu.memref_slice %arg9[%dma_wait3A_269, %dma_wait3A_270] : memref<10240x32xf32, #tpu.memory_space<vmem_shared>> -> memref<10240x32xf32, #tpu.memory_space<vmem_shared>>
      tpu.wait_indirect_dma semaphore(%arg28 : memref<!tpu.dma_semaphore, #tpu.memory_space<semaphore_mem>>) src(%arg12 : memref<128x32xf32, #tpu.memory_space<vmem>>) dst(%dma_wait3A_271 : memref<10240x32xf32, #tpu.memory_space<vmem_shared>>)
      %add3A_272 = arith.constant 1 : i32
      %add3A_273 = arith.addi %mul3A_247, %add3A_272 : i32
      %dma_start3A_274 = arith.constant 0 : i32
      %dma_start3A_275 = tpu.memref_slice %arg7[%add3A_273, %dma_start3A_274] : memref<80x128xi32, #tpu.memory_space<vmem>> -> memref<1x128xi32, #tpu.memory_space<vmem>>
      %dma_start3A_276 = tpu.memref_squeeze %dma_start3A_275 : memref<1x128xi32, #tpu.memory_space<vmem>> -> memref<128xi32, #tpu.memory_space<vmem>>
      %dma_start3A_277 = arith.constant 0 : i32
      %dma_start3A_278 = arith.constant 0 : i32
      %dma_start3A_279 = tpu.memref_slice %arg10[%dma_start3A_277, %dma_start3A_278] : memref<10240x32xf32, #tpu.memory_space<vmem_shared>> -> memref<10240x32xf32, #tpu.memory_space<vmem_shared>>
      tpu.enqueue_indirect_dma source(%dma_start3A_279 : memref<10240x32xf32, #tpu.memory_space<vmem_shared>>) target(%arg12 : memref<128x32xf32, #tpu.memory_space<vmem>>) offsets(%dma_start3A_276 : memref<128xi32, #tpu.memory_space<vmem>>) semaphore(%arg20 : memref<!tpu.dma_semaphore, #tpu.memory_space<semaphore_mem>>)
      %add3A_280 = arith.constant 2 : i32
      %add3A_281 = arith.addi %mul3A_247, %add3A_280 : i32
      %dma_wait3A_282 = arith.constant 0 : i32
      %dma_wait3A_283 = tpu.memref_slice %arg8[%add3A_281, %dma_wait3A_282] : memref<80x128xi32, #tpu.memory_space<vmem>> -> memref<1x128xi32, #tpu.memory_space<vmem>>
      %dma_wait3A_284 = tpu.memref_squeeze %dma_wait3A_283 : memref<1x128xi32, #tpu.memory_space<vmem>> -> memref<128xi32, #tpu.memory_space<vmem>>
      %dma_wait3A_285 = arith.constant 0 : i32
      %dma_wait3A_286 = arith.constant 0 : i32
      %dma_wait3A_287 = tpu.memref_slice %arg9[%dma_wait3A_285, %dma_wait3A_286] : memref<10240x32xf32, #tpu.memory_space<vmem_shared>> -> memref<10240x32xf32, #tpu.memory_space<vmem_shared>>
      tpu.wait_indirect_dma semaphore(%arg29 : memref<!tpu.dma_semaphore, #tpu.memory_space<semaphore_mem>>) src(%arg13 : memref<128x32xf32, #tpu.memory_space<vmem>>) dst(%dma_wait3A_287 : memref<10240x32xf32, #tpu.memory_space<vmem_shared>>)
      %add3A_288 = arith.constant 2 : i32
      %add3A_289 = arith.addi %mul3A_247, %add3A_288 : i32
      %dma_start3A_290 = arith.constant 0 : i32
      %dma_start3A_291 = tpu.memref_slice %arg7[%add3A_289, %dma_start3A_290] : memref<80x128xi32, #tpu.memory_space<vmem>> -> memref<1x128xi32, #tpu.memory_space<vmem>>
      %dma_start3A_292 = tpu.memref_squeeze %dma_start3A_291 : memref<1x128xi32, #tpu.memory_space<vmem>> -> memref<128xi32, #tpu.memory_space<vmem>>
      %dma_start3A_293 = arith.constant 0 : i32
      %dma_start3A_294 = arith.constant 0 : i32
      %dma_start3A_295 = tpu.memref_slice %arg10[%dma_start3A_293, %dma_start3A_294] : memref<10240x32xf32, #tpu.memory_space<vmem_shared>> -> memref<10240x32xf32, #tpu.memory_space<vmem_shared>>
      tpu.enqueue_indirect_dma source(%dma_start3A_295 : memref<10240x32xf32, #tpu.memory_space<vmem_shared>>) target(%arg13 : memref<128x32xf32, #tpu.memory_space<vmem>>) offsets(%dma_start3A_292 : memref<128xi32, #tpu.memory_space<vmem>>) semaphore(%arg21 : memref<!tpu.dma_semaphore, #tpu.memory_space<semaphore_mem>>)
      %add3A_296 = arith.constant 3 : i32
      %add3A_297 = arith.addi %mul3A_247, %add3A_296 : i32
      %dma_wait3A_298 = arith.constant 0 : i32
      %dma_wait3A_299 = tpu.memref_slice %arg8[%add3A_297, %dma_wait3A_298] : memref<80x128xi32, #tpu.memory_space<vmem>> -> memref<1x128xi32, #tpu.memory_space<vmem>>
      %dma_wait3A_300 = tpu.memref_squeeze %dma_wait3A_299 : memref<1x128xi32, #tpu.memory_space<vmem>> -> memref<128xi32, #tpu.memory_space<vmem>>
      %dma_wait3A_301 = arith.constant 0 : i32
      %dma_wait3A_302 = arith.constant 0 : i32
      %dma_wait3A_303 = tpu.memref_slice %arg9[%dma_wait3A_301, %dma_wait3A_302] : memref<10240x32xf32, #tpu.memory_space<vmem_shared>> -> memref<10240x32xf32, #tpu.memory_space<vmem_shared>>
      tpu.wait_indirect_dma semaphore(%arg30 : memref<!tpu.dma_semaphore, #tpu.memory_space<semaphore_mem>>) src(%arg14 : memref<128x32xf32, #tpu.memory_space<vmem>>) dst(%dma_wait3A_303 : memref<10240x32xf32, #tpu.memory_space<vmem_shared>>)
      %add3A_304 = arith.constant 3 : i32
      %add3A_305 = arith.addi %mul3A_247, %add3A_304 : i32
      %dma_start3A_306 = arith.constant 0 : i32
      %dma_start3A_307 = tpu.memref_slice %arg7[%add3A_305, %dma_start3A_306] : memref<80x128xi32, #tpu.memory_space<vmem>> -> memref<1x128xi32, #tpu.memory_space<vmem>>
      %dma_start3A_308 = tpu.memref_squeeze %dma_start3A_307 : memref<1x128xi32, #tpu.memory_space<vmem>> -> memref<128xi32, #tpu.memory_space<vmem>>
      %dma_start3A_309 = arith.constant 0 : i32
      %dma_start3A_310 = arith.constant 0 : i32
      %dma_start3A_311 = tpu.memref_slice %arg10[%dma_start3A_309, %dma_start3A_310] : memref<10240x32xf32, #tpu.memory_space<vmem_shared>> -> memref<10240x32xf32, #tpu.memory_space<vmem_shared>>
      tpu.enqueue_indirect_dma source(%dma_start3A_311 : memref<10240x32xf32, #tpu.memory_space<vmem_shared>>) target(%arg14 : memref<128x32xf32, #tpu.memory_space<vmem>>) offsets(%dma_start3A_308 : memref<128xi32, #tpu.memory_space<vmem>>) semaphore(%arg22 : memref<!tpu.dma_semaphore, #tpu.memory_space<semaphore_mem>>)
      %add3A_312 = arith.constant 4 : i32
      %add3A_313 = arith.addi %mul3A_247, %add3A_312 : i32
      %dma_wait3A_314 = arith.constant 0 : i32
      %dma_wait3A_315 = tpu.memref_slice %arg8[%add3A_313, %dma_wait3A_314] : memref<80x128xi32, #tpu.memory_space<vmem>> -> memref<1x128xi32, #tpu.memory_space<vmem>>
      %dma_wait3A_316 = tpu.memref_squeeze %dma_wait3A_315 : memref<1x128xi32, #tpu.memory_space<vmem>> -> memref<128xi32, #tpu.memory_space<vmem>>
      %dma_wait3A_317 = arith.constant 0 : i32
      %dma_wait3A_318 = arith.constant 0 : i32
      %dma_wait3A_319 = tpu.memref_slice %arg9[%dma_wait3A_317, %dma_wait3A_318] : memref<10240x32xf32, #tpu.memory_space<vmem_shared>> -> memref<10240x32xf32, #tpu.memory_space<vmem_shared>>
      tpu.wait_indirect_dma semaphore(%arg31 : memref<!tpu.dma_semaphore, #tpu.memory_space<semaphore_mem>>) src(%arg15 : memref<128x32xf32, #tpu.memory_space<vmem>>) dst(%dma_wait3A_319 : memref<10240x32xf32, #tpu.memory_space<vmem_shared>>)
      %add3A_320 = arith.constant 4 : i32
      %add3A_321 = arith.addi %mul3A_247, %add3A_320 : i32
      %dma_start3A_322 = arith.constant 0 : i32
      %dma_start3A_323 = tpu.memref_slice %arg7[%add3A_321, %dma_start3A_322] : memref<80x128xi32, #tpu.memory_space<vmem>> -> memref<1x128xi32, #tpu.memory_space<vmem>>
      %dma_start3A_324 = tpu.memref_squeeze %dma_start3A_323 : memref<1x128xi32, #tpu.memory_space<vmem>> -> memref<128xi32, #tpu.memory_space<vmem>>
      %dma_start3A_325 = arith.constant 0 : i32
      %dma_start3A_326 = arith.constant 0 : i32
      %dma_start3A_327 = tpu.memref_slice %arg10[%dma_start3A_325, %dma_start3A_326] : memref<10240x32xf32, #tpu.memory_space<vmem_shared>> -> memref<10240x32xf32, #tpu.memory_space<vmem_shared>>
      tpu.enqueue_indirect_dma source(%dma_start3A_327 : memref<10240x32xf32, #tpu.memory_space<vmem_shared>>) target(%arg15 : memref<128x32xf32, #tpu.memory_space<vmem>>) offsets(%dma_start3A_324 : memref<128xi32, #tpu.memory_space<vmem>>) semaphore(%arg23 : memref<!tpu.dma_semaphore, #tpu.memory_space<semaphore_mem>>)
      %add3A_328 = arith.constant 5 : i32
      %add3A_329 = arith.addi %mul3A_247, %add3A_328 : i32
      %dma_wait3A_330 = arith.constant 0 : i32
      %dma_wait3A_331 = tpu.memref_slice %arg8[%add3A_329, %dma_wait3A_330] : memref<80x128xi32, #tpu.memory_space<vmem>> -> memref<1x128xi32, #tpu.memory_space<vmem>>
      %dma_wait3A_332 = tpu.memref_squeeze %dma_wait3A_331 : memref<1x128xi32, #tpu.memory_space<vmem>> -> memref<128xi32, #tpu.memory_space<vmem>>
      %dma_wait3A_333 = arith.constant 0 : i32
      %dma_wait3A_334 = arith.constant 0 : i32
      %dma_wait3A_335 = tpu.memref_slice %arg9[%dma_wait3A_333, %dma_wait3A_334] : memref<10240x32xf32, #tpu.memory_space<vmem_shared>> -> memref<10240x32xf32, #tpu.memory_space<vmem_shared>>
      tpu.wait_indirect_dma semaphore(%arg32 : memref<!tpu.dma_semaphore, #tpu.memory_space<semaphore_mem>>) src(%arg16 : memref<128x32xf32, #tpu.memory_space<vmem>>) dst(%dma_wait3A_335 : memref<10240x32xf32, #tpu.memory_space<vmem_shared>>)
      %add3A_336 = arith.constant 5 : i32
      %add3A_337 = arith.addi %mul3A_247, %add3A_336 : i32
      %dma_start3A_338 = arith.constant 0 : i32
      %dma_start3A_339 = tpu.memref_slice %arg7[%add3A_337, %dma_start3A_338] : memref<80x128xi32, #tpu.memory_space<vmem>> -> memref<1x128xi32, #tpu.memory_space<vmem>>
      %dma_start3A_340 = tpu.memref_squeeze %dma_start3A_339 : memref<1x128xi32, #tpu.memory_space<vmem>> -> memref<128xi32, #tpu.memory_space<vmem>>
      %dma_start3A_341 = arith.constant 0 : i32
      %dma_start3A_342 = arith.constant 0 : i32
      %dma_start3A_343 = tpu.memref_slice %arg10[%dma_start3A_341, %dma_start3A_342] : memref<10240x32xf32, #tpu.memory_space<vmem_shared>> -> memref<10240x32xf32, #tpu.memory_space<vmem_shared>>
      tpu.enqueue_indirect_dma source(%dma_start3A_343 : memref<10240x32xf32, #tpu.memory_space<vmem_shared>>) target(%arg16 : memref<128x32xf32, #tpu.memory_space<vmem>>) offsets(%dma_start3A_340 : memref<128xi32, #tpu.memory_space<vmem>>) semaphore(%arg24 : memref<!tpu.dma_semaphore, #tpu.memory_space<semaphore_mem>>)
      %add3A_344 = arith.constant 6 : i32
      %add3A_345 = arith.addi %mul3A_247, %add3A_344 : i32
      %dma_wait3A_346 = arith.constant 0 : i32
      %dma_wait3A_347 = tpu.memref_slice %arg8[%add3A_345, %dma_wait3A_346] : memref<80x128xi32, #tpu.memory_space<vmem>> -> memref<1x128xi32, #tpu.memory_space<vmem>>
      %dma_wait3A_348 = tpu.memref_squeeze %dma_wait3A_347 : memref<1x128xi32, #tpu.memory_space<vmem>> -> memref<128xi32, #tpu.memory_space<vmem>>
      %dma_wait3A_349 = arith.constant 0 : i32
      %dma_wait3A_350 = arith.constant 0 : i32
      %dma_wait3A_351 = tpu.memref_slice %arg9[%dma_wait3A_349, %dma_wait3A_350] : memref<10240x32xf32, #tpu.memory_space<vmem_shared>> -> memref<10240x32xf32, #tpu.memory_space<vmem_shared>>
      tpu.wait_indirect_dma semaphore(%arg33 : memref<!tpu.dma_semaphore, #tpu.memory_space<semaphore_mem>>) src(%arg17 : memref<128x32xf32, #tpu.memory_space<vmem>>) dst(%dma_wait3A_351 : memref<10240x32xf32, #tpu.memory_space<vmem_shared>>)
      %add3A_352 = arith.constant 6 : i32
      %add3A_353 = arith.addi %mul3A_247, %add3A_352 : i32
      %dma_start3A_354 = arith.constant 0 : i32
      %dma_start3A_355 = tpu.memref_slice %arg7[%add3A_353, %dma_start3A_354] : memref<80x128xi32, #tpu.memory_space<vmem>> -> memref<1x128xi32, #tpu.memory_space<vmem>>
      %dma_start3A_356 = tpu.memref_squeeze %dma_start3A_355 : memref<1x128xi32, #tpu.memory_space<vmem>> -> memref<128xi32, #tpu.memory_space<vmem>>
      %dma_start3A_357 = arith.constant 0 : i32
      %dma_start3A_358 = arith.constant 0 : i32
      %dma_start3A_359 = tpu.memref_slice %arg10[%dma_start3A_357, %dma_start3A_358] : memref<10240x32xf32, #tpu.memory_space<vmem_shared>> -> memref<10240x32xf32, #tpu.memory_space<vmem_shared>>
      tpu.enqueue_indirect_dma source(%dma_start3A_359 : memref<10240x32xf32, #tpu.memory_space<vmem_shared>>) target(%arg17 : memref<128x32xf32, #tpu.memory_space<vmem>>) offsets(%dma_start3A_356 : memref<128xi32, #tpu.memory_space<vmem>>) semaphore(%arg25 : memref<!tpu.dma_semaphore, #tpu.memory_space<semaphore_mem>>)
      %add3A_360 = arith.constant 7 : i32
      %add3A_361 = arith.addi %mul3A_247, %add3A_360 : i32
      %dma_wait3A_362 = arith.constant 0 : i32
      %dma_wait3A_363 = tpu.memref_slice %arg8[%add3A_361, %dma_wait3A_362] : memref<80x128xi32, #tpu.memory_space<vmem>> -> memref<1x128xi32, #tpu.memory_space<vmem>>
      %dma_wait3A_364 = tpu.memref_squeeze %dma_wait3A_363 : memref<1x128xi32, #tpu.memory_space<vmem>> -> memref<128xi32, #tpu.memory_space<vmem>>
      %dma_wait3A_365 = arith.constant 0 : i32
      %dma_wait3A_366 = arith.constant 0 : i32
      %dma_wait3A_367 = tpu.memref_slice %arg9[%dma_wait3A_365, %dma_wait3A_366] : memref<10240x32xf32, #tpu.memory_space<vmem_shared>> -> memref<10240x32xf32, #tpu.memory_space<vmem_shared>>
      tpu.wait_indirect_dma semaphore(%arg34 : memref<!tpu.dma_semaphore, #tpu.memory_space<semaphore_mem>>) src(%arg18 : memref<128x32xf32, #tpu.memory_space<vmem>>) dst(%dma_wait3A_367 : memref<10240x32xf32, #tpu.memory_space<vmem_shared>>)
      %add3A_368 = arith.constant 7 : i32
      %add3A_369 = arith.addi %mul3A_247, %add3A_368 : i32
      %dma_start3A_370 = arith.constant 0 : i32
      %dma_start3A_371 = tpu.memref_slice %arg7[%add3A_369, %dma_start3A_370] : memref<80x128xi32, #tpu.memory_space<vmem>> -> memref<1x128xi32, #tpu.memory_space<vmem>>
      %dma_start3A_372 = tpu.memref_squeeze %dma_start3A_371 : memref<1x128xi32, #tpu.memory_space<vmem>> -> memref<128xi32, #tpu.memory_space<vmem>>
      %dma_start3A_373 = arith.constant 0 : i32
      %dma_start3A_374 = arith.constant 0 : i32
      %dma_start3A_375 = tpu.memref_slice %arg10[%dma_start3A_373, %dma_start3A_374] : memref<10240x32xf32, #tpu.memory_space<vmem_shared>> -> memref<10240x32xf32, #tpu.memory_space<vmem_shared>>
      tpu.enqueue_indirect_dma source(%dma_start3A_375 : memref<10240x32xf32, #tpu.memory_space<vmem_shared>>) target(%arg18 : memref<128x32xf32, #tpu.memory_space<vmem>>) offsets(%dma_start3A_372 : memref<128xi32, #tpu.memory_space<vmem>>) semaphore(%arg26 : memref<!tpu.dma_semaphore, #tpu.memory_space<semaphore_mem>>)
      %add3A_376 = arith.constant 0 : i32
      %add3A_377 = arith.addi %mul3A_247, %add3A_376 : i32
      %dma_wait3A_378 = arith.constant 0 : i32
      %dma_wait3A_379 = tpu.memref_slice %arg7[%add3A_377, %dma_wait3A_378] : memref<80x128xi32, #tpu.memory_space<vmem>> -> memref<1x128xi32, #tpu.memory_space<vmem>>
      %dma_wait3A_380 = tpu.memref_squeeze %dma_wait3A_379 : memref<1x128xi32, #tpu.memory_space<vmem>> -> memref<128xi32, #tpu.memory_space<vmem>>
      %dma_wait3A_381 = arith.constant 0 : i32
      %dma_wait3A_382 = arith.constant 0 : i32
      %dma_wait3A_383 = tpu.memref_slice %arg10[%dma_wait3A_381, %dma_wait3A_382] : memref<10240x32xf32, #tpu.memory_space<vmem_shared>> -> memref<10240x32xf32, #tpu.memory_space<vmem_shared>>
      tpu.wait_indirect_dma semaphore(%arg19 : memref<!tpu.dma_semaphore, #tpu.memory_space<semaphore_mem>>) src(%dma_wait3A_383 : memref<10240x32xf32, #tpu.memory_space<vmem_shared>>) dst(%arg11 : memref<128x32xf32, #tpu.memory_space<vmem>>)
      %add3A_384 = arith.constant 0 : i32
      %add3A_385 = arith.addi %mul3A_247, %add3A_384 : i32
      %dma_start3A_386 = arith.constant 0 : i32
      %dma_start3A_387 = tpu.memref_slice %arg8[%add3A_385, %dma_start3A_386] : memref<80x128xi32, #tpu.memory_space<vmem>> -> memref<1x128xi32, #tpu.memory_space<vmem>>
      %dma_start3A_388 = tpu.memref_squeeze %dma_start3A_387 : memref<1x128xi32, #tpu.memory_space<vmem>> -> memref<128xi32, #tpu.memory_space<vmem>>
      %dma_start3A_389 = arith.constant 0 : i32
      %dma_start3A_390 = arith.constant 0 : i32
      %dma_start3A_391 = tpu.memref_slice %arg9[%dma_start3A_389, %dma_start3A_390] : memref<10240x32xf32, #tpu.memory_space<vmem_shared>> -> memref<10240x32xf32, #tpu.memory_space<vmem_shared>>
      tpu.enqueue_indirect_dma source(%arg11 : memref<128x32xf32, #tpu.memory_space<vmem>>) target(%dma_start3A_391 : memref<10240x32xf32, #tpu.memory_space<vmem_shared>>) offsets(%dma_start3A_388 : memref<128xi32, #tpu.memory_space<vmem>>) semaphore(%arg27 : memref<!tpu.dma_semaphore, #tpu.memory_space<semaphore_mem>>) {add = true}
      %add3A_392 = arith.constant 1 : i32
      %add3A_393 = arith.addi %mul3A_247, %add3A_392 : i32
      %dma_wait3A_394 = arith.constant 0 : i32
      %dma_wait3A_395 = tpu.memref_slice %arg7[%add3A_393, %dma_wait3A_394] : memref<80x128xi32, #tpu.memory_space<vmem>> -> memref<1x128xi32, #tpu.memory_space<vmem>>
      %dma_wait3A_396 = tpu.memref_squeeze %dma_wait3A_395 : memref<1x128xi32, #tpu.memory_space<vmem>> -> memref<128xi32, #tpu.memory_space<vmem>>
      %dma_wait3A_397 = arith.constant 0 : i32
      %dma_wait3A_398 = arith.constant 0 : i32
      %dma_wait3A_399 = tpu.memref_slice %arg10[%dma_wait3A_397, %dma_wait3A_398] : memref<10240x32xf32, #tpu.memory_space<vmem_shared>> -> memref<10240x32xf32, #tpu.memory_space<vmem_shared>>
      tpu.wait_indirect_dma semaphore(%arg20 : memref<!tpu.dma_semaphore, #tpu.memory_space<semaphore_mem>>) src(%dma_wait3A_399 : memref<10240x32xf32, #tpu.memory_space<vmem_shared>>) dst(%arg12 : memref<128x32xf32, #tpu.memory_space<vmem>>)
      %add3A_400 = arith.constant 1 : i32
      %add3A_401 = arith.addi %mul3A_247, %add3A_400 : i32
      %dma_start3A_402 = arith.constant 0 : i32
      %dma_start3A_403 = tpu.memref_slice %arg8[%add3A_401, %dma_start3A_402] : memref<80x128xi32, #tpu.memory_space<vmem>> -> memref<1x128xi32, #tpu.memory_space<vmem>>
      %dma_start3A_404 = tpu.memref_squeeze %dma_start3A_403 : memref<1x128xi32, #tpu.memory_space<vmem>> -> memref<128xi32, #tpu.memory_space<vmem>>
      %dma_start3A_405 = arith.constant 0 : i32
      %dma_start3A_406 = arith.constant 0 : i32
      %dma_start3A_407 = tpu.memref_slice %arg9[%dma_start3A_405, %dma_start3A_406] : memref<10240x32xf32, #tpu.memory_space<vmem_shared>> -> memref<10240x32xf32, #tpu.memory_space<vmem_shared>>
      tpu.enqueue_indirect_dma source(%arg12 : memref<128x32xf32, #tpu.memory_space<vmem>>) target(%dma_start3A_407 : memref<10240x32xf32, #tpu.memory_space<vmem_shared>>) offsets(%dma_start3A_404 : memref<128xi32, #tpu.memory_space<vmem>>) semaphore(%arg28 : memref<!tpu.dma_semaphore, #tpu.memory_space<semaphore_mem>>) {add = true}
      %add3A_408 = arith.constant 2 : i32
      %add3A_409 = arith.addi %mul3A_247, %add3A_408 : i32
      %dma_wait3A_410 = arith.constant 0 : i32
      %dma_wait3A_411 = tpu.memref_slice %arg7[%add3A_409, %dma_wait3A_410] : memref<80x128xi32, #tpu.memory_space<vmem>> -> memref<1x128xi32, #tpu.memory_space<vmem>>
      %dma_wait3A_412 = tpu.memref_squeeze %dma_wait3A_411 : memref<1x128xi32, #tpu.memory_space<vmem>> -> memref<128xi32, #tpu.memory_space<vmem>>
      %dma_wait3A_413 = arith.constant 0 : i32
      %dma_wait3A_414 = arith.constant 0 : i32
      %dma_wait3A_415 = tpu.memref_slice %arg10[%dma_wait3A_413, %dma_wait3A_414] : memref<10240x32xf32, #tpu.memory_space<vmem_shared>> -> memref<10240x32xf32, #tpu.memory_space<vmem_shared>>
      tpu.wait_indirect_dma semaphore(%arg21 : memref<!tpu.dma_semaphore, #tpu.memory_space<semaphore_mem>>) src(%dma_wait3A_415 : memref<10240x32xf32, #tpu.memory_space<vmem_shared>>) dst(%arg13 : memref<128x32xf32, #tpu.memory_space<vmem>>)
      %add3A_416 = arith.constant 2 : i32
      %add3A_417 = arith.addi %mul3A_247, %add3A_416 : i32
      %dma_start3A_418 = arith.constant 0 : i32
      %dma_start3A_419 = tpu.memref_slice %arg8[%add3A_417, %dma_start3A_418] : memref<80x128xi32, #tpu.memory_space<vmem>> -> memref<1x128xi32, #tpu.memory_space<vmem>>
      %dma_start3A_420 = tpu.memref_squeeze %dma_start3A_419 : memref<1x128xi32, #tpu.memory_space<vmem>> -> memref<128xi32, #tpu.memory_space<vmem>>
      %dma_start3A_421 = arith.constant 0 : i32
      %dma_start3A_422 = arith.constant 0 : i32
      %dma_start3A_423 = tpu.memref_slice %arg9[%dma_start3A_421, %dma_start3A_422] : memref<10240x32xf32, #tpu.memory_space<vmem_shared>> -> memref<10240x32xf32, #tpu.memory_space<vmem_shared>>
      tpu.enqueue_indirect_dma source(%arg13 : memref<128x32xf32, #tpu.memory_space<vmem>>) target(%dma_start3A_423 : memref<10240x32xf32, #tpu.memory_space<vmem_shared>>) offsets(%dma_start3A_420 : memref<128xi32, #tpu.memory_space<vmem>>) semaphore(%arg29 : memref<!tpu.dma_semaphore, #tpu.memory_space<semaphore_mem>>) {add = true}
      %add3A_424 = arith.constant 3 : i32
      %add3A_425 = arith.addi %mul3A_247, %add3A_424 : i32
      %dma_wait3A_426 = arith.constant 0 : i32
      %dma_wait3A_427 = tpu.memref_slice %arg7[%add3A_425, %dma_wait3A_426] : memref<80x128xi32, #tpu.memory_space<vmem>> -> memref<1x128xi32, #tpu.memory_space<vmem>>
      %dma_wait3A_428 = tpu.memref_squeeze %dma_wait3A_427 : memref<1x128xi32, #tpu.memory_space<vmem>> -> memref<128xi32, #tpu.memory_space<vmem>>
      %dma_wait3A_429 = arith.constant 0 : i32
      %dma_wait3A_430 = arith.constant 0 : i32
      %dma_wait3A_431 = tpu.memref_slice %arg10[%dma_wait3A_429, %dma_wait3A_430] : memref<10240x32xf32, #tpu.memory_space<vmem_shared>> -> memref<10240x32xf32, #tpu.memory_space<vmem_shared>>
      tpu.wait_indirect_dma semaphore(%arg22 : memref<!tpu.dma_semaphore, #tpu.memory_space<semaphore_mem>>) src(%dma_wait3A_431 : memref<10240x32xf32, #tpu.memory_space<vmem_shared>>) dst(%arg14 : memref<128x32xf32, #tpu.memory_space<vmem>>)
      %add3A_432 = arith.constant 3 : i32
      %add3A_433 = arith.addi %mul3A_247, %add3A_432 : i32
      %dma_start3A_434 = arith.constant 0 : i32
      %dma_start3A_435 = tpu.memref_slice %arg8[%add3A_433, %dma_start3A_434] : memref<80x128xi32, #tpu.memory_space<vmem>> -> memref<1x128xi32, #tpu.memory_space<vmem>>
      %dma_start3A_436 = tpu.memref_squeeze %dma_start3A_435 : memref<1x128xi32, #tpu.memory_space<vmem>> -> memref<128xi32, #tpu.memory_space<vmem>>
      %dma_start3A_437 = arith.constant 0 : i32
      %dma_start3A_438 = arith.constant 0 : i32
      %dma_start3A_439 = tpu.memref_slice %arg9[%dma_start3A_437, %dma_start3A_438] : memref<10240x32xf32, #tpu.memory_space<vmem_shared>> -> memref<10240x32xf32, #tpu.memory_space<vmem_shared>>
      tpu.enqueue_indirect_dma source(%arg14 : memref<128x32xf32, #tpu.memory_space<vmem>>) target(%dma_start3A_439 : memref<10240x32xf32, #tpu.memory_space<vmem_shared>>) offsets(%dma_start3A_436 : memref<128xi32, #tpu.memory_space<vmem>>) semaphore(%arg30 : memref<!tpu.dma_semaphore, #tpu.memory_space<semaphore_mem>>) {add = true}
      %add3A_440 = arith.constant 4 : i32
      %add3A_441 = arith.addi %mul3A_247, %add3A_440 : i32
      %dma_wait3A_442 = arith.constant 0 : i32
      %dma_wait3A_443 = tpu.memref_slice %arg7[%add3A_441, %dma_wait3A_442] : memref<80x128xi32, #tpu.memory_space<vmem>> -> memref<1x128xi32, #tpu.memory_space<vmem>>
      %dma_wait3A_444 = tpu.memref_squeeze %dma_wait3A_443 : memref<1x128xi32, #tpu.memory_space<vmem>> -> memref<128xi32, #tpu.memory_space<vmem>>
      %dma_wait3A_445 = arith.constant 0 : i32
      %dma_wait3A_446 = arith.constant 0 : i32
      %dma_wait3A_447 = tpu.memref_slice %arg10[%dma_wait3A_445, %dma_wait3A_446] : memref<10240x32xf32, #tpu.memory_space<vmem_shared>> -> memref<10240x32xf32, #tpu.memory_space<vmem_shared>>
      tpu.wait_indirect_dma semaphore(%arg23 : memref<!tpu.dma_semaphore, #tpu.memory_space<semaphore_mem>>) src(%dma_wait3A_447 : memref<10240x32xf32, #tpu.memory_space<vmem_shared>>) dst(%arg15 : memref<128x32xf32, #tpu.memory_space<vmem>>)
      %add3A_448 = arith.constant 4 : i32
      %add3A_449 = arith.addi %mul3A_247, %add3A_448 : i32
      %dma_start3A_450 = arith.constant 0 : i32
      %dma_start3A_451 = tpu.memref_slice %arg8[%add3A_449, %dma_start3A_450] : memref<80x128xi32, #tpu.memory_space<vmem>> -> memref<1x128xi32, #tpu.memory_space<vmem>>
      %dma_start3A_452 = tpu.memref_squeeze %dma_start3A_451 : memref<1x128xi32, #tpu.memory_space<vmem>> -> memref<128xi32, #tpu.memory_space<vmem>>
      %dma_start3A_453 = arith.constant 0 : i32
      %dma_start3A_454 = arith.constant 0 : i32
      %dma_start3A_455 = tpu.memref_slice %arg9[%dma_start3A_453, %dma_start3A_454] : memref<10240x32xf32, #tpu.memory_space<vmem_shared>> -> memref<10240x32xf32, #tpu.memory_space<vmem_shared>>
      tpu.enqueue_indirect_dma source(%arg15 : memref<128x32xf32, #tpu.memory_space<vmem>>) target(%dma_start3A_455 : memref<10240x32xf32, #tpu.memory_space<vmem_shared>>) offsets(%dma_start3A_452 : memref<128xi32, #tpu.memory_space<vmem>>) semaphore(%arg31 : memref<!tpu.dma_semaphore, #tpu.memory_space<semaphore_mem>>) {add = true}
      %add3A_456 = arith.constant 5 : i32
      %add3A_457 = arith.addi %mul3A_247, %add3A_456 : i32
      %dma_wait3A_458 = arith.constant 0 : i32
      %dma_wait3A_459 = tpu.memref_slice %arg7[%add3A_457, %dma_wait3A_458] : memref<80x128xi32, #tpu.memory_space<vmem>> -> memref<1x128xi32, #tpu.memory_space<vmem>>
      %dma_wait3A_460 = tpu.memref_squeeze %dma_wait3A_459 : memref<1x128xi32, #tpu.memory_space<vmem>> -> memref<128xi32, #tpu.memory_space<vmem>>
      %dma_wait3A_461 = arith.constant 0 : i32
      %dma_wait3A_462 = arith.constant 0 : i32
      %dma_wait3A_463 = tpu.memref_slice %arg10[%dma_wait3A_461, %dma_wait3A_462] : memref<10240x32xf32, #tpu.memory_space<vmem_shared>> -> memref<10240x32xf32, #tpu.memory_space<vmem_shared>>
      tpu.wait_indirect_dma semaphore(%arg24 : memref<!tpu.dma_semaphore, #tpu.memory_space<semaphore_mem>>) src(%dma_wait3A_463 : memref<10240x32xf32, #tpu.memory_space<vmem_shared>>) dst(%arg16 : memref<128x32xf32, #tpu.memory_space<vmem>>)
      %add3A_464 = arith.constant 5 : i32
      %add3A_465 = arith.addi %mul3A_247, %add3A_464 : i32
      %dma_start3A_466 = arith.constant 0 : i32
      %dma_start3A_467 = tpu.memref_slice %arg8[%add3A_465, %dma_start3A_466] : memref<80x128xi32, #tpu.memory_space<vmem>> -> memref<1x128xi32, #tpu.memory_space<vmem>>
      %dma_start3A_468 = tpu.memref_squeeze %dma_start3A_467 : memref<1x128xi32, #tpu.memory_space<vmem>> -> memref<128xi32, #tpu.memory_space<vmem>>
      %dma_start3A_469 = arith.constant 0 : i32
      %dma_start3A_470 = arith.constant 0 : i32
      %dma_start3A_471 = tpu.memref_slice %arg9[%dma_start3A_469, %dma_start3A_470] : memref<10240x32xf32, #tpu.memory_space<vmem_shared>> -> memref<10240x32xf32, #tpu.memory_space<vmem_shared>>
      tpu.enqueue_indirect_dma source(%arg16 : memref<128x32xf32, #tpu.memory_space<vmem>>) target(%dma_start3A_471 : memref<10240x32xf32, #tpu.memory_space<vmem_shared>>) offsets(%dma_start3A_468 : memref<128xi32, #tpu.memory_space<vmem>>) semaphore(%arg32 : memref<!tpu.dma_semaphore, #tpu.memory_space<semaphore_mem>>) {add = true}
      %add3A_472 = arith.constant 6 : i32
      %add3A_473 = arith.addi %mul3A_247, %add3A_472 : i32
      %dma_wait3A_474 = arith.constant 0 : i32
      %dma_wait3A_475 = tpu.memref_slice %arg7[%add3A_473, %dma_wait3A_474] : memref<80x128xi32, #tpu.memory_space<vmem>> -> memref<1x128xi32, #tpu.memory_space<vmem>>
      %dma_wait3A_476 = tpu.memref_squeeze %dma_wait3A_475 : memref<1x128xi32, #tpu.memory_space<vmem>> -> memref<128xi32, #tpu.memory_space<vmem>>
      %dma_wait3A_477 = arith.constant 0 : i32
      %dma_wait3A_478 = arith.constant 0 : i32
      %dma_wait3A_479 = tpu.memref_slice %arg10[%dma_wait3A_477, %dma_wait3A_478] : memref<10240x32xf32, #tpu.memory_space<vmem_shared>> -> memref<10240x32xf32, #tpu.memory_space<vmem_shared>>
      tpu.wait_indirect_dma semaphore(%arg25 : memref<!tpu.dma_semaphore, #tpu.memory_space<semaphore_mem>>) src(%dma_wait3A_479 : memref<10240x32xf32, #tpu.memory_space<vmem_shared>>) dst(%arg17 : memref<128x32xf32, #tpu.memory_space<vmem>>)
      %add3A_480 = arith.constant 6 : i32
      %add3A_481 = arith.addi %mul3A_247, %add3A_480 : i32
      %dma_start3A_482 = arith.constant 0 : i32
      %dma_start3A_483 = tpu.memref_slice %arg8[%add3A_481, %dma_start3A_482] : memref<80x128xi32, #tpu.memory_space<vmem>> -> memref<1x128xi32, #tpu.memory_space<vmem>>
      %dma_start3A_484 = tpu.memref_squeeze %dma_start3A_483 : memref<1x128xi32, #tpu.memory_space<vmem>> -> memref<128xi32, #tpu.memory_space<vmem>>
      %dma_start3A_485 = arith.constant 0 : i32
      %dma_start3A_486 = arith.constant 0 : i32
      %dma_start3A_487 = tpu.memref_slice %arg9[%dma_start3A_485, %dma_start3A_486] : memref<10240x32xf32, #tpu.memory_space<vmem_shared>> -> memref<10240x32xf32, #tpu.memory_space<vmem_shared>>
      tpu.enqueue_indirect_dma source(%arg17 : memref<128x32xf32, #tpu.memory_space<vmem>>) target(%dma_start3A_487 : memref<10240x32xf32, #tpu.memory_space<vmem_shared>>) offsets(%dma_start3A_484 : memref<128xi32, #tpu.memory_space<vmem>>) semaphore(%arg33 : memref<!tpu.dma_semaphore, #tpu.memory_space<semaphore_mem>>) {add = true}
      %add3A_488 = arith.constant 7 : i32
      %add3A_489 = arith.addi %mul3A_247, %add3A_488 : i32
      %dma_wait3A_490 = arith.constant 0 : i32
      %dma_wait3A_491 = tpu.memref_slice %arg7[%add3A_489, %dma_wait3A_490] : memref<80x128xi32, #tpu.memory_space<vmem>> -> memref<1x128xi32, #tpu.memory_space<vmem>>
      %dma_wait3A_492 = tpu.memref_squeeze %dma_wait3A_491 : memref<1x128xi32, #tpu.memory_space<vmem>> -> memref<128xi32, #tpu.memory_space<vmem>>
      %dma_wait3A_493 = arith.constant 0 : i32
      %dma_wait3A_494 = arith.constant 0 : i32
      %dma_wait3A_495 = tpu.memref_slice %arg10[%dma_wait3A_493, %dma_wait3A_494] : memref<10240x32xf32, #tpu.memory_space<vmem_shared>> -> memref<10240x32xf32, #tpu.memory_space<vmem_shared>>
      tpu.wait_indirect_dma semaphore(%arg26 : memref<!tpu.dma_semaphore, #tpu.memory_space<semaphore_mem>>) src(%dma_wait3A_495 : memref<10240x32xf32, #tpu.memory_space<vmem_shared>>) dst(%arg18 : memref<128x32xf32, #tpu.memory_space<vmem>>)
      %add3A_496 = arith.constant 7 : i32
      %add3A_497 = arith.addi %mul3A_247, %add3A_496 : i32
      %dma_start3A_498 = arith.constant 0 : i32
      %dma_start3A_499 = tpu.memref_slice %arg8[%add3A_497, %dma_start3A_498] : memref<80x128xi32, #tpu.memory_space<vmem>> -> memref<1x128xi32, #tpu.memory_space<vmem>>
      %dma_start3A_500 = tpu.memref_squeeze %dma_start3A_499 : memref<1x128xi32, #tpu.memory_space<vmem>> -> memref<128xi32, #tpu.memory_space<vmem>>
      %dma_start3A_501 = arith.constant 0 : i32
      %dma_start3A_502 = arith.constant 0 : i32
      %dma_start3A_503 = tpu.memref_slice %arg9[%dma_start3A_501, %dma_start3A_502] : memref<10240x32xf32, #tpu.memory_space<vmem_shared>> -> memref<10240x32xf32, #tpu.memory_space<vmem_shared>>
      tpu.enqueue_indirect_dma source(%arg18 : memref<128x32xf32, #tpu.memory_space<vmem>>) target(%dma_start3A_503 : memref<10240x32xf32, #tpu.memory_space<vmem_shared>>) offsets(%dma_start3A_500 : memref<128xi32, #tpu.memory_space<vmem>>) semaphore(%arg34 : memref<!tpu.dma_semaphore, #tpu.memory_space<semaphore_mem>>) {add = true}
    }
    %scan3A_183 = arith.constant 9 : i32
    %dma_wait3A_184 = arith.constant 0 : i32
    %dma_wait3A_185 = arith.constant 0 : i32
    %dma_wait3A_186 = tpu.memref_slice %arg8[%dma_wait3A_184, %dma_wait3A_185] : memref<80x128xi32, #tpu.memory_space<vmem>> -> memref<1x128xi32, #tpu.memory_space<vmem>>
    %dma_wait3A_187 = tpu.memref_squeeze %dma_wait3A_186 : memref<1x128xi32, #tpu.memory_space<vmem>> -> memref<128xi32, #tpu.memory_space<vmem>>
    %dma_wait3A_188 = arith.constant 0 : i32
    %dma_wait3A_189 = arith.constant 0 : i32
    %dma_wait3A_190 = tpu.memref_slice %arg9[%dma_wait3A_188, %dma_wait3A_189] : memref<10240x32xf32, #tpu.memory_space<vmem_shared>> -> memref<10240x32xf32, #tpu.memory_space<vmem_shared>>
    tpu.wait_indirect_dma semaphore(%arg27 : memref<!tpu.dma_semaphore, #tpu.memory_space<semaphore_mem>>) src(%arg11 : memref<128x32xf32, #tpu.memory_space<vmem>>) dst(%dma_wait3A_190 : memref<10240x32xf32, #tpu.memory_space<vmem_shared>>)
    %dma_wait3A_191 = arith.constant 1 : i32
    %dma_wait3A_192 = arith.constant 0 : i32
    %dma_wait3A_193 = tpu.memref_slice %arg8[%dma_wait3A_191, %dma_wait3A_192] : memref<80x128xi32, #tpu.memory_space<vmem>> -> memref<1x128xi32, #tpu.memory_space<vmem>>
    %dma_wait3A_194 = tpu.memref_squeeze %dma_wait3A_193 : memref<1x128xi32, #tpu.memory_space<vmem>> -> memref<128xi32, #tpu.memory_space<vmem>>
    %dma_wait3A_195 = arith.constant 0 : i32
    %dma_wait3A_196 = arith.constant 0 : i32
    %dma_wait3A_197 = tpu.memref_slice %arg9[%dma_wait3A_195, %dma_wait3A_196] : memref<10240x32xf32, #tpu.memory_space<vmem_shared>> -> memref<10240x32xf32, #tpu.memory_space<vmem_shared>>
    tpu.wait_indirect_dma semaphore(%arg28 : memref<!tpu.dma_semaphore, #tpu.memory_space<semaphore_mem>>) src(%arg12 : memref<128x32xf32, #tpu.memory_space<vmem>>) dst(%dma_wait3A_197 : memref<10240x32xf32, #tpu.memory_space<vmem_shared>>)
    %dma_wait3A_198 = arith.constant 2 : i32
    %dma_wait3A_199 = arith.constant 0 : i32
    %dma_wait3A_200 = tpu.memref_slice %arg8[%dma_wait3A_198, %dma_wait3A_199] : memref<80x128xi32, #tpu.memory_space<vmem>> -> memref<1x128xi32, #tpu.memory_space<vmem>>
    %dma_wait3A_201 = tpu.memref_squeeze %dma_wait3A_200 : memref<1x128xi32, #tpu.memory_space<vmem>> -> memref<128xi32, #tpu.memory_space<vmem>>
    %dma_wait3A_202 = arith.constant 0 : i32
    %dma_wait3A_203 = arith.constant 0 : i32
    %dma_wait3A_204 = tpu.memref_slice %arg9[%dma_wait3A_202, %dma_wait3A_203] : memref<10240x32xf32, #tpu.memory_space<vmem_shared>> -> memref<10240x32xf32, #tpu.memory_space<vmem_shared>>
    tpu.wait_indirect_dma semaphore(%arg29 : memref<!tpu.dma_semaphore, #tpu.memory_space<semaphore_mem>>) src(%arg13 : memref<128x32xf32, #tpu.memory_space<vmem>>) dst(%dma_wait3A_204 : memref<10240x32xf32, #tpu.memory_space<vmem_shared>>)
    %dma_wait3A_205 = arith.constant 3 : i32
    %dma_wait3A_206 = arith.constant 0 : i32
    %dma_wait3A_207 = tpu.memref_slice %arg8[%dma_wait3A_205, %dma_wait3A_206] : memref<80x128xi32, #tpu.memory_space<vmem>> -> memref<1x128xi32, #tpu.memory_space<vmem>>
    %dma_wait3A_208 = tpu.memref_squeeze %dma_wait3A_207 : memref<1x128xi32, #tpu.memory_space<vmem>> -> memref<128xi32, #tpu.memory_space<vmem>>
    %dma_wait3A_209 = arith.constant 0 : i32
    %dma_wait3A_210 = arith.constant 0 : i32
    %dma_wait3A_211 = tpu.memref_slice %arg9[%dma_wait3A_209, %dma_wait3A_210] : memref<10240x32xf32, #tpu.memory_space<vmem_shared>> -> memref<10240x32xf32, #tpu.memory_space<vmem_shared>>
    tpu.wait_indirect_dma semaphore(%arg30 : memref<!tpu.dma_semaphore, #tpu.memory_space<semaphore_mem>>) src(%arg14 : memref<128x32xf32, #tpu.memory_space<vmem>>) dst(%dma_wait3A_211 : memref<10240x32xf32, #tpu.memory_space<vmem_shared>>)
    %dma_wait3A_212 = arith.constant 4 : i32
    %dma_wait3A_213 = arith.constant 0 : i32
    %dma_wait3A_214 = tpu.memref_slice %arg8[%dma_wait3A_212, %dma_wait3A_213] : memref<80x128xi32, #tpu.memory_space<vmem>> -> memref<1x128xi32, #tpu.memory_space<vmem>>
    %dma_wait3A_215 = tpu.memref_squeeze %dma_wait3A_214 : memref<1x128xi32, #tpu.memory_space<vmem>> -> memref<128xi32, #tpu.memory_space<vmem>>
    %dma_wait3A_216 = arith.constant 0 : i32
    %dma_wait3A_217 = arith.constant 0 : i32
    %dma_wait3A_218 = tpu.memref_slice %arg9[%dma_wait3A_216, %dma_wait3A_217] : memref<10240x32xf32, #tpu.memory_space<vmem_shared>> -> memref<10240x32xf32, #tpu.memory_space<vmem_shared>>
    tpu.wait_indirect_dma semaphore(%arg31 : memref<!tpu.dma_semaphore, #tpu.memory_space<semaphore_mem>>) src(%arg15 : memref<128x32xf32, #tpu.memory_space<vmem>>) dst(%dma_wait3A_218 : memref<10240x32xf32, #tpu.memory_space<vmem_shared>>)
    %dma_wait3A_219 = arith.constant 5 : i32
    %dma_wait3A_220 = arith.constant 0 : i32
    %dma_wait3A_221 = tpu.memref_slice %arg8[%dma_wait3A_219, %dma_wait3A_220] : memref<80x128xi32, #tpu.memory_space<vmem>> -> memref<1x128xi32, #tpu.memory_space<vmem>>
    %dma_wait3A_222 = tpu.memref_squeeze %dma_wait3A_221 : memref<1x128xi32, #tpu.memory_space<vmem>> -> memref<128xi32, #tpu.memory_space<vmem>>
    %dma_wait3A_223 = arith.constant 0 : i32
    %dma_wait3A_224 = arith.constant 0 : i32
    %dma_wait3A_225 = tpu.memref_slice %arg9[%dma_wait3A_223, %dma_wait3A_224] : memref<10240x32xf32, #tpu.memory_space<vmem_shared>> -> memref<10240x32xf32, #tpu.memory_space<vmem_shared>>
    tpu.wait_indirect_dma semaphore(%arg32 : memref<!tpu.dma_semaphore, #tpu.memory_space<semaphore_mem>>) src(%arg16 : memref<128x32xf32, #tpu.memory_space<vmem>>) dst(%dma_wait3A_225 : memref<10240x32xf32, #tpu.memory_space<vmem_shared>>)
    %dma_wait3A_226 = arith.constant 6 : i32
    %dma_wait3A_227 = arith.constant 0 : i32
    %dma_wait3A_228 = tpu.memref_slice %arg8[%dma_wait3A_226, %dma_wait3A_227] : memref<80x128xi32, #tpu.memory_space<vmem>> -> memref<1x128xi32, #tpu.memory_space<vmem>>
    %dma_wait3A_229 = tpu.memref_squeeze %dma_wait3A_228 : memref<1x128xi32, #tpu.memory_space<vmem>> -> memref<128xi32, #tpu.memory_space<vmem>>
    %dma_wait3A_230 = arith.constant 0 : i32
    %dma_wait3A_231 = arith.constant 0 : i32
    %dma_wait3A_232 = tpu.memref_slice %arg9[%dma_wait3A_230, %dma_wait3A_231] : memref<10240x32xf32, #tpu.memory_space<vmem_shared>> -> memref<10240x32xf32, #tpu.memory_space<vmem_shared>>
    tpu.wait_indirect_dma semaphore(%arg33 : memref<!tpu.dma_semaphore, #tpu.memory_space<semaphore_mem>>) src(%arg17 : memref<128x32xf32, #tpu.memory_space<vmem>>) dst(%dma_wait3A_232 : memref<10240x32xf32, #tpu.memory_space<vmem_shared>>)
    %dma_wait3A_233 = arith.constant 7 : i32
    %dma_wait3A_234 = arith.constant 0 : i32
    %dma_wait3A_235 = tpu.memref_slice %arg8[%dma_wait3A_233, %dma_wait3A_234] : memref<80x128xi32, #tpu.memory_space<vmem>> -> memref<1x128xi32, #tpu.memory_space<vmem>>
    %dma_wait3A_236 = tpu.memref_squeeze %dma_wait3A_235 : memref<1x128xi32, #tpu.memory_space<vmem>> -> memref<128xi32, #tpu.memory_space<vmem>>
    %dma_wait3A_237 = arith.constant 0 : i32
    %dma_wait3A_238 = arith.constant 0 : i32
    %dma_wait3A_239 = tpu.memref_slice %arg9[%dma_wait3A_237, %dma_wait3A_238] : memref<10240x32xf32, #tpu.memory_space<vmem_shared>> -> memref<10240x32xf32, #tpu.memory_space<vmem_shared>>
    tpu.wait_indirect_dma semaphore(%arg34 : memref<!tpu.dma_semaphore, #tpu.memory_space<semaphore_mem>>) src(%arg18 : memref<128x32xf32, #tpu.memory_space<vmem>>) dst(%dma_wait3A_239 : memref<10240x32xf32, #tpu.memory_space<vmem_shared>>)
    %barrier3A_240 = arith.constant 0 : index
    tpu.barrier barrier_id(%barrier3A_240)
    %mul3A_241 = arith.constant 640 : i32
    %mul3A_242 = arith.muli %arg1, %mul3A_241 : i32
    %mul3A_243 = arith.constant 640 : i32
    %mul3A_244 = arith.muli %arg1, %mul3A_243 : i32
    "tpu.region"() ({
      %run_scoped3A = tpu.sem_alloc : memref<!tpu.dma_semaphore, #tpu.memory_space<semaphore_mem>>
      %dma_start3A_245 = arith.constant 0 : i32
      %dma_start3A_246 = tpu.memref_slice %arg6[%arg0, %mul3A_244, %dma_start3A_245] : memref<2x10240x32xf32, #tpu.memory_space<hbm>> -> memref<1x640x32xf32, #tpu.memory_space<hbm>>
      %dma_start3A_247 = tpu.memref_squeeze %dma_start3A_246 : memref<1x640x32xf32, #tpu.memory_space<hbm>> -> memref<640x32xf32, #tpu.memory_space<hbm>>
      %dma_start3A_248 = arith.constant 0 : i32
      %dma_start3A_249 = tpu.memref_slice %arg9[%mul3A_242, %dma_start3A_248] : memref<10240x32xf32, #tpu.memory_space<vmem_shared>> -> memref<640x32xf32, #tpu.memory_space<vmem_shared>>
      tpu.enqueue_dma source(%dma_start3A_249 : memref<640x32xf32, #tpu.memory_space<vmem_shared>>) target(%dma_start3A_247 : memref<640x32xf32, #tpu.memory_space<hbm>>) target_semaphore(%run_scoped3A : memref<!tpu.dma_semaphore, #tpu.memory_space<semaphore_mem>>)
      %dma_wait3A_250 = arith.constant 0 : i32
      %dma_wait3A_251 = tpu.memref_slice %arg6[%arg0, %mul3A_244, %dma_wait3A_250] : memref<2x10240x32xf32, #tpu.memory_space<hbm>> -> memref<1x640x32xf32, #tpu.memory_space<hbm>>
      %dma_wait3A_252 = tpu.memref_squeeze %dma_wait3A_251 : memref<1x640x32xf32, #tpu.memory_space<hbm>> -> memref<640x32xf32, #tpu.memory_space<hbm>>
      %dma_wait3A_253 = arith.constant 0 : i32
      %dma_wait3A_254 = tpu.memref_slice %arg9[%mul3A_242, %dma_wait3A_253] : memref<10240x32xf32, #tpu.memory_space<vmem_shared>> -> memref<640x32xf32, #tpu.memory_space<vmem_shared>>
      tpu.wait_dma2 semaphore(%run_scoped3A : memref<!tpu.dma_semaphore, #tpu.memory_space<semaphore_mem>>) src(%dma_wait3A_254 : memref<640x32xf32, #tpu.memory_space<vmem_shared>>) dst(%dma_wait3A_252 : memref<640x32xf32, #tpu.memory_space<hbm>>)
      tpu.yield
    }) : () -> ()
    return
  }
}

#map = affine_map<(d0, d1) -> (0, 0)>
#map1 = affine_map<(d0, d1) -> (0, 0, 0)>
module attributes {stable_mosaic.version = 14 : i64} {
  func.func @k(%arg0: i32, %arg1: i32, %arg2: memref<2560x128xi32, #tpu.memory_space<hbm>>, %arg3: memref<128x8xf32, #tpu.memory_space<hbm>>, %arg4: memref<10240x8xf32, #tpu.memory_space<hbm>>, %arg5: memref<2x10240x8xf32, #tpu.memory_space<hbm>>, %arg6: memref<80x128xi32, #tpu.memory_space<vmem>>, %arg7: memref<128x8xf32, #tpu.memory_space<vmem>>, %arg8: memref<10240x8xf32, #tpu.memory_space<vmem_shared>>, %arg9: memref<!tpu.dma_semaphore, #tpu.memory_space<semaphore_mem>>, %arg10: memref<!tpu.dma_semaphore, #tpu.memory_space<semaphore_mem>>, %arg11: memref<!tpu.dma_semaphore, #tpu.memory_space<semaphore_mem>>, %arg12: memref<!tpu.dma_semaphore, #tpu.memory_space<semaphore_mem>>, %arg13: memref<!tpu.dma_semaphore, #tpu.memory_space<semaphore_mem>>, %arg14: memref<!tpu.dma_semaphore, #tpu.memory_space<semaphore_mem>>, %arg15: memref<!tpu.dma_semaphore, #tpu.memory_space<semaphore_mem>>, %arg16: memref<!tpu.dma_semaphore, #tpu.memory_space<semaphore_mem>>) attributes {dimension_semantics = [#tpu.dimension_semantics<core_parallel>, #tpu.dimension_semantics<subcore_parallel>], iteration_bounds = array<i64: 2, 16>, scalar_prefetch = 0 : i64, scratch_operands = 11 : i64, tpu.core_type = #tpu.core_type<sc_vector_subcore>, window_params = [{transform_indices = #map}, {transform_indices = #map}, {transform_indices = #map}, {transform_indices = #map1}]} {
    %mul3A = arith.constant 16 : i32
    %mul3A_0 = arith.muli %arg0, %mul3A : i32
    %add3A = arith.addi %mul3A_0, %arg1 : i32
    %mul3A_1 = arith.constant 640 : i32
    %mul3A_2 = arith.muli %arg1, %mul3A_1 : i32
    %mul3A_3 = arith.constant 640 : i32
    %mul3A_4 = arith.muli %arg1, %mul3A_3 : i32
    "tpu.region"() ({
      %run_scoped3A = tpu.sem_alloc : memref<!tpu.dma_semaphore, #tpu.memory_space<semaphore_mem>>
      %dma_start3A_127 = arith.constant 0 : i32
      %dma_start3A_128 = tpu.memref_slice %arg8[%mul3A_4, %dma_start3A_127] : memref<10240x8xf32, #tpu.memory_space<vmem_shared>> -> memref<640x8xf32, #tpu.memory_space<vmem_shared>>
      %dma_start3A_129 = arith.constant 0 : i32
      %dma_start3A_130 = tpu.memref_slice %arg4[%mul3A_2, %dma_start3A_129] : memref<10240x8xf32, #tpu.memory_space<hbm>> -> memref<640x8xf32, #tpu.memory_space<hbm>>
      tpu.enqueue_dma source(%dma_start3A_130 : memref<640x8xf32, #tpu.memory_space<hbm>>) target(%dma_start3A_128 : memref<640x8xf32, #tpu.memory_space<vmem_shared>>) target_semaphore(%run_scoped3A : memref<!tpu.dma_semaphore, #tpu.memory_space<semaphore_mem>>)
      %dma_wait3A_131 = arith.constant 0 : i32
      %dma_wait3A_132 = tpu.memref_slice %arg8[%mul3A_4, %dma_wait3A_131] : memref<10240x8xf32, #tpu.memory_space<vmem_shared>> -> memref<640x8xf32, #tpu.memory_space<vmem_shared>>
      %dma_wait3A_133 = arith.constant 0 : i32
      %dma_wait3A_134 = tpu.memref_slice %arg4[%mul3A_2, %dma_wait3A_133] : memref<10240x8xf32, #tpu.memory_space<hbm>> -> memref<640x8xf32, #tpu.memory_space<hbm>>
      tpu.wait_dma2 semaphore(%run_scoped3A : memref<!tpu.dma_semaphore, #tpu.memory_space<semaphore_mem>>) src(%dma_wait3A_134 : memref<640x8xf32, #tpu.memory_space<hbm>>) dst(%dma_wait3A_132 : memref<640x8xf32, #tpu.memory_space<vmem_shared>>)
      tpu.yield
    }) : () -> ()
    %mul3A_5 = arith.constant 80 : i32
    %mul3A_6 = arith.muli %add3A, %mul3A_5 : i32
    "tpu.region"() ({
      %run_scoped3A = tpu.sem_alloc : memref<!tpu.dma_semaphore, #tpu.memory_space<semaphore_mem>>
      %dma_start3A_127 = arith.constant 0 : i32
      %dma_start3A_128 = tpu.memref_slice %arg2[%mul3A_6, %dma_start3A_127] : memref<2560x128xi32, #tpu.memory_space<hbm>> -> memref<80x128xi32, #tpu.memory_space<hbm>>
      %dma_start3A_129 = arith.constant 0 : i32
      %dma_start3A_130 = tpu.memref_slice %arg2[%mul3A_6, %dma_start3A_129] : memref<2560x128xi32, #tpu.memory_space<hbm>> -> memref<80x128xi32, #tpu.memory_space<hbm>>
      tpu.enqueue_dma source(%dma_start3A_130 : memref<80x128xi32, #tpu.memory_space<hbm>>) target(%arg6 : memref<80x128xi32, #tpu.memory_space<vmem>>) target_semaphore(%run_scoped3A : memref<!tpu.dma_semaphore, #tpu.memory_space<semaphore_mem>>)
      %dma_wait3A_131 = arith.constant 0 : i32
      %dma_wait3A_132 = tpu.memref_slice %arg2[%mul3A_6, %dma_wait3A_131] : memref<2560x128xi32, #tpu.memory_space<hbm>> -> memref<80x128xi32, #tpu.memory_space<hbm>>
      %dma_wait3A_133 = arith.constant 0 : i32
      %dma_wait3A_134 = tpu.memref_slice %arg2[%mul3A_6, %dma_wait3A_133] : memref<2560x128xi32, #tpu.memory_space<hbm>> -> memref<80x128xi32, #tpu.memory_space<hbm>>
      tpu.wait_dma2 semaphore(%run_scoped3A : memref<!tpu.dma_semaphore, #tpu.memory_space<semaphore_mem>>) src(%dma_wait3A_134 : memref<80x128xi32, #tpu.memory_space<hbm>>) dst(%arg6 : memref<80x128xi32, #tpu.memory_space<vmem>>)
      tpu.yield
    }) : () -> ()
    "tpu.region"() ({
      %run_scoped3A = tpu.sem_alloc : memref<!tpu.dma_semaphore, #tpu.memory_space<semaphore_mem>>
      tpu.enqueue_dma source(%arg3 : memref<128x8xf32, #tpu.memory_space<hbm>>) target(%arg7 : memref<128x8xf32, #tpu.memory_space<vmem>>) target_semaphore(%run_scoped3A : memref<!tpu.dma_semaphore, #tpu.memory_space<semaphore_mem>>)
      tpu.wait_dma2 semaphore(%run_scoped3A : memref<!tpu.dma_semaphore, #tpu.memory_space<semaphore_mem>>) src(%arg3 : memref<128x8xf32, #tpu.memory_space<hbm>>) dst(%arg7 : memref<128x8xf32, #tpu.memory_space<vmem>>)
      tpu.yield
    }) : () -> ()
    %barrier3A = arith.constant 0 : index
    tpu.barrier barrier_id(%barrier3A)
    %dma_start3A = arith.constant 0 : i32
    %dma_start3A_7 = arith.constant 0 : i32
    %dma_start3A_8 = tpu.memref_slice %arg6[%dma_start3A, %dma_start3A_7] : memref<80x128xi32, #tpu.memory_space<vmem>> -> memref<1x128xi32, #tpu.memory_space<vmem>>
    %dma_start3A_9 = tpu.memref_squeeze %dma_start3A_8 : memref<1x128xi32, #tpu.memory_space<vmem>> -> memref<128xi32, #tpu.memory_space<vmem>>
    %dma_start3A_10 = arith.constant 0 : i32
    %dma_start3A_11 = arith.constant 0 : i32
    %dma_start3A_12 = tpu.memref_slice %arg8[%dma_start3A_10, %dma_start3A_11] : memref<10240x8xf32, #tpu.memory_space<vmem_shared>> -> memref<10240x8xf32, #tpu.memory_space<vmem_shared>>
    tpu.enqueue_indirect_dma source(%arg7 : memref<128x8xf32, #tpu.memory_space<vmem>>) target(%dma_start3A_12 : memref<10240x8xf32, #tpu.memory_space<vmem_shared>>) offsets(%dma_start3A_9 : memref<128xi32, #tpu.memory_space<vmem>>) semaphore(%arg9 : memref<!tpu.dma_semaphore, #tpu.memory_space<semaphore_mem>>) {add = true}
    %dma_start3A_13 = arith.constant 1 : i32
    %dma_start3A_14 = arith.constant 0 : i32
    %dma_start3A_15 = tpu.memref_slice %arg6[%dma_start3A_13, %dma_start3A_14] : memref<80x128xi32, #tpu.memory_space<vmem>> -> memref<1x128xi32, #tpu.memory_space<vmem>>
    %dma_start3A_16 = tpu.memref_squeeze %dma_start3A_15 : memref<1x128xi32, #tpu.memory_space<vmem>> -> memref<128xi32, #tpu.memory_space<vmem>>
    %dma_start3A_17 = arith.constant 0 : i32
    %dma_start3A_18 = arith.constant 0 : i32
    %dma_start3A_19 = tpu.memref_slice %arg8[%dma_start3A_17, %dma_start3A_18] : memref<10240x8xf32, #tpu.memory_space<vmem_shared>> -> memref<10240x8xf32, #tpu.memory_space<vmem_shared>>
    tpu.enqueue_indirect_dma source(%arg7 : memref<128x8xf32, #tpu.memory_space<vmem>>) target(%dma_start3A_19 : memref<10240x8xf32, #tpu.memory_space<vmem_shared>>) offsets(%dma_start3A_16 : memref<128xi32, #tpu.memory_space<vmem>>) semaphore(%arg10 : memref<!tpu.dma_semaphore, #tpu.memory_space<semaphore_mem>>) {add = true}
    %dma_start3A_20 = arith.constant 2 : i32
    %dma_start3A_21 = arith.constant 0 : i32
    %dma_start3A_22 = tpu.memref_slice %arg6[%dma_start3A_20, %dma_start3A_21] : memref<80x128xi32, #tpu.memory_space<vmem>> -> memref<1x128xi32, #tpu.memory_space<vmem>>
    %dma_start3A_23 = tpu.memref_squeeze %dma_start3A_22 : memref<1x128xi32, #tpu.memory_space<vmem>> -> memref<128xi32, #tpu.memory_space<vmem>>
    %dma_start3A_24 = arith.constant 0 : i32
    %dma_start3A_25 = arith.constant 0 : i32
    %dma_start3A_26 = tpu.memref_slice %arg8[%dma_start3A_24, %dma_start3A_25] : memref<10240x8xf32, #tpu.memory_space<vmem_shared>> -> memref<10240x8xf32, #tpu.memory_space<vmem_shared>>
    tpu.enqueue_indirect_dma source(%arg7 : memref<128x8xf32, #tpu.memory_space<vmem>>) target(%dma_start3A_26 : memref<10240x8xf32, #tpu.memory_space<vmem_shared>>) offsets(%dma_start3A_23 : memref<128xi32, #tpu.memory_space<vmem>>) semaphore(%arg11 : memref<!tpu.dma_semaphore, #tpu.memory_space<semaphore_mem>>) {add = true}
    %dma_start3A_27 = arith.constant 3 : i32
    %dma_start3A_28 = arith.constant 0 : i32
    %dma_start3A_29 = tpu.memref_slice %arg6[%dma_start3A_27, %dma_start3A_28] : memref<80x128xi32, #tpu.memory_space<vmem>> -> memref<1x128xi32, #tpu.memory_space<vmem>>
    %dma_start3A_30 = tpu.memref_squeeze %dma_start3A_29 : memref<1x128xi32, #tpu.memory_space<vmem>> -> memref<128xi32, #tpu.memory_space<vmem>>
    %dma_start3A_31 = arith.constant 0 : i32
    %dma_start3A_32 = arith.constant 0 : i32
    %dma_start3A_33 = tpu.memref_slice %arg8[%dma_start3A_31, %dma_start3A_32] : memref<10240x8xf32, #tpu.memory_space<vmem_shared>> -> memref<10240x8xf32, #tpu.memory_space<vmem_shared>>
    tpu.enqueue_indirect_dma source(%arg7 : memref<128x8xf32, #tpu.memory_space<vmem>>) target(%dma_start3A_33 : memref<10240x8xf32, #tpu.memory_space<vmem_shared>>) offsets(%dma_start3A_30 : memref<128xi32, #tpu.memory_space<vmem>>) semaphore(%arg12 : memref<!tpu.dma_semaphore, #tpu.memory_space<semaphore_mem>>) {add = true}
    %dma_start3A_34 = arith.constant 4 : i32
    %dma_start3A_35 = arith.constant 0 : i32
    %dma_start3A_36 = tpu.memref_slice %arg6[%dma_start3A_34, %dma_start3A_35] : memref<80x128xi32, #tpu.memory_space<vmem>> -> memref<1x128xi32, #tpu.memory_space<vmem>>
    %dma_start3A_37 = tpu.memref_squeeze %dma_start3A_36 : memref<1x128xi32, #tpu.memory_space<vmem>> -> memref<128xi32, #tpu.memory_space<vmem>>
    %dma_start3A_38 = arith.constant 0 : i32
    %dma_start3A_39 = arith.constant 0 : i32
    %dma_start3A_40 = tpu.memref_slice %arg8[%dma_start3A_38, %dma_start3A_39] : memref<10240x8xf32, #tpu.memory_space<vmem_shared>> -> memref<10240x8xf32, #tpu.memory_space<vmem_shared>>
    tpu.enqueue_indirect_dma source(%arg7 : memref<128x8xf32, #tpu.memory_space<vmem>>) target(%dma_start3A_40 : memref<10240x8xf32, #tpu.memory_space<vmem_shared>>) offsets(%dma_start3A_37 : memref<128xi32, #tpu.memory_space<vmem>>) semaphore(%arg13 : memref<!tpu.dma_semaphore, #tpu.memory_space<semaphore_mem>>) {add = true}
    %dma_start3A_41 = arith.constant 5 : i32
    %dma_start3A_42 = arith.constant 0 : i32
    %dma_start3A_43 = tpu.memref_slice %arg6[%dma_start3A_41, %dma_start3A_42] : memref<80x128xi32, #tpu.memory_space<vmem>> -> memref<1x128xi32, #tpu.memory_space<vmem>>
    %dma_start3A_44 = tpu.memref_squeeze %dma_start3A_43 : memref<1x128xi32, #tpu.memory_space<vmem>> -> memref<128xi32, #tpu.memory_space<vmem>>
    %dma_start3A_45 = arith.constant 0 : i32
    %dma_start3A_46 = arith.constant 0 : i32
    %dma_start3A_47 = tpu.memref_slice %arg8[%dma_start3A_45, %dma_start3A_46] : memref<10240x8xf32, #tpu.memory_space<vmem_shared>> -> memref<10240x8xf32, #tpu.memory_space<vmem_shared>>
    tpu.enqueue_indirect_dma source(%arg7 : memref<128x8xf32, #tpu.memory_space<vmem>>) target(%dma_start3A_47 : memref<10240x8xf32, #tpu.memory_space<vmem_shared>>) offsets(%dma_start3A_44 : memref<128xi32, #tpu.memory_space<vmem>>) semaphore(%arg14 : memref<!tpu.dma_semaphore, #tpu.memory_space<semaphore_mem>>) {add = true}
    %dma_start3A_48 = arith.constant 6 : i32
    %dma_start3A_49 = arith.constant 0 : i32
    %dma_start3A_50 = tpu.memref_slice %arg6[%dma_start3A_48, %dma_start3A_49] : memref<80x128xi32, #tpu.memory_space<vmem>> -> memref<1x128xi32, #tpu.memory_space<vmem>>
    %dma_start3A_51 = tpu.memref_squeeze %dma_start3A_50 : memref<1x128xi32, #tpu.memory_space<vmem>> -> memref<128xi32, #tpu.memory_space<vmem>>
    %dma_start3A_52 = arith.constant 0 : i32
    %dma_start3A_53 = arith.constant 0 : i32
    %dma_start3A_54 = tpu.memref_slice %arg8[%dma_start3A_52, %dma_start3A_53] : memref<10240x8xf32, #tpu.memory_space<vmem_shared>> -> memref<10240x8xf32, #tpu.memory_space<vmem_shared>>
    tpu.enqueue_indirect_dma source(%arg7 : memref<128x8xf32, #tpu.memory_space<vmem>>) target(%dma_start3A_54 : memref<10240x8xf32, #tpu.memory_space<vmem_shared>>) offsets(%dma_start3A_51 : memref<128xi32, #tpu.memory_space<vmem>>) semaphore(%arg15 : memref<!tpu.dma_semaphore, #tpu.memory_space<semaphore_mem>>) {add = true}
    %dma_start3A_55 = arith.constant 7 : i32
    %dma_start3A_56 = arith.constant 0 : i32
    %dma_start3A_57 = tpu.memref_slice %arg6[%dma_start3A_55, %dma_start3A_56] : memref<80x128xi32, #tpu.memory_space<vmem>> -> memref<1x128xi32, #tpu.memory_space<vmem>>
    %dma_start3A_58 = tpu.memref_squeeze %dma_start3A_57 : memref<1x128xi32, #tpu.memory_space<vmem>> -> memref<128xi32, #tpu.memory_space<vmem>>
    %dma_start3A_59 = arith.constant 0 : i32
    %dma_start3A_60 = arith.constant 0 : i32
    %dma_start3A_61 = tpu.memref_slice %arg8[%dma_start3A_59, %dma_start3A_60] : memref<10240x8xf32, #tpu.memory_space<vmem_shared>> -> memref<10240x8xf32, #tpu.memory_space<vmem_shared>>
    tpu.enqueue_indirect_dma source(%arg7 : memref<128x8xf32, #tpu.memory_space<vmem>>) target(%dma_start3A_61 : memref<10240x8xf32, #tpu.memory_space<vmem_shared>>) offsets(%dma_start3A_58 : memref<128xi32, #tpu.memory_space<vmem>>) semaphore(%arg16 : memref<!tpu.dma_semaphore, #tpu.memory_space<semaphore_mem>>) {add = true}
    %scan3A = arith.constant 0 : i32
    %scan3A_62 = arith.constant 1 : i32
    %scan3A_63 = arith.constant 9 : i32
    %scan3A_64 = arith.addi %scan3A_62, %scan3A_63 : i32
    %scan3A_65 = arith.constant 1 : i32
    scf.for %scan3A_127 = %scan3A_62 to %scan3A_64 step %scan3A_65  : i32 {
      %mul3A_128 = arith.constant 8 : i32
      %mul3A_129 = arith.muli %scan3A_127, %mul3A_128 : i32
      %add3A_130 = arith.constant 0 : i32
      %add3A_131 = arith.addi %mul3A_129, %add3A_130 : i32
      %dma_wait3A_132 = arith.constant 0 : i32
      %dma_wait3A_133 = tpu.memref_slice %arg6[%add3A_131, %dma_wait3A_132] : memref<80x128xi32, #tpu.memory_space<vmem>> -> memref<1x128xi32, #tpu.memory_space<vmem>>
      %dma_wait3A_134 = tpu.memref_squeeze %dma_wait3A_133 : memref<1x128xi32, #tpu.memory_space<vmem>> -> memref<128xi32, #tpu.memory_space<vmem>>
      %dma_wait3A_135 = arith.constant 0 : i32
      %dma_wait3A_136 = arith.constant 0 : i32
      %dma_wait3A_137 = tpu.memref_slice %arg8[%dma_wait3A_135, %dma_wait3A_136] : memref<10240x8xf32, #tpu.memory_space<vmem_shared>> -> memref<10240x8xf32, #tpu.memory_space<vmem_shared>>
      tpu.wait_indirect_dma semaphore(%arg9 : memref<!tpu.dma_semaphore, #tpu.memory_space<semaphore_mem>>) src(%arg7 : memref<128x8xf32, #tpu.memory_space<vmem>>) dst(%dma_wait3A_137 : memref<10240x8xf32, #tpu.memory_space<vmem_shared>>)
      %add3A_138 = arith.constant 0 : i32
      %add3A_139 = arith.addi %mul3A_129, %add3A_138 : i32
      %dma_start3A_140 = arith.constant 0 : i32
      %dma_start3A_141 = tpu.memref_slice %arg6[%add3A_139, %dma_start3A_140] : memref<80x128xi32, #tpu.memory_space<vmem>> -> memref<1x128xi32, #tpu.memory_space<vmem>>
      %dma_start3A_142 = tpu.memref_squeeze %dma_start3A_141 : memref<1x128xi32, #tpu.memory_space<vmem>> -> memref<128xi32, #tpu.memory_space<vmem>>
      %dma_start3A_143 = arith.constant 0 : i32
      %dma_start3A_144 = arith.constant 0 : i32
      %dma_start3A_145 = tpu.memref_slice %arg8[%dma_start3A_143, %dma_start3A_144] : memref<10240x8xf32, #tpu.memory_space<vmem_shared>> -> memref<10240x8xf32, #tpu.memory_space<vmem_shared>>
      tpu.enqueue_indirect_dma source(%arg7 : memref<128x8xf32, #tpu.memory_space<vmem>>) target(%dma_start3A_145 : memref<10240x8xf32, #tpu.memory_space<vmem_shared>>) offsets(%dma_start3A_142 : memref<128xi32, #tpu.memory_space<vmem>>) semaphore(%arg9 : memref<!tpu.dma_semaphore, #tpu.memory_space<semaphore_mem>>) {add = true}
      %add3A_146 = arith.constant 1 : i32
      %add3A_147 = arith.addi %mul3A_129, %add3A_146 : i32
      %dma_wait3A_148 = arith.constant 0 : i32
      %dma_wait3A_149 = tpu.memref_slice %arg6[%add3A_147, %dma_wait3A_148] : memref<80x128xi32, #tpu.memory_space<vmem>> -> memref<1x128xi32, #tpu.memory_space<vmem>>
      %dma_wait3A_150 = tpu.memref_squeeze %dma_wait3A_149 : memref<1x128xi32, #tpu.memory_space<vmem>> -> memref<128xi32, #tpu.memory_space<vmem>>
      %dma_wait3A_151 = arith.constant 0 : i32
      %dma_wait3A_152 = arith.constant 0 : i32
      %dma_wait3A_153 = tpu.memref_slice %arg8[%dma_wait3A_151, %dma_wait3A_152] : memref<10240x8xf32, #tpu.memory_space<vmem_shared>> -> memref<10240x8xf32, #tpu.memory_space<vmem_shared>>
      tpu.wait_indirect_dma semaphore(%arg10 : memref<!tpu.dma_semaphore, #tpu.memory_space<semaphore_mem>>) src(%arg7 : memref<128x8xf32, #tpu.memory_space<vmem>>) dst(%dma_wait3A_153 : memref<10240x8xf32, #tpu.memory_space<vmem_shared>>)
      %add3A_154 = arith.constant 1 : i32
      %add3A_155 = arith.addi %mul3A_129, %add3A_154 : i32
      %dma_start3A_156 = arith.constant 0 : i32
      %dma_start3A_157 = tpu.memref_slice %arg6[%add3A_155, %dma_start3A_156] : memref<80x128xi32, #tpu.memory_space<vmem>> -> memref<1x128xi32, #tpu.memory_space<vmem>>
      %dma_start3A_158 = tpu.memref_squeeze %dma_start3A_157 : memref<1x128xi32, #tpu.memory_space<vmem>> -> memref<128xi32, #tpu.memory_space<vmem>>
      %dma_start3A_159 = arith.constant 0 : i32
      %dma_start3A_160 = arith.constant 0 : i32
      %dma_start3A_161 = tpu.memref_slice %arg8[%dma_start3A_159, %dma_start3A_160] : memref<10240x8xf32, #tpu.memory_space<vmem_shared>> -> memref<10240x8xf32, #tpu.memory_space<vmem_shared>>
      tpu.enqueue_indirect_dma source(%arg7 : memref<128x8xf32, #tpu.memory_space<vmem>>) target(%dma_start3A_161 : memref<10240x8xf32, #tpu.memory_space<vmem_shared>>) offsets(%dma_start3A_158 : memref<128xi32, #tpu.memory_space<vmem>>) semaphore(%arg10 : memref<!tpu.dma_semaphore, #tpu.memory_space<semaphore_mem>>) {add = true}
      %add3A_162 = arith.constant 2 : i32
      %add3A_163 = arith.addi %mul3A_129, %add3A_162 : i32
      %dma_wait3A_164 = arith.constant 0 : i32
      %dma_wait3A_165 = tpu.memref_slice %arg6[%add3A_163, %dma_wait3A_164] : memref<80x128xi32, #tpu.memory_space<vmem>> -> memref<1x128xi32, #tpu.memory_space<vmem>>
      %dma_wait3A_166 = tpu.memref_squeeze %dma_wait3A_165 : memref<1x128xi32, #tpu.memory_space<vmem>> -> memref<128xi32, #tpu.memory_space<vmem>>
      %dma_wait3A_167 = arith.constant 0 : i32
      %dma_wait3A_168 = arith.constant 0 : i32
      %dma_wait3A_169 = tpu.memref_slice %arg8[%dma_wait3A_167, %dma_wait3A_168] : memref<10240x8xf32, #tpu.memory_space<vmem_shared>> -> memref<10240x8xf32, #tpu.memory_space<vmem_shared>>
      tpu.wait_indirect_dma semaphore(%arg11 : memref<!tpu.dma_semaphore, #tpu.memory_space<semaphore_mem>>) src(%arg7 : memref<128x8xf32, #tpu.memory_space<vmem>>) dst(%dma_wait3A_169 : memref<10240x8xf32, #tpu.memory_space<vmem_shared>>)
      %add3A_170 = arith.constant 2 : i32
      %add3A_171 = arith.addi %mul3A_129, %add3A_170 : i32
      %dma_start3A_172 = arith.constant 0 : i32
      %dma_start3A_173 = tpu.memref_slice %arg6[%add3A_171, %dma_start3A_172] : memref<80x128xi32, #tpu.memory_space<vmem>> -> memref<1x128xi32, #tpu.memory_space<vmem>>
      %dma_start3A_174 = tpu.memref_squeeze %dma_start3A_173 : memref<1x128xi32, #tpu.memory_space<vmem>> -> memref<128xi32, #tpu.memory_space<vmem>>
      %dma_start3A_175 = arith.constant 0 : i32
      %dma_start3A_176 = arith.constant 0 : i32
      %dma_start3A_177 = tpu.memref_slice %arg8[%dma_start3A_175, %dma_start3A_176] : memref<10240x8xf32, #tpu.memory_space<vmem_shared>> -> memref<10240x8xf32, #tpu.memory_space<vmem_shared>>
      tpu.enqueue_indirect_dma source(%arg7 : memref<128x8xf32, #tpu.memory_space<vmem>>) target(%dma_start3A_177 : memref<10240x8xf32, #tpu.memory_space<vmem_shared>>) offsets(%dma_start3A_174 : memref<128xi32, #tpu.memory_space<vmem>>) semaphore(%arg11 : memref<!tpu.dma_semaphore, #tpu.memory_space<semaphore_mem>>) {add = true}
      %add3A_178 = arith.constant 3 : i32
      %add3A_179 = arith.addi %mul3A_129, %add3A_178 : i32
      %dma_wait3A_180 = arith.constant 0 : i32
      %dma_wait3A_181 = tpu.memref_slice %arg6[%add3A_179, %dma_wait3A_180] : memref<80x128xi32, #tpu.memory_space<vmem>> -> memref<1x128xi32, #tpu.memory_space<vmem>>
      %dma_wait3A_182 = tpu.memref_squeeze %dma_wait3A_181 : memref<1x128xi32, #tpu.memory_space<vmem>> -> memref<128xi32, #tpu.memory_space<vmem>>
      %dma_wait3A_183 = arith.constant 0 : i32
      %dma_wait3A_184 = arith.constant 0 : i32
      %dma_wait3A_185 = tpu.memref_slice %arg8[%dma_wait3A_183, %dma_wait3A_184] : memref<10240x8xf32, #tpu.memory_space<vmem_shared>> -> memref<10240x8xf32, #tpu.memory_space<vmem_shared>>
      tpu.wait_indirect_dma semaphore(%arg12 : memref<!tpu.dma_semaphore, #tpu.memory_space<semaphore_mem>>) src(%arg7 : memref<128x8xf32, #tpu.memory_space<vmem>>) dst(%dma_wait3A_185 : memref<10240x8xf32, #tpu.memory_space<vmem_shared>>)
      %add3A_186 = arith.constant 3 : i32
      %add3A_187 = arith.addi %mul3A_129, %add3A_186 : i32
      %dma_start3A_188 = arith.constant 0 : i32
      %dma_start3A_189 = tpu.memref_slice %arg6[%add3A_187, %dma_start3A_188] : memref<80x128xi32, #tpu.memory_space<vmem>> -> memref<1x128xi32, #tpu.memory_space<vmem>>
      %dma_start3A_190 = tpu.memref_squeeze %dma_start3A_189 : memref<1x128xi32, #tpu.memory_space<vmem>> -> memref<128xi32, #tpu.memory_space<vmem>>
      %dma_start3A_191 = arith.constant 0 : i32
      %dma_start3A_192 = arith.constant 0 : i32
      %dma_start3A_193 = tpu.memref_slice %arg8[%dma_start3A_191, %dma_start3A_192] : memref<10240x8xf32, #tpu.memory_space<vmem_shared>> -> memref<10240x8xf32, #tpu.memory_space<vmem_shared>>
      tpu.enqueue_indirect_dma source(%arg7 : memref<128x8xf32, #tpu.memory_space<vmem>>) target(%dma_start3A_193 : memref<10240x8xf32, #tpu.memory_space<vmem_shared>>) offsets(%dma_start3A_190 : memref<128xi32, #tpu.memory_space<vmem>>) semaphore(%arg12 : memref<!tpu.dma_semaphore, #tpu.memory_space<semaphore_mem>>) {add = true}
      %add3A_194 = arith.constant 4 : i32
      %add3A_195 = arith.addi %mul3A_129, %add3A_194 : i32
      %dma_wait3A_196 = arith.constant 0 : i32
      %dma_wait3A_197 = tpu.memref_slice %arg6[%add3A_195, %dma_wait3A_196] : memref<80x128xi32, #tpu.memory_space<vmem>> -> memref<1x128xi32, #tpu.memory_space<vmem>>
      %dma_wait3A_198 = tpu.memref_squeeze %dma_wait3A_197 : memref<1x128xi32, #tpu.memory_space<vmem>> -> memref<128xi32, #tpu.memory_space<vmem>>
      %dma_wait3A_199 = arith.constant 0 : i32
      %dma_wait3A_200 = arith.constant 0 : i32
      %dma_wait3A_201 = tpu.memref_slice %arg8[%dma_wait3A_199, %dma_wait3A_200] : memref<10240x8xf32, #tpu.memory_space<vmem_shared>> -> memref<10240x8xf32, #tpu.memory_space<vmem_shared>>
      tpu.wait_indirect_dma semaphore(%arg13 : memref<!tpu.dma_semaphore, #tpu.memory_space<semaphore_mem>>) src(%arg7 : memref<128x8xf32, #tpu.memory_space<vmem>>) dst(%dma_wait3A_201 : memref<10240x8xf32, #tpu.memory_space<vmem_shared>>)
      %add3A_202 = arith.constant 4 : i32
      %add3A_203 = arith.addi %mul3A_129, %add3A_202 : i32
      %dma_start3A_204 = arith.constant 0 : i32
      %dma_start3A_205 = tpu.memref_slice %arg6[%add3A_203, %dma_start3A_204] : memref<80x128xi32, #tpu.memory_space<vmem>> -> memref<1x128xi32, #tpu.memory_space<vmem>>
      %dma_start3A_206 = tpu.memref_squeeze %dma_start3A_205 : memref<1x128xi32, #tpu.memory_space<vmem>> -> memref<128xi32, #tpu.memory_space<vmem>>
      %dma_start3A_207 = arith.constant 0 : i32
      %dma_start3A_208 = arith.constant 0 : i32
      %dma_start3A_209 = tpu.memref_slice %arg8[%dma_start3A_207, %dma_start3A_208] : memref<10240x8xf32, #tpu.memory_space<vmem_shared>> -> memref<10240x8xf32, #tpu.memory_space<vmem_shared>>
      tpu.enqueue_indirect_dma source(%arg7 : memref<128x8xf32, #tpu.memory_space<vmem>>) target(%dma_start3A_209 : memref<10240x8xf32, #tpu.memory_space<vmem_shared>>) offsets(%dma_start3A_206 : memref<128xi32, #tpu.memory_space<vmem>>) semaphore(%arg13 : memref<!tpu.dma_semaphore, #tpu.memory_space<semaphore_mem>>) {add = true}
      %add3A_210 = arith.constant 5 : i32
      %add3A_211 = arith.addi %mul3A_129, %add3A_210 : i32
      %dma_wait3A_212 = arith.constant 0 : i32
      %dma_wait3A_213 = tpu.memref_slice %arg6[%add3A_211, %dma_wait3A_212] : memref<80x128xi32, #tpu.memory_space<vmem>> -> memref<1x128xi32, #tpu.memory_space<vmem>>
      %dma_wait3A_214 = tpu.memref_squeeze %dma_wait3A_213 : memref<1x128xi32, #tpu.memory_space<vmem>> -> memref<128xi32, #tpu.memory_space<vmem>>
      %dma_wait3A_215 = arith.constant 0 : i32
      %dma_wait3A_216 = arith.constant 0 : i32
      %dma_wait3A_217 = tpu.memref_slice %arg8[%dma_wait3A_215, %dma_wait3A_216] : memref<10240x8xf32, #tpu.memory_space<vmem_shared>> -> memref<10240x8xf32, #tpu.memory_space<vmem_shared>>
      tpu.wait_indirect_dma semaphore(%arg14 : memref<!tpu.dma_semaphore, #tpu.memory_space<semaphore_mem>>) src(%arg7 : memref<128x8xf32, #tpu.memory_space<vmem>>) dst(%dma_wait3A_217 : memref<10240x8xf32, #tpu.memory_space<vmem_shared>>)
      %add3A_218 = arith.constant 5 : i32
      %add3A_219 = arith.addi %mul3A_129, %add3A_218 : i32
      %dma_start3A_220 = arith.constant 0 : i32
      %dma_start3A_221 = tpu.memref_slice %arg6[%add3A_219, %dma_start3A_220] : memref<80x128xi32, #tpu.memory_space<vmem>> -> memref<1x128xi32, #tpu.memory_space<vmem>>
      %dma_start3A_222 = tpu.memref_squeeze %dma_start3A_221 : memref<1x128xi32, #tpu.memory_space<vmem>> -> memref<128xi32, #tpu.memory_space<vmem>>
      %dma_start3A_223 = arith.constant 0 : i32
      %dma_start3A_224 = arith.constant 0 : i32
      %dma_start3A_225 = tpu.memref_slice %arg8[%dma_start3A_223, %dma_start3A_224] : memref<10240x8xf32, #tpu.memory_space<vmem_shared>> -> memref<10240x8xf32, #tpu.memory_space<vmem_shared>>
      tpu.enqueue_indirect_dma source(%arg7 : memref<128x8xf32, #tpu.memory_space<vmem>>) target(%dma_start3A_225 : memref<10240x8xf32, #tpu.memory_space<vmem_shared>>) offsets(%dma_start3A_222 : memref<128xi32, #tpu.memory_space<vmem>>) semaphore(%arg14 : memref<!tpu.dma_semaphore, #tpu.memory_space<semaphore_mem>>) {add = true}
      %add3A_226 = arith.constant 6 : i32
      %add3A_227 = arith.addi %mul3A_129, %add3A_226 : i32
      %dma_wait3A_228 = arith.constant 0 : i32
      %dma_wait3A_229 = tpu.memref_slice %arg6[%add3A_227, %dma_wait3A_228] : memref<80x128xi32, #tpu.memory_space<vmem>> -> memref<1x128xi32, #tpu.memory_space<vmem>>
      %dma_wait3A_230 = tpu.memref_squeeze %dma_wait3A_229 : memref<1x128xi32, #tpu.memory_space<vmem>> -> memref<128xi32, #tpu.memory_space<vmem>>
      %dma_wait3A_231 = arith.constant 0 : i32
      %dma_wait3A_232 = arith.constant 0 : i32
      %dma_wait3A_233 = tpu.memref_slice %arg8[%dma_wait3A_231, %dma_wait3A_232] : memref<10240x8xf32, #tpu.memory_space<vmem_shared>> -> memref<10240x8xf32, #tpu.memory_space<vmem_shared>>
      tpu.wait_indirect_dma semaphore(%arg15 : memref<!tpu.dma_semaphore, #tpu.memory_space<semaphore_mem>>) src(%arg7 : memref<128x8xf32, #tpu.memory_space<vmem>>) dst(%dma_wait3A_233 : memref<10240x8xf32, #tpu.memory_space<vmem_shared>>)
      %add3A_234 = arith.constant 6 : i32
      %add3A_235 = arith.addi %mul3A_129, %add3A_234 : i32
      %dma_start3A_236 = arith.constant 0 : i32
      %dma_start3A_237 = tpu.memref_slice %arg6[%add3A_235, %dma_start3A_236] : memref<80x128xi32, #tpu.memory_space<vmem>> -> memref<1x128xi32, #tpu.memory_space<vmem>>
      %dma_start3A_238 = tpu.memref_squeeze %dma_start3A_237 : memref<1x128xi32, #tpu.memory_space<vmem>> -> memref<128xi32, #tpu.memory_space<vmem>>
      %dma_start3A_239 = arith.constant 0 : i32
      %dma_start3A_240 = arith.constant 0 : i32
      %dma_start3A_241 = tpu.memref_slice %arg8[%dma_start3A_239, %dma_start3A_240] : memref<10240x8xf32, #tpu.memory_space<vmem_shared>> -> memref<10240x8xf32, #tpu.memory_space<vmem_shared>>
      tpu.enqueue_indirect_dma source(%arg7 : memref<128x8xf32, #tpu.memory_space<vmem>>) target(%dma_start3A_241 : memref<10240x8xf32, #tpu.memory_space<vmem_shared>>) offsets(%dma_start3A_238 : memref<128xi32, #tpu.memory_space<vmem>>) semaphore(%arg15 : memref<!tpu.dma_semaphore, #tpu.memory_space<semaphore_mem>>) {add = true}
      %add3A_242 = arith.constant 7 : i32
      %add3A_243 = arith.addi %mul3A_129, %add3A_242 : i32
      %dma_wait3A_244 = arith.constant 0 : i32
      %dma_wait3A_245 = tpu.memref_slice %arg6[%add3A_243, %dma_wait3A_244] : memref<80x128xi32, #tpu.memory_space<vmem>> -> memref<1x128xi32, #tpu.memory_space<vmem>>
      %dma_wait3A_246 = tpu.memref_squeeze %dma_wait3A_245 : memref<1x128xi32, #tpu.memory_space<vmem>> -> memref<128xi32, #tpu.memory_space<vmem>>
      %dma_wait3A_247 = arith.constant 0 : i32
      %dma_wait3A_248 = arith.constant 0 : i32
      %dma_wait3A_249 = tpu.memref_slice %arg8[%dma_wait3A_247, %dma_wait3A_248] : memref<10240x8xf32, #tpu.memory_space<vmem_shared>> -> memref<10240x8xf32, #tpu.memory_space<vmem_shared>>
      tpu.wait_indirect_dma semaphore(%arg16 : memref<!tpu.dma_semaphore, #tpu.memory_space<semaphore_mem>>) src(%arg7 : memref<128x8xf32, #tpu.memory_space<vmem>>) dst(%dma_wait3A_249 : memref<10240x8xf32, #tpu.memory_space<vmem_shared>>)
      %add3A_250 = arith.constant 7 : i32
      %add3A_251 = arith.addi %mul3A_129, %add3A_250 : i32
      %dma_start3A_252 = arith.constant 0 : i32
      %dma_start3A_253 = tpu.memref_slice %arg6[%add3A_251, %dma_start3A_252] : memref<80x128xi32, #tpu.memory_space<vmem>> -> memref<1x128xi32, #tpu.memory_space<vmem>>
      %dma_start3A_254 = tpu.memref_squeeze %dma_start3A_253 : memref<1x128xi32, #tpu.memory_space<vmem>> -> memref<128xi32, #tpu.memory_space<vmem>>
      %dma_start3A_255 = arith.constant 0 : i32
      %dma_start3A_256 = arith.constant 0 : i32
      %dma_start3A_257 = tpu.memref_slice %arg8[%dma_start3A_255, %dma_start3A_256] : memref<10240x8xf32, #tpu.memory_space<vmem_shared>> -> memref<10240x8xf32, #tpu.memory_space<vmem_shared>>
      tpu.enqueue_indirect_dma source(%arg7 : memref<128x8xf32, #tpu.memory_space<vmem>>) target(%dma_start3A_257 : memref<10240x8xf32, #tpu.memory_space<vmem_shared>>) offsets(%dma_start3A_254 : memref<128xi32, #tpu.memory_space<vmem>>) semaphore(%arg16 : memref<!tpu.dma_semaphore, #tpu.memory_space<semaphore_mem>>) {add = true}
    }
    %scan3A_66 = arith.constant 9 : i32
    %dma_wait3A = arith.constant 0 : i32
    %dma_wait3A_67 = arith.constant 0 : i32
    %dma_wait3A_68 = tpu.memref_slice %arg6[%dma_wait3A, %dma_wait3A_67] : memref<80x128xi32, #tpu.memory_space<vmem>> -> memref<1x128xi32, #tpu.memory_space<vmem>>
    %dma_wait3A_69 = tpu.memref_squeeze %dma_wait3A_68 : memref<1x128xi32, #tpu.memory_space<vmem>> -> memref<128xi32, #tpu.memory_space<vmem>>
    %dma_wait3A_70 = arith.constant 0 : i32
    %dma_wait3A_71 = arith.constant 0 : i32
    %dma_wait3A_72 = tpu.memref_slice %arg8[%dma_wait3A_70, %dma_wait3A_71] : memref<10240x8xf32, #tpu.memory_space<vmem_shared>> -> memref<10240x8xf32, #tpu.memory_space<vmem_shared>>
    tpu.wait_indirect_dma semaphore(%arg9 : memref<!tpu.dma_semaphore, #tpu.memory_space<semaphore_mem>>) src(%arg7 : memref<128x8xf32, #tpu.memory_space<vmem>>) dst(%dma_wait3A_72 : memref<10240x8xf32, #tpu.memory_space<vmem_shared>>)
    %dma_wait3A_73 = arith.constant 1 : i32
    %dma_wait3A_74 = arith.constant 0 : i32
    %dma_wait3A_75 = tpu.memref_slice %arg6[%dma_wait3A_73, %dma_wait3A_74] : memref<80x128xi32, #tpu.memory_space<vmem>> -> memref<1x128xi32, #tpu.memory_space<vmem>>
    %dma_wait3A_76 = tpu.memref_squeeze %dma_wait3A_75 : memref<1x128xi32, #tpu.memory_space<vmem>> -> memref<128xi32, #tpu.memory_space<vmem>>
    %dma_wait3A_77 = arith.constant 0 : i32
    %dma_wait3A_78 = arith.constant 0 : i32
    %dma_wait3A_79 = tpu.memref_slice %arg8[%dma_wait3A_77, %dma_wait3A_78] : memref<10240x8xf32, #tpu.memory_space<vmem_shared>> -> memref<10240x8xf32, #tpu.memory_space<vmem_shared>>
    tpu.wait_indirect_dma semaphore(%arg10 : memref<!tpu.dma_semaphore, #tpu.memory_space<semaphore_mem>>) src(%arg7 : memref<128x8xf32, #tpu.memory_space<vmem>>) dst(%dma_wait3A_79 : memref<10240x8xf32, #tpu.memory_space<vmem_shared>>)
    %dma_wait3A_80 = arith.constant 2 : i32
    %dma_wait3A_81 = arith.constant 0 : i32
    %dma_wait3A_82 = tpu.memref_slice %arg6[%dma_wait3A_80, %dma_wait3A_81] : memref<80x128xi32, #tpu.memory_space<vmem>> -> memref<1x128xi32, #tpu.memory_space<vmem>>
    %dma_wait3A_83 = tpu.memref_squeeze %dma_wait3A_82 : memref<1x128xi32, #tpu.memory_space<vmem>> -> memref<128xi32, #tpu.memory_space<vmem>>
    %dma_wait3A_84 = arith.constant 0 : i32
    %dma_wait3A_85 = arith.constant 0 : i32
    %dma_wait3A_86 = tpu.memref_slice %arg8[%dma_wait3A_84, %dma_wait3A_85] : memref<10240x8xf32, #tpu.memory_space<vmem_shared>> -> memref<10240x8xf32, #tpu.memory_space<vmem_shared>>
    tpu.wait_indirect_dma semaphore(%arg11 : memref<!tpu.dma_semaphore, #tpu.memory_space<semaphore_mem>>) src(%arg7 : memref<128x8xf32, #tpu.memory_space<vmem>>) dst(%dma_wait3A_86 : memref<10240x8xf32, #tpu.memory_space<vmem_shared>>)
    %dma_wait3A_87 = arith.constant 3 : i32
    %dma_wait3A_88 = arith.constant 0 : i32
    %dma_wait3A_89 = tpu.memref_slice %arg6[%dma_wait3A_87, %dma_wait3A_88] : memref<80x128xi32, #tpu.memory_space<vmem>> -> memref<1x128xi32, #tpu.memory_space<vmem>>
    %dma_wait3A_90 = tpu.memref_squeeze %dma_wait3A_89 : memref<1x128xi32, #tpu.memory_space<vmem>> -> memref<128xi32, #tpu.memory_space<vmem>>
    %dma_wait3A_91 = arith.constant 0 : i32
    %dma_wait3A_92 = arith.constant 0 : i32
    %dma_wait3A_93 = tpu.memref_slice %arg8[%dma_wait3A_91, %dma_wait3A_92] : memref<10240x8xf32, #tpu.memory_space<vmem_shared>> -> memref<10240x8xf32, #tpu.memory_space<vmem_shared>>
    tpu.wait_indirect_dma semaphore(%arg12 : memref<!tpu.dma_semaphore, #tpu.memory_space<semaphore_mem>>) src(%arg7 : memref<128x8xf32, #tpu.memory_space<vmem>>) dst(%dma_wait3A_93 : memref<10240x8xf32, #tpu.memory_space<vmem_shared>>)
    %dma_wait3A_94 = arith.constant 4 : i32
    %dma_wait3A_95 = arith.constant 0 : i32
    %dma_wait3A_96 = tpu.memref_slice %arg6[%dma_wait3A_94, %dma_wait3A_95] : memref<80x128xi32, #tpu.memory_space<vmem>> -> memref<1x128xi32, #tpu.memory_space<vmem>>
    %dma_wait3A_97 = tpu.memref_squeeze %dma_wait3A_96 : memref<1x128xi32, #tpu.memory_space<vmem>> -> memref<128xi32, #tpu.memory_space<vmem>>
    %dma_wait3A_98 = arith.constant 0 : i32
    %dma_wait3A_99 = arith.constant 0 : i32
    %dma_wait3A_100 = tpu.memref_slice %arg8[%dma_wait3A_98, %dma_wait3A_99] : memref<10240x8xf32, #tpu.memory_space<vmem_shared>> -> memref<10240x8xf32, #tpu.memory_space<vmem_shared>>
    tpu.wait_indirect_dma semaphore(%arg13 : memref<!tpu.dma_semaphore, #tpu.memory_space<semaphore_mem>>) src(%arg7 : memref<128x8xf32, #tpu.memory_space<vmem>>) dst(%dma_wait3A_100 : memref<10240x8xf32, #tpu.memory_space<vmem_shared>>)
    %dma_wait3A_101 = arith.constant 5 : i32
    %dma_wait3A_102 = arith.constant 0 : i32
    %dma_wait3A_103 = tpu.memref_slice %arg6[%dma_wait3A_101, %dma_wait3A_102] : memref<80x128xi32, #tpu.memory_space<vmem>> -> memref<1x128xi32, #tpu.memory_space<vmem>>
    %dma_wait3A_104 = tpu.memref_squeeze %dma_wait3A_103 : memref<1x128xi32, #tpu.memory_space<vmem>> -> memref<128xi32, #tpu.memory_space<vmem>>
    %dma_wait3A_105 = arith.constant 0 : i32
    %dma_wait3A_106 = arith.constant 0 : i32
    %dma_wait3A_107 = tpu.memref_slice %arg8[%dma_wait3A_105, %dma_wait3A_106] : memref<10240x8xf32, #tpu.memory_space<vmem_shared>> -> memref<10240x8xf32, #tpu.memory_space<vmem_shared>>
    tpu.wait_indirect_dma semaphore(%arg14 : memref<!tpu.dma_semaphore, #tpu.memory_space<semaphore_mem>>) src(%arg7 : memref<128x8xf32, #tpu.memory_space<vmem>>) dst(%dma_wait3A_107 : memref<10240x8xf32, #tpu.memory_space<vmem_shared>>)
    %dma_wait3A_108 = arith.constant 6 : i32
    %dma_wait3A_109 = arith.constant 0 : i32
    %dma_wait3A_110 = tpu.memref_slice %arg6[%dma_wait3A_108, %dma_wait3A_109] : memref<80x128xi32, #tpu.memory_space<vmem>> -> memref<1x128xi32, #tpu.memory_space<vmem>>
    %dma_wait3A_111 = tpu.memref_squeeze %dma_wait3A_110 : memref<1x128xi32, #tpu.memory_space<vmem>> -> memref<128xi32, #tpu.memory_space<vmem>>
    %dma_wait3A_112 = arith.constant 0 : i32
    %dma_wait3A_113 = arith.constant 0 : i32
    %dma_wait3A_114 = tpu.memref_slice %arg8[%dma_wait3A_112, %dma_wait3A_113] : memref<10240x8xf32, #tpu.memory_space<vmem_shared>> -> memref<10240x8xf32, #tpu.memory_space<vmem_shared>>
    tpu.wait_indirect_dma semaphore(%arg15 : memref<!tpu.dma_semaphore, #tpu.memory_space<semaphore_mem>>) src(%arg7 : memref<128x8xf32, #tpu.memory_space<vmem>>) dst(%dma_wait3A_114 : memref<10240x8xf32, #tpu.memory_space<vmem_shared>>)
    %dma_wait3A_115 = arith.constant 7 : i32
    %dma_wait3A_116 = arith.constant 0 : i32
    %dma_wait3A_117 = tpu.memref_slice %arg6[%dma_wait3A_115, %dma_wait3A_116] : memref<80x128xi32, #tpu.memory_space<vmem>> -> memref<1x128xi32, #tpu.memory_space<vmem>>
    %dma_wait3A_118 = tpu.memref_squeeze %dma_wait3A_117 : memref<1x128xi32, #tpu.memory_space<vmem>> -> memref<128xi32, #tpu.memory_space<vmem>>
    %dma_wait3A_119 = arith.constant 0 : i32
    %dma_wait3A_120 = arith.constant 0 : i32
    %dma_wait3A_121 = tpu.memref_slice %arg8[%dma_wait3A_119, %dma_wait3A_120] : memref<10240x8xf32, #tpu.memory_space<vmem_shared>> -> memref<10240x8xf32, #tpu.memory_space<vmem_shared>>
    tpu.wait_indirect_dma semaphore(%arg16 : memref<!tpu.dma_semaphore, #tpu.memory_space<semaphore_mem>>) src(%arg7 : memref<128x8xf32, #tpu.memory_space<vmem>>) dst(%dma_wait3A_121 : memref<10240x8xf32, #tpu.memory_space<vmem_shared>>)
    %barrier3A_122 = arith.constant 0 : index
    tpu.barrier barrier_id(%barrier3A_122)
    %mul3A_123 = arith.constant 640 : i32
    %mul3A_124 = arith.muli %arg1, %mul3A_123 : i32
    %mul3A_125 = arith.constant 640 : i32
    %mul3A_126 = arith.muli %arg1, %mul3A_125 : i32
    "tpu.region"() ({
      %run_scoped3A = tpu.sem_alloc : memref<!tpu.dma_semaphore, #tpu.memory_space<semaphore_mem>>
      %dma_start3A_127 = arith.constant 0 : i32
      %dma_start3A_128 = tpu.memref_slice %arg5[%arg0, %mul3A_126, %dma_start3A_127] : memref<2x10240x8xf32, #tpu.memory_space<hbm>> -> memref<1x640x8xf32, #tpu.memory_space<hbm>>
      %dma_start3A_129 = tpu.memref_squeeze %dma_start3A_128 : memref<1x640x8xf32, #tpu.memory_space<hbm>> -> memref<640x8xf32, #tpu.memory_space<hbm>>
      %dma_start3A_130 = arith.constant 0 : i32
      %dma_start3A_131 = tpu.memref_slice %arg8[%mul3A_124, %dma_start3A_130] : memref<10240x8xf32, #tpu.memory_space<vmem_shared>> -> memref<640x8xf32, #tpu.memory_space<vmem_shared>>
      tpu.enqueue_dma source(%dma_start3A_131 : memref<640x8xf32, #tpu.memory_space<vmem_shared>>) target(%dma_start3A_129 : memref<640x8xf32, #tpu.memory_space<hbm>>) target_semaphore(%run_scoped3A : memref<!tpu.dma_semaphore, #tpu.memory_space<semaphore_mem>>)
      %dma_wait3A_132 = arith.constant 0 : i32
      %dma_wait3A_133 = tpu.memref_slice %arg5[%arg0, %mul3A_126, %dma_wait3A_132] : memref<2x10240x8xf32, #tpu.memory_space<hbm>> -> memref<1x640x8xf32, #tpu.memory_space<hbm>>
      %dma_wait3A_134 = tpu.memref_squeeze %dma_wait3A_133 : memref<1x640x8xf32, #tpu.memory_space<hbm>> -> memref<640x8xf32, #tpu.memory_space<hbm>>
      %dma_wait3A_135 = arith.constant 0 : i32
      %dma_wait3A_136 = tpu.memref_slice %arg8[%mul3A_124, %dma_wait3A_135] : memref<10240x8xf32, #tpu.memory_space<vmem_shared>> -> memref<640x8xf32, #tpu.memory_space<vmem_shared>>
      tpu.wait_dma2 semaphore(%run_scoped3A : memref<!tpu.dma_semaphore, #tpu.memory_space<semaphore_mem>>) src(%dma_wait3A_136 : memref<640x8xf32, #tpu.memory_space<vmem_shared>>) dst(%dma_wait3A_134 : memref<640x8xf32, #tpu.memory_space<hbm>>)
      tpu.yield
    }) : () -> ()
    return
  }
}

#map = affine_map<(d0, d1) -> (0, 0)>
#map1 = affine_map<(d0, d1) -> (0, 0, 0)>
module attributes {stable_mosaic.version = 14 : i64} {
  func.func @k(%arg0: i32, %arg1: i32, %arg2: memref<10240x32xf32, #tpu.memory_space<hbm>>, %arg3: memref<2560x128xi32, #tpu.memory_space<hbm>>, %arg4: memref<2560x128xi32, #tpu.memory_space<hbm>>, %arg5: memref<10240x32xf32, #tpu.memory_space<hbm>>, %arg6: memref<2x10240x32xf32, #tpu.memory_space<hbm>>, %arg7: memref<80x128xi32, #tpu.memory_space<vmem>>, %arg8: memref<80x128xi32, #tpu.memory_space<vmem>>, %arg9: memref<10240x32xf32, #tpu.memory_space<vmem_shared>>, %arg10: memref<10240x32xf32, #tpu.memory_space<vmem_shared>>, %arg11: memref<128x32xf32, #tpu.memory_space<vmem>>, %arg12: memref<128x32xf32, #tpu.memory_space<vmem>>, %arg13: memref<128x32xf32, #tpu.memory_space<vmem>>, %arg14: memref<128x32xf32, #tpu.memory_space<vmem>>, %arg15: memref<128x32xf32, #tpu.memory_space<vmem>>, %arg16: memref<128x32xf32, #tpu.memory_space<vmem>>, %arg17: memref<128x32xf32, #tpu.memory_space<vmem>>, %arg18: memref<128x32xf32, #tpu.memory_space<vmem>>, %arg19: memref<!tpu.dma_semaphore, #tpu.memory_space<semaphore_mem>>, %arg20: memref<!tpu.dma_semaphore, #tpu.memory_space<semaphore_mem>>, %arg21: memref<!tpu.dma_semaphore, #tpu.memory_space<semaphore_mem>>, %arg22: memref<!tpu.dma_semaphore, #tpu.memory_space<semaphore_mem>>, %arg23: memref<!tpu.dma_semaphore, #tpu.memory_space<semaphore_mem>>, %arg24: memref<!tpu.dma_semaphore, #tpu.memory_space<semaphore_mem>>, %arg25: memref<!tpu.dma_semaphore, #tpu.memory_space<semaphore_mem>>, %arg26: memref<!tpu.dma_semaphore, #tpu.memory_space<semaphore_mem>>, %arg27: memref<!tpu.dma_semaphore, #tpu.memory_space<semaphore_mem>>, %arg28: memref<!tpu.dma_semaphore, #tpu.memory_space<semaphore_mem>>, %arg29: memref<!tpu.dma_semaphore, #tpu.memory_space<semaphore_mem>>, %arg30: memref<!tpu.dma_semaphore, #tpu.memory_space<semaphore_mem>>, %arg31: memref<!tpu.dma_semaphore, #tpu.memory_space<semaphore_mem>>, %arg32: memref<!tpu.dma_semaphore, #tpu.memory_space<semaphore_mem>>, %arg33: memref<!tpu.dma_semaphore, #tpu.memory_space<semaphore_mem>>, %arg34: memref<!tpu.dma_semaphore, #tpu.memory_space<semaphore_mem>>) attributes {dimension_semantics = [#tpu.dimension_semantics<core_parallel>, #tpu.dimension_semantics<subcore_parallel>], iteration_bounds = array<i64: 2, 16>, scalar_prefetch = 0 : i64, scratch_operands = 28 : i64, tpu.core_type = #tpu.core_type<sc_vector_subcore>, window_params = [{transform_indices = #map}, {transform_indices = #map}, {transform_indices = #map}, {transform_indices = #map}, {transform_indices = #map1}]} {
    %mul3A = arith.constant 16 : i32
    %mul3A_0 = arith.muli %arg0, %mul3A : i32
    %add3A = arith.addi %mul3A_0, %arg1 : i32
    %mul3A_1 = arith.constant 640 : i32
    %mul3A_2 = arith.muli %arg1, %mul3A_1 : i32
    %mul3A_3 = arith.constant 640 : i32
    %mul3A_4 = arith.muli %arg1, %mul3A_3 : i32
    "tpu.region"() ({
      %run_scoped3A = tpu.sem_alloc : memref<!tpu.dma_semaphore, #tpu.memory_space<semaphore_mem>>
      %dma_start3A_245 = arith.constant 0 : i32
      %dma_start3A_246 = tpu.memref_slice %arg10[%mul3A_4, %dma_start3A_245] : memref<10240x32xf32, #tpu.memory_space<vmem_shared>> -> memref<640x32xf32, #tpu.memory_space<vmem_shared>>
      %dma_start3A_247 = arith.constant 0 : i32
      %dma_start3A_248 = tpu.memref_slice %arg2[%mul3A_2, %dma_start3A_247] : memref<10240x32xf32, #tpu.memory_space<hbm>> -> memref<640x32xf32, #tpu.memory_space<hbm>>
      tpu.enqueue_dma source(%dma_start3A_248 : memref<640x32xf32, #tpu.memory_space<hbm>>) target(%dma_start3A_246 : memref<640x32xf32, #tpu.memory_space<vmem_shared>>) target_semaphore(%run_scoped3A : memref<!tpu.dma_semaphore, #tpu.memory_space<semaphore_mem>>)
      %dma_wait3A_249 = arith.constant 0 : i32
      %dma_wait3A_250 = tpu.memref_slice %arg10[%mul3A_4, %dma_wait3A_249] : memref<10240x32xf32, #tpu.memory_space<vmem_shared>> -> memref<640x32xf32, #tpu.memory_space<vmem_shared>>
      %dma_wait3A_251 = arith.constant 0 : i32
      %dma_wait3A_252 = tpu.memref_slice %arg2[%mul3A_2, %dma_wait3A_251] : memref<10240x32xf32, #tpu.memory_space<hbm>> -> memref<640x32xf32, #tpu.memory_space<hbm>>
      tpu.wait_dma2 semaphore(%run_scoped3A : memref<!tpu.dma_semaphore, #tpu.memory_space<semaphore_mem>>) src(%dma_wait3A_252 : memref<640x32xf32, #tpu.memory_space<hbm>>) dst(%dma_wait3A_250 : memref<640x32xf32, #tpu.memory_space<vmem_shared>>)
      tpu.yield
    }) : () -> ()
    %mul3A_5 = arith.constant 640 : i32
    %mul3A_6 = arith.muli %arg1, %mul3A_5 : i32
    %mul3A_7 = arith.constant 640 : i32
    %mul3A_8 = arith.muli %arg1, %mul3A_7 : i32
    "tpu.region"() ({
      %run_scoped3A = tpu.sem_alloc : memref<!tpu.dma_semaphore, #tpu.memory_space<semaphore_mem>>
      %dma_start3A_245 = arith.constant 0 : i32
      %dma_start3A_246 = tpu.memref_slice %arg9[%mul3A_8, %dma_start3A_245] : memref<10240x32xf32, #tpu.memory_space<vmem_shared>> -> memref<640x32xf32, #tpu.memory_space<vmem_shared>>
      %dma_start3A_247 = arith.constant 0 : i32
      %dma_start3A_248 = tpu.memref_slice %arg5[%mul3A_6, %dma_start3A_247] : memref<10240x32xf32, #tpu.memory_space<hbm>> -> memref<640x32xf32, #tpu.memory_space<hbm>>
      tpu.enqueue_dma source(%dma_start3A_248 : memref<640x32xf32, #tpu.memory_space<hbm>>) target(%dma_start3A_246 : memref<640x32xf32, #tpu.memory_space<vmem_shared>>) target_semaphore(%run_scoped3A : memref<!tpu.dma_semaphore, #tpu.memory_space<semaphore_mem>>)
      %dma_wait3A_249 = arith.constant 0 : i32
      %dma_wait3A_250 = tpu.memref_slice %arg9[%mul3A_8, %dma_wait3A_249] : memref<10240x32xf32, #tpu.memory_space<vmem_shared>> -> memref<640x32xf32, #tpu.memory_space<vmem_shared>>
      %dma_wait3A_251 = arith.constant 0 : i32
      %dma_wait3A_252 = tpu.memref_slice %arg5[%mul3A_6, %dma_wait3A_251] : memref<10240x32xf32, #tpu.memory_space<hbm>> -> memref<640x32xf32, #tpu.memory_space<hbm>>
      tpu.wait_dma2 semaphore(%run_scoped3A : memref<!tpu.dma_semaphore, #tpu.memory_space<semaphore_mem>>) src(%dma_wait3A_252 : memref<640x32xf32, #tpu.memory_space<hbm>>) dst(%dma_wait3A_250 : memref<640x32xf32, #tpu.memory_space<vmem_shared>>)
      tpu.yield
    }) : () -> ()
    %mul3A_9 = arith.constant 80 : i32
    %mul3A_10 = arith.muli %add3A, %mul3A_9 : i32
    "tpu.region"() ({
      %run_scoped3A = tpu.sem_alloc : memref<!tpu.dma_semaphore, #tpu.memory_space<semaphore_mem>>
      %dma_start3A_245 = arith.constant 0 : i32
      %dma_start3A_246 = tpu.memref_slice %arg3[%mul3A_10, %dma_start3A_245] : memref<2560x128xi32, #tpu.memory_space<hbm>> -> memref<80x128xi32, #tpu.memory_space<hbm>>
      %dma_start3A_247 = arith.constant 0 : i32
      %dma_start3A_248 = tpu.memref_slice %arg3[%mul3A_10, %dma_start3A_247] : memref<2560x128xi32, #tpu.memory_space<hbm>> -> memref<80x128xi32, #tpu.memory_space<hbm>>
      tpu.enqueue_dma source(%dma_start3A_248 : memref<80x128xi32, #tpu.memory_space<hbm>>) target(%arg7 : memref<80x128xi32, #tpu.memory_space<vmem>>) target_semaphore(%run_scoped3A : memref<!tpu.dma_semaphore, #tpu.memory_space<semaphore_mem>>)
      %dma_wait3A_249 = arith.constant 0 : i32
      %dma_wait3A_250 = tpu.memref_slice %arg3[%mul3A_10, %dma_wait3A_249] : memref<2560x128xi32, #tpu.memory_space<hbm>> -> memref<80x128xi32, #tpu.memory_space<hbm>>
      %dma_wait3A_251 = arith.constant 0 : i32
      %dma_wait3A_252 = tpu.memref_slice %arg3[%mul3A_10, %dma_wait3A_251] : memref<2560x128xi32, #tpu.memory_space<hbm>> -> memref<80x128xi32, #tpu.memory_space<hbm>>
      tpu.wait_dma2 semaphore(%run_scoped3A : memref<!tpu.dma_semaphore, #tpu.memory_space<semaphore_mem>>) src(%dma_wait3A_252 : memref<80x128xi32, #tpu.memory_space<hbm>>) dst(%arg7 : memref<80x128xi32, #tpu.memory_space<vmem>>)
      tpu.yield
    }) : () -> ()
    %mul3A_11 = arith.constant 80 : i32
    %mul3A_12 = arith.muli %add3A, %mul3A_11 : i32
    "tpu.region"() ({
      %run_scoped3A = tpu.sem_alloc : memref<!tpu.dma_semaphore, #tpu.memory_space<semaphore_mem>>
      %dma_start3A_245 = arith.constant 0 : i32
      %dma_start3A_246 = tpu.memref_slice %arg4[%mul3A_12, %dma_start3A_245] : memref<2560x128xi32, #tpu.memory_space<hbm>> -> memref<80x128xi32, #tpu.memory_space<hbm>>
      %dma_start3A_247 = arith.constant 0 : i32
      %dma_start3A_248 = tpu.memref_slice %arg4[%mul3A_12, %dma_start3A_247] : memref<2560x128xi32, #tpu.memory_space<hbm>> -> memref<80x128xi32, #tpu.memory_space<hbm>>
      tpu.enqueue_dma source(%dma_start3A_248 : memref<80x128xi32, #tpu.memory_space<hbm>>) target(%arg8 : memref<80x128xi32, #tpu.memory_space<vmem>>) target_semaphore(%run_scoped3A : memref<!tpu.dma_semaphore, #tpu.memory_space<semaphore_mem>>)
      %dma_wait3A_249 = arith.constant 0 : i32
      %dma_wait3A_250 = tpu.memref_slice %arg4[%mul3A_12, %dma_wait3A_249] : memref<2560x128xi32, #tpu.memory_space<hbm>> -> memref<80x128xi32, #tpu.memory_space<hbm>>
      %dma_wait3A_251 = arith.constant 0 : i32
      %dma_wait3A_252 = tpu.memref_slice %arg4[%mul3A_12, %dma_wait3A_251] : memref<2560x128xi32, #tpu.memory_space<hbm>> -> memref<80x128xi32, #tpu.memory_space<hbm>>
      tpu.wait_dma2 semaphore(%run_scoped3A : memref<!tpu.dma_semaphore, #tpu.memory_space<semaphore_mem>>) src(%dma_wait3A_252 : memref<80x128xi32, #tpu.memory_space<hbm>>) dst(%arg8 : memref<80x128xi32, #tpu.memory_space<vmem>>)
      tpu.yield
    }) : () -> ()
    %barrier3A = arith.constant 0 : index
    tpu.barrier barrier_id(%barrier3A)
    %dma_start3A = arith.constant 0 : i32
    %dma_start3A_13 = arith.constant 0 : i32
    %dma_start3A_14 = tpu.memref_slice %arg7[%dma_start3A, %dma_start3A_13] : memref<80x128xi32, #tpu.memory_space<vmem>> -> memref<1x128xi32, #tpu.memory_space<vmem>>
    %dma_start3A_15 = tpu.memref_squeeze %dma_start3A_14 : memref<1x128xi32, #tpu.memory_space<vmem>> -> memref<128xi32, #tpu.memory_space<vmem>>
    %dma_start3A_16 = arith.constant 0 : i32
    %dma_start3A_17 = arith.constant 0 : i32
    %dma_start3A_18 = tpu.memref_slice %arg10[%dma_start3A_16, %dma_start3A_17] : memref<10240x32xf32, #tpu.memory_space<vmem_shared>> -> memref<10240x32xf32, #tpu.memory_space<vmem_shared>>
    tpu.enqueue_indirect_dma source(%dma_start3A_18 : memref<10240x32xf32, #tpu.memory_space<vmem_shared>>) target(%arg11 : memref<128x32xf32, #tpu.memory_space<vmem>>) offsets(%dma_start3A_15 : memref<128xi32, #tpu.memory_space<vmem>>) semaphore(%arg19 : memref<!tpu.dma_semaphore, #tpu.memory_space<semaphore_mem>>)
    %dma_start3A_19 = arith.constant 1 : i32
    %dma_start3A_20 = arith.constant 0 : i32
    %dma_start3A_21 = tpu.memref_slice %arg7[%dma_start3A_19, %dma_start3A_20] : memref<80x128xi32, #tpu.memory_space<vmem>> -> memref<1x128xi32, #tpu.memory_space<vmem>>
    %dma_start3A_22 = tpu.memref_squeeze %dma_start3A_21 : memref<1x128xi32, #tpu.memory_space<vmem>> -> memref<128xi32, #tpu.memory_space<vmem>>
    %dma_start3A_23 = arith.constant 0 : i32
    %dma_start3A_24 = arith.constant 0 : i32
    %dma_start3A_25 = tpu.memref_slice %arg10[%dma_start3A_23, %dma_start3A_24] : memref<10240x32xf32, #tpu.memory_space<vmem_shared>> -> memref<10240x32xf32, #tpu.memory_space<vmem_shared>>
    tpu.enqueue_indirect_dma source(%dma_start3A_25 : memref<10240x32xf32, #tpu.memory_space<vmem_shared>>) target(%arg12 : memref<128x32xf32, #tpu.memory_space<vmem>>) offsets(%dma_start3A_22 : memref<128xi32, #tpu.memory_space<vmem>>) semaphore(%arg20 : memref<!tpu.dma_semaphore, #tpu.memory_space<semaphore_mem>>)
    %dma_start3A_26 = arith.constant 2 : i32
    %dma_start3A_27 = arith.constant 0 : i32
    %dma_start3A_28 = tpu.memref_slice %arg7[%dma_start3A_26, %dma_start3A_27] : memref<80x128xi32, #tpu.memory_space<vmem>> -> memref<1x128xi32, #tpu.memory_space<vmem>>
    %dma_start3A_29 = tpu.memref_squeeze %dma_start3A_28 : memref<1x128xi32, #tpu.memory_space<vmem>> -> memref<128xi32, #tpu.memory_space<vmem>>
    %dma_start3A_30 = arith.constant 0 : i32
    %dma_start3A_31 = arith.constant 0 : i32
    %dma_start3A_32 = tpu.memref_slice %arg10[%dma_start3A_30, %dma_start3A_31] : memref<10240x32xf32, #tpu.memory_space<vmem_shared>> -> memref<10240x32xf32, #tpu.memory_space<vmem_shared>>
    tpu.enqueue_indirect_dma source(%dma_start3A_32 : memref<10240x32xf32, #tpu.memory_space<vmem_shared>>) target(%arg13 : memref<128x32xf32, #tpu.memory_space<vmem>>) offsets(%dma_start3A_29 : memref<128xi32, #tpu.memory_space<vmem>>) semaphore(%arg21 : memref<!tpu.dma_semaphore, #tpu.memory_space<semaphore_mem>>)
    %dma_start3A_33 = arith.constant 3 : i32
    %dma_start3A_34 = arith.constant 0 : i32
    %dma_start3A_35 = tpu.memref_slice %arg7[%dma_start3A_33, %dma_start3A_34] : memref<80x128xi32, #tpu.memory_space<vmem>> -> memref<1x128xi32, #tpu.memory_space<vmem>>
    %dma_start3A_36 = tpu.memref_squeeze %dma_start3A_35 : memref<1x128xi32, #tpu.memory_space<vmem>> -> memref<128xi32, #tpu.memory_space<vmem>>
    %dma_start3A_37 = arith.constant 0 : i32
    %dma_start3A_38 = arith.constant 0 : i32
    %dma_start3A_39 = tpu.memref_slice %arg10[%dma_start3A_37, %dma_start3A_38] : memref<10240x32xf32, #tpu.memory_space<vmem_shared>> -> memref<10240x32xf32, #tpu.memory_space<vmem_shared>>
    tpu.enqueue_indirect_dma source(%dma_start3A_39 : memref<10240x32xf32, #tpu.memory_space<vmem_shared>>) target(%arg14 : memref<128x32xf32, #tpu.memory_space<vmem>>) offsets(%dma_start3A_36 : memref<128xi32, #tpu.memory_space<vmem>>) semaphore(%arg22 : memref<!tpu.dma_semaphore, #tpu.memory_space<semaphore_mem>>)
    %dma_start3A_40 = arith.constant 4 : i32
    %dma_start3A_41 = arith.constant 0 : i32
    %dma_start3A_42 = tpu.memref_slice %arg7[%dma_start3A_40, %dma_start3A_41] : memref<80x128xi32, #tpu.memory_space<vmem>> -> memref<1x128xi32, #tpu.memory_space<vmem>>
    %dma_start3A_43 = tpu.memref_squeeze %dma_start3A_42 : memref<1x128xi32, #tpu.memory_space<vmem>> -> memref<128xi32, #tpu.memory_space<vmem>>
    %dma_start3A_44 = arith.constant 0 : i32
    %dma_start3A_45 = arith.constant 0 : i32
    %dma_start3A_46 = tpu.memref_slice %arg10[%dma_start3A_44, %dma_start3A_45] : memref<10240x32xf32, #tpu.memory_space<vmem_shared>> -> memref<10240x32xf32, #tpu.memory_space<vmem_shared>>
    tpu.enqueue_indirect_dma source(%dma_start3A_46 : memref<10240x32xf32, #tpu.memory_space<vmem_shared>>) target(%arg15 : memref<128x32xf32, #tpu.memory_space<vmem>>) offsets(%dma_start3A_43 : memref<128xi32, #tpu.memory_space<vmem>>) semaphore(%arg23 : memref<!tpu.dma_semaphore, #tpu.memory_space<semaphore_mem>>)
    %dma_start3A_47 = arith.constant 5 : i32
    %dma_start3A_48 = arith.constant 0 : i32
    %dma_start3A_49 = tpu.memref_slice %arg7[%dma_start3A_47, %dma_start3A_48] : memref<80x128xi32, #tpu.memory_space<vmem>> -> memref<1x128xi32, #tpu.memory_space<vmem>>
    %dma_start3A_50 = tpu.memref_squeeze %dma_start3A_49 : memref<1x128xi32, #tpu.memory_space<vmem>> -> memref<128xi32, #tpu.memory_space<vmem>>
    %dma_start3A_51 = arith.constant 0 : i32
    %dma_start3A_52 = arith.constant 0 : i32
    %dma_start3A_53 = tpu.memref_slice %arg10[%dma_start3A_51, %dma_start3A_52] : memref<10240x32xf32, #tpu.memory_space<vmem_shared>> -> memref<10240x32xf32, #tpu.memory_space<vmem_shared>>
    tpu.enqueue_indirect_dma source(%dma_start3A_53 : memref<10240x32xf32, #tpu.memory_space<vmem_shared>>) target(%arg16 : memref<128x32xf32, #tpu.memory_space<vmem>>) offsets(%dma_start3A_50 : memref<128xi32, #tpu.memory_space<vmem>>) semaphore(%arg24 : memref<!tpu.dma_semaphore, #tpu.memory_space<semaphore_mem>>)
    %dma_start3A_54 = arith.constant 6 : i32
    %dma_start3A_55 = arith.constant 0 : i32
    %dma_start3A_56 = tpu.memref_slice %arg7[%dma_start3A_54, %dma_start3A_55] : memref<80x128xi32, #tpu.memory_space<vmem>> -> memref<1x128xi32, #tpu.memory_space<vmem>>
    %dma_start3A_57 = tpu.memref_squeeze %dma_start3A_56 : memref<1x128xi32, #tpu.memory_space<vmem>> -> memref<128xi32, #tpu.memory_space<vmem>>
    %dma_start3A_58 = arith.constant 0 : i32
    %dma_start3A_59 = arith.constant 0 : i32
    %dma_start3A_60 = tpu.memref_slice %arg10[%dma_start3A_58, %dma_start3A_59] : memref<10240x32xf32, #tpu.memory_space<vmem_shared>> -> memref<10240x32xf32, #tpu.memory_space<vmem_shared>>
    tpu.enqueue_indirect_dma source(%dma_start3A_60 : memref<10240x32xf32, #tpu.memory_space<vmem_shared>>) target(%arg17 : memref<128x32xf32, #tpu.memory_space<vmem>>) offsets(%dma_start3A_57 : memref<128xi32, #tpu.memory_space<vmem>>) semaphore(%arg25 : memref<!tpu.dma_semaphore, #tpu.memory_space<semaphore_mem>>)
    %dma_start3A_61 = arith.constant 7 : i32
    %dma_start3A_62 = arith.constant 0 : i32
    %dma_start3A_63 = tpu.memref_slice %arg7[%dma_start3A_61, %dma_start3A_62] : memref<80x128xi32, #tpu.memory_space<vmem>> -> memref<1x128xi32, #tpu.memory_space<vmem>>
    %dma_start3A_64 = tpu.memref_squeeze %dma_start3A_63 : memref<1x128xi32, #tpu.memory_space<vmem>> -> memref<128xi32, #tpu.memory_space<vmem>>
    %dma_start3A_65 = arith.constant 0 : i32
    %dma_start3A_66 = arith.constant 0 : i32
    %dma_start3A_67 = tpu.memref_slice %arg10[%dma_start3A_65, %dma_start3A_66] : memref<10240x32xf32, #tpu.memory_space<vmem_shared>> -> memref<10240x32xf32, #tpu.memory_space<vmem_shared>>
    tpu.enqueue_indirect_dma source(%dma_start3A_67 : memref<10240x32xf32, #tpu.memory_space<vmem_shared>>) target(%arg18 : memref<128x32xf32, #tpu.memory_space<vmem>>) offsets(%dma_start3A_64 : memref<128xi32, #tpu.memory_space<vmem>>) semaphore(%arg26 : memref<!tpu.dma_semaphore, #tpu.memory_space<semaphore_mem>>)
    %dma_wait3A = arith.constant 0 : i32
    %dma_wait3A_68 = arith.constant 0 : i32
    %dma_wait3A_69 = tpu.memref_slice %arg7[%dma_wait3A, %dma_wait3A_68] : memref<80x128xi32, #tpu.memory_space<vmem>> -> memref<1x128xi32, #tpu.memory_space<vmem>>
    %dma_wait3A_70 = tpu.memref_squeeze %dma_wait3A_69 : memref<1x128xi32, #tpu.memory_space<vmem>> -> memref<128xi32, #tpu.memory_space<vmem>>
    %dma_wait3A_71 = arith.constant 0 : i32
    %dma_wait3A_72 = arith.constant 0 : i32
    %dma_wait3A_73 = tpu.memref_slice %arg10[%dma_wait3A_71, %dma_wait3A_72] : memref<10240x32xf32, #tpu.memory_space<vmem_shared>> -> memref<10240x32xf32, #tpu.memory_space<vmem_shared>>
    tpu.wait_indirect_dma semaphore(%arg19 : memref<!tpu.dma_semaphore, #tpu.memory_space<semaphore_mem>>) src(%dma_wait3A_73 : memref<10240x32xf32, #tpu.memory_space<vmem_shared>>) dst(%arg11 : memref<128x32xf32, #tpu.memory_space<vmem>>)
    %dma_start3A_74 = arith.constant 0 : i32
    %dma_start3A_75 = arith.constant 0 : i32
    %dma_start3A_76 = tpu.memref_slice %arg8[%dma_start3A_74, %dma_start3A_75] : memref<80x128xi32, #tpu.memory_space<vmem>> -> memref<1x128xi32, #tpu.memory_space<vmem>>
    %dma_start3A_77 = tpu.memref_squeeze %dma_start3A_76 : memref<1x128xi32, #tpu.memory_space<vmem>> -> memref<128xi32, #tpu.memory_space<vmem>>
    %dma_start3A_78 = arith.constant 0 : i32
    %dma_start3A_79 = arith.constant 0 : i32
    %dma_start3A_80 = tpu.memref_slice %arg9[%dma_start3A_78, %dma_start3A_79] : memref<10240x32xf32, #tpu.memory_space<vmem_shared>> -> memref<10240x32xf32, #tpu.memory_space<vmem_shared>>
    tpu.enqueue_indirect_dma source(%arg11 : memref<128x32xf32, #tpu.memory_space<vmem>>) target(%dma_start3A_80 : memref<10240x32xf32, #tpu.memory_space<vmem_shared>>) offsets(%dma_start3A_77 : memref<128xi32, #tpu.memory_space<vmem>>) semaphore(%arg27 : memref<!tpu.dma_semaphore, #tpu.memory_space<semaphore_mem>>) {add = true}
    %dma_wait3A_81 = arith.constant 1 : i32
    %dma_wait3A_82 = arith.constant 0 : i32
    %dma_wait3A_83 = tpu.memref_slice %arg7[%dma_wait3A_81, %dma_wait3A_82] : memref<80x128xi32, #tpu.memory_space<vmem>> -> memref<1x128xi32, #tpu.memory_space<vmem>>
    %dma_wait3A_84 = tpu.memref_squeeze %dma_wait3A_83 : memref<1x128xi32, #tpu.memory_space<vmem>> -> memref<128xi32, #tpu.memory_space<vmem>>
    %dma_wait3A_85 = arith.constant 0 : i32
    %dma_wait3A_86 = arith.constant 0 : i32
    %dma_wait3A_87 = tpu.memref_slice %arg10[%dma_wait3A_85, %dma_wait3A_86] : memref<10240x32xf32, #tpu.memory_space<vmem_shared>> -> memref<10240x32xf32, #tpu.memory_space<vmem_shared>>
    tpu.wait_indirect_dma semaphore(%arg20 : memref<!tpu.dma_semaphore, #tpu.memory_space<semaphore_mem>>) src(%dma_wait3A_87 : memref<10240x32xf32, #tpu.memory_space<vmem_shared>>) dst(%arg12 : memref<128x32xf32, #tpu.memory_space<vmem>>)
    %dma_start3A_88 = arith.constant 1 : i32
    %dma_start3A_89 = arith.constant 0 : i32
    %dma_start3A_90 = tpu.memref_slice %arg8[%dma_start3A_88, %dma_start3A_89] : memref<80x128xi32, #tpu.memory_space<vmem>> -> memref<1x128xi32, #tpu.memory_space<vmem>>
    %dma_start3A_91 = tpu.memref_squeeze %dma_start3A_90 : memref<1x128xi32, #tpu.memory_space<vmem>> -> memref<128xi32, #tpu.memory_space<vmem>>
    %dma_start3A_92 = arith.constant 0 : i32
    %dma_start3A_93 = arith.constant 0 : i32
    %dma_start3A_94 = tpu.memref_slice %arg9[%dma_start3A_92, %dma_start3A_93] : memref<10240x32xf32, #tpu.memory_space<vmem_shared>> -> memref<10240x32xf32, #tpu.memory_space<vmem_shared>>
    tpu.enqueue_indirect_dma source(%arg12 : memref<128x32xf32, #tpu.memory_space<vmem>>) target(%dma_start3A_94 : memref<10240x32xf32, #tpu.memory_space<vmem_shared>>) offsets(%dma_start3A_91 : memref<128xi32, #tpu.memory_space<vmem>>) semaphore(%arg28 : memref<!tpu.dma_semaphore, #tpu.memory_space<semaphore_mem>>) {add = true}
    %dma_wait3A_95 = arith.constant 2 : i32
    %dma_wait3A_96 = arith.constant 0 : i32
    %dma_wait3A_97 = tpu.memref_slice %arg7[%dma_wait3A_95, %dma_wait3A_96] : memref<80x128xi32, #tpu.memory_space<vmem>> -> memref<1x128xi32, #tpu.memory_space<vmem>>
    %dma_wait3A_98 = tpu.memref_squeeze %dma_wait3A_97 : memref<1x128xi32, #tpu.memory_space<vmem>> -> memref<128xi32, #tpu.memory_space<vmem>>
    %dma_wait3A_99 = arith.constant 0 : i32
    %dma_wait3A_100 = arith.constant 0 : i32
    %dma_wait3A_101 = tpu.memref_slice %arg10[%dma_wait3A_99, %dma_wait3A_100] : memref<10240x32xf32, #tpu.memory_space<vmem_shared>> -> memref<10240x32xf32, #tpu.memory_space<vmem_shared>>
    tpu.wait_indirect_dma semaphore(%arg21 : memref<!tpu.dma_semaphore, #tpu.memory_space<semaphore_mem>>) src(%dma_wait3A_101 : memref<10240x32xf32, #tpu.memory_space<vmem_shared>>) dst(%arg13 : memref<128x32xf32, #tpu.memory_space<vmem>>)
    %dma_start3A_102 = arith.constant 2 : i32
    %dma_start3A_103 = arith.constant 0 : i32
    %dma_start3A_104 = tpu.memref_slice %arg8[%dma_start3A_102, %dma_start3A_103] : memref<80x128xi32, #tpu.memory_space<vmem>> -> memref<1x128xi32, #tpu.memory_space<vmem>>
    %dma_start3A_105 = tpu.memref_squeeze %dma_start3A_104 : memref<1x128xi32, #tpu.memory_space<vmem>> -> memref<128xi32, #tpu.memory_space<vmem>>
    %dma_start3A_106 = arith.constant 0 : i32
    %dma_start3A_107 = arith.constant 0 : i32
    %dma_start3A_108 = tpu.memref_slice %arg9[%dma_start3A_106, %dma_start3A_107] : memref<10240x32xf32, #tpu.memory_space<vmem_shared>> -> memref<10240x32xf32, #tpu.memory_space<vmem_shared>>
    tpu.enqueue_indirect_dma source(%arg13 : memref<128x32xf32, #tpu.memory_space<vmem>>) target(%dma_start3A_108 : memref<10240x32xf32, #tpu.memory_space<vmem_shared>>) offsets(%dma_start3A_105 : memref<128xi32, #tpu.memory_space<vmem>>) semaphore(%arg29 : memref<!tpu.dma_semaphore, #tpu.memory_space<semaphore_mem>>) {add = true}
    %dma_wait3A_109 = arith.constant 3 : i32
    %dma_wait3A_110 = arith.constant 0 : i32
    %dma_wait3A_111 = tpu.memref_slice %arg7[%dma_wait3A_109, %dma_wait3A_110] : memref<80x128xi32, #tpu.memory_space<vmem>> -> memref<1x128xi32, #tpu.memory_space<vmem>>
    %dma_wait3A_112 = tpu.memref_squeeze %dma_wait3A_111 : memref<1x128xi32, #tpu.memory_space<vmem>> -> memref<128xi32, #tpu.memory_space<vmem>>
    %dma_wait3A_113 = arith.constant 0 : i32
    %dma_wait3A_114 = arith.constant 0 : i32
    %dma_wait3A_115 = tpu.memref_slice %arg10[%dma_wait3A_113, %dma_wait3A_114] : memref<10240x32xf32, #tpu.memory_space<vmem_shared>> -> memref<10240x32xf32, #tpu.memory_space<vmem_shared>>
    tpu.wait_indirect_dma semaphore(%arg22 : memref<!tpu.dma_semaphore, #tpu.memory_space<semaphore_mem>>) src(%dma_wait3A_115 : memref<10240x32xf32, #tpu.memory_space<vmem_shared>>) dst(%arg14 : memref<128x32xf32, #tpu.memory_space<vmem>>)
    %dma_start3A_116 = arith.constant 3 : i32
    %dma_start3A_117 = arith.constant 0 : i32
    %dma_start3A_118 = tpu.memref_slice %arg8[%dma_start3A_116, %dma_start3A_117] : memref<80x128xi32, #tpu.memory_space<vmem>> -> memref<1x128xi32, #tpu.memory_space<vmem>>
    %dma_start3A_119 = tpu.memref_squeeze %dma_start3A_118 : memref<1x128xi32, #tpu.memory_space<vmem>> -> memref<128xi32, #tpu.memory_space<vmem>>
    %dma_start3A_120 = arith.constant 0 : i32
    %dma_start3A_121 = arith.constant 0 : i32
    %dma_start3A_122 = tpu.memref_slice %arg9[%dma_start3A_120, %dma_start3A_121] : memref<10240x32xf32, #tpu.memory_space<vmem_shared>> -> memref<10240x32xf32, #tpu.memory_space<vmem_shared>>
    tpu.enqueue_indirect_dma source(%arg14 : memref<128x32xf32, #tpu.memory_space<vmem>>) target(%dma_start3A_122 : memref<10240x32xf32, #tpu.memory_space<vmem_shared>>) offsets(%dma_start3A_119 : memref<128xi32, #tpu.memory_space<vmem>>) semaphore(%arg30 : memref<!tpu.dma_semaphore, #tpu.memory_space<semaphore_mem>>) {add = true}
    %dma_wait3A_123 = arith.constant 4 : i32
    %dma_wait3A_124 = arith.constant 0 : i32
    %dma_wait3A_125 = tpu.memref_slice %arg7[%dma_wait3A_123, %dma_wait3A_124] : memref<80x128xi32, #tpu.memory_space<vmem>> -> memref<1x128xi32, #tpu.memory_space<vmem>>
    %dma_wait3A_126 = tpu.memref_squeeze %dma_wait3A_125 : memref<1x128xi32, #tpu.memory_space<vmem>> -> memref<128xi32, #tpu.memory_space<vmem>>
    %dma_wait3A_127 = arith.constant 0 : i32
    %dma_wait3A_128 = arith.constant 0 : i32
    %dma_wait3A_129 = tpu.memref_slice %arg10[%dma_wait3A_127, %dma_wait3A_128] : memref<10240x32xf32, #tpu.memory_space<vmem_shared>> -> memref<10240x32xf32, #tpu.memory_space<vmem_shared>>
    tpu.wait_indirect_dma semaphore(%arg23 : memref<!tpu.dma_semaphore, #tpu.memory_space<semaphore_mem>>) src(%dma_wait3A_129 : memref<10240x32xf32, #tpu.memory_space<vmem_shared>>) dst(%arg15 : memref<128x32xf32, #tpu.memory_space<vmem>>)
    %dma_start3A_130 = arith.constant 4 : i32
    %dma_start3A_131 = arith.constant 0 : i32
    %dma_start3A_132 = tpu.memref_slice %arg8[%dma_start3A_130, %dma_start3A_131] : memref<80x128xi32, #tpu.memory_space<vmem>> -> memref<1x128xi32, #tpu.memory_space<vmem>>
    %dma_start3A_133 = tpu.memref_squeeze %dma_start3A_132 : memref<1x128xi32, #tpu.memory_space<vmem>> -> memref<128xi32, #tpu.memory_space<vmem>>
    %dma_start3A_134 = arith.constant 0 : i32
    %dma_start3A_135 = arith.constant 0 : i32
    %dma_start3A_136 = tpu.memref_slice %arg9[%dma_start3A_134, %dma_start3A_135] : memref<10240x32xf32, #tpu.memory_space<vmem_shared>> -> memref<10240x32xf32, #tpu.memory_space<vmem_shared>>
    tpu.enqueue_indirect_dma source(%arg15 : memref<128x32xf32, #tpu.memory_space<vmem>>) target(%dma_start3A_136 : memref<10240x32xf32, #tpu.memory_space<vmem_shared>>) offsets(%dma_start3A_133 : memref<128xi32, #tpu.memory_space<vmem>>) semaphore(%arg31 : memref<!tpu.dma_semaphore, #tpu.memory_space<semaphore_mem>>) {add = true}
    %dma_wait3A_137 = arith.constant 5 : i32
    %dma_wait3A_138 = arith.constant 0 : i32
    %dma_wait3A_139 = tpu.memref_slice %arg7[%dma_wait3A_137, %dma_wait3A_138] : memref<80x128xi32, #tpu.memory_space<vmem>> -> memref<1x128xi32, #tpu.memory_space<vmem>>
    %dma_wait3A_140 = tpu.memref_squeeze %dma_wait3A_139 : memref<1x128xi32, #tpu.memory_space<vmem>> -> memref<128xi32, #tpu.memory_space<vmem>>
    %dma_wait3A_141 = arith.constant 0 : i32
    %dma_wait3A_142 = arith.constant 0 : i32
    %dma_wait3A_143 = tpu.memref_slice %arg10[%dma_wait3A_141, %dma_wait3A_142] : memref<10240x32xf32, #tpu.memory_space<vmem_shared>> -> memref<10240x32xf32, #tpu.memory_space<vmem_shared>>
    tpu.wait_indirect_dma semaphore(%arg24 : memref<!tpu.dma_semaphore, #tpu.memory_space<semaphore_mem>>) src(%dma_wait3A_143 : memref<10240x32xf32, #tpu.memory_space<vmem_shared>>) dst(%arg16 : memref<128x32xf32, #tpu.memory_space<vmem>>)
    %dma_start3A_144 = arith.constant 5 : i32
    %dma_start3A_145 = arith.constant 0 : i32
    %dma_start3A_146 = tpu.memref_slice %arg8[%dma_start3A_144, %dma_start3A_145] : memref<80x128xi32, #tpu.memory_space<vmem>> -> memref<1x128xi32, #tpu.memory_space<vmem>>
    %dma_start3A_147 = tpu.memref_squeeze %dma_start3A_146 : memref<1x128xi32, #tpu.memory_space<vmem>> -> memref<128xi32, #tpu.memory_space<vmem>>
    %dma_start3A_148 = arith.constant 0 : i32
    %dma_start3A_149 = arith.constant 0 : i32
    %dma_start3A_150 = tpu.memref_slice %arg9[%dma_start3A_148, %dma_start3A_149] : memref<10240x32xf32, #tpu.memory_space<vmem_shared>> -> memref<10240x32xf32, #tpu.memory_space<vmem_shared>>
    tpu.enqueue_indirect_dma source(%arg16 : memref<128x32xf32, #tpu.memory_space<vmem>>) target(%dma_start3A_150 : memref<10240x32xf32, #tpu.memory_space<vmem_shared>>) offsets(%dma_start3A_147 : memref<128xi32, #tpu.memory_space<vmem>>) semaphore(%arg32 : memref<!tpu.dma_semaphore, #tpu.memory_space<semaphore_mem>>) {add = true}
    %dma_wait3A_151 = arith.constant 6 : i32
    %dma_wait3A_152 = arith.constant 0 : i32
    %dma_wait3A_153 = tpu.memref_slice %arg7[%dma_wait3A_151, %dma_wait3A_152] : memref<80x128xi32, #tpu.memory_space<vmem>> -> memref<1x128xi32, #tpu.memory_space<vmem>>
    %dma_wait3A_154 = tpu.memref_squeeze %dma_wait3A_153 : memref<1x128xi32, #tpu.memory_space<vmem>> -> memref<128xi32, #tpu.memory_space<vmem>>
    %dma_wait3A_155 = arith.constant 0 : i32
    %dma_wait3A_156 = arith.constant 0 : i32
    %dma_wait3A_157 = tpu.memref_slice %arg10[%dma_wait3A_155, %dma_wait3A_156] : memref<10240x32xf32, #tpu.memory_space<vmem_shared>> -> memref<10240x32xf32, #tpu.memory_space<vmem_shared>>
    tpu.wait_indirect_dma semaphore(%arg25 : memref<!tpu.dma_semaphore, #tpu.memory_space<semaphore_mem>>) src(%dma_wait3A_157 : memref<10240x32xf32, #tpu.memory_space<vmem_shared>>) dst(%arg17 : memref<128x32xf32, #tpu.memory_space<vmem>>)
    %dma_start3A_158 = arith.constant 6 : i32
    %dma_start3A_159 = arith.constant 0 : i32
    %dma_start3A_160 = tpu.memref_slice %arg8[%dma_start3A_158, %dma_start3A_159] : memref<80x128xi32, #tpu.memory_space<vmem>> -> memref<1x128xi32, #tpu.memory_space<vmem>>
    %dma_start3A_161 = tpu.memref_squeeze %dma_start3A_160 : memref<1x128xi32, #tpu.memory_space<vmem>> -> memref<128xi32, #tpu.memory_space<vmem>>
    %dma_start3A_162 = arith.constant 0 : i32
    %dma_start3A_163 = arith.constant 0 : i32
    %dma_start3A_164 = tpu.memref_slice %arg9[%dma_start3A_162, %dma_start3A_163] : memref<10240x32xf32, #tpu.memory_space<vmem_shared>> -> memref<10240x32xf32, #tpu.memory_space<vmem_shared>>
    tpu.enqueue_indirect_dma source(%arg17 : memref<128x32xf32, #tpu.memory_space<vmem>>) target(%dma_start3A_164 : memref<10240x32xf32, #tpu.memory_space<vmem_shared>>) offsets(%dma_start3A_161 : memref<128xi32, #tpu.memory_space<vmem>>) semaphore(%arg33 : memref<!tpu.dma_semaphore, #tpu.memory_space<semaphore_mem>>) {add = true}
    %dma_wait3A_165 = arith.constant 7 : i32
    %dma_wait3A_166 = arith.constant 0 : i32
    %dma_wait3A_167 = tpu.memref_slice %arg7[%dma_wait3A_165, %dma_wait3A_166] : memref<80x128xi32, #tpu.memory_space<vmem>> -> memref<1x128xi32, #tpu.memory_space<vmem>>
    %dma_wait3A_168 = tpu.memref_squeeze %dma_wait3A_167 : memref<1x128xi32, #tpu.memory_space<vmem>> -> memref<128xi32, #tpu.memory_space<vmem>>
    %dma_wait3A_169 = arith.constant 0 : i32
    %dma_wait3A_170 = arith.constant 0 : i32
    %dma_wait3A_171 = tpu.memref_slice %arg10[%dma_wait3A_169, %dma_wait3A_170] : memref<10240x32xf32, #tpu.memory_space<vmem_shared>> -> memref<10240x32xf32, #tpu.memory_space<vmem_shared>>
    tpu.wait_indirect_dma semaphore(%arg26 : memref<!tpu.dma_semaphore, #tpu.memory_space<semaphore_mem>>) src(%dma_wait3A_171 : memref<10240x32xf32, #tpu.memory_space<vmem_shared>>) dst(%arg18 : memref<128x32xf32, #tpu.memory_space<vmem>>)
    %dma_start3A_172 = arith.constant 7 : i32
    %dma_start3A_173 = arith.constant 0 : i32
    %dma_start3A_174 = tpu.memref_slice %arg8[%dma_start3A_172, %dma_start3A_173] : memref<80x128xi32, #tpu.memory_space<vmem>> -> memref<1x128xi32, #tpu.memory_space<vmem>>
    %dma_start3A_175 = tpu.memref_squeeze %dma_start3A_174 : memref<1x128xi32, #tpu.memory_space<vmem>> -> memref<128xi32, #tpu.memory_space<vmem>>
    %dma_start3A_176 = arith.constant 0 : i32
    %dma_start3A_177 = arith.constant 0 : i32
    %dma_start3A_178 = tpu.memref_slice %arg9[%dma_start3A_176, %dma_start3A_177] : memref<10240x32xf32, #tpu.memory_space<vmem_shared>> -> memref<10240x32xf32, #tpu.memory_space<vmem_shared>>
    tpu.enqueue_indirect_dma source(%arg18 : memref<128x32xf32, #tpu.memory_space<vmem>>) target(%dma_start3A_178 : memref<10240x32xf32, #tpu.memory_space<vmem_shared>>) offsets(%dma_start3A_175 : memref<128xi32, #tpu.memory_space<vmem>>) semaphore(%arg34 : memref<!tpu.dma_semaphore, #tpu.memory_space<semaphore_mem>>) {add = true}
    %scan3A = arith.constant 0 : i32
    %scan3A_179 = arith.constant 1 : i32
    %scan3A_180 = arith.constant 9 : i32
    %scan3A_181 = arith.addi %scan3A_179, %scan3A_180 : i32
    %scan3A_182 = arith.constant 1 : i32
    scf.for %scan3A_245 = %scan3A_179 to %scan3A_181 step %scan3A_182  : i32 {
      %mul3A_246 = arith.constant 8 : i32
      %mul3A_247 = arith.muli %scan3A_245, %mul3A_246 : i32
      %add3A_248 = arith.constant 0 : i32
      %add3A_249 = arith.addi %mul3A_247, %add3A_248 : i32
      %dma_wait3A_250 = arith.constant 0 : i32
      %dma_wait3A_251 = tpu.memref_slice %arg8[%add3A_249, %dma_wait3A_250] : memref<80x128xi32, #tpu.memory_space<vmem>> -> memref<1x128xi32, #tpu.memory_space<vmem>>
      %dma_wait3A_252 = tpu.memref_squeeze %dma_wait3A_251 : memref<1x128xi32, #tpu.memory_space<vmem>> -> memref<128xi32, #tpu.memory_space<vmem>>
      %dma_wait3A_253 = arith.constant 0 : i32
      %dma_wait3A_254 = arith.constant 0 : i32
      %dma_wait3A_255 = tpu.memref_slice %arg9[%dma_wait3A_253, %dma_wait3A_254] : memref<10240x32xf32, #tpu.memory_space<vmem_shared>> -> memref<10240x32xf32, #tpu.memory_space<vmem_shared>>
      tpu.wait_indirect_dma semaphore(%arg27 : memref<!tpu.dma_semaphore, #tpu.memory_space<semaphore_mem>>) src(%arg11 : memref<128x32xf32, #tpu.memory_space<vmem>>) dst(%dma_wait3A_255 : memref<10240x32xf32, #tpu.memory_space<vmem_shared>>)
      %add3A_256 = arith.constant 0 : i32
      %add3A_257 = arith.addi %mul3A_247, %add3A_256 : i32
      %dma_start3A_258 = arith.constant 0 : i32
      %dma_start3A_259 = tpu.memref_slice %arg7[%add3A_257, %dma_start3A_258] : memref<80x128xi32, #tpu.memory_space<vmem>> -> memref<1x128xi32, #tpu.memory_space<vmem>>
      %dma_start3A_260 = tpu.memref_squeeze %dma_start3A_259 : memref<1x128xi32, #tpu.memory_space<vmem>> -> memref<128xi32, #tpu.memory_space<vmem>>
      %dma_start3A_261 = arith.constant 0 : i32
      %dma_start3A_262 = arith.constant 0 : i32
      %dma_start3A_263 = tpu.memref_slice %arg10[%dma_start3A_261, %dma_start3A_262] : memref<10240x32xf32, #tpu.memory_space<vmem_shared>> -> memref<10240x32xf32, #tpu.memory_space<vmem_shared>>
      tpu.enqueue_indirect_dma source(%dma_start3A_263 : memref<10240x32xf32, #tpu.memory_space<vmem_shared>>) target(%arg11 : memref<128x32xf32, #tpu.memory_space<vmem>>) offsets(%dma_start3A_260 : memref<128xi32, #tpu.memory_space<vmem>>) semaphore(%arg19 : memref<!tpu.dma_semaphore, #tpu.memory_space<semaphore_mem>>)
      %add3A_264 = arith.constant 1 : i32
      %add3A_265 = arith.addi %mul3A_247, %add3A_264 : i32
      %dma_wait3A_266 = arith.constant 0 : i32
      %dma_wait3A_267 = tpu.memref_slice %arg8[%add3A_265, %dma_wait3A_266] : memref<80x128xi32, #tpu.memory_space<vmem>> -> memref<1x128xi32, #tpu.memory_space<vmem>>
      %dma_wait3A_268 = tpu.memref_squeeze %dma_wait3A_267 : memref<1x128xi32, #tpu.memory_space<vmem>> -> memref<128xi32, #tpu.memory_space<vmem>>
      %dma_wait3A_269 = arith.constant 0 : i32
      %dma_wait3A_270 = arith.constant 0 : i32
      %dma_wait3A_271 = tpu.memref_slice %arg9[%dma_wait3A_269, %dma_wait3A_270] : memref<10240x32xf32, #tpu.memory_space<vmem_shared>> -> memref<10240x32xf32, #tpu.memory_space<vmem_shared>>
      tpu.wait_indirect_dma semaphore(%arg28 : memref<!tpu.dma_semaphore, #tpu.memory_space<semaphore_mem>>) src(%arg12 : memref<128x32xf32, #tpu.memory_space<vmem>>) dst(%dma_wait3A_271 : memref<10240x32xf32, #tpu.memory_space<vmem_shared>>)
      %add3A_272 = arith.constant 1 : i32
      %add3A_273 = arith.addi %mul3A_247, %add3A_272 : i32
      %dma_start3A_274 = arith.constant 0 : i32
      %dma_start3A_275 = tpu.memref_slice %arg7[%add3A_273, %dma_start3A_274] : memref<80x128xi32, #tpu.memory_space<vmem>> -> memref<1x128xi32, #tpu.memory_space<vmem>>
      %dma_start3A_276 = tpu.memref_squeeze %dma_start3A_275 : memref<1x128xi32, #tpu.memory_space<vmem>> -> memref<128xi32, #tpu.memory_space<vmem>>
      %dma_start3A_277 = arith.constant 0 : i32
      %dma_start3A_278 = arith.constant 0 : i32
      %dma_start3A_279 = tpu.memref_slice %arg10[%dma_start3A_277, %dma_start3A_278] : memref<10240x32xf32, #tpu.memory_space<vmem_shared>> -> memref<10240x32xf32, #tpu.memory_space<vmem_shared>>
      tpu.enqueue_indirect_dma source(%dma_start3A_279 : memref<10240x32xf32, #tpu.memory_space<vmem_shared>>) target(%arg12 : memref<128x32xf32, #tpu.memory_space<vmem>>) offsets(%dma_start3A_276 : memref<128xi32, #tpu.memory_space<vmem>>) semaphore(%arg20 : memref<!tpu.dma_semaphore, #tpu.memory_space<semaphore_mem>>)
      %add3A_280 = arith.constant 2 : i32
      %add3A_281 = arith.addi %mul3A_247, %add3A_280 : i32
      %dma_wait3A_282 = arith.constant 0 : i32
      %dma_wait3A_283 = tpu.memref_slice %arg8[%add3A_281, %dma_wait3A_282] : memref<80x128xi32, #tpu.memory_space<vmem>> -> memref<1x128xi32, #tpu.memory_space<vmem>>
      %dma_wait3A_284 = tpu.memref_squeeze %dma_wait3A_283 : memref<1x128xi32, #tpu.memory_space<vmem>> -> memref<128xi32, #tpu.memory_space<vmem>>
      %dma_wait3A_285 = arith.constant 0 : i32
      %dma_wait3A_286 = arith.constant 0 : i32
      %dma_wait3A_287 = tpu.memref_slice %arg9[%dma_wait3A_285, %dma_wait3A_286] : memref<10240x32xf32, #tpu.memory_space<vmem_shared>> -> memref<10240x32xf32, #tpu.memory_space<vmem_shared>>
      tpu.wait_indirect_dma semaphore(%arg29 : memref<!tpu.dma_semaphore, #tpu.memory_space<semaphore_mem>>) src(%arg13 : memref<128x32xf32, #tpu.memory_space<vmem>>) dst(%dma_wait3A_287 : memref<10240x32xf32, #tpu.memory_space<vmem_shared>>)
      %add3A_288 = arith.constant 2 : i32
      %add3A_289 = arith.addi %mul3A_247, %add3A_288 : i32
      %dma_start3A_290 = arith.constant 0 : i32
      %dma_start3A_291 = tpu.memref_slice %arg7[%add3A_289, %dma_start3A_290] : memref<80x128xi32, #tpu.memory_space<vmem>> -> memref<1x128xi32, #tpu.memory_space<vmem>>
      %dma_start3A_292 = tpu.memref_squeeze %dma_start3A_291 : memref<1x128xi32, #tpu.memory_space<vmem>> -> memref<128xi32, #tpu.memory_space<vmem>>
      %dma_start3A_293 = arith.constant 0 : i32
      %dma_start3A_294 = arith.constant 0 : i32
      %dma_start3A_295 = tpu.memref_slice %arg10[%dma_start3A_293, %dma_start3A_294] : memref<10240x32xf32, #tpu.memory_space<vmem_shared>> -> memref<10240x32xf32, #tpu.memory_space<vmem_shared>>
      tpu.enqueue_indirect_dma source(%dma_start3A_295 : memref<10240x32xf32, #tpu.memory_space<vmem_shared>>) target(%arg13 : memref<128x32xf32, #tpu.memory_space<vmem>>) offsets(%dma_start3A_292 : memref<128xi32, #tpu.memory_space<vmem>>) semaphore(%arg21 : memref<!tpu.dma_semaphore, #tpu.memory_space<semaphore_mem>>)
      %add3A_296 = arith.constant 3 : i32
      %add3A_297 = arith.addi %mul3A_247, %add3A_296 : i32
      %dma_wait3A_298 = arith.constant 0 : i32
      %dma_wait3A_299 = tpu.memref_slice %arg8[%add3A_297, %dma_wait3A_298] : memref<80x128xi32, #tpu.memory_space<vmem>> -> memref<1x128xi32, #tpu.memory_space<vmem>>
      %dma_wait3A_300 = tpu.memref_squeeze %dma_wait3A_299 : memref<1x128xi32, #tpu.memory_space<vmem>> -> memref<128xi32, #tpu.memory_space<vmem>>
      %dma_wait3A_301 = arith.constant 0 : i32
      %dma_wait3A_302 = arith.constant 0 : i32
      %dma_wait3A_303 = tpu.memref_slice %arg9[%dma_wait3A_301, %dma_wait3A_302] : memref<10240x32xf32, #tpu.memory_space<vmem_shared>> -> memref<10240x32xf32, #tpu.memory_space<vmem_shared>>
      tpu.wait_indirect_dma semaphore(%arg30 : memref<!tpu.dma_semaphore, #tpu.memory_space<semaphore_mem>>) src(%arg14 : memref<128x32xf32, #tpu.memory_space<vmem>>) dst(%dma_wait3A_303 : memref<10240x32xf32, #tpu.memory_space<vmem_shared>>)
      %add3A_304 = arith.constant 3 : i32
      %add3A_305 = arith.addi %mul3A_247, %add3A_304 : i32
      %dma_start3A_306 = arith.constant 0 : i32
      %dma_start3A_307 = tpu.memref_slice %arg7[%add3A_305, %dma_start3A_306] : memref<80x128xi32, #tpu.memory_space<vmem>> -> memref<1x128xi32, #tpu.memory_space<vmem>>
      %dma_start3A_308 = tpu.memref_squeeze %dma_start3A_307 : memref<1x128xi32, #tpu.memory_space<vmem>> -> memref<128xi32, #tpu.memory_space<vmem>>
      %dma_start3A_309 = arith.constant 0 : i32
      %dma_start3A_310 = arith.constant 0 : i32
      %dma_start3A_311 = tpu.memref_slice %arg10[%dma_start3A_309, %dma_start3A_310] : memref<10240x32xf32, #tpu.memory_space<vmem_shared>> -> memref<10240x32xf32, #tpu.memory_space<vmem_shared>>
      tpu.enqueue_indirect_dma source(%dma_start3A_311 : memref<10240x32xf32, #tpu.memory_space<vmem_shared>>) target(%arg14 : memref<128x32xf32, #tpu.memory_space<vmem>>) offsets(%dma_start3A_308 : memref<128xi32, #tpu.memory_space<vmem>>) semaphore(%arg22 : memref<!tpu.dma_semaphore, #tpu.memory_space<semaphore_mem>>)
      %add3A_312 = arith.constant 4 : i32
      %add3A_313 = arith.addi %mul3A_247, %add3A_312 : i32
      %dma_wait3A_314 = arith.constant 0 : i32
      %dma_wait3A_315 = tpu.memref_slice %arg8[%add3A_313, %dma_wait3A_314] : memref<80x128xi32, #tpu.memory_space<vmem>> -> memref<1x128xi32, #tpu.memory_space<vmem>>
      %dma_wait3A_316 = tpu.memref_squeeze %dma_wait3A_315 : memref<1x128xi32, #tpu.memory_space<vmem>> -> memref<128xi32, #tpu.memory_space<vmem>>
      %dma_wait3A_317 = arith.constant 0 : i32
      %dma_wait3A_318 = arith.constant 0 : i32
      %dma_wait3A_319 = tpu.memref_slice %arg9[%dma_wait3A_317, %dma_wait3A_318] : memref<10240x32xf32, #tpu.memory_space<vmem_shared>> -> memref<10240x32xf32, #tpu.memory_space<vmem_shared>>
      tpu.wait_indirect_dma semaphore(%arg31 : memref<!tpu.dma_semaphore, #tpu.memory_space<semaphore_mem>>) src(%arg15 : memref<128x32xf32, #tpu.memory_space<vmem>>) dst(%dma_wait3A_319 : memref<10240x32xf32, #tpu.memory_space<vmem_shared>>)
      %add3A_320 = arith.constant 4 : i32
      %add3A_321 = arith.addi %mul3A_247, %add3A_320 : i32
      %dma_start3A_322 = arith.constant 0 : i32
      %dma_start3A_323 = tpu.memref_slice %arg7[%add3A_321, %dma_start3A_322] : memref<80x128xi32, #tpu.memory_space<vmem>> -> memref<1x128xi32, #tpu.memory_space<vmem>>
      %dma_start3A_324 = tpu.memref_squeeze %dma_start3A_323 : memref<1x128xi32, #tpu.memory_space<vmem>> -> memref<128xi32, #tpu.memory_space<vmem>>
      %dma_start3A_325 = arith.constant 0 : i32
      %dma_start3A_326 = arith.constant 0 : i32
      %dma_start3A_327 = tpu.memref_slice %arg10[%dma_start3A_325, %dma_start3A_326] : memref<10240x32xf32, #tpu.memory_space<vmem_shared>> -> memref<10240x32xf32, #tpu.memory_space<vmem_shared>>
      tpu.enqueue_indirect_dma source(%dma_start3A_327 : memref<10240x32xf32, #tpu.memory_space<vmem_shared>>) target(%arg15 : memref<128x32xf32, #tpu.memory_space<vmem>>) offsets(%dma_start3A_324 : memref<128xi32, #tpu.memory_space<vmem>>) semaphore(%arg23 : memref<!tpu.dma_semaphore, #tpu.memory_space<semaphore_mem>>)
      %add3A_328 = arith.constant 5 : i32
      %add3A_329 = arith.addi %mul3A_247, %add3A_328 : i32
      %dma_wait3A_330 = arith.constant 0 : i32
      %dma_wait3A_331 = tpu.memref_slice %arg8[%add3A_329, %dma_wait3A_330] : memref<80x128xi32, #tpu.memory_space<vmem>> -> memref<1x128xi32, #tpu.memory_space<vmem>>
      %dma_wait3A_332 = tpu.memref_squeeze %dma_wait3A_331 : memref<1x128xi32, #tpu.memory_space<vmem>> -> memref<128xi32, #tpu.memory_space<vmem>>
      %dma_wait3A_333 = arith.constant 0 : i32
      %dma_wait3A_334 = arith.constant 0 : i32
      %dma_wait3A_335 = tpu.memref_slice %arg9[%dma_wait3A_333, %dma_wait3A_334] : memref<10240x32xf32, #tpu.memory_space<vmem_shared>> -> memref<10240x32xf32, #tpu.memory_space<vmem_shared>>
      tpu.wait_indirect_dma semaphore(%arg32 : memref<!tpu.dma_semaphore, #tpu.memory_space<semaphore_mem>>) src(%arg16 : memref<128x32xf32, #tpu.memory_space<vmem>>) dst(%dma_wait3A_335 : memref<10240x32xf32, #tpu.memory_space<vmem_shared>>)
      %add3A_336 = arith.constant 5 : i32
      %add3A_337 = arith.addi %mul3A_247, %add3A_336 : i32
      %dma_start3A_338 = arith.constant 0 : i32
      %dma_start3A_339 = tpu.memref_slice %arg7[%add3A_337, %dma_start3A_338] : memref<80x128xi32, #tpu.memory_space<vmem>> -> memref<1x128xi32, #tpu.memory_space<vmem>>
      %dma_start3A_340 = tpu.memref_squeeze %dma_start3A_339 : memref<1x128xi32, #tpu.memory_space<vmem>> -> memref<128xi32, #tpu.memory_space<vmem>>
      %dma_start3A_341 = arith.constant 0 : i32
      %dma_start3A_342 = arith.constant 0 : i32
      %dma_start3A_343 = tpu.memref_slice %arg10[%dma_start3A_341, %dma_start3A_342] : memref<10240x32xf32, #tpu.memory_space<vmem_shared>> -> memref<10240x32xf32, #tpu.memory_space<vmem_shared>>
      tpu.enqueue_indirect_dma source(%dma_start3A_343 : memref<10240x32xf32, #tpu.memory_space<vmem_shared>>) target(%arg16 : memref<128x32xf32, #tpu.memory_space<vmem>>) offsets(%dma_start3A_340 : memref<128xi32, #tpu.memory_space<vmem>>) semaphore(%arg24 : memref<!tpu.dma_semaphore, #tpu.memory_space<semaphore_mem>>)
      %add3A_344 = arith.constant 6 : i32
      %add3A_345 = arith.addi %mul3A_247, %add3A_344 : i32
      %dma_wait3A_346 = arith.constant 0 : i32
      %dma_wait3A_347 = tpu.memref_slice %arg8[%add3A_345, %dma_wait3A_346] : memref<80x128xi32, #tpu.memory_space<vmem>> -> memref<1x128xi32, #tpu.memory_space<vmem>>
      %dma_wait3A_348 = tpu.memref_squeeze %dma_wait3A_347 : memref<1x128xi32, #tpu.memory_space<vmem>> -> memref<128xi32, #tpu.memory_space<vmem>>
      %dma_wait3A_349 = arith.constant 0 : i32
      %dma_wait3A_350 = arith.constant 0 : i32
      %dma_wait3A_351 = tpu.memref_slice %arg9[%dma_wait3A_349, %dma_wait3A_350] : memref<10240x32xf32, #tpu.memory_space<vmem_shared>> -> memref<10240x32xf32, #tpu.memory_space<vmem_shared>>
      tpu.wait_indirect_dma semaphore(%arg33 : memref<!tpu.dma_semaphore, #tpu.memory_space<semaphore_mem>>) src(%arg17 : memref<128x32xf32, #tpu.memory_space<vmem>>) dst(%dma_wait3A_351 : memref<10240x32xf32, #tpu.memory_space<vmem_shared>>)
      %add3A_352 = arith.constant 6 : i32
      %add3A_353 = arith.addi %mul3A_247, %add3A_352 : i32
      %dma_start3A_354 = arith.constant 0 : i32
      %dma_start3A_355 = tpu.memref_slice %arg7[%add3A_353, %dma_start3A_354] : memref<80x128xi32, #tpu.memory_space<vmem>> -> memref<1x128xi32, #tpu.memory_space<vmem>>
      %dma_start3A_356 = tpu.memref_squeeze %dma_start3A_355 : memref<1x128xi32, #tpu.memory_space<vmem>> -> memref<128xi32, #tpu.memory_space<vmem>>
      %dma_start3A_357 = arith.constant 0 : i32
      %dma_start3A_358 = arith.constant 0 : i32
      %dma_start3A_359 = tpu.memref_slice %arg10[%dma_start3A_357, %dma_start3A_358] : memref<10240x32xf32, #tpu.memory_space<vmem_shared>> -> memref<10240x32xf32, #tpu.memory_space<vmem_shared>>
      tpu.enqueue_indirect_dma source(%dma_start3A_359 : memref<10240x32xf32, #tpu.memory_space<vmem_shared>>) target(%arg17 : memref<128x32xf32, #tpu.memory_space<vmem>>) offsets(%dma_start3A_356 : memref<128xi32, #tpu.memory_space<vmem>>) semaphore(%arg25 : memref<!tpu.dma_semaphore, #tpu.memory_space<semaphore_mem>>)
      %add3A_360 = arith.constant 7 : i32
      %add3A_361 = arith.addi %mul3A_247, %add3A_360 : i32
      %dma_wait3A_362 = arith.constant 0 : i32
      %dma_wait3A_363 = tpu.memref_slice %arg8[%add3A_361, %dma_wait3A_362] : memref<80x128xi32, #tpu.memory_space<vmem>> -> memref<1x128xi32, #tpu.memory_space<vmem>>
      %dma_wait3A_364 = tpu.memref_squeeze %dma_wait3A_363 : memref<1x128xi32, #tpu.memory_space<vmem>> -> memref<128xi32, #tpu.memory_space<vmem>>
      %dma_wait3A_365 = arith.constant 0 : i32
      %dma_wait3A_366 = arith.constant 0 : i32
      %dma_wait3A_367 = tpu.memref_slice %arg9[%dma_wait3A_365, %dma_wait3A_366] : memref<10240x32xf32, #tpu.memory_space<vmem_shared>> -> memref<10240x32xf32, #tpu.memory_space<vmem_shared>>
      tpu.wait_indirect_dma semaphore(%arg34 : memref<!tpu.dma_semaphore, #tpu.memory_space<semaphore_mem>>) src(%arg18 : memref<128x32xf32, #tpu.memory_space<vmem>>) dst(%dma_wait3A_367 : memref<10240x32xf32, #tpu.memory_space<vmem_shared>>)
      %add3A_368 = arith.constant 7 : i32
      %add3A_369 = arith.addi %mul3A_247, %add3A_368 : i32
      %dma_start3A_370 = arith.constant 0 : i32
      %dma_start3A_371 = tpu.memref_slice %arg7[%add3A_369, %dma_start3A_370] : memref<80x128xi32, #tpu.memory_space<vmem>> -> memref<1x128xi32, #tpu.memory_space<vmem>>
      %dma_start3A_372 = tpu.memref_squeeze %dma_start3A_371 : memref<1x128xi32, #tpu.memory_space<vmem>> -> memref<128xi32, #tpu.memory_space<vmem>>
      %dma_start3A_373 = arith.constant 0 : i32
      %dma_start3A_374 = arith.constant 0 : i32
      %dma_start3A_375 = tpu.memref_slice %arg10[%dma_start3A_373, %dma_start3A_374] : memref<10240x32xf32, #tpu.memory_space<vmem_shared>> -> memref<10240x32xf32, #tpu.memory_space<vmem_shared>>
      tpu.enqueue_indirect_dma source(%dma_start3A_375 : memref<10240x32xf32, #tpu.memory_space<vmem_shared>>) target(%arg18 : memref<128x32xf32, #tpu.memory_space<vmem>>) offsets(%dma_start3A_372 : memref<128xi32, #tpu.memory_space<vmem>>) semaphore(%arg26 : memref<!tpu.dma_semaphore, #tpu.memory_space<semaphore_mem>>)
      %add3A_376 = arith.constant 0 : i32
      %add3A_377 = arith.addi %mul3A_247, %add3A_376 : i32
      %dma_wait3A_378 = arith.constant 0 : i32
      %dma_wait3A_379 = tpu.memref_slice %arg7[%add3A_377, %dma_wait3A_378] : memref<80x128xi32, #tpu.memory_space<vmem>> -> memref<1x128xi32, #tpu.memory_space<vmem>>
      %dma_wait3A_380 = tpu.memref_squeeze %dma_wait3A_379 : memref<1x128xi32, #tpu.memory_space<vmem>> -> memref<128xi32, #tpu.memory_space<vmem>>
      %dma_wait3A_381 = arith.constant 0 : i32
      %dma_wait3A_382 = arith.constant 0 : i32
      %dma_wait3A_383 = tpu.memref_slice %arg10[%dma_wait3A_381, %dma_wait3A_382] : memref<10240x32xf32, #tpu.memory_space<vmem_shared>> -> memref<10240x32xf32, #tpu.memory_space<vmem_shared>>
      tpu.wait_indirect_dma semaphore(%arg19 : memref<!tpu.dma_semaphore, #tpu.memory_space<semaphore_mem>>) src(%dma_wait3A_383 : memref<10240x32xf32, #tpu.memory_space<vmem_shared>>) dst(%arg11 : memref<128x32xf32, #tpu.memory_space<vmem>>)
      %add3A_384 = arith.constant 0 : i32
      %add3A_385 = arith.addi %mul3A_247, %add3A_384 : i32
      %dma_start3A_386 = arith.constant 0 : i32
      %dma_start3A_387 = tpu.memref_slice %arg8[%add3A_385, %dma_start3A_386] : memref<80x128xi32, #tpu.memory_space<vmem>> -> memref<1x128xi32, #tpu.memory_space<vmem>>
      %dma_start3A_388 = tpu.memref_squeeze %dma_start3A_387 : memref<1x128xi32, #tpu.memory_space<vmem>> -> memref<128xi32, #tpu.memory_space<vmem>>
      %dma_start3A_389 = arith.constant 0 : i32
      %dma_start3A_390 = arith.constant 0 : i32
      %dma_start3A_391 = tpu.memref_slice %arg9[%dma_start3A_389, %dma_start3A_390] : memref<10240x32xf32, #tpu.memory_space<vmem_shared>> -> memref<10240x32xf32, #tpu.memory_space<vmem_shared>>
      tpu.enqueue_indirect_dma source(%arg11 : memref<128x32xf32, #tpu.memory_space<vmem>>) target(%dma_start3A_391 : memref<10240x32xf32, #tpu.memory_space<vmem_shared>>) offsets(%dma_start3A_388 : memref<128xi32, #tpu.memory_space<vmem>>) semaphore(%arg27 : memref<!tpu.dma_semaphore, #tpu.memory_space<semaphore_mem>>) {add = true}
      %add3A_392 = arith.constant 1 : i32
      %add3A_393 = arith.addi %mul3A_247, %add3A_392 : i32
      %dma_wait3A_394 = arith.constant 0 : i32
      %dma_wait3A_395 = tpu.memref_slice %arg7[%add3A_393, %dma_wait3A_394] : memref<80x128xi32, #tpu.memory_space<vmem>> -> memref<1x128xi32, #tpu.memory_space<vmem>>
      %dma_wait3A_396 = tpu.memref_squeeze %dma_wait3A_395 : memref<1x128xi32, #tpu.memory_space<vmem>> -> memref<128xi32, #tpu.memory_space<vmem>>
      %dma_wait3A_397 = arith.constant 0 : i32
      %dma_wait3A_398 = arith.constant 0 : i32
      %dma_wait3A_399 = tpu.memref_slice %arg10[%dma_wait3A_397, %dma_wait3A_398] : memref<10240x32xf32, #tpu.memory_space<vmem_shared>> -> memref<10240x32xf32, #tpu.memory_space<vmem_shared>>
      tpu.wait_indirect_dma semaphore(%arg20 : memref<!tpu.dma_semaphore, #tpu.memory_space<semaphore_mem>>) src(%dma_wait3A_399 : memref<10240x32xf32, #tpu.memory_space<vmem_shared>>) dst(%arg12 : memref<128x32xf32, #tpu.memory_space<vmem>>)
      %add3A_400 = arith.constant 1 : i32
      %add3A_401 = arith.addi %mul3A_247, %add3A_400 : i32
      %dma_start3A_402 = arith.constant 0 : i32
      %dma_start3A_403 = tpu.memref_slice %arg8[%add3A_401, %dma_start3A_402] : memref<80x128xi32, #tpu.memory_space<vmem>> -> memref<1x128xi32, #tpu.memory_space<vmem>>
      %dma_start3A_404 = tpu.memref_squeeze %dma_start3A_403 : memref<1x128xi32, #tpu.memory_space<vmem>> -> memref<128xi32, #tpu.memory_space<vmem>>
      %dma_start3A_405 = arith.constant 0 : i32
      %dma_start3A_406 = arith.constant 0 : i32
      %dma_start3A_407 = tpu.memref_slice %arg9[%dma_start3A_405, %dma_start3A_406] : memref<10240x32xf32, #tpu.memory_space<vmem_shared>> -> memref<10240x32xf32, #tpu.memory_space<vmem_shared>>
      tpu.enqueue_indirect_dma source(%arg12 : memref<128x32xf32, #tpu.memory_space<vmem>>) target(%dma_start3A_407 : memref<10240x32xf32, #tpu.memory_space<vmem_shared>>) offsets(%dma_start3A_404 : memref<128xi32, #tpu.memory_space<vmem>>) semaphore(%arg28 : memref<!tpu.dma_semaphore, #tpu.memory_space<semaphore_mem>>) {add = true}
      %add3A_408 = arith.constant 2 : i32
      %add3A_409 = arith.addi %mul3A_247, %add3A_408 : i32
      %dma_wait3A_410 = arith.constant 0 : i32
      %dma_wait3A_411 = tpu.memref_slice %arg7[%add3A_409, %dma_wait3A_410] : memref<80x128xi32, #tpu.memory_space<vmem>> -> memref<1x128xi32, #tpu.memory_space<vmem>>
      %dma_wait3A_412 = tpu.memref_squeeze %dma_wait3A_411 : memref<1x128xi32, #tpu.memory_space<vmem>> -> memref<128xi32, #tpu.memory_space<vmem>>
      %dma_wait3A_413 = arith.constant 0 : i32
      %dma_wait3A_414 = arith.constant 0 : i32
      %dma_wait3A_415 = tpu.memref_slice %arg10[%dma_wait3A_413, %dma_wait3A_414] : memref<10240x32xf32, #tpu.memory_space<vmem_shared>> -> memref<10240x32xf32, #tpu.memory_space<vmem_shared>>
      tpu.wait_indirect_dma semaphore(%arg21 : memref<!tpu.dma_semaphore, #tpu.memory_space<semaphore_mem>>) src(%dma_wait3A_415 : memref<10240x32xf32, #tpu.memory_space<vmem_shared>>) dst(%arg13 : memref<128x32xf32, #tpu.memory_space<vmem>>)
      %add3A_416 = arith.constant 2 : i32
      %add3A_417 = arith.addi %mul3A_247, %add3A_416 : i32
      %dma_start3A_418 = arith.constant 0 : i32
      %dma_start3A_419 = tpu.memref_slice %arg8[%add3A_417, %dma_start3A_418] : memref<80x128xi32, #tpu.memory_space<vmem>> -> memref<1x128xi32, #tpu.memory_space<vmem>>
      %dma_start3A_420 = tpu.memref_squeeze %dma_start3A_419 : memref<1x128xi32, #tpu.memory_space<vmem>> -> memref<128xi32, #tpu.memory_space<vmem>>
      %dma_start3A_421 = arith.constant 0 : i32
      %dma_start3A_422 = arith.constant 0 : i32
      %dma_start3A_423 = tpu.memref_slice %arg9[%dma_start3A_421, %dma_start3A_422] : memref<10240x32xf32, #tpu.memory_space<vmem_shared>> -> memref<10240x32xf32, #tpu.memory_space<vmem_shared>>
      tpu.enqueue_indirect_dma source(%arg13 : memref<128x32xf32, #tpu.memory_space<vmem>>) target(%dma_start3A_423 : memref<10240x32xf32, #tpu.memory_space<vmem_shared>>) offsets(%dma_start3A_420 : memref<128xi32, #tpu.memory_space<vmem>>) semaphore(%arg29 : memref<!tpu.dma_semaphore, #tpu.memory_space<semaphore_mem>>) {add = true}
      %add3A_424 = arith.constant 3 : i32
      %add3A_425 = arith.addi %mul3A_247, %add3A_424 : i32
      %dma_wait3A_426 = arith.constant 0 : i32
      %dma_wait3A_427 = tpu.memref_slice %arg7[%add3A_425, %dma_wait3A_426] : memref<80x128xi32, #tpu.memory_space<vmem>> -> memref<1x128xi32, #tpu.memory_space<vmem>>
      %dma_wait3A_428 = tpu.memref_squeeze %dma_wait3A_427 : memref<1x128xi32, #tpu.memory_space<vmem>> -> memref<128xi32, #tpu.memory_space<vmem>>
      %dma_wait3A_429 = arith.constant 0 : i32
      %dma_wait3A_430 = arith.constant 0 : i32
      %dma_wait3A_431 = tpu.memref_slice %arg10[%dma_wait3A_429, %dma_wait3A_430] : memref<10240x32xf32, #tpu.memory_space<vmem_shared>> -> memref<10240x32xf32, #tpu.memory_space<vmem_shared>>
      tpu.wait_indirect_dma semaphore(%arg22 : memref<!tpu.dma_semaphore, #tpu.memory_space<semaphore_mem>>) src(%dma_wait3A_431 : memref<10240x32xf32, #tpu.memory_space<vmem_shared>>) dst(%arg14 : memref<128x32xf32, #tpu.memory_space<vmem>>)
      %add3A_432 = arith.constant 3 : i32
      %add3A_433 = arith.addi %mul3A_247, %add3A_432 : i32
      %dma_start3A_434 = arith.constant 0 : i32
      %dma_start3A_435 = tpu.memref_slice %arg8[%add3A_433, %dma_start3A_434] : memref<80x128xi32, #tpu.memory_space<vmem>> -> memref<1x128xi32, #tpu.memory_space<vmem>>
      %dma_start3A_436 = tpu.memref_squeeze %dma_start3A_435 : memref<1x128xi32, #tpu.memory_space<vmem>> -> memref<128xi32, #tpu.memory_space<vmem>>
      %dma_start3A_437 = arith.constant 0 : i32
      %dma_start3A_438 = arith.constant 0 : i32
      %dma_start3A_439 = tpu.memref_slice %arg9[%dma_start3A_437, %dma_start3A_438] : memref<10240x32xf32, #tpu.memory_space<vmem_shared>> -> memref<10240x32xf32, #tpu.memory_space<vmem_shared>>
      tpu.enqueue_indirect_dma source(%arg14 : memref<128x32xf32, #tpu.memory_space<vmem>>) target(%dma_start3A_439 : memref<10240x32xf32, #tpu.memory_space<vmem_shared>>) offsets(%dma_start3A_436 : memref<128xi32, #tpu.memory_space<vmem>>) semaphore(%arg30 : memref<!tpu.dma_semaphore, #tpu.memory_space<semaphore_mem>>) {add = true}
      %add3A_440 = arith.constant 4 : i32
      %add3A_441 = arith.addi %mul3A_247, %add3A_440 : i32
      %dma_wait3A_442 = arith.constant 0 : i32
      %dma_wait3A_443 = tpu.memref_slice %arg7[%add3A_441, %dma_wait3A_442] : memref<80x128xi32, #tpu.memory_space<vmem>> -> memref<1x128xi32, #tpu.memory_space<vmem>>
      %dma_wait3A_444 = tpu.memref_squeeze %dma_wait3A_443 : memref<1x128xi32, #tpu.memory_space<vmem>> -> memref<128xi32, #tpu.memory_space<vmem>>
      %dma_wait3A_445 = arith.constant 0 : i32
      %dma_wait3A_446 = arith.constant 0 : i32
      %dma_wait3A_447 = tpu.memref_slice %arg10[%dma_wait3A_445, %dma_wait3A_446] : memref<10240x32xf32, #tpu.memory_space<vmem_shared>> -> memref<10240x32xf32, #tpu.memory_space<vmem_shared>>
      tpu.wait_indirect_dma semaphore(%arg23 : memref<!tpu.dma_semaphore, #tpu.memory_space<semaphore_mem>>) src(%dma_wait3A_447 : memref<10240x32xf32, #tpu.memory_space<vmem_shared>>) dst(%arg15 : memref<128x32xf32, #tpu.memory_space<vmem>>)
      %add3A_448 = arith.constant 4 : i32
      %add3A_449 = arith.addi %mul3A_247, %add3A_448 : i32
      %dma_start3A_450 = arith.constant 0 : i32
      %dma_start3A_451 = tpu.memref_slice %arg8[%add3A_449, %dma_start3A_450] : memref<80x128xi32, #tpu.memory_space<vmem>> -> memref<1x128xi32, #tpu.memory_space<vmem>>
      %dma_start3A_452 = tpu.memref_squeeze %dma_start3A_451 : memref<1x128xi32, #tpu.memory_space<vmem>> -> memref<128xi32, #tpu.memory_space<vmem>>
      %dma_start3A_453 = arith.constant 0 : i32
      %dma_start3A_454 = arith.constant 0 : i32
      %dma_start3A_455 = tpu.memref_slice %arg9[%dma_start3A_453, %dma_start3A_454] : memref<10240x32xf32, #tpu.memory_space<vmem_shared>> -> memref<10240x32xf32, #tpu.memory_space<vmem_shared>>
      tpu.enqueue_indirect_dma source(%arg15 : memref<128x32xf32, #tpu.memory_space<vmem>>) target(%dma_start3A_455 : memref<10240x32xf32, #tpu.memory_space<vmem_shared>>) offsets(%dma_start3A_452 : memref<128xi32, #tpu.memory_space<vmem>>) semaphore(%arg31 : memref<!tpu.dma_semaphore, #tpu.memory_space<semaphore_mem>>) {add = true}
      %add3A_456 = arith.constant 5 : i32
      %add3A_457 = arith.addi %mul3A_247, %add3A_456 : i32
      %dma_wait3A_458 = arith.constant 0 : i32
      %dma_wait3A_459 = tpu.memref_slice %arg7[%add3A_457, %dma_wait3A_458] : memref<80x128xi32, #tpu.memory_space<vmem>> -> memref<1x128xi32, #tpu.memory_space<vmem>>
      %dma_wait3A_460 = tpu.memref_squeeze %dma_wait3A_459 : memref<1x128xi32, #tpu.memory_space<vmem>> -> memref<128xi32, #tpu.memory_space<vmem>>
      %dma_wait3A_461 = arith.constant 0 : i32
      %dma_wait3A_462 = arith.constant 0 : i32
      %dma_wait3A_463 = tpu.memref_slice %arg10[%dma_wait3A_461, %dma_wait3A_462] : memref<10240x32xf32, #tpu.memory_space<vmem_shared>> -> memref<10240x32xf32, #tpu.memory_space<vmem_shared>>
      tpu.wait_indirect_dma semaphore(%arg24 : memref<!tpu.dma_semaphore, #tpu.memory_space<semaphore_mem>>) src(%dma_wait3A_463 : memref<10240x32xf32, #tpu.memory_space<vmem_shared>>) dst(%arg16 : memref<128x32xf32, #tpu.memory_space<vmem>>)
      %add3A_464 = arith.constant 5 : i32
      %add3A_465 = arith.addi %mul3A_247, %add3A_464 : i32
      %dma_start3A_466 = arith.constant 0 : i32
      %dma_start3A_467 = tpu.memref_slice %arg8[%add3A_465, %dma_start3A_466] : memref<80x128xi32, #tpu.memory_space<vmem>> -> memref<1x128xi32, #tpu.memory_space<vmem>>
      %dma_start3A_468 = tpu.memref_squeeze %dma_start3A_467 : memref<1x128xi32, #tpu.memory_space<vmem>> -> memref<128xi32, #tpu.memory_space<vmem>>
      %dma_start3A_469 = arith.constant 0 : i32
      %dma_start3A_470 = arith.constant 0 : i32
      %dma_start3A_471 = tpu.memref_slice %arg9[%dma_start3A_469, %dma_start3A_470] : memref<10240x32xf32, #tpu.memory_space<vmem_shared>> -> memref<10240x32xf32, #tpu.memory_space<vmem_shared>>
      tpu.enqueue_indirect_dma source(%arg16 : memref<128x32xf32, #tpu.memory_space<vmem>>) target(%dma_start3A_471 : memref<10240x32xf32, #tpu.memory_space<vmem_shared>>) offsets(%dma_start3A_468 : memref<128xi32, #tpu.memory_space<vmem>>) semaphore(%arg32 : memref<!tpu.dma_semaphore, #tpu.memory_space<semaphore_mem>>) {add = true}
      %add3A_472 = arith.constant 6 : i32
      %add3A_473 = arith.addi %mul3A_247, %add3A_472 : i32
      %dma_wait3A_474 = arith.constant 0 : i32
      %dma_wait3A_475 = tpu.memref_slice %arg7[%add3A_473, %dma_wait3A_474] : memref<80x128xi32, #tpu.memory_space<vmem>> -> memref<1x128xi32, #tpu.memory_space<vmem>>
      %dma_wait3A_476 = tpu.memref_squeeze %dma_wait3A_475 : memref<1x128xi32, #tpu.memory_space<vmem>> -> memref<128xi32, #tpu.memory_space<vmem>>
      %dma_wait3A_477 = arith.constant 0 : i32
      %dma_wait3A_478 = arith.constant 0 : i32
      %dma_wait3A_479 = tpu.memref_slice %arg10[%dma_wait3A_477, %dma_wait3A_478] : memref<10240x32xf32, #tpu.memory_space<vmem_shared>> -> memref<10240x32xf32, #tpu.memory_space<vmem_shared>>
      tpu.wait_indirect_dma semaphore(%arg25 : memref<!tpu.dma_semaphore, #tpu.memory_space<semaphore_mem>>) src(%dma_wait3A_479 : memref<10240x32xf32, #tpu.memory_space<vmem_shared>>) dst(%arg17 : memref<128x32xf32, #tpu.memory_space<vmem>>)
      %add3A_480 = arith.constant 6 : i32
      %add3A_481 = arith.addi %mul3A_247, %add3A_480 : i32
      %dma_start3A_482 = arith.constant 0 : i32
      %dma_start3A_483 = tpu.memref_slice %arg8[%add3A_481, %dma_start3A_482] : memref<80x128xi32, #tpu.memory_space<vmem>> -> memref<1x128xi32, #tpu.memory_space<vmem>>
      %dma_start3A_484 = tpu.memref_squeeze %dma_start3A_483 : memref<1x128xi32, #tpu.memory_space<vmem>> -> memref<128xi32, #tpu.memory_space<vmem>>
      %dma_start3A_485 = arith.constant 0 : i32
      %dma_start3A_486 = arith.constant 0 : i32
      %dma_start3A_487 = tpu.memref_slice %arg9[%dma_start3A_485, %dma_start3A_486] : memref<10240x32xf32, #tpu.memory_space<vmem_shared>> -> memref<10240x32xf32, #tpu.memory_space<vmem_shared>>
      tpu.enqueue_indirect_dma source(%arg17 : memref<128x32xf32, #tpu.memory_space<vmem>>) target(%dma_start3A_487 : memref<10240x32xf32, #tpu.memory_space<vmem_shared>>) offsets(%dma_start3A_484 : memref<128xi32, #tpu.memory_space<vmem>>) semaphore(%arg33 : memref<!tpu.dma_semaphore, #tpu.memory_space<semaphore_mem>>) {add = true}
      %add3A_488 = arith.constant 7 : i32
      %add3A_489 = arith.addi %mul3A_247, %add3A_488 : i32
      %dma_wait3A_490 = arith.constant 0 : i32
      %dma_wait3A_491 = tpu.memref_slice %arg7[%add3A_489, %dma_wait3A_490] : memref<80x128xi32, #tpu.memory_space<vmem>> -> memref<1x128xi32, #tpu.memory_space<vmem>>
      %dma_wait3A_492 = tpu.memref_squeeze %dma_wait3A_491 : memref<1x128xi32, #tpu.memory_space<vmem>> -> memref<128xi32, #tpu.memory_space<vmem>>
      %dma_wait3A_493 = arith.constant 0 : i32
      %dma_wait3A_494 = arith.constant 0 : i32
      %dma_wait3A_495 = tpu.memref_slice %arg10[%dma_wait3A_493, %dma_wait3A_494] : memref<10240x32xf32, #tpu.memory_space<vmem_shared>> -> memref<10240x32xf32, #tpu.memory_space<vmem_shared>>
      tpu.wait_indirect_dma semaphore(%arg26 : memref<!tpu.dma_semaphore, #tpu.memory_space<semaphore_mem>>) src(%dma_wait3A_495 : memref<10240x32xf32, #tpu.memory_space<vmem_shared>>) dst(%arg18 : memref<128x32xf32, #tpu.memory_space<vmem>>)
      %add3A_496 = arith.constant 7 : i32
      %add3A_497 = arith.addi %mul3A_247, %add3A_496 : i32
      %dma_start3A_498 = arith.constant 0 : i32
      %dma_start3A_499 = tpu.memref_slice %arg8[%add3A_497, %dma_start3A_498] : memref<80x128xi32, #tpu.memory_space<vmem>> -> memref<1x128xi32, #tpu.memory_space<vmem>>
      %dma_start3A_500 = tpu.memref_squeeze %dma_start3A_499 : memref<1x128xi32, #tpu.memory_space<vmem>> -> memref<128xi32, #tpu.memory_space<vmem>>
      %dma_start3A_501 = arith.constant 0 : i32
      %dma_start3A_502 = arith.constant 0 : i32
      %dma_start3A_503 = tpu.memref_slice %arg9[%dma_start3A_501, %dma_start3A_502] : memref<10240x32xf32, #tpu.memory_space<vmem_shared>> -> memref<10240x32xf32, #tpu.memory_space<vmem_shared>>
      tpu.enqueue_indirect_dma source(%arg18 : memref<128x32xf32, #tpu.memory_space<vmem>>) target(%dma_start3A_503 : memref<10240x32xf32, #tpu.memory_space<vmem_shared>>) offsets(%dma_start3A_500 : memref<128xi32, #tpu.memory_space<vmem>>) semaphore(%arg34 : memref<!tpu.dma_semaphore, #tpu.memory_space<semaphore_mem>>) {add = true}
    }
    %scan3A_183 = arith.constant 9 : i32
    %dma_wait3A_184 = arith.constant 0 : i32
    %dma_wait3A_185 = arith.constant 0 : i32
    %dma_wait3A_186 = tpu.memref_slice %arg8[%dma_wait3A_184, %dma_wait3A_185] : memref<80x128xi32, #tpu.memory_space<vmem>> -> memref<1x128xi32, #tpu.memory_space<vmem>>
    %dma_wait3A_187 = tpu.memref_squeeze %dma_wait3A_186 : memref<1x128xi32, #tpu.memory_space<vmem>> -> memref<128xi32, #tpu.memory_space<vmem>>
    %dma_wait3A_188 = arith.constant 0 : i32
    %dma_wait3A_189 = arith.constant 0 : i32
    %dma_wait3A_190 = tpu.memref_slice %arg9[%dma_wait3A_188, %dma_wait3A_189] : memref<10240x32xf32, #tpu.memory_space<vmem_shared>> -> memref<10240x32xf32, #tpu.memory_space<vmem_shared>>
    tpu.wait_indirect_dma semaphore(%arg27 : memref<!tpu.dma_semaphore, #tpu.memory_space<semaphore_mem>>) src(%arg11 : memref<128x32xf32, #tpu.memory_space<vmem>>) dst(%dma_wait3A_190 : memref<10240x32xf32, #tpu.memory_space<vmem_shared>>)
    %dma_wait3A_191 = arith.constant 1 : i32
    %dma_wait3A_192 = arith.constant 0 : i32
    %dma_wait3A_193 = tpu.memref_slice %arg8[%dma_wait3A_191, %dma_wait3A_192] : memref<80x128xi32, #tpu.memory_space<vmem>> -> memref<1x128xi32, #tpu.memory_space<vmem>>
    %dma_wait3A_194 = tpu.memref_squeeze %dma_wait3A_193 : memref<1x128xi32, #tpu.memory_space<vmem>> -> memref<128xi32, #tpu.memory_space<vmem>>
    %dma_wait3A_195 = arith.constant 0 : i32
    %dma_wait3A_196 = arith.constant 0 : i32
    %dma_wait3A_197 = tpu.memref_slice %arg9[%dma_wait3A_195, %dma_wait3A_196] : memref<10240x32xf32, #tpu.memory_space<vmem_shared>> -> memref<10240x32xf32, #tpu.memory_space<vmem_shared>>
    tpu.wait_indirect_dma semaphore(%arg28 : memref<!tpu.dma_semaphore, #tpu.memory_space<semaphore_mem>>) src(%arg12 : memref<128x32xf32, #tpu.memory_space<vmem>>) dst(%dma_wait3A_197 : memref<10240x32xf32, #tpu.memory_space<vmem_shared>>)
    %dma_wait3A_198 = arith.constant 2 : i32
    %dma_wait3A_199 = arith.constant 0 : i32
    %dma_wait3A_200 = tpu.memref_slice %arg8[%dma_wait3A_198, %dma_wait3A_199] : memref<80x128xi32, #tpu.memory_space<vmem>> -> memref<1x128xi32, #tpu.memory_space<vmem>>
    %dma_wait3A_201 = tpu.memref_squeeze %dma_wait3A_200 : memref<1x128xi32, #tpu.memory_space<vmem>> -> memref<128xi32, #tpu.memory_space<vmem>>
    %dma_wait3A_202 = arith.constant 0 : i32
    %dma_wait3A_203 = arith.constant 0 : i32
    %dma_wait3A_204 = tpu.memref_slice %arg9[%dma_wait3A_202, %dma_wait3A_203] : memref<10240x32xf32, #tpu.memory_space<vmem_shared>> -> memref<10240x32xf32, #tpu.memory_space<vmem_shared>>
    tpu.wait_indirect_dma semaphore(%arg29 : memref<!tpu.dma_semaphore, #tpu.memory_space<semaphore_mem>>) src(%arg13 : memref<128x32xf32, #tpu.memory_space<vmem>>) dst(%dma_wait3A_204 : memref<10240x32xf32, #tpu.memory_space<vmem_shared>>)
    %dma_wait3A_205 = arith.constant 3 : i32
    %dma_wait3A_206 = arith.constant 0 : i32
    %dma_wait3A_207 = tpu.memref_slice %arg8[%dma_wait3A_205, %dma_wait3A_206] : memref<80x128xi32, #tpu.memory_space<vmem>> -> memref<1x128xi32, #tpu.memory_space<vmem>>
    %dma_wait3A_208 = tpu.memref_squeeze %dma_wait3A_207 : memref<1x128xi32, #tpu.memory_space<vmem>> -> memref<128xi32, #tpu.memory_space<vmem>>
    %dma_wait3A_209 = arith.constant 0 : i32
    %dma_wait3A_210 = arith.constant 0 : i32
    %dma_wait3A_211 = tpu.memref_slice %arg9[%dma_wait3A_209, %dma_wait3A_210] : memref<10240x32xf32, #tpu.memory_space<vmem_shared>> -> memref<10240x32xf32, #tpu.memory_space<vmem_shared>>
    tpu.wait_indirect_dma semaphore(%arg30 : memref<!tpu.dma_semaphore, #tpu.memory_space<semaphore_mem>>) src(%arg14 : memref<128x32xf32, #tpu.memory_space<vmem>>) dst(%dma_wait3A_211 : memref<10240x32xf32, #tpu.memory_space<vmem_shared>>)
    %dma_wait3A_212 = arith.constant 4 : i32
    %dma_wait3A_213 = arith.constant 0 : i32
    %dma_wait3A_214 = tpu.memref_slice %arg8[%dma_wait3A_212, %dma_wait3A_213] : memref<80x128xi32, #tpu.memory_space<vmem>> -> memref<1x128xi32, #tpu.memory_space<vmem>>
    %dma_wait3A_215 = tpu.memref_squeeze %dma_wait3A_214 : memref<1x128xi32, #tpu.memory_space<vmem>> -> memref<128xi32, #tpu.memory_space<vmem>>
    %dma_wait3A_216 = arith.constant 0 : i32
    %dma_wait3A_217 = arith.constant 0 : i32
    %dma_wait3A_218 = tpu.memref_slice %arg9[%dma_wait3A_216, %dma_wait3A_217] : memref<10240x32xf32, #tpu.memory_space<vmem_shared>> -> memref<10240x32xf32, #tpu.memory_space<vmem_shared>>
    tpu.wait_indirect_dma semaphore(%arg31 : memref<!tpu.dma_semaphore, #tpu.memory_space<semaphore_mem>>) src(%arg15 : memref<128x32xf32, #tpu.memory_space<vmem>>) dst(%dma_wait3A_218 : memref<10240x32xf32, #tpu.memory_space<vmem_shared>>)
    %dma_wait3A_219 = arith.constant 5 : i32
    %dma_wait3A_220 = arith.constant 0 : i32
    %dma_wait3A_221 = tpu.memref_slice %arg8[%dma_wait3A_219, %dma_wait3A_220] : memref<80x128xi32, #tpu.memory_space<vmem>> -> memref<1x128xi32, #tpu.memory_space<vmem>>
    %dma_wait3A_222 = tpu.memref_squeeze %dma_wait3A_221 : memref<1x128xi32, #tpu.memory_space<vmem>> -> memref<128xi32, #tpu.memory_space<vmem>>
    %dma_wait3A_223 = arith.constant 0 : i32
    %dma_wait3A_224 = arith.constant 0 : i32
    %dma_wait3A_225 = tpu.memref_slice %arg9[%dma_wait3A_223, %dma_wait3A_224] : memref<10240x32xf32, #tpu.memory_space<vmem_shared>> -> memref<10240x32xf32, #tpu.memory_space<vmem_shared>>
    tpu.wait_indirect_dma semaphore(%arg32 : memref<!tpu.dma_semaphore, #tpu.memory_space<semaphore_mem>>) src(%arg16 : memref<128x32xf32, #tpu.memory_space<vmem>>) dst(%dma_wait3A_225 : memref<10240x32xf32, #tpu.memory_space<vmem_shared>>)
    %dma_wait3A_226 = arith.constant 6 : i32
    %dma_wait3A_227 = arith.constant 0 : i32
    %dma_wait3A_228 = tpu.memref_slice %arg8[%dma_wait3A_226, %dma_wait3A_227] : memref<80x128xi32, #tpu.memory_space<vmem>> -> memref<1x128xi32, #tpu.memory_space<vmem>>
    %dma_wait3A_229 = tpu.memref_squeeze %dma_wait3A_228 : memref<1x128xi32, #tpu.memory_space<vmem>> -> memref<128xi32, #tpu.memory_space<vmem>>
    %dma_wait3A_230 = arith.constant 0 : i32
    %dma_wait3A_231 = arith.constant 0 : i32
    %dma_wait3A_232 = tpu.memref_slice %arg9[%dma_wait3A_230, %dma_wait3A_231] : memref<10240x32xf32, #tpu.memory_space<vmem_shared>> -> memref<10240x32xf32, #tpu.memory_space<vmem_shared>>
    tpu.wait_indirect_dma semaphore(%arg33 : memref<!tpu.dma_semaphore, #tpu.memory_space<semaphore_mem>>) src(%arg17 : memref<128x32xf32, #tpu.memory_space<vmem>>) dst(%dma_wait3A_232 : memref<10240x32xf32, #tpu.memory_space<vmem_shared>>)
    %dma_wait3A_233 = arith.constant 7 : i32
    %dma_wait3A_234 = arith.constant 0 : i32
    %dma_wait3A_235 = tpu.memref_slice %arg8[%dma_wait3A_233, %dma_wait3A_234] : memref<80x128xi32, #tpu.memory_space<vmem>> -> memref<1x128xi32, #tpu.memory_space<vmem>>
    %dma_wait3A_236 = tpu.memref_squeeze %dma_wait3A_235 : memref<1x128xi32, #tpu.memory_space<vmem>> -> memref<128xi32, #tpu.memory_space<vmem>>
    %dma_wait3A_237 = arith.constant 0 : i32
    %dma_wait3A_238 = arith.constant 0 : i32
    %dma_wait3A_239 = tpu.memref_slice %arg9[%dma_wait3A_237, %dma_wait3A_238] : memref<10240x32xf32, #tpu.memory_space<vmem_shared>> -> memref<10240x32xf32, #tpu.memory_space<vmem_shared>>
    tpu.wait_indirect_dma semaphore(%arg34 : memref<!tpu.dma_semaphore, #tpu.memory_space<semaphore_mem>>) src(%arg18 : memref<128x32xf32, #tpu.memory_space<vmem>>) dst(%dma_wait3A_239 : memref<10240x32xf32, #tpu.memory_space<vmem_shared>>)
    %barrier3A_240 = arith.constant 0 : index
    tpu.barrier barrier_id(%barrier3A_240)
    %mul3A_241 = arith.constant 640 : i32
    %mul3A_242 = arith.muli %arg1, %mul3A_241 : i32
    %mul3A_243 = arith.constant 640 : i32
    %mul3A_244 = arith.muli %arg1, %mul3A_243 : i32
    "tpu.region"() ({
      %run_scoped3A = tpu.sem_alloc : memref<!tpu.dma_semaphore, #tpu.memory_space<semaphore_mem>>
      %dma_start3A_245 = arith.constant 0 : i32
      %dma_start3A_246 = tpu.memref_slice %arg6[%arg0, %mul3A_244, %dma_start3A_245] : memref<2x10240x32xf32, #tpu.memory_space<hbm>> -> memref<1x640x32xf32, #tpu.memory_space<hbm>>
      %dma_start3A_247 = tpu.memref_squeeze %dma_start3A_246 : memref<1x640x32xf32, #tpu.memory_space<hbm>> -> memref<640x32xf32, #tpu.memory_space<hbm>>
      %dma_start3A_248 = arith.constant 0 : i32
      %dma_start3A_249 = tpu.memref_slice %arg9[%mul3A_242, %dma_start3A_248] : memref<10240x32xf32, #tpu.memory_space<vmem_shared>> -> memref<640x32xf32, #tpu.memory_space<vmem_shared>>
      tpu.enqueue_dma source(%dma_start3A_249 : memref<640x32xf32, #tpu.memory_space<vmem_shared>>) target(%dma_start3A_247 : memref<640x32xf32, #tpu.memory_space<hbm>>) target_semaphore(%run_scoped3A : memref<!tpu.dma_semaphore, #tpu.memory_space<semaphore_mem>>)
      %dma_wait3A_250 = arith.constant 0 : i32
      %dma_wait3A_251 = tpu.memref_slice %arg6[%arg0, %mul3A_244, %dma_wait3A_250] : memref<2x10240x32xf32, #tpu.memory_space<hbm>> -> memref<1x640x32xf32, #tpu.memory_space<hbm>>
      %dma_wait3A_252 = tpu.memref_squeeze %dma_wait3A_251 : memref<1x640x32xf32, #tpu.memory_space<hbm>> -> memref<640x32xf32, #tpu.memory_space<hbm>>
      %dma_wait3A_253 = arith.constant 0 : i32
      %dma_wait3A_254 = tpu.memref_slice %arg9[%mul3A_242, %dma_wait3A_253] : memref<10240x32xf32, #tpu.memory_space<vmem_shared>> -> memref<640x32xf32, #tpu.memory_space<vmem_shared>>
      tpu.wait_dma2 semaphore(%run_scoped3A : memref<!tpu.dma_semaphore, #tpu.memory_space<semaphore_mem>>) src(%dma_wait3A_254 : memref<640x32xf32, #tpu.memory_space<vmem_shared>>) dst(%dma_wait3A_252 : memref<640x32xf32, #tpu.memory_space<hbm>>)
      tpu.yield
    }) : () -> ()
    return
  }
}

#map = affine_map<(d0, d1) -> (0, 0)>
#map1 = affine_map<(d0, d1) -> (0, 0, 0)>
module attributes {stable_mosaic.version = 14 : i64} {
  func.func @k(%arg0: i32, %arg1: i32, %arg2: memref<10240x32xf32, #tpu.memory_space<hbm>>, %arg3: memref<2560x128xi32, #tpu.memory_space<hbm>>, %arg4: memref<2560x128xi32, #tpu.memory_space<hbm>>, %arg5: memref<10240x32xf32, #tpu.memory_space<hbm>>, %arg6: memref<2x10240x32xf32, #tpu.memory_space<hbm>>, %arg7: memref<80x128xi32, #tpu.memory_space<vmem>>, %arg8: memref<80x128xi32, #tpu.memory_space<vmem>>, %arg9: memref<10240x32xf32, #tpu.memory_space<vmem_shared>>, %arg10: memref<10240x32xf32, #tpu.memory_space<vmem_shared>>, %arg11: memref<128x32xf32, #tpu.memory_space<vmem>>, %arg12: memref<128x32xf32, #tpu.memory_space<vmem>>, %arg13: memref<128x32xf32, #tpu.memory_space<vmem>>, %arg14: memref<128x32xf32, #tpu.memory_space<vmem>>, %arg15: memref<128x32xf32, #tpu.memory_space<vmem>>, %arg16: memref<128x32xf32, #tpu.memory_space<vmem>>, %arg17: memref<128x32xf32, #tpu.memory_space<vmem>>, %arg18: memref<128x32xf32, #tpu.memory_space<vmem>>, %arg19: memref<!tpu.dma_semaphore, #tpu.memory_space<semaphore_mem>>, %arg20: memref<!tpu.dma_semaphore, #tpu.memory_space<semaphore_mem>>, %arg21: memref<!tpu.dma_semaphore, #tpu.memory_space<semaphore_mem>>, %arg22: memref<!tpu.dma_semaphore, #tpu.memory_space<semaphore_mem>>, %arg23: memref<!tpu.dma_semaphore, #tpu.memory_space<semaphore_mem>>, %arg24: memref<!tpu.dma_semaphore, #tpu.memory_space<semaphore_mem>>, %arg25: memref<!tpu.dma_semaphore, #tpu.memory_space<semaphore_mem>>, %arg26: memref<!tpu.dma_semaphore, #tpu.memory_space<semaphore_mem>>, %arg27: memref<!tpu.dma_semaphore, #tpu.memory_space<semaphore_mem>>, %arg28: memref<!tpu.dma_semaphore, #tpu.memory_space<semaphore_mem>>, %arg29: memref<!tpu.dma_semaphore, #tpu.memory_space<semaphore_mem>>, %arg30: memref<!tpu.dma_semaphore, #tpu.memory_space<semaphore_mem>>, %arg31: memref<!tpu.dma_semaphore, #tpu.memory_space<semaphore_mem>>, %arg32: memref<!tpu.dma_semaphore, #tpu.memory_space<semaphore_mem>>, %arg33: memref<!tpu.dma_semaphore, #tpu.memory_space<semaphore_mem>>, %arg34: memref<!tpu.dma_semaphore, #tpu.memory_space<semaphore_mem>>) attributes {dimension_semantics = [#tpu.dimension_semantics<core_parallel>, #tpu.dimension_semantics<subcore_parallel>], iteration_bounds = array<i64: 2, 16>, scalar_prefetch = 0 : i64, scratch_operands = 28 : i64, tpu.core_type = #tpu.core_type<sc_vector_subcore>, window_params = [{transform_indices = #map}, {transform_indices = #map}, {transform_indices = #map}, {transform_indices = #map}, {transform_indices = #map1}]} {
    %mul3A = arith.constant 16 : i32
    %mul3A_0 = arith.muli %arg0, %mul3A : i32
    %add3A = arith.addi %mul3A_0, %arg1 : i32
    %mul3A_1 = arith.constant 640 : i32
    %mul3A_2 = arith.muli %arg1, %mul3A_1 : i32
    %mul3A_3 = arith.constant 640 : i32
    %mul3A_4 = arith.muli %arg1, %mul3A_3 : i32
    "tpu.region"() ({
      %run_scoped3A = tpu.sem_alloc : memref<!tpu.dma_semaphore, #tpu.memory_space<semaphore_mem>>
      %dma_start3A_245 = arith.constant 0 : i32
      %dma_start3A_246 = tpu.memref_slice %arg10[%mul3A_4, %dma_start3A_245] : memref<10240x32xf32, #tpu.memory_space<vmem_shared>> -> memref<640x32xf32, #tpu.memory_space<vmem_shared>>
      %dma_start3A_247 = arith.constant 0 : i32
      %dma_start3A_248 = tpu.memref_slice %arg2[%mul3A_2, %dma_start3A_247] : memref<10240x32xf32, #tpu.memory_space<hbm>> -> memref<640x32xf32, #tpu.memory_space<hbm>>
      tpu.enqueue_dma source(%dma_start3A_248 : memref<640x32xf32, #tpu.memory_space<hbm>>) target(%dma_start3A_246 : memref<640x32xf32, #tpu.memory_space<vmem_shared>>) target_semaphore(%run_scoped3A : memref<!tpu.dma_semaphore, #tpu.memory_space<semaphore_mem>>)
      %dma_wait3A_249 = arith.constant 0 : i32
      %dma_wait3A_250 = tpu.memref_slice %arg10[%mul3A_4, %dma_wait3A_249] : memref<10240x32xf32, #tpu.memory_space<vmem_shared>> -> memref<640x32xf32, #tpu.memory_space<vmem_shared>>
      %dma_wait3A_251 = arith.constant 0 : i32
      %dma_wait3A_252 = tpu.memref_slice %arg2[%mul3A_2, %dma_wait3A_251] : memref<10240x32xf32, #tpu.memory_space<hbm>> -> memref<640x32xf32, #tpu.memory_space<hbm>>
      tpu.wait_dma2 semaphore(%run_scoped3A : memref<!tpu.dma_semaphore, #tpu.memory_space<semaphore_mem>>) src(%dma_wait3A_252 : memref<640x32xf32, #tpu.memory_space<hbm>>) dst(%dma_wait3A_250 : memref<640x32xf32, #tpu.memory_space<vmem_shared>>)
      tpu.yield
    }) : () -> ()
    %mul3A_5 = arith.constant 640 : i32
    %mul3A_6 = arith.muli %arg1, %mul3A_5 : i32
    %mul3A_7 = arith.constant 640 : i32
    %mul3A_8 = arith.muli %arg1, %mul3A_7 : i32
    "tpu.region"() ({
      %run_scoped3A = tpu.sem_alloc : memref<!tpu.dma_semaphore, #tpu.memory_space<semaphore_mem>>
      %dma_start3A_245 = arith.constant 0 : i32
      %dma_start3A_246 = tpu.memref_slice %arg9[%mul3A_8, %dma_start3A_245] : memref<10240x32xf32, #tpu.memory_space<vmem_shared>> -> memref<640x32xf32, #tpu.memory_space<vmem_shared>>
      %dma_start3A_247 = arith.constant 0 : i32
      %dma_start3A_248 = tpu.memref_slice %arg5[%mul3A_6, %dma_start3A_247] : memref<10240x32xf32, #tpu.memory_space<hbm>> -> memref<640x32xf32, #tpu.memory_space<hbm>>
      tpu.enqueue_dma source(%dma_start3A_248 : memref<640x32xf32, #tpu.memory_space<hbm>>) target(%dma_start3A_246 : memref<640x32xf32, #tpu.memory_space<vmem_shared>>) target_semaphore(%run_scoped3A : memref<!tpu.dma_semaphore, #tpu.memory_space<semaphore_mem>>)
      %dma_wait3A_249 = arith.constant 0 : i32
      %dma_wait3A_250 = tpu.memref_slice %arg9[%mul3A_8, %dma_wait3A_249] : memref<10240x32xf32, #tpu.memory_space<vmem_shared>> -> memref<640x32xf32, #tpu.memory_space<vmem_shared>>
      %dma_wait3A_251 = arith.constant 0 : i32
      %dma_wait3A_252 = tpu.memref_slice %arg5[%mul3A_6, %dma_wait3A_251] : memref<10240x32xf32, #tpu.memory_space<hbm>> -> memref<640x32xf32, #tpu.memory_space<hbm>>
      tpu.wait_dma2 semaphore(%run_scoped3A : memref<!tpu.dma_semaphore, #tpu.memory_space<semaphore_mem>>) src(%dma_wait3A_252 : memref<640x32xf32, #tpu.memory_space<hbm>>) dst(%dma_wait3A_250 : memref<640x32xf32, #tpu.memory_space<vmem_shared>>)
      tpu.yield
    }) : () -> ()
    %mul3A_9 = arith.constant 80 : i32
    %mul3A_10 = arith.muli %add3A, %mul3A_9 : i32
    "tpu.region"() ({
      %run_scoped3A = tpu.sem_alloc : memref<!tpu.dma_semaphore, #tpu.memory_space<semaphore_mem>>
      %dma_start3A_245 = arith.constant 0 : i32
      %dma_start3A_246 = tpu.memref_slice %arg3[%mul3A_10, %dma_start3A_245] : memref<2560x128xi32, #tpu.memory_space<hbm>> -> memref<80x128xi32, #tpu.memory_space<hbm>>
      %dma_start3A_247 = arith.constant 0 : i32
      %dma_start3A_248 = tpu.memref_slice %arg3[%mul3A_10, %dma_start3A_247] : memref<2560x128xi32, #tpu.memory_space<hbm>> -> memref<80x128xi32, #tpu.memory_space<hbm>>
      tpu.enqueue_dma source(%dma_start3A_248 : memref<80x128xi32, #tpu.memory_space<hbm>>) target(%arg7 : memref<80x128xi32, #tpu.memory_space<vmem>>) target_semaphore(%run_scoped3A : memref<!tpu.dma_semaphore, #tpu.memory_space<semaphore_mem>>)
      %dma_wait3A_249 = arith.constant 0 : i32
      %dma_wait3A_250 = tpu.memref_slice %arg3[%mul3A_10, %dma_wait3A_249] : memref<2560x128xi32, #tpu.memory_space<hbm>> -> memref<80x128xi32, #tpu.memory_space<hbm>>
      %dma_wait3A_251 = arith.constant 0 : i32
      %dma_wait3A_252 = tpu.memref_slice %arg3[%mul3A_10, %dma_wait3A_251] : memref<2560x128xi32, #tpu.memory_space<hbm>> -> memref<80x128xi32, #tpu.memory_space<hbm>>
      tpu.wait_dma2 semaphore(%run_scoped3A : memref<!tpu.dma_semaphore, #tpu.memory_space<semaphore_mem>>) src(%dma_wait3A_252 : memref<80x128xi32, #tpu.memory_space<hbm>>) dst(%arg7 : memref<80x128xi32, #tpu.memory_space<vmem>>)
      tpu.yield
    }) : () -> ()
    %mul3A_11 = arith.constant 80 : i32
    %mul3A_12 = arith.muli %add3A, %mul3A_11 : i32
    "tpu.region"() ({
      %run_scoped3A = tpu.sem_alloc : memref<!tpu.dma_semaphore, #tpu.memory_space<semaphore_mem>>
      %dma_start3A_245 = arith.constant 0 : i32
      %dma_start3A_246 = tpu.memref_slice %arg4[%mul3A_12, %dma_start3A_245] : memref<2560x128xi32, #tpu.memory_space<hbm>> -> memref<80x128xi32, #tpu.memory_space<hbm>>
      %dma_start3A_247 = arith.constant 0 : i32
      %dma_start3A_248 = tpu.memref_slice %arg4[%mul3A_12, %dma_start3A_247] : memref<2560x128xi32, #tpu.memory_space<hbm>> -> memref<80x128xi32, #tpu.memory_space<hbm>>
      tpu.enqueue_dma source(%dma_start3A_248 : memref<80x128xi32, #tpu.memory_space<hbm>>) target(%arg8 : memref<80x128xi32, #tpu.memory_space<vmem>>) target_semaphore(%run_scoped3A : memref<!tpu.dma_semaphore, #tpu.memory_space<semaphore_mem>>)
      %dma_wait3A_249 = arith.constant 0 : i32
      %dma_wait3A_250 = tpu.memref_slice %arg4[%mul3A_12, %dma_wait3A_249] : memref<2560x128xi32, #tpu.memory_space<hbm>> -> memref<80x128xi32, #tpu.memory_space<hbm>>
      %dma_wait3A_251 = arith.constant 0 : i32
      %dma_wait3A_252 = tpu.memref_slice %arg4[%mul3A_12, %dma_wait3A_251] : memref<2560x128xi32, #tpu.memory_space<hbm>> -> memref<80x128xi32, #tpu.memory_space<hbm>>
      tpu.wait_dma2 semaphore(%run_scoped3A : memref<!tpu.dma_semaphore, #tpu.memory_space<semaphore_mem>>) src(%dma_wait3A_252 : memref<80x128xi32, #tpu.memory_space<hbm>>) dst(%arg8 : memref<80x128xi32, #tpu.memory_space<vmem>>)
      tpu.yield
    }) : () -> ()
    %barrier3A = arith.constant 0 : index
    tpu.barrier barrier_id(%barrier3A)
    %dma_start3A = arith.constant 0 : i32
    %dma_start3A_13 = arith.constant 0 : i32
    %dma_start3A_14 = tpu.memref_slice %arg7[%dma_start3A, %dma_start3A_13] : memref<80x128xi32, #tpu.memory_space<vmem>> -> memref<1x128xi32, #tpu.memory_space<vmem>>
    %dma_start3A_15 = tpu.memref_squeeze %dma_start3A_14 : memref<1x128xi32, #tpu.memory_space<vmem>> -> memref<128xi32, #tpu.memory_space<vmem>>
    %dma_start3A_16 = arith.constant 0 : i32
    %dma_start3A_17 = arith.constant 0 : i32
    %dma_start3A_18 = tpu.memref_slice %arg10[%dma_start3A_16, %dma_start3A_17] : memref<10240x32xf32, #tpu.memory_space<vmem_shared>> -> memref<10240x32xf32, #tpu.memory_space<vmem_shared>>
    tpu.enqueue_indirect_dma source(%dma_start3A_18 : memref<10240x32xf32, #tpu.memory_space<vmem_shared>>) target(%arg11 : memref<128x32xf32, #tpu.memory_space<vmem>>) offsets(%dma_start3A_15 : memref<128xi32, #tpu.memory_space<vmem>>) semaphore(%arg19 : memref<!tpu.dma_semaphore, #tpu.memory_space<semaphore_mem>>)
    %dma_start3A_19 = arith.constant 1 : i32
    %dma_start3A_20 = arith.constant 0 : i32
    %dma_start3A_21 = tpu.memref_slice %arg7[%dma_start3A_19, %dma_start3A_20] : memref<80x128xi32, #tpu.memory_space<vmem>> -> memref<1x128xi32, #tpu.memory_space<vmem>>
    %dma_start3A_22 = tpu.memref_squeeze %dma_start3A_21 : memref<1x128xi32, #tpu.memory_space<vmem>> -> memref<128xi32, #tpu.memory_space<vmem>>
    %dma_start3A_23 = arith.constant 0 : i32
    %dma_start3A_24 = arith.constant 0 : i32
    %dma_start3A_25 = tpu.memref_slice %arg10[%dma_start3A_23, %dma_start3A_24] : memref<10240x32xf32, #tpu.memory_space<vmem_shared>> -> memref<10240x32xf32, #tpu.memory_space<vmem_shared>>
    tpu.enqueue_indirect_dma source(%dma_start3A_25 : memref<10240x32xf32, #tpu.memory_space<vmem_shared>>) target(%arg12 : memref<128x32xf32, #tpu.memory_space<vmem>>) offsets(%dma_start3A_22 : memref<128xi32, #tpu.memory_space<vmem>>) semaphore(%arg20 : memref<!tpu.dma_semaphore, #tpu.memory_space<semaphore_mem>>)
    %dma_start3A_26 = arith.constant 2 : i32
    %dma_start3A_27 = arith.constant 0 : i32
    %dma_start3A_28 = tpu.memref_slice %arg7[%dma_start3A_26, %dma_start3A_27] : memref<80x128xi32, #tpu.memory_space<vmem>> -> memref<1x128xi32, #tpu.memory_space<vmem>>
    %dma_start3A_29 = tpu.memref_squeeze %dma_start3A_28 : memref<1x128xi32, #tpu.memory_space<vmem>> -> memref<128xi32, #tpu.memory_space<vmem>>
    %dma_start3A_30 = arith.constant 0 : i32
    %dma_start3A_31 = arith.constant 0 : i32
    %dma_start3A_32 = tpu.memref_slice %arg10[%dma_start3A_30, %dma_start3A_31] : memref<10240x32xf32, #tpu.memory_space<vmem_shared>> -> memref<10240x32xf32, #tpu.memory_space<vmem_shared>>
    tpu.enqueue_indirect_dma source(%dma_start3A_32 : memref<10240x32xf32, #tpu.memory_space<vmem_shared>>) target(%arg13 : memref<128x32xf32, #tpu.memory_space<vmem>>) offsets(%dma_start3A_29 : memref<128xi32, #tpu.memory_space<vmem>>) semaphore(%arg21 : memref<!tpu.dma_semaphore, #tpu.memory_space<semaphore_mem>>)
    %dma_start3A_33 = arith.constant 3 : i32
    %dma_start3A_34 = arith.constant 0 : i32
    %dma_start3A_35 = tpu.memref_slice %arg7[%dma_start3A_33, %dma_start3A_34] : memref<80x128xi32, #tpu.memory_space<vmem>> -> memref<1x128xi32, #tpu.memory_space<vmem>>
    %dma_start3A_36 = tpu.memref_squeeze %dma_start3A_35 : memref<1x128xi32, #tpu.memory_space<vmem>> -> memref<128xi32, #tpu.memory_space<vmem>>
    %dma_start3A_37 = arith.constant 0 : i32
    %dma_start3A_38 = arith.constant 0 : i32
    %dma_start3A_39 = tpu.memref_slice %arg10[%dma_start3A_37, %dma_start3A_38] : memref<10240x32xf32, #tpu.memory_space<vmem_shared>> -> memref<10240x32xf32, #tpu.memory_space<vmem_shared>>
    tpu.enqueue_indirect_dma source(%dma_start3A_39 : memref<10240x32xf32, #tpu.memory_space<vmem_shared>>) target(%arg14 : memref<128x32xf32, #tpu.memory_space<vmem>>) offsets(%dma_start3A_36 : memref<128xi32, #tpu.memory_space<vmem>>) semaphore(%arg22 : memref<!tpu.dma_semaphore, #tpu.memory_space<semaphore_mem>>)
    %dma_start3A_40 = arith.constant 4 : i32
    %dma_start3A_41 = arith.constant 0 : i32
    %dma_start3A_42 = tpu.memref_slice %arg7[%dma_start3A_40, %dma_start3A_41] : memref<80x128xi32, #tpu.memory_space<vmem>> -> memref<1x128xi32, #tpu.memory_space<vmem>>
    %dma_start3A_43 = tpu.memref_squeeze %dma_start3A_42 : memref<1x128xi32, #tpu.memory_space<vmem>> -> memref<128xi32, #tpu.memory_space<vmem>>
    %dma_start3A_44 = arith.constant 0 : i32
    %dma_start3A_45 = arith.constant 0 : i32
    %dma_start3A_46 = tpu.memref_slice %arg10[%dma_start3A_44, %dma_start3A_45] : memref<10240x32xf32, #tpu.memory_space<vmem_shared>> -> memref<10240x32xf32, #tpu.memory_space<vmem_shared>>
    tpu.enqueue_indirect_dma source(%dma_start3A_46 : memref<10240x32xf32, #tpu.memory_space<vmem_shared>>) target(%arg15 : memref<128x32xf32, #tpu.memory_space<vmem>>) offsets(%dma_start3A_43 : memref<128xi32, #tpu.memory_space<vmem>>) semaphore(%arg23 : memref<!tpu.dma_semaphore, #tpu.memory_space<semaphore_mem>>)
    %dma_start3A_47 = arith.constant 5 : i32
    %dma_start3A_48 = arith.constant 0 : i32
    %dma_start3A_49 = tpu.memref_slice %arg7[%dma_start3A_47, %dma_start3A_48] : memref<80x128xi32, #tpu.memory_space<vmem>> -> memref<1x128xi32, #tpu.memory_space<vmem>>
    %dma_start3A_50 = tpu.memref_squeeze %dma_start3A_49 : memref<1x128xi32, #tpu.memory_space<vmem>> -> memref<128xi32, #tpu.memory_space<vmem>>
    %dma_start3A_51 = arith.constant 0 : i32
    %dma_start3A_52 = arith.constant 0 : i32
    %dma_start3A_53 = tpu.memref_slice %arg10[%dma_start3A_51, %dma_start3A_52] : memref<10240x32xf32, #tpu.memory_space<vmem_shared>> -> memref<10240x32xf32, #tpu.memory_space<vmem_shared>>
    tpu.enqueue_indirect_dma source(%dma_start3A_53 : memref<10240x32xf32, #tpu.memory_space<vmem_shared>>) target(%arg16 : memref<128x32xf32, #tpu.memory_space<vmem>>) offsets(%dma_start3A_50 : memref<128xi32, #tpu.memory_space<vmem>>) semaphore(%arg24 : memref<!tpu.dma_semaphore, #tpu.memory_space<semaphore_mem>>)
    %dma_start3A_54 = arith.constant 6 : i32
    %dma_start3A_55 = arith.constant 0 : i32
    %dma_start3A_56 = tpu.memref_slice %arg7[%dma_start3A_54, %dma_start3A_55] : memref<80x128xi32, #tpu.memory_space<vmem>> -> memref<1x128xi32, #tpu.memory_space<vmem>>
    %dma_start3A_57 = tpu.memref_squeeze %dma_start3A_56 : memref<1x128xi32, #tpu.memory_space<vmem>> -> memref<128xi32, #tpu.memory_space<vmem>>
    %dma_start3A_58 = arith.constant 0 : i32
    %dma_start3A_59 = arith.constant 0 : i32
    %dma_start3A_60 = tpu.memref_slice %arg10[%dma_start3A_58, %dma_start3A_59] : memref<10240x32xf32, #tpu.memory_space<vmem_shared>> -> memref<10240x32xf32, #tpu.memory_space<vmem_shared>>
    tpu.enqueue_indirect_dma source(%dma_start3A_60 : memref<10240x32xf32, #tpu.memory_space<vmem_shared>>) target(%arg17 : memref<128x32xf32, #tpu.memory_space<vmem>>) offsets(%dma_start3A_57 : memref<128xi32, #tpu.memory_space<vmem>>) semaphore(%arg25 : memref<!tpu.dma_semaphore, #tpu.memory_space<semaphore_mem>>)
    %dma_start3A_61 = arith.constant 7 : i32
    %dma_start3A_62 = arith.constant 0 : i32
    %dma_start3A_63 = tpu.memref_slice %arg7[%dma_start3A_61, %dma_start3A_62] : memref<80x128xi32, #tpu.memory_space<vmem>> -> memref<1x128xi32, #tpu.memory_space<vmem>>
    %dma_start3A_64 = tpu.memref_squeeze %dma_start3A_63 : memref<1x128xi32, #tpu.memory_space<vmem>> -> memref<128xi32, #tpu.memory_space<vmem>>
    %dma_start3A_65 = arith.constant 0 : i32
    %dma_start3A_66 = arith.constant 0 : i32
    %dma_start3A_67 = tpu.memref_slice %arg10[%dma_start3A_65, %dma_start3A_66] : memref<10240x32xf32, #tpu.memory_space<vmem_shared>> -> memref<10240x32xf32, #tpu.memory_space<vmem_shared>>
    tpu.enqueue_indirect_dma source(%dma_start3A_67 : memref<10240x32xf32, #tpu.memory_space<vmem_shared>>) target(%arg18 : memref<128x32xf32, #tpu.memory_space<vmem>>) offsets(%dma_start3A_64 : memref<128xi32, #tpu.memory_space<vmem>>) semaphore(%arg26 : memref<!tpu.dma_semaphore, #tpu.memory_space<semaphore_mem>>)
    %dma_wait3A = arith.constant 0 : i32
    %dma_wait3A_68 = arith.constant 0 : i32
    %dma_wait3A_69 = tpu.memref_slice %arg7[%dma_wait3A, %dma_wait3A_68] : memref<80x128xi32, #tpu.memory_space<vmem>> -> memref<1x128xi32, #tpu.memory_space<vmem>>
    %dma_wait3A_70 = tpu.memref_squeeze %dma_wait3A_69 : memref<1x128xi32, #tpu.memory_space<vmem>> -> memref<128xi32, #tpu.memory_space<vmem>>
    %dma_wait3A_71 = arith.constant 0 : i32
    %dma_wait3A_72 = arith.constant 0 : i32
    %dma_wait3A_73 = tpu.memref_slice %arg10[%dma_wait3A_71, %dma_wait3A_72] : memref<10240x32xf32, #tpu.memory_space<vmem_shared>> -> memref<10240x32xf32, #tpu.memory_space<vmem_shared>>
    tpu.wait_indirect_dma semaphore(%arg19 : memref<!tpu.dma_semaphore, #tpu.memory_space<semaphore_mem>>) src(%dma_wait3A_73 : memref<10240x32xf32, #tpu.memory_space<vmem_shared>>) dst(%arg11 : memref<128x32xf32, #tpu.memory_space<vmem>>)
    %dma_start3A_74 = arith.constant 0 : i32
    %dma_start3A_75 = arith.constant 0 : i32
    %dma_start3A_76 = tpu.memref_slice %arg8[%dma_start3A_74, %dma_start3A_75] : memref<80x128xi32, #tpu.memory_space<vmem>> -> memref<1x128xi32, #tpu.memory_space<vmem>>
    %dma_start3A_77 = tpu.memref_squeeze %dma_start3A_76 : memref<1x128xi32, #tpu.memory_space<vmem>> -> memref<128xi32, #tpu.memory_space<vmem>>
    %dma_start3A_78 = arith.constant 0 : i32
    %dma_start3A_79 = arith.constant 0 : i32
    %dma_start3A_80 = tpu.memref_slice %arg9[%dma_start3A_78, %dma_start3A_79] : memref<10240x32xf32, #tpu.memory_space<vmem_shared>> -> memref<10240x32xf32, #tpu.memory_space<vmem_shared>>
    tpu.enqueue_indirect_dma source(%arg11 : memref<128x32xf32, #tpu.memory_space<vmem>>) target(%dma_start3A_80 : memref<10240x32xf32, #tpu.memory_space<vmem_shared>>) offsets(%dma_start3A_77 : memref<128xi32, #tpu.memory_space<vmem>>) semaphore(%arg27 : memref<!tpu.dma_semaphore, #tpu.memory_space<semaphore_mem>>) {add = true}
    %dma_wait3A_81 = arith.constant 1 : i32
    %dma_wait3A_82 = arith.constant 0 : i32
    %dma_wait3A_83 = tpu.memref_slice %arg7[%dma_wait3A_81, %dma_wait3A_82] : memref<80x128xi32, #tpu.memory_space<vmem>> -> memref<1x128xi32, #tpu.memory_space<vmem>>
    %dma_wait3A_84 = tpu.memref_squeeze %dma_wait3A_83 : memref<1x128xi32, #tpu.memory_space<vmem>> -> memref<128xi32, #tpu.memory_space<vmem>>
    %dma_wait3A_85 = arith.constant 0 : i32
    %dma_wait3A_86 = arith.constant 0 : i32
    %dma_wait3A_87 = tpu.memref_slice %arg10[%dma_wait3A_85, %dma_wait3A_86] : memref<10240x32xf32, #tpu.memory_space<vmem_shared>> -> memref<10240x32xf32, #tpu.memory_space<vmem_shared>>
    tpu.wait_indirect_dma semaphore(%arg20 : memref<!tpu.dma_semaphore, #tpu.memory_space<semaphore_mem>>) src(%dma_wait3A_87 : memref<10240x32xf32, #tpu.memory_space<vmem_shared>>) dst(%arg12 : memref<128x32xf32, #tpu.memory_space<vmem>>)
    %dma_start3A_88 = arith.constant 1 : i32
    %dma_start3A_89 = arith.constant 0 : i32
    %dma_start3A_90 = tpu.memref_slice %arg8[%dma_start3A_88, %dma_start3A_89] : memref<80x128xi32, #tpu.memory_space<vmem>> -> memref<1x128xi32, #tpu.memory_space<vmem>>
    %dma_start3A_91 = tpu.memref_squeeze %dma_start3A_90 : memref<1x128xi32, #tpu.memory_space<vmem>> -> memref<128xi32, #tpu.memory_space<vmem>>
    %dma_start3A_92 = arith.constant 0 : i32
    %dma_start3A_93 = arith.constant 0 : i32
    %dma_start3A_94 = tpu.memref_slice %arg9[%dma_start3A_92, %dma_start3A_93] : memref<10240x32xf32, #tpu.memory_space<vmem_shared>> -> memref<10240x32xf32, #tpu.memory_space<vmem_shared>>
    tpu.enqueue_indirect_dma source(%arg12 : memref<128x32xf32, #tpu.memory_space<vmem>>) target(%dma_start3A_94 : memref<10240x32xf32, #tpu.memory_space<vmem_shared>>) offsets(%dma_start3A_91 : memref<128xi32, #tpu.memory_space<vmem>>) semaphore(%arg28 : memref<!tpu.dma_semaphore, #tpu.memory_space<semaphore_mem>>) {add = true}
    %dma_wait3A_95 = arith.constant 2 : i32
    %dma_wait3A_96 = arith.constant 0 : i32
    %dma_wait3A_97 = tpu.memref_slice %arg7[%dma_wait3A_95, %dma_wait3A_96] : memref<80x128xi32, #tpu.memory_space<vmem>> -> memref<1x128xi32, #tpu.memory_space<vmem>>
    %dma_wait3A_98 = tpu.memref_squeeze %dma_wait3A_97 : memref<1x128xi32, #tpu.memory_space<vmem>> -> memref<128xi32, #tpu.memory_space<vmem>>
    %dma_wait3A_99 = arith.constant 0 : i32
    %dma_wait3A_100 = arith.constant 0 : i32
    %dma_wait3A_101 = tpu.memref_slice %arg10[%dma_wait3A_99, %dma_wait3A_100] : memref<10240x32xf32, #tpu.memory_space<vmem_shared>> -> memref<10240x32xf32, #tpu.memory_space<vmem_shared>>
    tpu.wait_indirect_dma semaphore(%arg21 : memref<!tpu.dma_semaphore, #tpu.memory_space<semaphore_mem>>) src(%dma_wait3A_101 : memref<10240x32xf32, #tpu.memory_space<vmem_shared>>) dst(%arg13 : memref<128x32xf32, #tpu.memory_space<vmem>>)
    %dma_start3A_102 = arith.constant 2 : i32
    %dma_start3A_103 = arith.constant 0 : i32
    %dma_start3A_104 = tpu.memref_slice %arg8[%dma_start3A_102, %dma_start3A_103] : memref<80x128xi32, #tpu.memory_space<vmem>> -> memref<1x128xi32, #tpu.memory_space<vmem>>
    %dma_start3A_105 = tpu.memref_squeeze %dma_start3A_104 : memref<1x128xi32, #tpu.memory_space<vmem>> -> memref<128xi32, #tpu.memory_space<vmem>>
    %dma_start3A_106 = arith.constant 0 : i32
    %dma_start3A_107 = arith.constant 0 : i32
    %dma_start3A_108 = tpu.memref_slice %arg9[%dma_start3A_106, %dma_start3A_107] : memref<10240x32xf32, #tpu.memory_space<vmem_shared>> -> memref<10240x32xf32, #tpu.memory_space<vmem_shared>>
    tpu.enqueue_indirect_dma source(%arg13 : memref<128x32xf32, #tpu.memory_space<vmem>>) target(%dma_start3A_108 : memref<10240x32xf32, #tpu.memory_space<vmem_shared>>) offsets(%dma_start3A_105 : memref<128xi32, #tpu.memory_space<vmem>>) semaphore(%arg29 : memref<!tpu.dma_semaphore, #tpu.memory_space<semaphore_mem>>) {add = true}
    %dma_wait3A_109 = arith.constant 3 : i32
    %dma_wait3A_110 = arith.constant 0 : i32
    %dma_wait3A_111 = tpu.memref_slice %arg7[%dma_wait3A_109, %dma_wait3A_110] : memref<80x128xi32, #tpu.memory_space<vmem>> -> memref<1x128xi32, #tpu.memory_space<vmem>>
    %dma_wait3A_112 = tpu.memref_squeeze %dma_wait3A_111 : memref<1x128xi32, #tpu.memory_space<vmem>> -> memref<128xi32, #tpu.memory_space<vmem>>
    %dma_wait3A_113 = arith.constant 0 : i32
    %dma_wait3A_114 = arith.constant 0 : i32
    %dma_wait3A_115 = tpu.memref_slice %arg10[%dma_wait3A_113, %dma_wait3A_114] : memref<10240x32xf32, #tpu.memory_space<vmem_shared>> -> memref<10240x32xf32, #tpu.memory_space<vmem_shared>>
    tpu.wait_indirect_dma semaphore(%arg22 : memref<!tpu.dma_semaphore, #tpu.memory_space<semaphore_mem>>) src(%dma_wait3A_115 : memref<10240x32xf32, #tpu.memory_space<vmem_shared>>) dst(%arg14 : memref<128x32xf32, #tpu.memory_space<vmem>>)
    %dma_start3A_116 = arith.constant 3 : i32
    %dma_start3A_117 = arith.constant 0 : i32
    %dma_start3A_118 = tpu.memref_slice %arg8[%dma_start3A_116, %dma_start3A_117] : memref<80x128xi32, #tpu.memory_space<vmem>> -> memref<1x128xi32, #tpu.memory_space<vmem>>
    %dma_start3A_119 = tpu.memref_squeeze %dma_start3A_118 : memref<1x128xi32, #tpu.memory_space<vmem>> -> memref<128xi32, #tpu.memory_space<vmem>>
    %dma_start3A_120 = arith.constant 0 : i32
    %dma_start3A_121 = arith.constant 0 : i32
    %dma_start3A_122 = tpu.memref_slice %arg9[%dma_start3A_120, %dma_start3A_121] : memref<10240x32xf32, #tpu.memory_space<vmem_shared>> -> memref<10240x32xf32, #tpu.memory_space<vmem_shared>>
    tpu.enqueue_indirect_dma source(%arg14 : memref<128x32xf32, #tpu.memory_space<vmem>>) target(%dma_start3A_122 : memref<10240x32xf32, #tpu.memory_space<vmem_shared>>) offsets(%dma_start3A_119 : memref<128xi32, #tpu.memory_space<vmem>>) semaphore(%arg30 : memref<!tpu.dma_semaphore, #tpu.memory_space<semaphore_mem>>) {add = true}
    %dma_wait3A_123 = arith.constant 4 : i32
    %dma_wait3A_124 = arith.constant 0 : i32
    %dma_wait3A_125 = tpu.memref_slice %arg7[%dma_wait3A_123, %dma_wait3A_124] : memref<80x128xi32, #tpu.memory_space<vmem>> -> memref<1x128xi32, #tpu.memory_space<vmem>>
    %dma_wait3A_126 = tpu.memref_squeeze %dma_wait3A_125 : memref<1x128xi32, #tpu.memory_space<vmem>> -> memref<128xi32, #tpu.memory_space<vmem>>
    %dma_wait3A_127 = arith.constant 0 : i32
    %dma_wait3A_128 = arith.constant 0 : i32
    %dma_wait3A_129 = tpu.memref_slice %arg10[%dma_wait3A_127, %dma_wait3A_128] : memref<10240x32xf32, #tpu.memory_space<vmem_shared>> -> memref<10240x32xf32, #tpu.memory_space<vmem_shared>>
    tpu.wait_indirect_dma semaphore(%arg23 : memref<!tpu.dma_semaphore, #tpu.memory_space<semaphore_mem>>) src(%dma_wait3A_129 : memref<10240x32xf32, #tpu.memory_space<vmem_shared>>) dst(%arg15 : memref<128x32xf32, #tpu.memory_space<vmem>>)
    %dma_start3A_130 = arith.constant 4 : i32
    %dma_start3A_131 = arith.constant 0 : i32
    %dma_start3A_132 = tpu.memref_slice %arg8[%dma_start3A_130, %dma_start3A_131] : memref<80x128xi32, #tpu.memory_space<vmem>> -> memref<1x128xi32, #tpu.memory_space<vmem>>
    %dma_start3A_133 = tpu.memref_squeeze %dma_start3A_132 : memref<1x128xi32, #tpu.memory_space<vmem>> -> memref<128xi32, #tpu.memory_space<vmem>>
    %dma_start3A_134 = arith.constant 0 : i32
    %dma_start3A_135 = arith.constant 0 : i32
    %dma_start3A_136 = tpu.memref_slice %arg9[%dma_start3A_134, %dma_start3A_135] : memref<10240x32xf32, #tpu.memory_space<vmem_shared>> -> memref<10240x32xf32, #tpu.memory_space<vmem_shared>>
    tpu.enqueue_indirect_dma source(%arg15 : memref<128x32xf32, #tpu.memory_space<vmem>>) target(%dma_start3A_136 : memref<10240x32xf32, #tpu.memory_space<vmem_shared>>) offsets(%dma_start3A_133 : memref<128xi32, #tpu.memory_space<vmem>>) semaphore(%arg31 : memref<!tpu.dma_semaphore, #tpu.memory_space<semaphore_mem>>) {add = true}
    %dma_wait3A_137 = arith.constant 5 : i32
    %dma_wait3A_138 = arith.constant 0 : i32
    %dma_wait3A_139 = tpu.memref_slice %arg7[%dma_wait3A_137, %dma_wait3A_138] : memref<80x128xi32, #tpu.memory_space<vmem>> -> memref<1x128xi32, #tpu.memory_space<vmem>>
    %dma_wait3A_140 = tpu.memref_squeeze %dma_wait3A_139 : memref<1x128xi32, #tpu.memory_space<vmem>> -> memref<128xi32, #tpu.memory_space<vmem>>
    %dma_wait3A_141 = arith.constant 0 : i32
    %dma_wait3A_142 = arith.constant 0 : i32
    %dma_wait3A_143 = tpu.memref_slice %arg10[%dma_wait3A_141, %dma_wait3A_142] : memref<10240x32xf32, #tpu.memory_space<vmem_shared>> -> memref<10240x32xf32, #tpu.memory_space<vmem_shared>>
    tpu.wait_indirect_dma semaphore(%arg24 : memref<!tpu.dma_semaphore, #tpu.memory_space<semaphore_mem>>) src(%dma_wait3A_143 : memref<10240x32xf32, #tpu.memory_space<vmem_shared>>) dst(%arg16 : memref<128x32xf32, #tpu.memory_space<vmem>>)
    %dma_start3A_144 = arith.constant 5 : i32
    %dma_start3A_145 = arith.constant 0 : i32
    %dma_start3A_146 = tpu.memref_slice %arg8[%dma_start3A_144, %dma_start3A_145] : memref<80x128xi32, #tpu.memory_space<vmem>> -> memref<1x128xi32, #tpu.memory_space<vmem>>
    %dma_start3A_147 = tpu.memref_squeeze %dma_start3A_146 : memref<1x128xi32, #tpu.memory_space<vmem>> -> memref<128xi32, #tpu.memory_space<vmem>>
    %dma_start3A_148 = arith.constant 0 : i32
    %dma_start3A_149 = arith.constant 0 : i32
    %dma_start3A_150 = tpu.memref_slice %arg9[%dma_start3A_148, %dma_start3A_149] : memref<10240x32xf32, #tpu.memory_space<vmem_shared>> -> memref<10240x32xf32, #tpu.memory_space<vmem_shared>>
    tpu.enqueue_indirect_dma source(%arg16 : memref<128x32xf32, #tpu.memory_space<vmem>>) target(%dma_start3A_150 : memref<10240x32xf32, #tpu.memory_space<vmem_shared>>) offsets(%dma_start3A_147 : memref<128xi32, #tpu.memory_space<vmem>>) semaphore(%arg32 : memref<!tpu.dma_semaphore, #tpu.memory_space<semaphore_mem>>) {add = true}
    %dma_wait3A_151 = arith.constant 6 : i32
    %dma_wait3A_152 = arith.constant 0 : i32
    %dma_wait3A_153 = tpu.memref_slice %arg7[%dma_wait3A_151, %dma_wait3A_152] : memref<80x128xi32, #tpu.memory_space<vmem>> -> memref<1x128xi32, #tpu.memory_space<vmem>>
    %dma_wait3A_154 = tpu.memref_squeeze %dma_wait3A_153 : memref<1x128xi32, #tpu.memory_space<vmem>> -> memref<128xi32, #tpu.memory_space<vmem>>
    %dma_wait3A_155 = arith.constant 0 : i32
    %dma_wait3A_156 = arith.constant 0 : i32
    %dma_wait3A_157 = tpu.memref_slice %arg10[%dma_wait3A_155, %dma_wait3A_156] : memref<10240x32xf32, #tpu.memory_space<vmem_shared>> -> memref<10240x32xf32, #tpu.memory_space<vmem_shared>>
    tpu.wait_indirect_dma semaphore(%arg25 : memref<!tpu.dma_semaphore, #tpu.memory_space<semaphore_mem>>) src(%dma_wait3A_157 : memref<10240x32xf32, #tpu.memory_space<vmem_shared>>) dst(%arg17 : memref<128x32xf32, #tpu.memory_space<vmem>>)
    %dma_start3A_158 = arith.constant 6 : i32
    %dma_start3A_159 = arith.constant 0 : i32
    %dma_start3A_160 = tpu.memref_slice %arg8[%dma_start3A_158, %dma_start3A_159] : memref<80x128xi32, #tpu.memory_space<vmem>> -> memref<1x128xi32, #tpu.memory_space<vmem>>
    %dma_start3A_161 = tpu.memref_squeeze %dma_start3A_160 : memref<1x128xi32, #tpu.memory_space<vmem>> -> memref<128xi32, #tpu.memory_space<vmem>>
    %dma_start3A_162 = arith.constant 0 : i32
    %dma_start3A_163 = arith.constant 0 : i32
    %dma_start3A_164 = tpu.memref_slice %arg9[%dma_start3A_162, %dma_start3A_163] : memref<10240x32xf32, #tpu.memory_space<vmem_shared>> -> memref<10240x32xf32, #tpu.memory_space<vmem_shared>>
    tpu.enqueue_indirect_dma source(%arg17 : memref<128x32xf32, #tpu.memory_space<vmem>>) target(%dma_start3A_164 : memref<10240x32xf32, #tpu.memory_space<vmem_shared>>) offsets(%dma_start3A_161 : memref<128xi32, #tpu.memory_space<vmem>>) semaphore(%arg33 : memref<!tpu.dma_semaphore, #tpu.memory_space<semaphore_mem>>) {add = true}
    %dma_wait3A_165 = arith.constant 7 : i32
    %dma_wait3A_166 = arith.constant 0 : i32
    %dma_wait3A_167 = tpu.memref_slice %arg7[%dma_wait3A_165, %dma_wait3A_166] : memref<80x128xi32, #tpu.memory_space<vmem>> -> memref<1x128xi32, #tpu.memory_space<vmem>>
    %dma_wait3A_168 = tpu.memref_squeeze %dma_wait3A_167 : memref<1x128xi32, #tpu.memory_space<vmem>> -> memref<128xi32, #tpu.memory_space<vmem>>
    %dma_wait3A_169 = arith.constant 0 : i32
    %dma_wait3A_170 = arith.constant 0 : i32
    %dma_wait3A_171 = tpu.memref_slice %arg10[%dma_wait3A_169, %dma_wait3A_170] : memref<10240x32xf32, #tpu.memory_space<vmem_shared>> -> memref<10240x32xf32, #tpu.memory_space<vmem_shared>>
    tpu.wait_indirect_dma semaphore(%arg26 : memref<!tpu.dma_semaphore, #tpu.memory_space<semaphore_mem>>) src(%dma_wait3A_171 : memref<10240x32xf32, #tpu.memory_space<vmem_shared>>) dst(%arg18 : memref<128x32xf32, #tpu.memory_space<vmem>>)
    %dma_start3A_172 = arith.constant 7 : i32
    %dma_start3A_173 = arith.constant 0 : i32
    %dma_start3A_174 = tpu.memref_slice %arg8[%dma_start3A_172, %dma_start3A_173] : memref<80x128xi32, #tpu.memory_space<vmem>> -> memref<1x128xi32, #tpu.memory_space<vmem>>
    %dma_start3A_175 = tpu.memref_squeeze %dma_start3A_174 : memref<1x128xi32, #tpu.memory_space<vmem>> -> memref<128xi32, #tpu.memory_space<vmem>>
    %dma_start3A_176 = arith.constant 0 : i32
    %dma_start3A_177 = arith.constant 0 : i32
    %dma_start3A_178 = tpu.memref_slice %arg9[%dma_start3A_176, %dma_start3A_177] : memref<10240x32xf32, #tpu.memory_space<vmem_shared>> -> memref<10240x32xf32, #tpu.memory_space<vmem_shared>>
    tpu.enqueue_indirect_dma source(%arg18 : memref<128x32xf32, #tpu.memory_space<vmem>>) target(%dma_start3A_178 : memref<10240x32xf32, #tpu.memory_space<vmem_shared>>) offsets(%dma_start3A_175 : memref<128xi32, #tpu.memory_space<vmem>>) semaphore(%arg34 : memref<!tpu.dma_semaphore, #tpu.memory_space<semaphore_mem>>) {add = true}
    %scan3A = arith.constant 0 : i32
    %scan3A_179 = arith.constant 1 : i32
    %scan3A_180 = arith.constant 9 : i32
    %scan3A_181 = arith.addi %scan3A_179, %scan3A_180 : i32
    %scan3A_182 = arith.constant 1 : i32
    scf.for %scan3A_245 = %scan3A_179 to %scan3A_181 step %scan3A_182  : i32 {
      %mul3A_246 = arith.constant 8 : i32
      %mul3A_247 = arith.muli %scan3A_245, %mul3A_246 : i32
      %add3A_248 = arith.constant 0 : i32
      %add3A_249 = arith.addi %mul3A_247, %add3A_248 : i32
      %dma_wait3A_250 = arith.constant 0 : i32
      %dma_wait3A_251 = tpu.memref_slice %arg8[%add3A_249, %dma_wait3A_250] : memref<80x128xi32, #tpu.memory_space<vmem>> -> memref<1x128xi32, #tpu.memory_space<vmem>>
      %dma_wait3A_252 = tpu.memref_squeeze %dma_wait3A_251 : memref<1x128xi32, #tpu.memory_space<vmem>> -> memref<128xi32, #tpu.memory_space<vmem>>
      %dma_wait3A_253 = arith.constant 0 : i32
      %dma_wait3A_254 = arith.constant 0 : i32
      %dma_wait3A_255 = tpu.memref_slice %arg9[%dma_wait3A_253, %dma_wait3A_254] : memref<10240x32xf32, #tpu.memory_space<vmem_shared>> -> memref<10240x32xf32, #tpu.memory_space<vmem_shared>>
      tpu.wait_indirect_dma semaphore(%arg27 : memref<!tpu.dma_semaphore, #tpu.memory_space<semaphore_mem>>) src(%arg11 : memref<128x32xf32, #tpu.memory_space<vmem>>) dst(%dma_wait3A_255 : memref<10240x32xf32, #tpu.memory_space<vmem_shared>>)
      %add3A_256 = arith.constant 0 : i32
      %add3A_257 = arith.addi %mul3A_247, %add3A_256 : i32
      %dma_start3A_258 = arith.constant 0 : i32
      %dma_start3A_259 = tpu.memref_slice %arg7[%add3A_257, %dma_start3A_258] : memref<80x128xi32, #tpu.memory_space<vmem>> -> memref<1x128xi32, #tpu.memory_space<vmem>>
      %dma_start3A_260 = tpu.memref_squeeze %dma_start3A_259 : memref<1x128xi32, #tpu.memory_space<vmem>> -> memref<128xi32, #tpu.memory_space<vmem>>
      %dma_start3A_261 = arith.constant 0 : i32
      %dma_start3A_262 = arith.constant 0 : i32
      %dma_start3A_263 = tpu.memref_slice %arg10[%dma_start3A_261, %dma_start3A_262] : memref<10240x32xf32, #tpu.memory_space<vmem_shared>> -> memref<10240x32xf32, #tpu.memory_space<vmem_shared>>
      tpu.enqueue_indirect_dma source(%dma_start3A_263 : memref<10240x32xf32, #tpu.memory_space<vmem_shared>>) target(%arg11 : memref<128x32xf32, #tpu.memory_space<vmem>>) offsets(%dma_start3A_260 : memref<128xi32, #tpu.memory_space<vmem>>) semaphore(%arg19 : memref<!tpu.dma_semaphore, #tpu.memory_space<semaphore_mem>>)
      %add3A_264 = arith.constant 1 : i32
      %add3A_265 = arith.addi %mul3A_247, %add3A_264 : i32
      %dma_wait3A_266 = arith.constant 0 : i32
      %dma_wait3A_267 = tpu.memref_slice %arg8[%add3A_265, %dma_wait3A_266] : memref<80x128xi32, #tpu.memory_space<vmem>> -> memref<1x128xi32, #tpu.memory_space<vmem>>
      %dma_wait3A_268 = tpu.memref_squeeze %dma_wait3A_267 : memref<1x128xi32, #tpu.memory_space<vmem>> -> memref<128xi32, #tpu.memory_space<vmem>>
      %dma_wait3A_269 = arith.constant 0 : i32
      %dma_wait3A_270 = arith.constant 0 : i32
      %dma_wait3A_271 = tpu.memref_slice %arg9[%dma_wait3A_269, %dma_wait3A_270] : memref<10240x32xf32, #tpu.memory_space<vmem_shared>> -> memref<10240x32xf32, #tpu.memory_space<vmem_shared>>
      tpu.wait_indirect_dma semaphore(%arg28 : memref<!tpu.dma_semaphore, #tpu.memory_space<semaphore_mem>>) src(%arg12 : memref<128x32xf32, #tpu.memory_space<vmem>>) dst(%dma_wait3A_271 : memref<10240x32xf32, #tpu.memory_space<vmem_shared>>)
      %add3A_272 = arith.constant 1 : i32
      %add3A_273 = arith.addi %mul3A_247, %add3A_272 : i32
      %dma_start3A_274 = arith.constant 0 : i32
      %dma_start3A_275 = tpu.memref_slice %arg7[%add3A_273, %dma_start3A_274] : memref<80x128xi32, #tpu.memory_space<vmem>> -> memref<1x128xi32, #tpu.memory_space<vmem>>
      %dma_start3A_276 = tpu.memref_squeeze %dma_start3A_275 : memref<1x128xi32, #tpu.memory_space<vmem>> -> memref<128xi32, #tpu.memory_space<vmem>>
      %dma_start3A_277 = arith.constant 0 : i32
      %dma_start3A_278 = arith.constant 0 : i32
      %dma_start3A_279 = tpu.memref_slice %arg10[%dma_start3A_277, %dma_start3A_278] : memref<10240x32xf32, #tpu.memory_space<vmem_shared>> -> memref<10240x32xf32, #tpu.memory_space<vmem_shared>>
      tpu.enqueue_indirect_dma source(%dma_start3A_279 : memref<10240x32xf32, #tpu.memory_space<vmem_shared>>) target(%arg12 : memref<128x32xf32, #tpu.memory_space<vmem>>) offsets(%dma_start3A_276 : memref<128xi32, #tpu.memory_space<vmem>>) semaphore(%arg20 : memref<!tpu.dma_semaphore, #tpu.memory_space<semaphore_mem>>)
      %add3A_280 = arith.constant 2 : i32
      %add3A_281 = arith.addi %mul3A_247, %add3A_280 : i32
      %dma_wait3A_282 = arith.constant 0 : i32
      %dma_wait3A_283 = tpu.memref_slice %arg8[%add3A_281, %dma_wait3A_282] : memref<80x128xi32, #tpu.memory_space<vmem>> -> memref<1x128xi32, #tpu.memory_space<vmem>>
      %dma_wait3A_284 = tpu.memref_squeeze %dma_wait3A_283 : memref<1x128xi32, #tpu.memory_space<vmem>> -> memref<128xi32, #tpu.memory_space<vmem>>
      %dma_wait3A_285 = arith.constant 0 : i32
      %dma_wait3A_286 = arith.constant 0 : i32
      %dma_wait3A_287 = tpu.memref_slice %arg9[%dma_wait3A_285, %dma_wait3A_286] : memref<10240x32xf32, #tpu.memory_space<vmem_shared>> -> memref<10240x32xf32, #tpu.memory_space<vmem_shared>>
      tpu.wait_indirect_dma semaphore(%arg29 : memref<!tpu.dma_semaphore, #tpu.memory_space<semaphore_mem>>) src(%arg13 : memref<128x32xf32, #tpu.memory_space<vmem>>) dst(%dma_wait3A_287 : memref<10240x32xf32, #tpu.memory_space<vmem_shared>>)
      %add3A_288 = arith.constant 2 : i32
      %add3A_289 = arith.addi %mul3A_247, %add3A_288 : i32
      %dma_start3A_290 = arith.constant 0 : i32
      %dma_start3A_291 = tpu.memref_slice %arg7[%add3A_289, %dma_start3A_290] : memref<80x128xi32, #tpu.memory_space<vmem>> -> memref<1x128xi32, #tpu.memory_space<vmem>>
      %dma_start3A_292 = tpu.memref_squeeze %dma_start3A_291 : memref<1x128xi32, #tpu.memory_space<vmem>> -> memref<128xi32, #tpu.memory_space<vmem>>
      %dma_start3A_293 = arith.constant 0 : i32
      %dma_start3A_294 = arith.constant 0 : i32
      %dma_start3A_295 = tpu.memref_slice %arg10[%dma_start3A_293, %dma_start3A_294] : memref<10240x32xf32, #tpu.memory_space<vmem_shared>> -> memref<10240x32xf32, #tpu.memory_space<vmem_shared>>
      tpu.enqueue_indirect_dma source(%dma_start3A_295 : memref<10240x32xf32, #tpu.memory_space<vmem_shared>>) target(%arg13 : memref<128x32xf32, #tpu.memory_space<vmem>>) offsets(%dma_start3A_292 : memref<128xi32, #tpu.memory_space<vmem>>) semaphore(%arg21 : memref<!tpu.dma_semaphore, #tpu.memory_space<semaphore_mem>>)
      %add3A_296 = arith.constant 3 : i32
      %add3A_297 = arith.addi %mul3A_247, %add3A_296 : i32
      %dma_wait3A_298 = arith.constant 0 : i32
      %dma_wait3A_299 = tpu.memref_slice %arg8[%add3A_297, %dma_wait3A_298] : memref<80x128xi32, #tpu.memory_space<vmem>> -> memref<1x128xi32, #tpu.memory_space<vmem>>
      %dma_wait3A_300 = tpu.memref_squeeze %dma_wait3A_299 : memref<1x128xi32, #tpu.memory_space<vmem>> -> memref<128xi32, #tpu.memory_space<vmem>>
      %dma_wait3A_301 = arith.constant 0 : i32
      %dma_wait3A_302 = arith.constant 0 : i32
      %dma_wait3A_303 = tpu.memref_slice %arg9[%dma_wait3A_301, %dma_wait3A_302] : memref<10240x32xf32, #tpu.memory_space<vmem_shared>> -> memref<10240x32xf32, #tpu.memory_space<vmem_shared>>
      tpu.wait_indirect_dma semaphore(%arg30 : memref<!tpu.dma_semaphore, #tpu.memory_space<semaphore_mem>>) src(%arg14 : memref<128x32xf32, #tpu.memory_space<vmem>>) dst(%dma_wait3A_303 : memref<10240x32xf32, #tpu.memory_space<vmem_shared>>)
      %add3A_304 = arith.constant 3 : i32
      %add3A_305 = arith.addi %mul3A_247, %add3A_304 : i32
      %dma_start3A_306 = arith.constant 0 : i32
      %dma_start3A_307 = tpu.memref_slice %arg7[%add3A_305, %dma_start3A_306] : memref<80x128xi32, #tpu.memory_space<vmem>> -> memref<1x128xi32, #tpu.memory_space<vmem>>
      %dma_start3A_308 = tpu.memref_squeeze %dma_start3A_307 : memref<1x128xi32, #tpu.memory_space<vmem>> -> memref<128xi32, #tpu.memory_space<vmem>>
      %dma_start3A_309 = arith.constant 0 : i32
      %dma_start3A_310 = arith.constant 0 : i32
      %dma_start3A_311 = tpu.memref_slice %arg10[%dma_start3A_309, %dma_start3A_310] : memref<10240x32xf32, #tpu.memory_space<vmem_shared>> -> memref<10240x32xf32, #tpu.memory_space<vmem_shared>>
      tpu.enqueue_indirect_dma source(%dma_start3A_311 : memref<10240x32xf32, #tpu.memory_space<vmem_shared>>) target(%arg14 : memref<128x32xf32, #tpu.memory_space<vmem>>) offsets(%dma_start3A_308 : memref<128xi32, #tpu.memory_space<vmem>>) semaphore(%arg22 : memref<!tpu.dma_semaphore, #tpu.memory_space<semaphore_mem>>)
      %add3A_312 = arith.constant 4 : i32
      %add3A_313 = arith.addi %mul3A_247, %add3A_312 : i32
      %dma_wait3A_314 = arith.constant 0 : i32
      %dma_wait3A_315 = tpu.memref_slice %arg8[%add3A_313, %dma_wait3A_314] : memref<80x128xi32, #tpu.memory_space<vmem>> -> memref<1x128xi32, #tpu.memory_space<vmem>>
      %dma_wait3A_316 = tpu.memref_squeeze %dma_wait3A_315 : memref<1x128xi32, #tpu.memory_space<vmem>> -> memref<128xi32, #tpu.memory_space<vmem>>
      %dma_wait3A_317 = arith.constant 0 : i32
      %dma_wait3A_318 = arith.constant 0 : i32
      %dma_wait3A_319 = tpu.memref_slice %arg9[%dma_wait3A_317, %dma_wait3A_318] : memref<10240x32xf32, #tpu.memory_space<vmem_shared>> -> memref<10240x32xf32, #tpu.memory_space<vmem_shared>>
      tpu.wait_indirect_dma semaphore(%arg31 : memref<!tpu.dma_semaphore, #tpu.memory_space<semaphore_mem>>) src(%arg15 : memref<128x32xf32, #tpu.memory_space<vmem>>) dst(%dma_wait3A_319 : memref<10240x32xf32, #tpu.memory_space<vmem_shared>>)
      %add3A_320 = arith.constant 4 : i32
      %add3A_321 = arith.addi %mul3A_247, %add3A_320 : i32
      %dma_start3A_322 = arith.constant 0 : i32
      %dma_start3A_323 = tpu.memref_slice %arg7[%add3A_321, %dma_start3A_322] : memref<80x128xi32, #tpu.memory_space<vmem>> -> memref<1x128xi32, #tpu.memory_space<vmem>>
      %dma_start3A_324 = tpu.memref_squeeze %dma_start3A_323 : memref<1x128xi32, #tpu.memory_space<vmem>> -> memref<128xi32, #tpu.memory_space<vmem>>
      %dma_start3A_325 = arith.constant 0 : i32
      %dma_start3A_326 = arith.constant 0 : i32
      %dma_start3A_327 = tpu.memref_slice %arg10[%dma_start3A_325, %dma_start3A_326] : memref<10240x32xf32, #tpu.memory_space<vmem_shared>> -> memref<10240x32xf32, #tpu.memory_space<vmem_shared>>
      tpu.enqueue_indirect_dma source(%dma_start3A_327 : memref<10240x32xf32, #tpu.memory_space<vmem_shared>>) target(%arg15 : memref<128x32xf32, #tpu.memory_space<vmem>>) offsets(%dma_start3A_324 : memref<128xi32, #tpu.memory_space<vmem>>) semaphore(%arg23 : memref<!tpu.dma_semaphore, #tpu.memory_space<semaphore_mem>>)
      %add3A_328 = arith.constant 5 : i32
      %add3A_329 = arith.addi %mul3A_247, %add3A_328 : i32
      %dma_wait3A_330 = arith.constant 0 : i32
      %dma_wait3A_331 = tpu.memref_slice %arg8[%add3A_329, %dma_wait3A_330] : memref<80x128xi32, #tpu.memory_space<vmem>> -> memref<1x128xi32, #tpu.memory_space<vmem>>
      %dma_wait3A_332 = tpu.memref_squeeze %dma_wait3A_331 : memref<1x128xi32, #tpu.memory_space<vmem>> -> memref<128xi32, #tpu.memory_space<vmem>>
      %dma_wait3A_333 = arith.constant 0 : i32
      %dma_wait3A_334 = arith.constant 0 : i32
      %dma_wait3A_335 = tpu.memref_slice %arg9[%dma_wait3A_333, %dma_wait3A_334] : memref<10240x32xf32, #tpu.memory_space<vmem_shared>> -> memref<10240x32xf32, #tpu.memory_space<vmem_shared>>
      tpu.wait_indirect_dma semaphore(%arg32 : memref<!tpu.dma_semaphore, #tpu.memory_space<semaphore_mem>>) src(%arg16 : memref<128x32xf32, #tpu.memory_space<vmem>>) dst(%dma_wait3A_335 : memref<10240x32xf32, #tpu.memory_space<vmem_shared>>)
      %add3A_336 = arith.constant 5 : i32
      %add3A_337 = arith.addi %mul3A_247, %add3A_336 : i32
      %dma_start3A_338 = arith.constant 0 : i32
      %dma_start3A_339 = tpu.memref_slice %arg7[%add3A_337, %dma_start3A_338] : memref<80x128xi32, #tpu.memory_space<vmem>> -> memref<1x128xi32, #tpu.memory_space<vmem>>
      %dma_start3A_340 = tpu.memref_squeeze %dma_start3A_339 : memref<1x128xi32, #tpu.memory_space<vmem>> -> memref<128xi32, #tpu.memory_space<vmem>>
      %dma_start3A_341 = arith.constant 0 : i32
      %dma_start3A_342 = arith.constant 0 : i32
      %dma_start3A_343 = tpu.memref_slice %arg10[%dma_start3A_341, %dma_start3A_342] : memref<10240x32xf32, #tpu.memory_space<vmem_shared>> -> memref<10240x32xf32, #tpu.memory_space<vmem_shared>>
      tpu.enqueue_indirect_dma source(%dma_start3A_343 : memref<10240x32xf32, #tpu.memory_space<vmem_shared>>) target(%arg16 : memref<128x32xf32, #tpu.memory_space<vmem>>) offsets(%dma_start3A_340 : memref<128xi32, #tpu.memory_space<vmem>>) semaphore(%arg24 : memref<!tpu.dma_semaphore, #tpu.memory_space<semaphore_mem>>)
      %add3A_344 = arith.constant 6 : i32
      %add3A_345 = arith.addi %mul3A_247, %add3A_344 : i32
      %dma_wait3A_346 = arith.constant 0 : i32
      %dma_wait3A_347 = tpu.memref_slice %arg8[%add3A_345, %dma_wait3A_346] : memref<80x128xi32, #tpu.memory_space<vmem>> -> memref<1x128xi32, #tpu.memory_space<vmem>>
      %dma_wait3A_348 = tpu.memref_squeeze %dma_wait3A_347 : memref<1x128xi32, #tpu.memory_space<vmem>> -> memref<128xi32, #tpu.memory_space<vmem>>
      %dma_wait3A_349 = arith.constant 0 : i32
      %dma_wait3A_350 = arith.constant 0 : i32
      %dma_wait3A_351 = tpu.memref_slice %arg9[%dma_wait3A_349, %dma_wait3A_350] : memref<10240x32xf32, #tpu.memory_space<vmem_shared>> -> memref<10240x32xf32, #tpu.memory_space<vmem_shared>>
      tpu.wait_indirect_dma semaphore(%arg33 : memref<!tpu.dma_semaphore, #tpu.memory_space<semaphore_mem>>) src(%arg17 : memref<128x32xf32, #tpu.memory_space<vmem>>) dst(%dma_wait3A_351 : memref<10240x32xf32, #tpu.memory_space<vmem_shared>>)
      %add3A_352 = arith.constant 6 : i32
      %add3A_353 = arith.addi %mul3A_247, %add3A_352 : i32
      %dma_start3A_354 = arith.constant 0 : i32
      %dma_start3A_355 = tpu.memref_slice %arg7[%add3A_353, %dma_start3A_354] : memref<80x128xi32, #tpu.memory_space<vmem>> -> memref<1x128xi32, #tpu.memory_space<vmem>>
      %dma_start3A_356 = tpu.memref_squeeze %dma_start3A_355 : memref<1x128xi32, #tpu.memory_space<vmem>> -> memref<128xi32, #tpu.memory_space<vmem>>
      %dma_start3A_357 = arith.constant 0 : i32
      %dma_start3A_358 = arith.constant 0 : i32
      %dma_start3A_359 = tpu.memref_slice %arg10[%dma_start3A_357, %dma_start3A_358] : memref<10240x32xf32, #tpu.memory_space<vmem_shared>> -> memref<10240x32xf32, #tpu.memory_space<vmem_shared>>
      tpu.enqueue_indirect_dma source(%dma_start3A_359 : memref<10240x32xf32, #tpu.memory_space<vmem_shared>>) target(%arg17 : memref<128x32xf32, #tpu.memory_space<vmem>>) offsets(%dma_start3A_356 : memref<128xi32, #tpu.memory_space<vmem>>) semaphore(%arg25 : memref<!tpu.dma_semaphore, #tpu.memory_space<semaphore_mem>>)
      %add3A_360 = arith.constant 7 : i32
      %add3A_361 = arith.addi %mul3A_247, %add3A_360 : i32
      %dma_wait3A_362 = arith.constant 0 : i32
      %dma_wait3A_363 = tpu.memref_slice %arg8[%add3A_361, %dma_wait3A_362] : memref<80x128xi32, #tpu.memory_space<vmem>> -> memref<1x128xi32, #tpu.memory_space<vmem>>
      %dma_wait3A_364 = tpu.memref_squeeze %dma_wait3A_363 : memref<1x128xi32, #tpu.memory_space<vmem>> -> memref<128xi32, #tpu.memory_space<vmem>>
      %dma_wait3A_365 = arith.constant 0 : i32
      %dma_wait3A_366 = arith.constant 0 : i32
      %dma_wait3A_367 = tpu.memref_slice %arg9[%dma_wait3A_365, %dma_wait3A_366] : memref<10240x32xf32, #tpu.memory_space<vmem_shared>> -> memref<10240x32xf32, #tpu.memory_space<vmem_shared>>
      tpu.wait_indirect_dma semaphore(%arg34 : memref<!tpu.dma_semaphore, #tpu.memory_space<semaphore_mem>>) src(%arg18 : memref<128x32xf32, #tpu.memory_space<vmem>>) dst(%dma_wait3A_367 : memref<10240x32xf32, #tpu.memory_space<vmem_shared>>)
      %add3A_368 = arith.constant 7 : i32
      %add3A_369 = arith.addi %mul3A_247, %add3A_368 : i32
      %dma_start3A_370 = arith.constant 0 : i32
      %dma_start3A_371 = tpu.memref_slice %arg7[%add3A_369, %dma_start3A_370] : memref<80x128xi32, #tpu.memory_space<vmem>> -> memref<1x128xi32, #tpu.memory_space<vmem>>
      %dma_start3A_372 = tpu.memref_squeeze %dma_start3A_371 : memref<1x128xi32, #tpu.memory_space<vmem>> -> memref<128xi32, #tpu.memory_space<vmem>>
      %dma_start3A_373 = arith.constant 0 : i32
      %dma_start3A_374 = arith.constant 0 : i32
      %dma_start3A_375 = tpu.memref_slice %arg10[%dma_start3A_373, %dma_start3A_374] : memref<10240x32xf32, #tpu.memory_space<vmem_shared>> -> memref<10240x32xf32, #tpu.memory_space<vmem_shared>>
      tpu.enqueue_indirect_dma source(%dma_start3A_375 : memref<10240x32xf32, #tpu.memory_space<vmem_shared>>) target(%arg18 : memref<128x32xf32, #tpu.memory_space<vmem>>) offsets(%dma_start3A_372 : memref<128xi32, #tpu.memory_space<vmem>>) semaphore(%arg26 : memref<!tpu.dma_semaphore, #tpu.memory_space<semaphore_mem>>)
      %add3A_376 = arith.constant 0 : i32
      %add3A_377 = arith.addi %mul3A_247, %add3A_376 : i32
      %dma_wait3A_378 = arith.constant 0 : i32
      %dma_wait3A_379 = tpu.memref_slice %arg7[%add3A_377, %dma_wait3A_378] : memref<80x128xi32, #tpu.memory_space<vmem>> -> memref<1x128xi32, #tpu.memory_space<vmem>>
      %dma_wait3A_380 = tpu.memref_squeeze %dma_wait3A_379 : memref<1x128xi32, #tpu.memory_space<vmem>> -> memref<128xi32, #tpu.memory_space<vmem>>
      %dma_wait3A_381 = arith.constant 0 : i32
      %dma_wait3A_382 = arith.constant 0 : i32
      %dma_wait3A_383 = tpu.memref_slice %arg10[%dma_wait3A_381, %dma_wait3A_382] : memref<10240x32xf32, #tpu.memory_space<vmem_shared>> -> memref<10240x32xf32, #tpu.memory_space<vmem_shared>>
      tpu.wait_indirect_dma semaphore(%arg19 : memref<!tpu.dma_semaphore, #tpu.memory_space<semaphore_mem>>) src(%dma_wait3A_383 : memref<10240x32xf32, #tpu.memory_space<vmem_shared>>) dst(%arg11 : memref<128x32xf32, #tpu.memory_space<vmem>>)
      %add3A_384 = arith.constant 0 : i32
      %add3A_385 = arith.addi %mul3A_247, %add3A_384 : i32
      %dma_start3A_386 = arith.constant 0 : i32
      %dma_start3A_387 = tpu.memref_slice %arg8[%add3A_385, %dma_start3A_386] : memref<80x128xi32, #tpu.memory_space<vmem>> -> memref<1x128xi32, #tpu.memory_space<vmem>>
      %dma_start3A_388 = tpu.memref_squeeze %dma_start3A_387 : memref<1x128xi32, #tpu.memory_space<vmem>> -> memref<128xi32, #tpu.memory_space<vmem>>
      %dma_start3A_389 = arith.constant 0 : i32
      %dma_start3A_390 = arith.constant 0 : i32
      %dma_start3A_391 = tpu.memref_slice %arg9[%dma_start3A_389, %dma_start3A_390] : memref<10240x32xf32, #tpu.memory_space<vmem_shared>> -> memref<10240x32xf32, #tpu.memory_space<vmem_shared>>
      tpu.enqueue_indirect_dma source(%arg11 : memref<128x32xf32, #tpu.memory_space<vmem>>) target(%dma_start3A_391 : memref<10240x32xf32, #tpu.memory_space<vmem_shared>>) offsets(%dma_start3A_388 : memref<128xi32, #tpu.memory_space<vmem>>) semaphore(%arg27 : memref<!tpu.dma_semaphore, #tpu.memory_space<semaphore_mem>>) {add = true}
      %add3A_392 = arith.constant 1 : i32
      %add3A_393 = arith.addi %mul3A_247, %add3A_392 : i32
      %dma_wait3A_394 = arith.constant 0 : i32
      %dma_wait3A_395 = tpu.memref_slice %arg7[%add3A_393, %dma_wait3A_394] : memref<80x128xi32, #tpu.memory_space<vmem>> -> memref<1x128xi32, #tpu.memory_space<vmem>>
      %dma_wait3A_396 = tpu.memref_squeeze %dma_wait3A_395 : memref<1x128xi32, #tpu.memory_space<vmem>> -> memref<128xi32, #tpu.memory_space<vmem>>
      %dma_wait3A_397 = arith.constant 0 : i32
      %dma_wait3A_398 = arith.constant 0 : i32
      %dma_wait3A_399 = tpu.memref_slice %arg10[%dma_wait3A_397, %dma_wait3A_398] : memref<10240x32xf32, #tpu.memory_space<vmem_shared>> -> memref<10240x32xf32, #tpu.memory_space<vmem_shared>>
      tpu.wait_indirect_dma semaphore(%arg20 : memref<!tpu.dma_semaphore, #tpu.memory_space<semaphore_mem>>) src(%dma_wait3A_399 : memref<10240x32xf32, #tpu.memory_space<vmem_shared>>) dst(%arg12 : memref<128x32xf32, #tpu.memory_space<vmem>>)
      %add3A_400 = arith.constant 1 : i32
      %add3A_401 = arith.addi %mul3A_247, %add3A_400 : i32
      %dma_start3A_402 = arith.constant 0 : i32
      %dma_start3A_403 = tpu.memref_slice %arg8[%add3A_401, %dma_start3A_402] : memref<80x128xi32, #tpu.memory_space<vmem>> -> memref<1x128xi32, #tpu.memory_space<vmem>>
      %dma_start3A_404 = tpu.memref_squeeze %dma_start3A_403 : memref<1x128xi32, #tpu.memory_space<vmem>> -> memref<128xi32, #tpu.memory_space<vmem>>
      %dma_start3A_405 = arith.constant 0 : i32
      %dma_start3A_406 = arith.constant 0 : i32
      %dma_start3A_407 = tpu.memref_slice %arg9[%dma_start3A_405, %dma_start3A_406] : memref<10240x32xf32, #tpu.memory_space<vmem_shared>> -> memref<10240x32xf32, #tpu.memory_space<vmem_shared>>
      tpu.enqueue_indirect_dma source(%arg12 : memref<128x32xf32, #tpu.memory_space<vmem>>) target(%dma_start3A_407 : memref<10240x32xf32, #tpu.memory_space<vmem_shared>>) offsets(%dma_start3A_404 : memref<128xi32, #tpu.memory_space<vmem>>) semaphore(%arg28 : memref<!tpu.dma_semaphore, #tpu.memory_space<semaphore_mem>>) {add = true}
      %add3A_408 = arith.constant 2 : i32
      %add3A_409 = arith.addi %mul3A_247, %add3A_408 : i32
      %dma_wait3A_410 = arith.constant 0 : i32
      %dma_wait3A_411 = tpu.memref_slice %arg7[%add3A_409, %dma_wait3A_410] : memref<80x128xi32, #tpu.memory_space<vmem>> -> memref<1x128xi32, #tpu.memory_space<vmem>>
      %dma_wait3A_412 = tpu.memref_squeeze %dma_wait3A_411 : memref<1x128xi32, #tpu.memory_space<vmem>> -> memref<128xi32, #tpu.memory_space<vmem>>
      %dma_wait3A_413 = arith.constant 0 : i32
      %dma_wait3A_414 = arith.constant 0 : i32
      %dma_wait3A_415 = tpu.memref_slice %arg10[%dma_wait3A_413, %dma_wait3A_414] : memref<10240x32xf32, #tpu.memory_space<vmem_shared>> -> memref<10240x32xf32, #tpu.memory_space<vmem_shared>>
      tpu.wait_indirect_dma semaphore(%arg21 : memref<!tpu.dma_semaphore, #tpu.memory_space<semaphore_mem>>) src(%dma_wait3A_415 : memref<10240x32xf32, #tpu.memory_space<vmem_shared>>) dst(%arg13 : memref<128x32xf32, #tpu.memory_space<vmem>>)
      %add3A_416 = arith.constant 2 : i32
      %add3A_417 = arith.addi %mul3A_247, %add3A_416 : i32
      %dma_start3A_418 = arith.constant 0 : i32
      %dma_start3A_419 = tpu.memref_slice %arg8[%add3A_417, %dma_start3A_418] : memref<80x128xi32, #tpu.memory_space<vmem>> -> memref<1x128xi32, #tpu.memory_space<vmem>>
      %dma_start3A_420 = tpu.memref_squeeze %dma_start3A_419 : memref<1x128xi32, #tpu.memory_space<vmem>> -> memref<128xi32, #tpu.memory_space<vmem>>
      %dma_start3A_421 = arith.constant 0 : i32
      %dma_start3A_422 = arith.constant 0 : i32
      %dma_start3A_423 = tpu.memref_slice %arg9[%dma_start3A_421, %dma_start3A_422] : memref<10240x32xf32, #tpu.memory_space<vmem_shared>> -> memref<10240x32xf32, #tpu.memory_space<vmem_shared>>
      tpu.enqueue_indirect_dma source(%arg13 : memref<128x32xf32, #tpu.memory_space<vmem>>) target(%dma_start3A_423 : memref<10240x32xf32, #tpu.memory_space<vmem_shared>>) offsets(%dma_start3A_420 : memref<128xi32, #tpu.memory_space<vmem>>) semaphore(%arg29 : memref<!tpu.dma_semaphore, #tpu.memory_space<semaphore_mem>>) {add = true}
      %add3A_424 = arith.constant 3 : i32
      %add3A_425 = arith.addi %mul3A_247, %add3A_424 : i32
      %dma_wait3A_426 = arith.constant 0 : i32
      %dma_wait3A_427 = tpu.memref_slice %arg7[%add3A_425, %dma_wait3A_426] : memref<80x128xi32, #tpu.memory_space<vmem>> -> memref<1x128xi32, #tpu.memory_space<vmem>>
      %dma_wait3A_428 = tpu.memref_squeeze %dma_wait3A_427 : memref<1x128xi32, #tpu.memory_space<vmem>> -> memref<128xi32, #tpu.memory_space<vmem>>
      %dma_wait3A_429 = arith.constant 0 : i32
      %dma_wait3A_430 = arith.constant 0 : i32
      %dma_wait3A_431 = tpu.memref_slice %arg10[%dma_wait3A_429, %dma_wait3A_430] : memref<10240x32xf32, #tpu.memory_space<vmem_shared>> -> memref<10240x32xf32, #tpu.memory_space<vmem_shared>>
      tpu.wait_indirect_dma semaphore(%arg22 : memref<!tpu.dma_semaphore, #tpu.memory_space<semaphore_mem>>) src(%dma_wait3A_431 : memref<10240x32xf32, #tpu.memory_space<vmem_shared>>) dst(%arg14 : memref<128x32xf32, #tpu.memory_space<vmem>>)
      %add3A_432 = arith.constant 3 : i32
      %add3A_433 = arith.addi %mul3A_247, %add3A_432 : i32
      %dma_start3A_434 = arith.constant 0 : i32
      %dma_start3A_435 = tpu.memref_slice %arg8[%add3A_433, %dma_start3A_434] : memref<80x128xi32, #tpu.memory_space<vmem>> -> memref<1x128xi32, #tpu.memory_space<vmem>>
      %dma_start3A_436 = tpu.memref_squeeze %dma_start3A_435 : memref<1x128xi32, #tpu.memory_space<vmem>> -> memref<128xi32, #tpu.memory_space<vmem>>
      %dma_start3A_437 = arith.constant 0 : i32
      %dma_start3A_438 = arith.constant 0 : i32
      %dma_start3A_439 = tpu.memref_slice %arg9[%dma_start3A_437, %dma_start3A_438] : memref<10240x32xf32, #tpu.memory_space<vmem_shared>> -> memref<10240x32xf32, #tpu.memory_space<vmem_shared>>
      tpu.enqueue_indirect_dma source(%arg14 : memref<128x32xf32, #tpu.memory_space<vmem>>) target(%dma_start3A_439 : memref<10240x32xf32, #tpu.memory_space<vmem_shared>>) offsets(%dma_start3A_436 : memref<128xi32, #tpu.memory_space<vmem>>) semaphore(%arg30 : memref<!tpu.dma_semaphore, #tpu.memory_space<semaphore_mem>>) {add = true}
      %add3A_440 = arith.constant 4 : i32
      %add3A_441 = arith.addi %mul3A_247, %add3A_440 : i32
      %dma_wait3A_442 = arith.constant 0 : i32
      %dma_wait3A_443 = tpu.memref_slice %arg7[%add3A_441, %dma_wait3A_442] : memref<80x128xi32, #tpu.memory_space<vmem>> -> memref<1x128xi32, #tpu.memory_space<vmem>>
      %dma_wait3A_444 = tpu.memref_squeeze %dma_wait3A_443 : memref<1x128xi32, #tpu.memory_space<vmem>> -> memref<128xi32, #tpu.memory_space<vmem>>
      %dma_wait3A_445 = arith.constant 0 : i32
      %dma_wait3A_446 = arith.constant 0 : i32
      %dma_wait3A_447 = tpu.memref_slice %arg10[%dma_wait3A_445, %dma_wait3A_446] : memref<10240x32xf32, #tpu.memory_space<vmem_shared>> -> memref<10240x32xf32, #tpu.memory_space<vmem_shared>>
      tpu.wait_indirect_dma semaphore(%arg23 : memref<!tpu.dma_semaphore, #tpu.memory_space<semaphore_mem>>) src(%dma_wait3A_447 : memref<10240x32xf32, #tpu.memory_space<vmem_shared>>) dst(%arg15 : memref<128x32xf32, #tpu.memory_space<vmem>>)
      %add3A_448 = arith.constant 4 : i32
      %add3A_449 = arith.addi %mul3A_247, %add3A_448 : i32
      %dma_start3A_450 = arith.constant 0 : i32
      %dma_start3A_451 = tpu.memref_slice %arg8[%add3A_449, %dma_start3A_450] : memref<80x128xi32, #tpu.memory_space<vmem>> -> memref<1x128xi32, #tpu.memory_space<vmem>>
      %dma_start3A_452 = tpu.memref_squeeze %dma_start3A_451 : memref<1x128xi32, #tpu.memory_space<vmem>> -> memref<128xi32, #tpu.memory_space<vmem>>
      %dma_start3A_453 = arith.constant 0 : i32
      %dma_start3A_454 = arith.constant 0 : i32
      %dma_start3A_455 = tpu.memref_slice %arg9[%dma_start3A_453, %dma_start3A_454] : memref<10240x32xf32, #tpu.memory_space<vmem_shared>> -> memref<10240x32xf32, #tpu.memory_space<vmem_shared>>
      tpu.enqueue_indirect_dma source(%arg15 : memref<128x32xf32, #tpu.memory_space<vmem>>) target(%dma_start3A_455 : memref<10240x32xf32, #tpu.memory_space<vmem_shared>>) offsets(%dma_start3A_452 : memref<128xi32, #tpu.memory_space<vmem>>) semaphore(%arg31 : memref<!tpu.dma_semaphore, #tpu.memory_space<semaphore_mem>>) {add = true}
      %add3A_456 = arith.constant 5 : i32
      %add3A_457 = arith.addi %mul3A_247, %add3A_456 : i32
      %dma_wait3A_458 = arith.constant 0 : i32
      %dma_wait3A_459 = tpu.memref_slice %arg7[%add3A_457, %dma_wait3A_458] : memref<80x128xi32, #tpu.memory_space<vmem>> -> memref<1x128xi32, #tpu.memory_space<vmem>>
      %dma_wait3A_460 = tpu.memref_squeeze %dma_wait3A_459 : memref<1x128xi32, #tpu.memory_space<vmem>> -> memref<128xi32, #tpu.memory_space<vmem>>
      %dma_wait3A_461 = arith.constant 0 : i32
      %dma_wait3A_462 = arith.constant 0 : i32
      %dma_wait3A_463 = tpu.memref_slice %arg10[%dma_wait3A_461, %dma_wait3A_462] : memref<10240x32xf32, #tpu.memory_space<vmem_shared>> -> memref<10240x32xf32, #tpu.memory_space<vmem_shared>>
      tpu.wait_indirect_dma semaphore(%arg24 : memref<!tpu.dma_semaphore, #tpu.memory_space<semaphore_mem>>) src(%dma_wait3A_463 : memref<10240x32xf32, #tpu.memory_space<vmem_shared>>) dst(%arg16 : memref<128x32xf32, #tpu.memory_space<vmem>>)
      %add3A_464 = arith.constant 5 : i32
      %add3A_465 = arith.addi %mul3A_247, %add3A_464 : i32
      %dma_start3A_466 = arith.constant 0 : i32
      %dma_start3A_467 = tpu.memref_slice %arg8[%add3A_465, %dma_start3A_466] : memref<80x128xi32, #tpu.memory_space<vmem>> -> memref<1x128xi32, #tpu.memory_space<vmem>>
      %dma_start3A_468 = tpu.memref_squeeze %dma_start3A_467 : memref<1x128xi32, #tpu.memory_space<vmem>> -> memref<128xi32, #tpu.memory_space<vmem>>
      %dma_start3A_469 = arith.constant 0 : i32
      %dma_start3A_470 = arith.constant 0 : i32
      %dma_start3A_471 = tpu.memref_slice %arg9[%dma_start3A_469, %dma_start3A_470] : memref<10240x32xf32, #tpu.memory_space<vmem_shared>> -> memref<10240x32xf32, #tpu.memory_space<vmem_shared>>
      tpu.enqueue_indirect_dma source(%arg16 : memref<128x32xf32, #tpu.memory_space<vmem>>) target(%dma_start3A_471 : memref<10240x32xf32, #tpu.memory_space<vmem_shared>>) offsets(%dma_start3A_468 : memref<128xi32, #tpu.memory_space<vmem>>) semaphore(%arg32 : memref<!tpu.dma_semaphore, #tpu.memory_space<semaphore_mem>>) {add = true}
      %add3A_472 = arith.constant 6 : i32
      %add3A_473 = arith.addi %mul3A_247, %add3A_472 : i32
      %dma_wait3A_474 = arith.constant 0 : i32
      %dma_wait3A_475 = tpu.memref_slice %arg7[%add3A_473, %dma_wait3A_474] : memref<80x128xi32, #tpu.memory_space<vmem>> -> memref<1x128xi32, #tpu.memory_space<vmem>>
      %dma_wait3A_476 = tpu.memref_squeeze %dma_wait3A_475 : memref<1x128xi32, #tpu.memory_space<vmem>> -> memref<128xi32, #tpu.memory_space<vmem>>
      %dma_wait3A_477 = arith.constant 0 : i32
      %dma_wait3A_478 = arith.constant 0 : i32
      %dma_wait3A_479 = tpu.memref_slice %arg10[%dma_wait3A_477, %dma_wait3A_478] : memref<10240x32xf32, #tpu.memory_space<vmem_shared>> -> memref<10240x32xf32, #tpu.memory_space<vmem_shared>>
      tpu.wait_indirect_dma semaphore(%arg25 : memref<!tpu.dma_semaphore, #tpu.memory_space<semaphore_mem>>) src(%dma_wait3A_479 : memref<10240x32xf32, #tpu.memory_space<vmem_shared>>) dst(%arg17 : memref<128x32xf32, #tpu.memory_space<vmem>>)
      %add3A_480 = arith.constant 6 : i32
      %add3A_481 = arith.addi %mul3A_247, %add3A_480 : i32
      %dma_start3A_482 = arith.constant 0 : i32
      %dma_start3A_483 = tpu.memref_slice %arg8[%add3A_481, %dma_start3A_482] : memref<80x128xi32, #tpu.memory_space<vmem>> -> memref<1x128xi32, #tpu.memory_space<vmem>>
      %dma_start3A_484 = tpu.memref_squeeze %dma_start3A_483 : memref<1x128xi32, #tpu.memory_space<vmem>> -> memref<128xi32, #tpu.memory_space<vmem>>
      %dma_start3A_485 = arith.constant 0 : i32
      %dma_start3A_486 = arith.constant 0 : i32
      %dma_start3A_487 = tpu.memref_slice %arg9[%dma_start3A_485, %dma_start3A_486] : memref<10240x32xf32, #tpu.memory_space<vmem_shared>> -> memref<10240x32xf32, #tpu.memory_space<vmem_shared>>
      tpu.enqueue_indirect_dma source(%arg17 : memref<128x32xf32, #tpu.memory_space<vmem>>) target(%dma_start3A_487 : memref<10240x32xf32, #tpu.memory_space<vmem_shared>>) offsets(%dma_start3A_484 : memref<128xi32, #tpu.memory_space<vmem>>) semaphore(%arg33 : memref<!tpu.dma_semaphore, #tpu.memory_space<semaphore_mem>>) {add = true}
      %add3A_488 = arith.constant 7 : i32
      %add3A_489 = arith.addi %mul3A_247, %add3A_488 : i32
      %dma_wait3A_490 = arith.constant 0 : i32
      %dma_wait3A_491 = tpu.memref_slice %arg7[%add3A_489, %dma_wait3A_490] : memref<80x128xi32, #tpu.memory_space<vmem>> -> memref<1x128xi32, #tpu.memory_space<vmem>>
      %dma_wait3A_492 = tpu.memref_squeeze %dma_wait3A_491 : memref<1x128xi32, #tpu.memory_space<vmem>> -> memref<128xi32, #tpu.memory_space<vmem>>
      %dma_wait3A_493 = arith.constant 0 : i32
      %dma_wait3A_494 = arith.constant 0 : i32
      %dma_wait3A_495 = tpu.memref_slice %arg10[%dma_wait3A_493, %dma_wait3A_494] : memref<10240x32xf32, #tpu.memory_space<vmem_shared>> -> memref<10240x32xf32, #tpu.memory_space<vmem_shared>>
      tpu.wait_indirect_dma semaphore(%arg26 : memref<!tpu.dma_semaphore, #tpu.memory_space<semaphore_mem>>) src(%dma_wait3A_495 : memref<10240x32xf32, #tpu.memory_space<vmem_shared>>) dst(%arg18 : memref<128x32xf32, #tpu.memory_space<vmem>>)
      %add3A_496 = arith.constant 7 : i32
      %add3A_497 = arith.addi %mul3A_247, %add3A_496 : i32
      %dma_start3A_498 = arith.constant 0 : i32
      %dma_start3A_499 = tpu.memref_slice %arg8[%add3A_497, %dma_start3A_498] : memref<80x128xi32, #tpu.memory_space<vmem>> -> memref<1x128xi32, #tpu.memory_space<vmem>>
      %dma_start3A_500 = tpu.memref_squeeze %dma_start3A_499 : memref<1x128xi32, #tpu.memory_space<vmem>> -> memref<128xi32, #tpu.memory_space<vmem>>
      %dma_start3A_501 = arith.constant 0 : i32
      %dma_start3A_502 = arith.constant 0 : i32
      %dma_start3A_503 = tpu.memref_slice %arg9[%dma_start3A_501, %dma_start3A_502] : memref<10240x32xf32, #tpu.memory_space<vmem_shared>> -> memref<10240x32xf32, #tpu.memory_space<vmem_shared>>
      tpu.enqueue_indirect_dma source(%arg18 : memref<128x32xf32, #tpu.memory_space<vmem>>) target(%dma_start3A_503 : memref<10240x32xf32, #tpu.memory_space<vmem_shared>>) offsets(%dma_start3A_500 : memref<128xi32, #tpu.memory_space<vmem>>) semaphore(%arg34 : memref<!tpu.dma_semaphore, #tpu.memory_space<semaphore_mem>>) {add = true}
    }
    %scan3A_183 = arith.constant 9 : i32
    %dma_wait3A_184 = arith.constant 0 : i32
    %dma_wait3A_185 = arith.constant 0 : i32
    %dma_wait3A_186 = tpu.memref_slice %arg8[%dma_wait3A_184, %dma_wait3A_185] : memref<80x128xi32, #tpu.memory_space<vmem>> -> memref<1x128xi32, #tpu.memory_space<vmem>>
    %dma_wait3A_187 = tpu.memref_squeeze %dma_wait3A_186 : memref<1x128xi32, #tpu.memory_space<vmem>> -> memref<128xi32, #tpu.memory_space<vmem>>
    %dma_wait3A_188 = arith.constant 0 : i32
    %dma_wait3A_189 = arith.constant 0 : i32
    %dma_wait3A_190 = tpu.memref_slice %arg9[%dma_wait3A_188, %dma_wait3A_189] : memref<10240x32xf32, #tpu.memory_space<vmem_shared>> -> memref<10240x32xf32, #tpu.memory_space<vmem_shared>>
    tpu.wait_indirect_dma semaphore(%arg27 : memref<!tpu.dma_semaphore, #tpu.memory_space<semaphore_mem>>) src(%arg11 : memref<128x32xf32, #tpu.memory_space<vmem>>) dst(%dma_wait3A_190 : memref<10240x32xf32, #tpu.memory_space<vmem_shared>>)
    %dma_wait3A_191 = arith.constant 1 : i32
    %dma_wait3A_192 = arith.constant 0 : i32
    %dma_wait3A_193 = tpu.memref_slice %arg8[%dma_wait3A_191, %dma_wait3A_192] : memref<80x128xi32, #tpu.memory_space<vmem>> -> memref<1x128xi32, #tpu.memory_space<vmem>>
    %dma_wait3A_194 = tpu.memref_squeeze %dma_wait3A_193 : memref<1x128xi32, #tpu.memory_space<vmem>> -> memref<128xi32, #tpu.memory_space<vmem>>
    %dma_wait3A_195 = arith.constant 0 : i32
    %dma_wait3A_196 = arith.constant 0 : i32
    %dma_wait3A_197 = tpu.memref_slice %arg9[%dma_wait3A_195, %dma_wait3A_196] : memref<10240x32xf32, #tpu.memory_space<vmem_shared>> -> memref<10240x32xf32, #tpu.memory_space<vmem_shared>>
    tpu.wait_indirect_dma semaphore(%arg28 : memref<!tpu.dma_semaphore, #tpu.memory_space<semaphore_mem>>) src(%arg12 : memref<128x32xf32, #tpu.memory_space<vmem>>) dst(%dma_wait3A_197 : memref<10240x32xf32, #tpu.memory_space<vmem_shared>>)
    %dma_wait3A_198 = arith.constant 2 : i32
    %dma_wait3A_199 = arith.constant 0 : i32
    %dma_wait3A_200 = tpu.memref_slice %arg8[%dma_wait3A_198, %dma_wait3A_199] : memref<80x128xi32, #tpu.memory_space<vmem>> -> memref<1x128xi32, #tpu.memory_space<vmem>>
    %dma_wait3A_201 = tpu.memref_squeeze %dma_wait3A_200 : memref<1x128xi32, #tpu.memory_space<vmem>> -> memref<128xi32, #tpu.memory_space<vmem>>
    %dma_wait3A_202 = arith.constant 0 : i32
    %dma_wait3A_203 = arith.constant 0 : i32
    %dma_wait3A_204 = tpu.memref_slice %arg9[%dma_wait3A_202, %dma_wait3A_203] : memref<10240x32xf32, #tpu.memory_space<vmem_shared>> -> memref<10240x32xf32, #tpu.memory_space<vmem_shared>>
    tpu.wait_indirect_dma semaphore(%arg29 : memref<!tpu.dma_semaphore, #tpu.memory_space<semaphore_mem>>) src(%arg13 : memref<128x32xf32, #tpu.memory_space<vmem>>) dst(%dma_wait3A_204 : memref<10240x32xf32, #tpu.memory_space<vmem_shared>>)
    %dma_wait3A_205 = arith.constant 3 : i32
    %dma_wait3A_206 = arith.constant 0 : i32
    %dma_wait3A_207 = tpu.memref_slice %arg8[%dma_wait3A_205, %dma_wait3A_206] : memref<80x128xi32, #tpu.memory_space<vmem>> -> memref<1x128xi32, #tpu.memory_space<vmem>>
    %dma_wait3A_208 = tpu.memref_squeeze %dma_wait3A_207 : memref<1x128xi32, #tpu.memory_space<vmem>> -> memref<128xi32, #tpu.memory_space<vmem>>
    %dma_wait3A_209 = arith.constant 0 : i32
    %dma_wait3A_210 = arith.constant 0 : i32
    %dma_wait3A_211 = tpu.memref_slice %arg9[%dma_wait3A_209, %dma_wait3A_210] : memref<10240x32xf32, #tpu.memory_space<vmem_shared>> -> memref<10240x32xf32, #tpu.memory_space<vmem_shared>>
    tpu.wait_indirect_dma semaphore(%arg30 : memref<!tpu.dma_semaphore, #tpu.memory_space<semaphore_mem>>) src(%arg14 : memref<128x32xf32, #tpu.memory_space<vmem>>) dst(%dma_wait3A_211 : memref<10240x32xf32, #tpu.memory_space<vmem_shared>>)
    %dma_wait3A_212 = arith.constant 4 : i32
    %dma_wait3A_213 = arith.constant 0 : i32
    %dma_wait3A_214 = tpu.memref_slice %arg8[%dma_wait3A_212, %dma_wait3A_213] : memref<80x128xi32, #tpu.memory_space<vmem>> -> memref<1x128xi32, #tpu.memory_space<vmem>>
    %dma_wait3A_215 = tpu.memref_squeeze %dma_wait3A_214 : memref<1x128xi32, #tpu.memory_space<vmem>> -> memref<128xi32, #tpu.memory_space<vmem>>
    %dma_wait3A_216 = arith.constant 0 : i32
    %dma_wait3A_217 = arith.constant 0 : i32
    %dma_wait3A_218 = tpu.memref_slice %arg9[%dma_wait3A_216, %dma_wait3A_217] : memref<10240x32xf32, #tpu.memory_space<vmem_shared>> -> memref<10240x32xf32, #tpu.memory_space<vmem_shared>>
    tpu.wait_indirect_dma semaphore(%arg31 : memref<!tpu.dma_semaphore, #tpu.memory_space<semaphore_mem>>) src(%arg15 : memref<128x32xf32, #tpu.memory_space<vmem>>) dst(%dma_wait3A_218 : memref<10240x32xf32, #tpu.memory_space<vmem_shared>>)
    %dma_wait3A_219 = arith.constant 5 : i32
    %dma_wait3A_220 = arith.constant 0 : i32
    %dma_wait3A_221 = tpu.memref_slice %arg8[%dma_wait3A_219, %dma_wait3A_220] : memref<80x128xi32, #tpu.memory_space<vmem>> -> memref<1x128xi32, #tpu.memory_space<vmem>>
    %dma_wait3A_222 = tpu.memref_squeeze %dma_wait3A_221 : memref<1x128xi32, #tpu.memory_space<vmem>> -> memref<128xi32, #tpu.memory_space<vmem>>
    %dma_wait3A_223 = arith.constant 0 : i32
    %dma_wait3A_224 = arith.constant 0 : i32
    %dma_wait3A_225 = tpu.memref_slice %arg9[%dma_wait3A_223, %dma_wait3A_224] : memref<10240x32xf32, #tpu.memory_space<vmem_shared>> -> memref<10240x32xf32, #tpu.memory_space<vmem_shared>>
    tpu.wait_indirect_dma semaphore(%arg32 : memref<!tpu.dma_semaphore, #tpu.memory_space<semaphore_mem>>) src(%arg16 : memref<128x32xf32, #tpu.memory_space<vmem>>) dst(%dma_wait3A_225 : memref<10240x32xf32, #tpu.memory_space<vmem_shared>>)
    %dma_wait3A_226 = arith.constant 6 : i32
    %dma_wait3A_227 = arith.constant 0 : i32
    %dma_wait3A_228 = tpu.memref_slice %arg8[%dma_wait3A_226, %dma_wait3A_227] : memref<80x128xi32, #tpu.memory_space<vmem>> -> memref<1x128xi32, #tpu.memory_space<vmem>>
    %dma_wait3A_229 = tpu.memref_squeeze %dma_wait3A_228 : memref<1x128xi32, #tpu.memory_space<vmem>> -> memref<128xi32, #tpu.memory_space<vmem>>
    %dma_wait3A_230 = arith.constant 0 : i32
    %dma_wait3A_231 = arith.constant 0 : i32
    %dma_wait3A_232 = tpu.memref_slice %arg9[%dma_wait3A_230, %dma_wait3A_231] : memref<10240x32xf32, #tpu.memory_space<vmem_shared>> -> memref<10240x32xf32, #tpu.memory_space<vmem_shared>>
    tpu.wait_indirect_dma semaphore(%arg33 : memref<!tpu.dma_semaphore, #tpu.memory_space<semaphore_mem>>) src(%arg17 : memref<128x32xf32, #tpu.memory_space<vmem>>) dst(%dma_wait3A_232 : memref<10240x32xf32, #tpu.memory_space<vmem_shared>>)
    %dma_wait3A_233 = arith.constant 7 : i32
    %dma_wait3A_234 = arith.constant 0 : i32
    %dma_wait3A_235 = tpu.memref_slice %arg8[%dma_wait3A_233, %dma_wait3A_234] : memref<80x128xi32, #tpu.memory_space<vmem>> -> memref<1x128xi32, #tpu.memory_space<vmem>>
    %dma_wait3A_236 = tpu.memref_squeeze %dma_wait3A_235 : memref<1x128xi32, #tpu.memory_space<vmem>> -> memref<128xi32, #tpu.memory_space<vmem>>
    %dma_wait3A_237 = arith.constant 0 : i32
    %dma_wait3A_238 = arith.constant 0 : i32
    %dma_wait3A_239 = tpu.memref_slice %arg9[%dma_wait3A_237, %dma_wait3A_238] : memref<10240x32xf32, #tpu.memory_space<vmem_shared>> -> memref<10240x32xf32, #tpu.memory_space<vmem_shared>>
    tpu.wait_indirect_dma semaphore(%arg34 : memref<!tpu.dma_semaphore, #tpu.memory_space<semaphore_mem>>) src(%arg18 : memref<128x32xf32, #tpu.memory_space<vmem>>) dst(%dma_wait3A_239 : memref<10240x32xf32, #tpu.memory_space<vmem_shared>>)
    %barrier3A_240 = arith.constant 0 : index
    tpu.barrier barrier_id(%barrier3A_240)
    %mul3A_241 = arith.constant 640 : i32
    %mul3A_242 = arith.muli %arg1, %mul3A_241 : i32
    %mul3A_243 = arith.constant 640 : i32
    %mul3A_244 = arith.muli %arg1, %mul3A_243 : i32
    "tpu.region"() ({
      %run_scoped3A = tpu.sem_alloc : memref<!tpu.dma_semaphore, #tpu.memory_space<semaphore_mem>>
      %dma_start3A_245 = arith.constant 0 : i32
      %dma_start3A_246 = tpu.memref_slice %arg6[%arg0, %mul3A_244, %dma_start3A_245] : memref<2x10240x32xf32, #tpu.memory_space<hbm>> -> memref<1x640x32xf32, #tpu.memory_space<hbm>>
      %dma_start3A_247 = tpu.memref_squeeze %dma_start3A_246 : memref<1x640x32xf32, #tpu.memory_space<hbm>> -> memref<640x32xf32, #tpu.memory_space<hbm>>
      %dma_start3A_248 = arith.constant 0 : i32
      %dma_start3A_249 = tpu.memref_slice %arg9[%mul3A_242, %dma_start3A_248] : memref<10240x32xf32, #tpu.memory_space<vmem_shared>> -> memref<640x32xf32, #tpu.memory_space<vmem_shared>>
      tpu.enqueue_dma source(%dma_start3A_249 : memref<640x32xf32, #tpu.memory_space<vmem_shared>>) target(%dma_start3A_247 : memref<640x32xf32, #tpu.memory_space<hbm>>) target_semaphore(%run_scoped3A : memref<!tpu.dma_semaphore, #tpu.memory_space<semaphore_mem>>)
      %dma_wait3A_250 = arith.constant 0 : i32
      %dma_wait3A_251 = tpu.memref_slice %arg6[%arg0, %mul3A_244, %dma_wait3A_250] : memref<2x10240x32xf32, #tpu.memory_space<hbm>> -> memref<1x640x32xf32, #tpu.memory_space<hbm>>
      %dma_wait3A_252 = tpu.memref_squeeze %dma_wait3A_251 : memref<1x640x32xf32, #tpu.memory_space<hbm>> -> memref<640x32xf32, #tpu.memory_space<hbm>>
      %dma_wait3A_253 = arith.constant 0 : i32
      %dma_wait3A_254 = tpu.memref_slice %arg9[%mul3A_242, %dma_wait3A_253] : memref<10240x32xf32, #tpu.memory_space<vmem_shared>> -> memref<640x32xf32, #tpu.memory_space<vmem_shared>>
      tpu.wait_dma2 semaphore(%run_scoped3A : memref<!tpu.dma_semaphore, #tpu.memory_space<semaphore_mem>>) src(%dma_wait3A_254 : memref<640x32xf32, #tpu.memory_space<vmem_shared>>) dst(%dma_wait3A_252 : memref<640x32xf32, #tpu.memory_space<hbm>>)
      tpu.yield
    }) : () -> ()
    return
  }
}

#map = affine_map<(d0, d1) -> (0, 0)>
#map1 = affine_map<(d0, d1) -> (0, 0, 0)>
module attributes {stable_mosaic.version = 14 : i64} {
  func.func @k(%arg0: i32, %arg1: i32, %arg2: memref<10240x32xf32, #tpu.memory_space<hbm>>, %arg3: memref<2560x128xi32, #tpu.memory_space<hbm>>, %arg4: memref<2560x128xi32, #tpu.memory_space<hbm>>, %arg5: memref<10240x32xf32, #tpu.memory_space<hbm>>, %arg6: memref<2x10240x32xf32, #tpu.memory_space<hbm>>, %arg7: memref<80x128xi32, #tpu.memory_space<vmem>>, %arg8: memref<80x128xi32, #tpu.memory_space<vmem>>, %arg9: memref<10240x32xf32, #tpu.memory_space<vmem_shared>>, %arg10: memref<10240x32xf32, #tpu.memory_space<vmem_shared>>, %arg11: memref<128x32xf32, #tpu.memory_space<vmem>>, %arg12: memref<128x32xf32, #tpu.memory_space<vmem>>, %arg13: memref<128x32xf32, #tpu.memory_space<vmem>>, %arg14: memref<128x32xf32, #tpu.memory_space<vmem>>, %arg15: memref<128x32xf32, #tpu.memory_space<vmem>>, %arg16: memref<128x32xf32, #tpu.memory_space<vmem>>, %arg17: memref<128x32xf32, #tpu.memory_space<vmem>>, %arg18: memref<128x32xf32, #tpu.memory_space<vmem>>, %arg19: memref<!tpu.dma_semaphore, #tpu.memory_space<semaphore_mem>>, %arg20: memref<!tpu.dma_semaphore, #tpu.memory_space<semaphore_mem>>, %arg21: memref<!tpu.dma_semaphore, #tpu.memory_space<semaphore_mem>>, %arg22: memref<!tpu.dma_semaphore, #tpu.memory_space<semaphore_mem>>, %arg23: memref<!tpu.dma_semaphore, #tpu.memory_space<semaphore_mem>>, %arg24: memref<!tpu.dma_semaphore, #tpu.memory_space<semaphore_mem>>, %arg25: memref<!tpu.dma_semaphore, #tpu.memory_space<semaphore_mem>>, %arg26: memref<!tpu.dma_semaphore, #tpu.memory_space<semaphore_mem>>, %arg27: memref<!tpu.dma_semaphore, #tpu.memory_space<semaphore_mem>>, %arg28: memref<!tpu.dma_semaphore, #tpu.memory_space<semaphore_mem>>, %arg29: memref<!tpu.dma_semaphore, #tpu.memory_space<semaphore_mem>>, %arg30: memref<!tpu.dma_semaphore, #tpu.memory_space<semaphore_mem>>, %arg31: memref<!tpu.dma_semaphore, #tpu.memory_space<semaphore_mem>>, %arg32: memref<!tpu.dma_semaphore, #tpu.memory_space<semaphore_mem>>, %arg33: memref<!tpu.dma_semaphore, #tpu.memory_space<semaphore_mem>>, %arg34: memref<!tpu.dma_semaphore, #tpu.memory_space<semaphore_mem>>) attributes {dimension_semantics = [#tpu.dimension_semantics<core_parallel>, #tpu.dimension_semantics<subcore_parallel>], iteration_bounds = array<i64: 2, 16>, scalar_prefetch = 0 : i64, scratch_operands = 28 : i64, tpu.core_type = #tpu.core_type<sc_vector_subcore>, window_params = [{transform_indices = #map}, {transform_indices = #map}, {transform_indices = #map}, {transform_indices = #map}, {transform_indices = #map1}]} {
    %mul3A = arith.constant 16 : i32
    %mul3A_0 = arith.muli %arg0, %mul3A : i32
    %add3A = arith.addi %mul3A_0, %arg1 : i32
    %mul3A_1 = arith.constant 640 : i32
    %mul3A_2 = arith.muli %arg1, %mul3A_1 : i32
    %mul3A_3 = arith.constant 640 : i32
    %mul3A_4 = arith.muli %arg1, %mul3A_3 : i32
    "tpu.region"() ({
      %run_scoped3A = tpu.sem_alloc : memref<!tpu.dma_semaphore, #tpu.memory_space<semaphore_mem>>
      %dma_start3A_245 = arith.constant 0 : i32
      %dma_start3A_246 = tpu.memref_slice %arg10[%mul3A_4, %dma_start3A_245] : memref<10240x32xf32, #tpu.memory_space<vmem_shared>> -> memref<640x32xf32, #tpu.memory_space<vmem_shared>>
      %dma_start3A_247 = arith.constant 0 : i32
      %dma_start3A_248 = tpu.memref_slice %arg2[%mul3A_2, %dma_start3A_247] : memref<10240x32xf32, #tpu.memory_space<hbm>> -> memref<640x32xf32, #tpu.memory_space<hbm>>
      tpu.enqueue_dma source(%dma_start3A_248 : memref<640x32xf32, #tpu.memory_space<hbm>>) target(%dma_start3A_246 : memref<640x32xf32, #tpu.memory_space<vmem_shared>>) target_semaphore(%run_scoped3A : memref<!tpu.dma_semaphore, #tpu.memory_space<semaphore_mem>>)
      %dma_wait3A_249 = arith.constant 0 : i32
      %dma_wait3A_250 = tpu.memref_slice %arg10[%mul3A_4, %dma_wait3A_249] : memref<10240x32xf32, #tpu.memory_space<vmem_shared>> -> memref<640x32xf32, #tpu.memory_space<vmem_shared>>
      %dma_wait3A_251 = arith.constant 0 : i32
      %dma_wait3A_252 = tpu.memref_slice %arg2[%mul3A_2, %dma_wait3A_251] : memref<10240x32xf32, #tpu.memory_space<hbm>> -> memref<640x32xf32, #tpu.memory_space<hbm>>
      tpu.wait_dma2 semaphore(%run_scoped3A : memref<!tpu.dma_semaphore, #tpu.memory_space<semaphore_mem>>) src(%dma_wait3A_252 : memref<640x32xf32, #tpu.memory_space<hbm>>) dst(%dma_wait3A_250 : memref<640x32xf32, #tpu.memory_space<vmem_shared>>)
      tpu.yield
    }) : () -> ()
    %mul3A_5 = arith.constant 640 : i32
    %mul3A_6 = arith.muli %arg1, %mul3A_5 : i32
    %mul3A_7 = arith.constant 640 : i32
    %mul3A_8 = arith.muli %arg1, %mul3A_7 : i32
    "tpu.region"() ({
      %run_scoped3A = tpu.sem_alloc : memref<!tpu.dma_semaphore, #tpu.memory_space<semaphore_mem>>
      %dma_start3A_245 = arith.constant 0 : i32
      %dma_start3A_246 = tpu.memref_slice %arg9[%mul3A_8, %dma_start3A_245] : memref<10240x32xf32, #tpu.memory_space<vmem_shared>> -> memref<640x32xf32, #tpu.memory_space<vmem_shared>>
      %dma_start3A_247 = arith.constant 0 : i32
      %dma_start3A_248 = tpu.memref_slice %arg5[%mul3A_6, %dma_start3A_247] : memref<10240x32xf32, #tpu.memory_space<hbm>> -> memref<640x32xf32, #tpu.memory_space<hbm>>
      tpu.enqueue_dma source(%dma_start3A_248 : memref<640x32xf32, #tpu.memory_space<hbm>>) target(%dma_start3A_246 : memref<640x32xf32, #tpu.memory_space<vmem_shared>>) target_semaphore(%run_scoped3A : memref<!tpu.dma_semaphore, #tpu.memory_space<semaphore_mem>>)
      %dma_wait3A_249 = arith.constant 0 : i32
      %dma_wait3A_250 = tpu.memref_slice %arg9[%mul3A_8, %dma_wait3A_249] : memref<10240x32xf32, #tpu.memory_space<vmem_shared>> -> memref<640x32xf32, #tpu.memory_space<vmem_shared>>
      %dma_wait3A_251 = arith.constant 0 : i32
      %dma_wait3A_252 = tpu.memref_slice %arg5[%mul3A_6, %dma_wait3A_251] : memref<10240x32xf32, #tpu.memory_space<hbm>> -> memref<640x32xf32, #tpu.memory_space<hbm>>
      tpu.wait_dma2 semaphore(%run_scoped3A : memref<!tpu.dma_semaphore, #tpu.memory_space<semaphore_mem>>) src(%dma_wait3A_252 : memref<640x32xf32, #tpu.memory_space<hbm>>) dst(%dma_wait3A_250 : memref<640x32xf32, #tpu.memory_space<vmem_shared>>)
      tpu.yield
    }) : () -> ()
    %mul3A_9 = arith.constant 80 : i32
    %mul3A_10 = arith.muli %add3A, %mul3A_9 : i32
    "tpu.region"() ({
      %run_scoped3A = tpu.sem_alloc : memref<!tpu.dma_semaphore, #tpu.memory_space<semaphore_mem>>
      %dma_start3A_245 = arith.constant 0 : i32
      %dma_start3A_246 = tpu.memref_slice %arg3[%mul3A_10, %dma_start3A_245] : memref<2560x128xi32, #tpu.memory_space<hbm>> -> memref<80x128xi32, #tpu.memory_space<hbm>>
      %dma_start3A_247 = arith.constant 0 : i32
      %dma_start3A_248 = tpu.memref_slice %arg3[%mul3A_10, %dma_start3A_247] : memref<2560x128xi32, #tpu.memory_space<hbm>> -> memref<80x128xi32, #tpu.memory_space<hbm>>
      tpu.enqueue_dma source(%dma_start3A_248 : memref<80x128xi32, #tpu.memory_space<hbm>>) target(%arg7 : memref<80x128xi32, #tpu.memory_space<vmem>>) target_semaphore(%run_scoped3A : memref<!tpu.dma_semaphore, #tpu.memory_space<semaphore_mem>>)
      %dma_wait3A_249 = arith.constant 0 : i32
      %dma_wait3A_250 = tpu.memref_slice %arg3[%mul3A_10, %dma_wait3A_249] : memref<2560x128xi32, #tpu.memory_space<hbm>> -> memref<80x128xi32, #tpu.memory_space<hbm>>
      %dma_wait3A_251 = arith.constant 0 : i32
      %dma_wait3A_252 = tpu.memref_slice %arg3[%mul3A_10, %dma_wait3A_251] : memref<2560x128xi32, #tpu.memory_space<hbm>> -> memref<80x128xi32, #tpu.memory_space<hbm>>
      tpu.wait_dma2 semaphore(%run_scoped3A : memref<!tpu.dma_semaphore, #tpu.memory_space<semaphore_mem>>) src(%dma_wait3A_252 : memref<80x128xi32, #tpu.memory_space<hbm>>) dst(%arg7 : memref<80x128xi32, #tpu.memory_space<vmem>>)
      tpu.yield
    }) : () -> ()
    %mul3A_11 = arith.constant 80 : i32
    %mul3A_12 = arith.muli %add3A, %mul3A_11 : i32
    "tpu.region"() ({
      %run_scoped3A = tpu.sem_alloc : memref<!tpu.dma_semaphore, #tpu.memory_space<semaphore_mem>>
      %dma_start3A_245 = arith.constant 0 : i32
      %dma_start3A_246 = tpu.memref_slice %arg4[%mul3A_12, %dma_start3A_245] : memref<2560x128xi32, #tpu.memory_space<hbm>> -> memref<80x128xi32, #tpu.memory_space<hbm>>
      %dma_start3A_247 = arith.constant 0 : i32
      %dma_start3A_248 = tpu.memref_slice %arg4[%mul3A_12, %dma_start3A_247] : memref<2560x128xi32, #tpu.memory_space<hbm>> -> memref<80x128xi32, #tpu.memory_space<hbm>>
      tpu.enqueue_dma source(%dma_start3A_248 : memref<80x128xi32, #tpu.memory_space<hbm>>) target(%arg8 : memref<80x128xi32, #tpu.memory_space<vmem>>) target_semaphore(%run_scoped3A : memref<!tpu.dma_semaphore, #tpu.memory_space<semaphore_mem>>)
      %dma_wait3A_249 = arith.constant 0 : i32
      %dma_wait3A_250 = tpu.memref_slice %arg4[%mul3A_12, %dma_wait3A_249] : memref<2560x128xi32, #tpu.memory_space<hbm>> -> memref<80x128xi32, #tpu.memory_space<hbm>>
      %dma_wait3A_251 = arith.constant 0 : i32
      %dma_wait3A_252 = tpu.memref_slice %arg4[%mul3A_12, %dma_wait3A_251] : memref<2560x128xi32, #tpu.memory_space<hbm>> -> memref<80x128xi32, #tpu.memory_space<hbm>>
      tpu.wait_dma2 semaphore(%run_scoped3A : memref<!tpu.dma_semaphore, #tpu.memory_space<semaphore_mem>>) src(%dma_wait3A_252 : memref<80x128xi32, #tpu.memory_space<hbm>>) dst(%arg8 : memref<80x128xi32, #tpu.memory_space<vmem>>)
      tpu.yield
    }) : () -> ()
    %barrier3A = arith.constant 0 : index
    tpu.barrier barrier_id(%barrier3A)
    %dma_start3A = arith.constant 0 : i32
    %dma_start3A_13 = arith.constant 0 : i32
    %dma_start3A_14 = tpu.memref_slice %arg7[%dma_start3A, %dma_start3A_13] : memref<80x128xi32, #tpu.memory_space<vmem>> -> memref<1x128xi32, #tpu.memory_space<vmem>>
    %dma_start3A_15 = tpu.memref_squeeze %dma_start3A_14 : memref<1x128xi32, #tpu.memory_space<vmem>> -> memref<128xi32, #tpu.memory_space<vmem>>
    %dma_start3A_16 = arith.constant 0 : i32
    %dma_start3A_17 = arith.constant 0 : i32
    %dma_start3A_18 = tpu.memref_slice %arg10[%dma_start3A_16, %dma_start3A_17] : memref<10240x32xf32, #tpu.memory_space<vmem_shared>> -> memref<10240x32xf32, #tpu.memory_space<vmem_shared>>
    tpu.enqueue_indirect_dma source(%dma_start3A_18 : memref<10240x32xf32, #tpu.memory_space<vmem_shared>>) target(%arg11 : memref<128x32xf32, #tpu.memory_space<vmem>>) offsets(%dma_start3A_15 : memref<128xi32, #tpu.memory_space<vmem>>) semaphore(%arg19 : memref<!tpu.dma_semaphore, #tpu.memory_space<semaphore_mem>>)
    %dma_start3A_19 = arith.constant 1 : i32
    %dma_start3A_20 = arith.constant 0 : i32
    %dma_start3A_21 = tpu.memref_slice %arg7[%dma_start3A_19, %dma_start3A_20] : memref<80x128xi32, #tpu.memory_space<vmem>> -> memref<1x128xi32, #tpu.memory_space<vmem>>
    %dma_start3A_22 = tpu.memref_squeeze %dma_start3A_21 : memref<1x128xi32, #tpu.memory_space<vmem>> -> memref<128xi32, #tpu.memory_space<vmem>>
    %dma_start3A_23 = arith.constant 0 : i32
    %dma_start3A_24 = arith.constant 0 : i32
    %dma_start3A_25 = tpu.memref_slice %arg10[%dma_start3A_23, %dma_start3A_24] : memref<10240x32xf32, #tpu.memory_space<vmem_shared>> -> memref<10240x32xf32, #tpu.memory_space<vmem_shared>>
    tpu.enqueue_indirect_dma source(%dma_start3A_25 : memref<10240x32xf32, #tpu.memory_space<vmem_shared>>) target(%arg12 : memref<128x32xf32, #tpu.memory_space<vmem>>) offsets(%dma_start3A_22 : memref<128xi32, #tpu.memory_space<vmem>>) semaphore(%arg20 : memref<!tpu.dma_semaphore, #tpu.memory_space<semaphore_mem>>)
    %dma_start3A_26 = arith.constant 2 : i32
    %dma_start3A_27 = arith.constant 0 : i32
    %dma_start3A_28 = tpu.memref_slice %arg7[%dma_start3A_26, %dma_start3A_27] : memref<80x128xi32, #tpu.memory_space<vmem>> -> memref<1x128xi32, #tpu.memory_space<vmem>>
    %dma_start3A_29 = tpu.memref_squeeze %dma_start3A_28 : memref<1x128xi32, #tpu.memory_space<vmem>> -> memref<128xi32, #tpu.memory_space<vmem>>
    %dma_start3A_30 = arith.constant 0 : i32
    %dma_start3A_31 = arith.constant 0 : i32
    %dma_start3A_32 = tpu.memref_slice %arg10[%dma_start3A_30, %dma_start3A_31] : memref<10240x32xf32, #tpu.memory_space<vmem_shared>> -> memref<10240x32xf32, #tpu.memory_space<vmem_shared>>
    tpu.enqueue_indirect_dma source(%dma_start3A_32 : memref<10240x32xf32, #tpu.memory_space<vmem_shared>>) target(%arg13 : memref<128x32xf32, #tpu.memory_space<vmem>>) offsets(%dma_start3A_29 : memref<128xi32, #tpu.memory_space<vmem>>) semaphore(%arg21 : memref<!tpu.dma_semaphore, #tpu.memory_space<semaphore_mem>>)
    %dma_start3A_33 = arith.constant 3 : i32
    %dma_start3A_34 = arith.constant 0 : i32
    %dma_start3A_35 = tpu.memref_slice %arg7[%dma_start3A_33, %dma_start3A_34] : memref<80x128xi32, #tpu.memory_space<vmem>> -> memref<1x128xi32, #tpu.memory_space<vmem>>
    %dma_start3A_36 = tpu.memref_squeeze %dma_start3A_35 : memref<1x128xi32, #tpu.memory_space<vmem>> -> memref<128xi32, #tpu.memory_space<vmem>>
    %dma_start3A_37 = arith.constant 0 : i32
    %dma_start3A_38 = arith.constant 0 : i32
    %dma_start3A_39 = tpu.memref_slice %arg10[%dma_start3A_37, %dma_start3A_38] : memref<10240x32xf32, #tpu.memory_space<vmem_shared>> -> memref<10240x32xf32, #tpu.memory_space<vmem_shared>>
    tpu.enqueue_indirect_dma source(%dma_start3A_39 : memref<10240x32xf32, #tpu.memory_space<vmem_shared>>) target(%arg14 : memref<128x32xf32, #tpu.memory_space<vmem>>) offsets(%dma_start3A_36 : memref<128xi32, #tpu.memory_space<vmem>>) semaphore(%arg22 : memref<!tpu.dma_semaphore, #tpu.memory_space<semaphore_mem>>)
    %dma_start3A_40 = arith.constant 4 : i32
    %dma_start3A_41 = arith.constant 0 : i32
    %dma_start3A_42 = tpu.memref_slice %arg7[%dma_start3A_40, %dma_start3A_41] : memref<80x128xi32, #tpu.memory_space<vmem>> -> memref<1x128xi32, #tpu.memory_space<vmem>>
    %dma_start3A_43 = tpu.memref_squeeze %dma_start3A_42 : memref<1x128xi32, #tpu.memory_space<vmem>> -> memref<128xi32, #tpu.memory_space<vmem>>
    %dma_start3A_44 = arith.constant 0 : i32
    %dma_start3A_45 = arith.constant 0 : i32
    %dma_start3A_46 = tpu.memref_slice %arg10[%dma_start3A_44, %dma_start3A_45] : memref<10240x32xf32, #tpu.memory_space<vmem_shared>> -> memref<10240x32xf32, #tpu.memory_space<vmem_shared>>
    tpu.enqueue_indirect_dma source(%dma_start3A_46 : memref<10240x32xf32, #tpu.memory_space<vmem_shared>>) target(%arg15 : memref<128x32xf32, #tpu.memory_space<vmem>>) offsets(%dma_start3A_43 : memref<128xi32, #tpu.memory_space<vmem>>) semaphore(%arg23 : memref<!tpu.dma_semaphore, #tpu.memory_space<semaphore_mem>>)
    %dma_start3A_47 = arith.constant 5 : i32
    %dma_start3A_48 = arith.constant 0 : i32
    %dma_start3A_49 = tpu.memref_slice %arg7[%dma_start3A_47, %dma_start3A_48] : memref<80x128xi32, #tpu.memory_space<vmem>> -> memref<1x128xi32, #tpu.memory_space<vmem>>
    %dma_start3A_50 = tpu.memref_squeeze %dma_start3A_49 : memref<1x128xi32, #tpu.memory_space<vmem>> -> memref<128xi32, #tpu.memory_space<vmem>>
    %dma_start3A_51 = arith.constant 0 : i32
    %dma_start3A_52 = arith.constant 0 : i32
    %dma_start3A_53 = tpu.memref_slice %arg10[%dma_start3A_51, %dma_start3A_52] : memref<10240x32xf32, #tpu.memory_space<vmem_shared>> -> memref<10240x32xf32, #tpu.memory_space<vmem_shared>>
    tpu.enqueue_indirect_dma source(%dma_start3A_53 : memref<10240x32xf32, #tpu.memory_space<vmem_shared>>) target(%arg16 : memref<128x32xf32, #tpu.memory_space<vmem>>) offsets(%dma_start3A_50 : memref<128xi32, #tpu.memory_space<vmem>>) semaphore(%arg24 : memref<!tpu.dma_semaphore, #tpu.memory_space<semaphore_mem>>)
    %dma_start3A_54 = arith.constant 6 : i32
    %dma_start3A_55 = arith.constant 0 : i32
    %dma_start3A_56 = tpu.memref_slice %arg7[%dma_start3A_54, %dma_start3A_55] : memref<80x128xi32, #tpu.memory_space<vmem>> -> memref<1x128xi32, #tpu.memory_space<vmem>>
    %dma_start3A_57 = tpu.memref_squeeze %dma_start3A_56 : memref<1x128xi32, #tpu.memory_space<vmem>> -> memref<128xi32, #tpu.memory_space<vmem>>
    %dma_start3A_58 = arith.constant 0 : i32
    %dma_start3A_59 = arith.constant 0 : i32
    %dma_start3A_60 = tpu.memref_slice %arg10[%dma_start3A_58, %dma_start3A_59] : memref<10240x32xf32, #tpu.memory_space<vmem_shared>> -> memref<10240x32xf32, #tpu.memory_space<vmem_shared>>
    tpu.enqueue_indirect_dma source(%dma_start3A_60 : memref<10240x32xf32, #tpu.memory_space<vmem_shared>>) target(%arg17 : memref<128x32xf32, #tpu.memory_space<vmem>>) offsets(%dma_start3A_57 : memref<128xi32, #tpu.memory_space<vmem>>) semaphore(%arg25 : memref<!tpu.dma_semaphore, #tpu.memory_space<semaphore_mem>>)
    %dma_start3A_61 = arith.constant 7 : i32
    %dma_start3A_62 = arith.constant 0 : i32
    %dma_start3A_63 = tpu.memref_slice %arg7[%dma_start3A_61, %dma_start3A_62] : memref<80x128xi32, #tpu.memory_space<vmem>> -> memref<1x128xi32, #tpu.memory_space<vmem>>
    %dma_start3A_64 = tpu.memref_squeeze %dma_start3A_63 : memref<1x128xi32, #tpu.memory_space<vmem>> -> memref<128xi32, #tpu.memory_space<vmem>>
    %dma_start3A_65 = arith.constant 0 : i32
    %dma_start3A_66 = arith.constant 0 : i32
    %dma_start3A_67 = tpu.memref_slice %arg10[%dma_start3A_65, %dma_start3A_66] : memref<10240x32xf32, #tpu.memory_space<vmem_shared>> -> memref<10240x32xf32, #tpu.memory_space<vmem_shared>>
    tpu.enqueue_indirect_dma source(%dma_start3A_67 : memref<10240x32xf32, #tpu.memory_space<vmem_shared>>) target(%arg18 : memref<128x32xf32, #tpu.memory_space<vmem>>) offsets(%dma_start3A_64 : memref<128xi32, #tpu.memory_space<vmem>>) semaphore(%arg26 : memref<!tpu.dma_semaphore, #tpu.memory_space<semaphore_mem>>)
    %dma_wait3A = arith.constant 0 : i32
    %dma_wait3A_68 = arith.constant 0 : i32
    %dma_wait3A_69 = tpu.memref_slice %arg7[%dma_wait3A, %dma_wait3A_68] : memref<80x128xi32, #tpu.memory_space<vmem>> -> memref<1x128xi32, #tpu.memory_space<vmem>>
    %dma_wait3A_70 = tpu.memref_squeeze %dma_wait3A_69 : memref<1x128xi32, #tpu.memory_space<vmem>> -> memref<128xi32, #tpu.memory_space<vmem>>
    %dma_wait3A_71 = arith.constant 0 : i32
    %dma_wait3A_72 = arith.constant 0 : i32
    %dma_wait3A_73 = tpu.memref_slice %arg10[%dma_wait3A_71, %dma_wait3A_72] : memref<10240x32xf32, #tpu.memory_space<vmem_shared>> -> memref<10240x32xf32, #tpu.memory_space<vmem_shared>>
    tpu.wait_indirect_dma semaphore(%arg19 : memref<!tpu.dma_semaphore, #tpu.memory_space<semaphore_mem>>) src(%dma_wait3A_73 : memref<10240x32xf32, #tpu.memory_space<vmem_shared>>) dst(%arg11 : memref<128x32xf32, #tpu.memory_space<vmem>>)
    %dma_start3A_74 = arith.constant 0 : i32
    %dma_start3A_75 = arith.constant 0 : i32
    %dma_start3A_76 = tpu.memref_slice %arg8[%dma_start3A_74, %dma_start3A_75] : memref<80x128xi32, #tpu.memory_space<vmem>> -> memref<1x128xi32, #tpu.memory_space<vmem>>
    %dma_start3A_77 = tpu.memref_squeeze %dma_start3A_76 : memref<1x128xi32, #tpu.memory_space<vmem>> -> memref<128xi32, #tpu.memory_space<vmem>>
    %dma_start3A_78 = arith.constant 0 : i32
    %dma_start3A_79 = arith.constant 0 : i32
    %dma_start3A_80 = tpu.memref_slice %arg9[%dma_start3A_78, %dma_start3A_79] : memref<10240x32xf32, #tpu.memory_space<vmem_shared>> -> memref<10240x32xf32, #tpu.memory_space<vmem_shared>>
    tpu.enqueue_indirect_dma source(%arg11 : memref<128x32xf32, #tpu.memory_space<vmem>>) target(%dma_start3A_80 : memref<10240x32xf32, #tpu.memory_space<vmem_shared>>) offsets(%dma_start3A_77 : memref<128xi32, #tpu.memory_space<vmem>>) semaphore(%arg27 : memref<!tpu.dma_semaphore, #tpu.memory_space<semaphore_mem>>) {add = true}
    %dma_wait3A_81 = arith.constant 1 : i32
    %dma_wait3A_82 = arith.constant 0 : i32
    %dma_wait3A_83 = tpu.memref_slice %arg7[%dma_wait3A_81, %dma_wait3A_82] : memref<80x128xi32, #tpu.memory_space<vmem>> -> memref<1x128xi32, #tpu.memory_space<vmem>>
    %dma_wait3A_84 = tpu.memref_squeeze %dma_wait3A_83 : memref<1x128xi32, #tpu.memory_space<vmem>> -> memref<128xi32, #tpu.memory_space<vmem>>
    %dma_wait3A_85 = arith.constant 0 : i32
    %dma_wait3A_86 = arith.constant 0 : i32
    %dma_wait3A_87 = tpu.memref_slice %arg10[%dma_wait3A_85, %dma_wait3A_86] : memref<10240x32xf32, #tpu.memory_space<vmem_shared>> -> memref<10240x32xf32, #tpu.memory_space<vmem_shared>>
    tpu.wait_indirect_dma semaphore(%arg20 : memref<!tpu.dma_semaphore, #tpu.memory_space<semaphore_mem>>) src(%dma_wait3A_87 : memref<10240x32xf32, #tpu.memory_space<vmem_shared>>) dst(%arg12 : memref<128x32xf32, #tpu.memory_space<vmem>>)
    %dma_start3A_88 = arith.constant 1 : i32
    %dma_start3A_89 = arith.constant 0 : i32
    %dma_start3A_90 = tpu.memref_slice %arg8[%dma_start3A_88, %dma_start3A_89] : memref<80x128xi32, #tpu.memory_space<vmem>> -> memref<1x128xi32, #tpu.memory_space<vmem>>
    %dma_start3A_91 = tpu.memref_squeeze %dma_start3A_90 : memref<1x128xi32, #tpu.memory_space<vmem>> -> memref<128xi32, #tpu.memory_space<vmem>>
    %dma_start3A_92 = arith.constant 0 : i32
    %dma_start3A_93 = arith.constant 0 : i32
    %dma_start3A_94 = tpu.memref_slice %arg9[%dma_start3A_92, %dma_start3A_93] : memref<10240x32xf32, #tpu.memory_space<vmem_shared>> -> memref<10240x32xf32, #tpu.memory_space<vmem_shared>>
    tpu.enqueue_indirect_dma source(%arg12 : memref<128x32xf32, #tpu.memory_space<vmem>>) target(%dma_start3A_94 : memref<10240x32xf32, #tpu.memory_space<vmem_shared>>) offsets(%dma_start3A_91 : memref<128xi32, #tpu.memory_space<vmem>>) semaphore(%arg28 : memref<!tpu.dma_semaphore, #tpu.memory_space<semaphore_mem>>) {add = true}
    %dma_wait3A_95 = arith.constant 2 : i32
    %dma_wait3A_96 = arith.constant 0 : i32
    %dma_wait3A_97 = tpu.memref_slice %arg7[%dma_wait3A_95, %dma_wait3A_96] : memref<80x128xi32, #tpu.memory_space<vmem>> -> memref<1x128xi32, #tpu.memory_space<vmem>>
    %dma_wait3A_98 = tpu.memref_squeeze %dma_wait3A_97 : memref<1x128xi32, #tpu.memory_space<vmem>> -> memref<128xi32, #tpu.memory_space<vmem>>
    %dma_wait3A_99 = arith.constant 0 : i32
    %dma_wait3A_100 = arith.constant 0 : i32
    %dma_wait3A_101 = tpu.memref_slice %arg10[%dma_wait3A_99, %dma_wait3A_100] : memref<10240x32xf32, #tpu.memory_space<vmem_shared>> -> memref<10240x32xf32, #tpu.memory_space<vmem_shared>>
    tpu.wait_indirect_dma semaphore(%arg21 : memref<!tpu.dma_semaphore, #tpu.memory_space<semaphore_mem>>) src(%dma_wait3A_101 : memref<10240x32xf32, #tpu.memory_space<vmem_shared>>) dst(%arg13 : memref<128x32xf32, #tpu.memory_space<vmem>>)
    %dma_start3A_102 = arith.constant 2 : i32
    %dma_start3A_103 = arith.constant 0 : i32
    %dma_start3A_104 = tpu.memref_slice %arg8[%dma_start3A_102, %dma_start3A_103] : memref<80x128xi32, #tpu.memory_space<vmem>> -> memref<1x128xi32, #tpu.memory_space<vmem>>
    %dma_start3A_105 = tpu.memref_squeeze %dma_start3A_104 : memref<1x128xi32, #tpu.memory_space<vmem>> -> memref<128xi32, #tpu.memory_space<vmem>>
    %dma_start3A_106 = arith.constant 0 : i32
    %dma_start3A_107 = arith.constant 0 : i32
    %dma_start3A_108 = tpu.memref_slice %arg9[%dma_start3A_106, %dma_start3A_107] : memref<10240x32xf32, #tpu.memory_space<vmem_shared>> -> memref<10240x32xf32, #tpu.memory_space<vmem_shared>>
    tpu.enqueue_indirect_dma source(%arg13 : memref<128x32xf32, #tpu.memory_space<vmem>>) target(%dma_start3A_108 : memref<10240x32xf32, #tpu.memory_space<vmem_shared>>) offsets(%dma_start3A_105 : memref<128xi32, #tpu.memory_space<vmem>>) semaphore(%arg29 : memref<!tpu.dma_semaphore, #tpu.memory_space<semaphore_mem>>) {add = true}
    %dma_wait3A_109 = arith.constant 3 : i32
    %dma_wait3A_110 = arith.constant 0 : i32
    %dma_wait3A_111 = tpu.memref_slice %arg7[%dma_wait3A_109, %dma_wait3A_110] : memref<80x128xi32, #tpu.memory_space<vmem>> -> memref<1x128xi32, #tpu.memory_space<vmem>>
    %dma_wait3A_112 = tpu.memref_squeeze %dma_wait3A_111 : memref<1x128xi32, #tpu.memory_space<vmem>> -> memref<128xi32, #tpu.memory_space<vmem>>
    %dma_wait3A_113 = arith.constant 0 : i32
    %dma_wait3A_114 = arith.constant 0 : i32
    %dma_wait3A_115 = tpu.memref_slice %arg10[%dma_wait3A_113, %dma_wait3A_114] : memref<10240x32xf32, #tpu.memory_space<vmem_shared>> -> memref<10240x32xf32, #tpu.memory_space<vmem_shared>>
    tpu.wait_indirect_dma semaphore(%arg22 : memref<!tpu.dma_semaphore, #tpu.memory_space<semaphore_mem>>) src(%dma_wait3A_115 : memref<10240x32xf32, #tpu.memory_space<vmem_shared>>) dst(%arg14 : memref<128x32xf32, #tpu.memory_space<vmem>>)
    %dma_start3A_116 = arith.constant 3 : i32
    %dma_start3A_117 = arith.constant 0 : i32
    %dma_start3A_118 = tpu.memref_slice %arg8[%dma_start3A_116, %dma_start3A_117] : memref<80x128xi32, #tpu.memory_space<vmem>> -> memref<1x128xi32, #tpu.memory_space<vmem>>
    %dma_start3A_119 = tpu.memref_squeeze %dma_start3A_118 : memref<1x128xi32, #tpu.memory_space<vmem>> -> memref<128xi32, #tpu.memory_space<vmem>>
    %dma_start3A_120 = arith.constant 0 : i32
    %dma_start3A_121 = arith.constant 0 : i32
    %dma_start3A_122 = tpu.memref_slice %arg9[%dma_start3A_120, %dma_start3A_121] : memref<10240x32xf32, #tpu.memory_space<vmem_shared>> -> memref<10240x32xf32, #tpu.memory_space<vmem_shared>>
    tpu.enqueue_indirect_dma source(%arg14 : memref<128x32xf32, #tpu.memory_space<vmem>>) target(%dma_start3A_122 : memref<10240x32xf32, #tpu.memory_space<vmem_shared>>) offsets(%dma_start3A_119 : memref<128xi32, #tpu.memory_space<vmem>>) semaphore(%arg30 : memref<!tpu.dma_semaphore, #tpu.memory_space<semaphore_mem>>) {add = true}
    %dma_wait3A_123 = arith.constant 4 : i32
    %dma_wait3A_124 = arith.constant 0 : i32
    %dma_wait3A_125 = tpu.memref_slice %arg7[%dma_wait3A_123, %dma_wait3A_124] : memref<80x128xi32, #tpu.memory_space<vmem>> -> memref<1x128xi32, #tpu.memory_space<vmem>>
    %dma_wait3A_126 = tpu.memref_squeeze %dma_wait3A_125 : memref<1x128xi32, #tpu.memory_space<vmem>> -> memref<128xi32, #tpu.memory_space<vmem>>
    %dma_wait3A_127 = arith.constant 0 : i32
    %dma_wait3A_128 = arith.constant 0 : i32
    %dma_wait3A_129 = tpu.memref_slice %arg10[%dma_wait3A_127, %dma_wait3A_128] : memref<10240x32xf32, #tpu.memory_space<vmem_shared>> -> memref<10240x32xf32, #tpu.memory_space<vmem_shared>>
    tpu.wait_indirect_dma semaphore(%arg23 : memref<!tpu.dma_semaphore, #tpu.memory_space<semaphore_mem>>) src(%dma_wait3A_129 : memref<10240x32xf32, #tpu.memory_space<vmem_shared>>) dst(%arg15 : memref<128x32xf32, #tpu.memory_space<vmem>>)
    %dma_start3A_130 = arith.constant 4 : i32
    %dma_start3A_131 = arith.constant 0 : i32
    %dma_start3A_132 = tpu.memref_slice %arg8[%dma_start3A_130, %dma_start3A_131] : memref<80x128xi32, #tpu.memory_space<vmem>> -> memref<1x128xi32, #tpu.memory_space<vmem>>
    %dma_start3A_133 = tpu.memref_squeeze %dma_start3A_132 : memref<1x128xi32, #tpu.memory_space<vmem>> -> memref<128xi32, #tpu.memory_space<vmem>>
    %dma_start3A_134 = arith.constant 0 : i32
    %dma_start3A_135 = arith.constant 0 : i32
    %dma_start3A_136 = tpu.memref_slice %arg9[%dma_start3A_134, %dma_start3A_135] : memref<10240x32xf32, #tpu.memory_space<vmem_shared>> -> memref<10240x32xf32, #tpu.memory_space<vmem_shared>>
    tpu.enqueue_indirect_dma source(%arg15 : memref<128x32xf32, #tpu.memory_space<vmem>>) target(%dma_start3A_136 : memref<10240x32xf32, #tpu.memory_space<vmem_shared>>) offsets(%dma_start3A_133 : memref<128xi32, #tpu.memory_space<vmem>>) semaphore(%arg31 : memref<!tpu.dma_semaphore, #tpu.memory_space<semaphore_mem>>) {add = true}
    %dma_wait3A_137 = arith.constant 5 : i32
    %dma_wait3A_138 = arith.constant 0 : i32
    %dma_wait3A_139 = tpu.memref_slice %arg7[%dma_wait3A_137, %dma_wait3A_138] : memref<80x128xi32, #tpu.memory_space<vmem>> -> memref<1x128xi32, #tpu.memory_space<vmem>>
    %dma_wait3A_140 = tpu.memref_squeeze %dma_wait3A_139 : memref<1x128xi32, #tpu.memory_space<vmem>> -> memref<128xi32, #tpu.memory_space<vmem>>
    %dma_wait3A_141 = arith.constant 0 : i32
    %dma_wait3A_142 = arith.constant 0 : i32
    %dma_wait3A_143 = tpu.memref_slice %arg10[%dma_wait3A_141, %dma_wait3A_142] : memref<10240x32xf32, #tpu.memory_space<vmem_shared>> -> memref<10240x32xf32, #tpu.memory_space<vmem_shared>>
    tpu.wait_indirect_dma semaphore(%arg24 : memref<!tpu.dma_semaphore, #tpu.memory_space<semaphore_mem>>) src(%dma_wait3A_143 : memref<10240x32xf32, #tpu.memory_space<vmem_shared>>) dst(%arg16 : memref<128x32xf32, #tpu.memory_space<vmem>>)
    %dma_start3A_144 = arith.constant 5 : i32
    %dma_start3A_145 = arith.constant 0 : i32
    %dma_start3A_146 = tpu.memref_slice %arg8[%dma_start3A_144, %dma_start3A_145] : memref<80x128xi32, #tpu.memory_space<vmem>> -> memref<1x128xi32, #tpu.memory_space<vmem>>
    %dma_start3A_147 = tpu.memref_squeeze %dma_start3A_146 : memref<1x128xi32, #tpu.memory_space<vmem>> -> memref<128xi32, #tpu.memory_space<vmem>>
    %dma_start3A_148 = arith.constant 0 : i32
    %dma_start3A_149 = arith.constant 0 : i32
    %dma_start3A_150 = tpu.memref_slice %arg9[%dma_start3A_148, %dma_start3A_149] : memref<10240x32xf32, #tpu.memory_space<vmem_shared>> -> memref<10240x32xf32, #tpu.memory_space<vmem_shared>>
    tpu.enqueue_indirect_dma source(%arg16 : memref<128x32xf32, #tpu.memory_space<vmem>>) target(%dma_start3A_150 : memref<10240x32xf32, #tpu.memory_space<vmem_shared>>) offsets(%dma_start3A_147 : memref<128xi32, #tpu.memory_space<vmem>>) semaphore(%arg32 : memref<!tpu.dma_semaphore, #tpu.memory_space<semaphore_mem>>) {add = true}
    %dma_wait3A_151 = arith.constant 6 : i32
    %dma_wait3A_152 = arith.constant 0 : i32
    %dma_wait3A_153 = tpu.memref_slice %arg7[%dma_wait3A_151, %dma_wait3A_152] : memref<80x128xi32, #tpu.memory_space<vmem>> -> memref<1x128xi32, #tpu.memory_space<vmem>>
    %dma_wait3A_154 = tpu.memref_squeeze %dma_wait3A_153 : memref<1x128xi32, #tpu.memory_space<vmem>> -> memref<128xi32, #tpu.memory_space<vmem>>
    %dma_wait3A_155 = arith.constant 0 : i32
    %dma_wait3A_156 = arith.constant 0 : i32
    %dma_wait3A_157 = tpu.memref_slice %arg10[%dma_wait3A_155, %dma_wait3A_156] : memref<10240x32xf32, #tpu.memory_space<vmem_shared>> -> memref<10240x32xf32, #tpu.memory_space<vmem_shared>>
    tpu.wait_indirect_dma semaphore(%arg25 : memref<!tpu.dma_semaphore, #tpu.memory_space<semaphore_mem>>) src(%dma_wait3A_157 : memref<10240x32xf32, #tpu.memory_space<vmem_shared>>) dst(%arg17 : memref<128x32xf32, #tpu.memory_space<vmem>>)
    %dma_start3A_158 = arith.constant 6 : i32
    %dma_start3A_159 = arith.constant 0 : i32
    %dma_start3A_160 = tpu.memref_slice %arg8[%dma_start3A_158, %dma_start3A_159] : memref<80x128xi32, #tpu.memory_space<vmem>> -> memref<1x128xi32, #tpu.memory_space<vmem>>
    %dma_start3A_161 = tpu.memref_squeeze %dma_start3A_160 : memref<1x128xi32, #tpu.memory_space<vmem>> -> memref<128xi32, #tpu.memory_space<vmem>>
    %dma_start3A_162 = arith.constant 0 : i32
    %dma_start3A_163 = arith.constant 0 : i32
    %dma_start3A_164 = tpu.memref_slice %arg9[%dma_start3A_162, %dma_start3A_163] : memref<10240x32xf32, #tpu.memory_space<vmem_shared>> -> memref<10240x32xf32, #tpu.memory_space<vmem_shared>>
    tpu.enqueue_indirect_dma source(%arg17 : memref<128x32xf32, #tpu.memory_space<vmem>>) target(%dma_start3A_164 : memref<10240x32xf32, #tpu.memory_space<vmem_shared>>) offsets(%dma_start3A_161 : memref<128xi32, #tpu.memory_space<vmem>>) semaphore(%arg33 : memref<!tpu.dma_semaphore, #tpu.memory_space<semaphore_mem>>) {add = true}
    %dma_wait3A_165 = arith.constant 7 : i32
    %dma_wait3A_166 = arith.constant 0 : i32
    %dma_wait3A_167 = tpu.memref_slice %arg7[%dma_wait3A_165, %dma_wait3A_166] : memref<80x128xi32, #tpu.memory_space<vmem>> -> memref<1x128xi32, #tpu.memory_space<vmem>>
    %dma_wait3A_168 = tpu.memref_squeeze %dma_wait3A_167 : memref<1x128xi32, #tpu.memory_space<vmem>> -> memref<128xi32, #tpu.memory_space<vmem>>
    %dma_wait3A_169 = arith.constant 0 : i32
    %dma_wait3A_170 = arith.constant 0 : i32
    %dma_wait3A_171 = tpu.memref_slice %arg10[%dma_wait3A_169, %dma_wait3A_170] : memref<10240x32xf32, #tpu.memory_space<vmem_shared>> -> memref<10240x32xf32, #tpu.memory_space<vmem_shared>>
    tpu.wait_indirect_dma semaphore(%arg26 : memref<!tpu.dma_semaphore, #tpu.memory_space<semaphore_mem>>) src(%dma_wait3A_171 : memref<10240x32xf32, #tpu.memory_space<vmem_shared>>) dst(%arg18 : memref<128x32xf32, #tpu.memory_space<vmem>>)
    %dma_start3A_172 = arith.constant 7 : i32
    %dma_start3A_173 = arith.constant 0 : i32
    %dma_start3A_174 = tpu.memref_slice %arg8[%dma_start3A_172, %dma_start3A_173] : memref<80x128xi32, #tpu.memory_space<vmem>> -> memref<1x128xi32, #tpu.memory_space<vmem>>
    %dma_start3A_175 = tpu.memref_squeeze %dma_start3A_174 : memref<1x128xi32, #tpu.memory_space<vmem>> -> memref<128xi32, #tpu.memory_space<vmem>>
    %dma_start3A_176 = arith.constant 0 : i32
    %dma_start3A_177 = arith.constant 0 : i32
    %dma_start3A_178 = tpu.memref_slice %arg9[%dma_start3A_176, %dma_start3A_177] : memref<10240x32xf32, #tpu.memory_space<vmem_shared>> -> memref<10240x32xf32, #tpu.memory_space<vmem_shared>>
    tpu.enqueue_indirect_dma source(%arg18 : memref<128x32xf32, #tpu.memory_space<vmem>>) target(%dma_start3A_178 : memref<10240x32xf32, #tpu.memory_space<vmem_shared>>) offsets(%dma_start3A_175 : memref<128xi32, #tpu.memory_space<vmem>>) semaphore(%arg34 : memref<!tpu.dma_semaphore, #tpu.memory_space<semaphore_mem>>) {add = true}
    %scan3A = arith.constant 0 : i32
    %scan3A_179 = arith.constant 1 : i32
    %scan3A_180 = arith.constant 9 : i32
    %scan3A_181 = arith.addi %scan3A_179, %scan3A_180 : i32
    %scan3A_182 = arith.constant 1 : i32
    scf.for %scan3A_245 = %scan3A_179 to %scan3A_181 step %scan3A_182  : i32 {
      %mul3A_246 = arith.constant 8 : i32
      %mul3A_247 = arith.muli %scan3A_245, %mul3A_246 : i32
      %add3A_248 = arith.constant 0 : i32
      %add3A_249 = arith.addi %mul3A_247, %add3A_248 : i32
      %dma_wait3A_250 = arith.constant 0 : i32
      %dma_wait3A_251 = tpu.memref_slice %arg8[%add3A_249, %dma_wait3A_250] : memref<80x128xi32, #tpu.memory_space<vmem>> -> memref<1x128xi32, #tpu.memory_space<vmem>>
      %dma_wait3A_252 = tpu.memref_squeeze %dma_wait3A_251 : memref<1x128xi32, #tpu.memory_space<vmem>> -> memref<128xi32, #tpu.memory_space<vmem>>
      %dma_wait3A_253 = arith.constant 0 : i32
      %dma_wait3A_254 = arith.constant 0 : i32
      %dma_wait3A_255 = tpu.memref_slice %arg9[%dma_wait3A_253, %dma_wait3A_254] : memref<10240x32xf32, #tpu.memory_space<vmem_shared>> -> memref<10240x32xf32, #tpu.memory_space<vmem_shared>>
      tpu.wait_indirect_dma semaphore(%arg27 : memref<!tpu.dma_semaphore, #tpu.memory_space<semaphore_mem>>) src(%arg11 : memref<128x32xf32, #tpu.memory_space<vmem>>) dst(%dma_wait3A_255 : memref<10240x32xf32, #tpu.memory_space<vmem_shared>>)
      %add3A_256 = arith.constant 0 : i32
      %add3A_257 = arith.addi %mul3A_247, %add3A_256 : i32
      %dma_start3A_258 = arith.constant 0 : i32
      %dma_start3A_259 = tpu.memref_slice %arg7[%add3A_257, %dma_start3A_258] : memref<80x128xi32, #tpu.memory_space<vmem>> -> memref<1x128xi32, #tpu.memory_space<vmem>>
      %dma_start3A_260 = tpu.memref_squeeze %dma_start3A_259 : memref<1x128xi32, #tpu.memory_space<vmem>> -> memref<128xi32, #tpu.memory_space<vmem>>
      %dma_start3A_261 = arith.constant 0 : i32
      %dma_start3A_262 = arith.constant 0 : i32
      %dma_start3A_263 = tpu.memref_slice %arg10[%dma_start3A_261, %dma_start3A_262] : memref<10240x32xf32, #tpu.memory_space<vmem_shared>> -> memref<10240x32xf32, #tpu.memory_space<vmem_shared>>
      tpu.enqueue_indirect_dma source(%dma_start3A_263 : memref<10240x32xf32, #tpu.memory_space<vmem_shared>>) target(%arg11 : memref<128x32xf32, #tpu.memory_space<vmem>>) offsets(%dma_start3A_260 : memref<128xi32, #tpu.memory_space<vmem>>) semaphore(%arg19 : memref<!tpu.dma_semaphore, #tpu.memory_space<semaphore_mem>>)
      %add3A_264 = arith.constant 1 : i32
      %add3A_265 = arith.addi %mul3A_247, %add3A_264 : i32
      %dma_wait3A_266 = arith.constant 0 : i32
      %dma_wait3A_267 = tpu.memref_slice %arg8[%add3A_265, %dma_wait3A_266] : memref<80x128xi32, #tpu.memory_space<vmem>> -> memref<1x128xi32, #tpu.memory_space<vmem>>
      %dma_wait3A_268 = tpu.memref_squeeze %dma_wait3A_267 : memref<1x128xi32, #tpu.memory_space<vmem>> -> memref<128xi32, #tpu.memory_space<vmem>>
      %dma_wait3A_269 = arith.constant 0 : i32
      %dma_wait3A_270 = arith.constant 0 : i32
      %dma_wait3A_271 = tpu.memref_slice %arg9[%dma_wait3A_269, %dma_wait3A_270] : memref<10240x32xf32, #tpu.memory_space<vmem_shared>> -> memref<10240x32xf32, #tpu.memory_space<vmem_shared>>
      tpu.wait_indirect_dma semaphore(%arg28 : memref<!tpu.dma_semaphore, #tpu.memory_space<semaphore_mem>>) src(%arg12 : memref<128x32xf32, #tpu.memory_space<vmem>>) dst(%dma_wait3A_271 : memref<10240x32xf32, #tpu.memory_space<vmem_shared>>)
      %add3A_272 = arith.constant 1 : i32
      %add3A_273 = arith.addi %mul3A_247, %add3A_272 : i32
      %dma_start3A_274 = arith.constant 0 : i32
      %dma_start3A_275 = tpu.memref_slice %arg7[%add3A_273, %dma_start3A_274] : memref<80x128xi32, #tpu.memory_space<vmem>> -> memref<1x128xi32, #tpu.memory_space<vmem>>
      %dma_start3A_276 = tpu.memref_squeeze %dma_start3A_275 : memref<1x128xi32, #tpu.memory_space<vmem>> -> memref<128xi32, #tpu.memory_space<vmem>>
      %dma_start3A_277 = arith.constant 0 : i32
      %dma_start3A_278 = arith.constant 0 : i32
      %dma_start3A_279 = tpu.memref_slice %arg10[%dma_start3A_277, %dma_start3A_278] : memref<10240x32xf32, #tpu.memory_space<vmem_shared>> -> memref<10240x32xf32, #tpu.memory_space<vmem_shared>>
      tpu.enqueue_indirect_dma source(%dma_start3A_279 : memref<10240x32xf32, #tpu.memory_space<vmem_shared>>) target(%arg12 : memref<128x32xf32, #tpu.memory_space<vmem>>) offsets(%dma_start3A_276 : memref<128xi32, #tpu.memory_space<vmem>>) semaphore(%arg20 : memref<!tpu.dma_semaphore, #tpu.memory_space<semaphore_mem>>)
      %add3A_280 = arith.constant 2 : i32
      %add3A_281 = arith.addi %mul3A_247, %add3A_280 : i32
      %dma_wait3A_282 = arith.constant 0 : i32
      %dma_wait3A_283 = tpu.memref_slice %arg8[%add3A_281, %dma_wait3A_282] : memref<80x128xi32, #tpu.memory_space<vmem>> -> memref<1x128xi32, #tpu.memory_space<vmem>>
      %dma_wait3A_284 = tpu.memref_squeeze %dma_wait3A_283 : memref<1x128xi32, #tpu.memory_space<vmem>> -> memref<128xi32, #tpu.memory_space<vmem>>
      %dma_wait3A_285 = arith.constant 0 : i32
      %dma_wait3A_286 = arith.constant 0 : i32
      %dma_wait3A_287 = tpu.memref_slice %arg9[%dma_wait3A_285, %dma_wait3A_286] : memref<10240x32xf32, #tpu.memory_space<vmem_shared>> -> memref<10240x32xf32, #tpu.memory_space<vmem_shared>>
      tpu.wait_indirect_dma semaphore(%arg29 : memref<!tpu.dma_semaphore, #tpu.memory_space<semaphore_mem>>) src(%arg13 : memref<128x32xf32, #tpu.memory_space<vmem>>) dst(%dma_wait3A_287 : memref<10240x32xf32, #tpu.memory_space<vmem_shared>>)
      %add3A_288 = arith.constant 2 : i32
      %add3A_289 = arith.addi %mul3A_247, %add3A_288 : i32
      %dma_start3A_290 = arith.constant 0 : i32
      %dma_start3A_291 = tpu.memref_slice %arg7[%add3A_289, %dma_start3A_290] : memref<80x128xi32, #tpu.memory_space<vmem>> -> memref<1x128xi32, #tpu.memory_space<vmem>>
      %dma_start3A_292 = tpu.memref_squeeze %dma_start3A_291 : memref<1x128xi32, #tpu.memory_space<vmem>> -> memref<128xi32, #tpu.memory_space<vmem>>
      %dma_start3A_293 = arith.constant 0 : i32
      %dma_start3A_294 = arith.constant 0 : i32
      %dma_start3A_295 = tpu.memref_slice %arg10[%dma_start3A_293, %dma_start3A_294] : memref<10240x32xf32, #tpu.memory_space<vmem_shared>> -> memref<10240x32xf32, #tpu.memory_space<vmem_shared>>
      tpu.enqueue_indirect_dma source(%dma_start3A_295 : memref<10240x32xf32, #tpu.memory_space<vmem_shared>>) target(%arg13 : memref<128x32xf32, #tpu.memory_space<vmem>>) offsets(%dma_start3A_292 : memref<128xi32, #tpu.memory_space<vmem>>) semaphore(%arg21 : memref<!tpu.dma_semaphore, #tpu.memory_space<semaphore_mem>>)
      %add3A_296 = arith.constant 3 : i32
      %add3A_297 = arith.addi %mul3A_247, %add3A_296 : i32
      %dma_wait3A_298 = arith.constant 0 : i32
      %dma_wait3A_299 = tpu.memref_slice %arg8[%add3A_297, %dma_wait3A_298] : memref<80x128xi32, #tpu.memory_space<vmem>> -> memref<1x128xi32, #tpu.memory_space<vmem>>
      %dma_wait3A_300 = tpu.memref_squeeze %dma_wait3A_299 : memref<1x128xi32, #tpu.memory_space<vmem>> -> memref<128xi32, #tpu.memory_space<vmem>>
      %dma_wait3A_301 = arith.constant 0 : i32
      %dma_wait3A_302 = arith.constant 0 : i32
      %dma_wait3A_303 = tpu.memref_slice %arg9[%dma_wait3A_301, %dma_wait3A_302] : memref<10240x32xf32, #tpu.memory_space<vmem_shared>> -> memref<10240x32xf32, #tpu.memory_space<vmem_shared>>
      tpu.wait_indirect_dma semaphore(%arg30 : memref<!tpu.dma_semaphore, #tpu.memory_space<semaphore_mem>>) src(%arg14 : memref<128x32xf32, #tpu.memory_space<vmem>>) dst(%dma_wait3A_303 : memref<10240x32xf32, #tpu.memory_space<vmem_shared>>)
      %add3A_304 = arith.constant 3 : i32
      %add3A_305 = arith.addi %mul3A_247, %add3A_304 : i32
      %dma_start3A_306 = arith.constant 0 : i32
      %dma_start3A_307 = tpu.memref_slice %arg7[%add3A_305, %dma_start3A_306] : memref<80x128xi32, #tpu.memory_space<vmem>> -> memref<1x128xi32, #tpu.memory_space<vmem>>
      %dma_start3A_308 = tpu.memref_squeeze %dma_start3A_307 : memref<1x128xi32, #tpu.memory_space<vmem>> -> memref<128xi32, #tpu.memory_space<vmem>>
      %dma_start3A_309 = arith.constant 0 : i32
      %dma_start3A_310 = arith.constant 0 : i32
      %dma_start3A_311 = tpu.memref_slice %arg10[%dma_start3A_309, %dma_start3A_310] : memref<10240x32xf32, #tpu.memory_space<vmem_shared>> -> memref<10240x32xf32, #tpu.memory_space<vmem_shared>>
      tpu.enqueue_indirect_dma source(%dma_start3A_311 : memref<10240x32xf32, #tpu.memory_space<vmem_shared>>) target(%arg14 : memref<128x32xf32, #tpu.memory_space<vmem>>) offsets(%dma_start3A_308 : memref<128xi32, #tpu.memory_space<vmem>>) semaphore(%arg22 : memref<!tpu.dma_semaphore, #tpu.memory_space<semaphore_mem>>)
      %add3A_312 = arith.constant 4 : i32
      %add3A_313 = arith.addi %mul3A_247, %add3A_312 : i32
      %dma_wait3A_314 = arith.constant 0 : i32
      %dma_wait3A_315 = tpu.memref_slice %arg8[%add3A_313, %dma_wait3A_314] : memref<80x128xi32, #tpu.memory_space<vmem>> -> memref<1x128xi32, #tpu.memory_space<vmem>>
      %dma_wait3A_316 = tpu.memref_squeeze %dma_wait3A_315 : memref<1x128xi32, #tpu.memory_space<vmem>> -> memref<128xi32, #tpu.memory_space<vmem>>
      %dma_wait3A_317 = arith.constant 0 : i32
      %dma_wait3A_318 = arith.constant 0 : i32
      %dma_wait3A_319 = tpu.memref_slice %arg9[%dma_wait3A_317, %dma_wait3A_318] : memref<10240x32xf32, #tpu.memory_space<vmem_shared>> -> memref<10240x32xf32, #tpu.memory_space<vmem_shared>>
      tpu.wait_indirect_dma semaphore(%arg31 : memref<!tpu.dma_semaphore, #tpu.memory_space<semaphore_mem>>) src(%arg15 : memref<128x32xf32, #tpu.memory_space<vmem>>) dst(%dma_wait3A_319 : memref<10240x32xf32, #tpu.memory_space<vmem_shared>>)
      %add3A_320 = arith.constant 4 : i32
      %add3A_321 = arith.addi %mul3A_247, %add3A_320 : i32
      %dma_start3A_322 = arith.constant 0 : i32
      %dma_start3A_323 = tpu.memref_slice %arg7[%add3A_321, %dma_start3A_322] : memref<80x128xi32, #tpu.memory_space<vmem>> -> memref<1x128xi32, #tpu.memory_space<vmem>>
      %dma_start3A_324 = tpu.memref_squeeze %dma_start3A_323 : memref<1x128xi32, #tpu.memory_space<vmem>> -> memref<128xi32, #tpu.memory_space<vmem>>
      %dma_start3A_325 = arith.constant 0 : i32
      %dma_start3A_326 = arith.constant 0 : i32
      %dma_start3A_327 = tpu.memref_slice %arg10[%dma_start3A_325, %dma_start3A_326] : memref<10240x32xf32, #tpu.memory_space<vmem_shared>> -> memref<10240x32xf32, #tpu.memory_space<vmem_shared>>
      tpu.enqueue_indirect_dma source(%dma_start3A_327 : memref<10240x32xf32, #tpu.memory_space<vmem_shared>>) target(%arg15 : memref<128x32xf32, #tpu.memory_space<vmem>>) offsets(%dma_start3A_324 : memref<128xi32, #tpu.memory_space<vmem>>) semaphore(%arg23 : memref<!tpu.dma_semaphore, #tpu.memory_space<semaphore_mem>>)
      %add3A_328 = arith.constant 5 : i32
      %add3A_329 = arith.addi %mul3A_247, %add3A_328 : i32
      %dma_wait3A_330 = arith.constant 0 : i32
      %dma_wait3A_331 = tpu.memref_slice %arg8[%add3A_329, %dma_wait3A_330] : memref<80x128xi32, #tpu.memory_space<vmem>> -> memref<1x128xi32, #tpu.memory_space<vmem>>
      %dma_wait3A_332 = tpu.memref_squeeze %dma_wait3A_331 : memref<1x128xi32, #tpu.memory_space<vmem>> -> memref<128xi32, #tpu.memory_space<vmem>>
      %dma_wait3A_333 = arith.constant 0 : i32
      %dma_wait3A_334 = arith.constant 0 : i32
      %dma_wait3A_335 = tpu.memref_slice %arg9[%dma_wait3A_333, %dma_wait3A_334] : memref<10240x32xf32, #tpu.memory_space<vmem_shared>> -> memref<10240x32xf32, #tpu.memory_space<vmem_shared>>
      tpu.wait_indirect_dma semaphore(%arg32 : memref<!tpu.dma_semaphore, #tpu.memory_space<semaphore_mem>>) src(%arg16 : memref<128x32xf32, #tpu.memory_space<vmem>>) dst(%dma_wait3A_335 : memref<10240x32xf32, #tpu.memory_space<vmem_shared>>)
      %add3A_336 = arith.constant 5 : i32
      %add3A_337 = arith.addi %mul3A_247, %add3A_336 : i32
      %dma_start3A_338 = arith.constant 0 : i32
      %dma_start3A_339 = tpu.memref_slice %arg7[%add3A_337, %dma_start3A_338] : memref<80x128xi32, #tpu.memory_space<vmem>> -> memref<1x128xi32, #tpu.memory_space<vmem>>
      %dma_start3A_340 = tpu.memref_squeeze %dma_start3A_339 : memref<1x128xi32, #tpu.memory_space<vmem>> -> memref<128xi32, #tpu.memory_space<vmem>>
      %dma_start3A_341 = arith.constant 0 : i32
      %dma_start3A_342 = arith.constant 0 : i32
      %dma_start3A_343 = tpu.memref_slice %arg10[%dma_start3A_341, %dma_start3A_342] : memref<10240x32xf32, #tpu.memory_space<vmem_shared>> -> memref<10240x32xf32, #tpu.memory_space<vmem_shared>>
      tpu.enqueue_indirect_dma source(%dma_start3A_343 : memref<10240x32xf32, #tpu.memory_space<vmem_shared>>) target(%arg16 : memref<128x32xf32, #tpu.memory_space<vmem>>) offsets(%dma_start3A_340 : memref<128xi32, #tpu.memory_space<vmem>>) semaphore(%arg24 : memref<!tpu.dma_semaphore, #tpu.memory_space<semaphore_mem>>)
      %add3A_344 = arith.constant 6 : i32
      %add3A_345 = arith.addi %mul3A_247, %add3A_344 : i32
      %dma_wait3A_346 = arith.constant 0 : i32
      %dma_wait3A_347 = tpu.memref_slice %arg8[%add3A_345, %dma_wait3A_346] : memref<80x128xi32, #tpu.memory_space<vmem>> -> memref<1x128xi32, #tpu.memory_space<vmem>>
      %dma_wait3A_348 = tpu.memref_squeeze %dma_wait3A_347 : memref<1x128xi32, #tpu.memory_space<vmem>> -> memref<128xi32, #tpu.memory_space<vmem>>
      %dma_wait3A_349 = arith.constant 0 : i32
      %dma_wait3A_350 = arith.constant 0 : i32
      %dma_wait3A_351 = tpu.memref_slice %arg9[%dma_wait3A_349, %dma_wait3A_350] : memref<10240x32xf32, #tpu.memory_space<vmem_shared>> -> memref<10240x32xf32, #tpu.memory_space<vmem_shared>>
      tpu.wait_indirect_dma semaphore(%arg33 : memref<!tpu.dma_semaphore, #tpu.memory_space<semaphore_mem>>) src(%arg17 : memref<128x32xf32, #tpu.memory_space<vmem>>) dst(%dma_wait3A_351 : memref<10240x32xf32, #tpu.memory_space<vmem_shared>>)
      %add3A_352 = arith.constant 6 : i32
      %add3A_353 = arith.addi %mul3A_247, %add3A_352 : i32
      %dma_start3A_354 = arith.constant 0 : i32
      %dma_start3A_355 = tpu.memref_slice %arg7[%add3A_353, %dma_start3A_354] : memref<80x128xi32, #tpu.memory_space<vmem>> -> memref<1x128xi32, #tpu.memory_space<vmem>>
      %dma_start3A_356 = tpu.memref_squeeze %dma_start3A_355 : memref<1x128xi32, #tpu.memory_space<vmem>> -> memref<128xi32, #tpu.memory_space<vmem>>
      %dma_start3A_357 = arith.constant 0 : i32
      %dma_start3A_358 = arith.constant 0 : i32
      %dma_start3A_359 = tpu.memref_slice %arg10[%dma_start3A_357, %dma_start3A_358] : memref<10240x32xf32, #tpu.memory_space<vmem_shared>> -> memref<10240x32xf32, #tpu.memory_space<vmem_shared>>
      tpu.enqueue_indirect_dma source(%dma_start3A_359 : memref<10240x32xf32, #tpu.memory_space<vmem_shared>>) target(%arg17 : memref<128x32xf32, #tpu.memory_space<vmem>>) offsets(%dma_start3A_356 : memref<128xi32, #tpu.memory_space<vmem>>) semaphore(%arg25 : memref<!tpu.dma_semaphore, #tpu.memory_space<semaphore_mem>>)
      %add3A_360 = arith.constant 7 : i32
      %add3A_361 = arith.addi %mul3A_247, %add3A_360 : i32
      %dma_wait3A_362 = arith.constant 0 : i32
      %dma_wait3A_363 = tpu.memref_slice %arg8[%add3A_361, %dma_wait3A_362] : memref<80x128xi32, #tpu.memory_space<vmem>> -> memref<1x128xi32, #tpu.memory_space<vmem>>
      %dma_wait3A_364 = tpu.memref_squeeze %dma_wait3A_363 : memref<1x128xi32, #tpu.memory_space<vmem>> -> memref<128xi32, #tpu.memory_space<vmem>>
      %dma_wait3A_365 = arith.constant 0 : i32
      %dma_wait3A_366 = arith.constant 0 : i32
      %dma_wait3A_367 = tpu.memref_slice %arg9[%dma_wait3A_365, %dma_wait3A_366] : memref<10240x32xf32, #tpu.memory_space<vmem_shared>> -> memref<10240x32xf32, #tpu.memory_space<vmem_shared>>
      tpu.wait_indirect_dma semaphore(%arg34 : memref<!tpu.dma_semaphore, #tpu.memory_space<semaphore_mem>>) src(%arg18 : memref<128x32xf32, #tpu.memory_space<vmem>>) dst(%dma_wait3A_367 : memref<10240x32xf32, #tpu.memory_space<vmem_shared>>)
      %add3A_368 = arith.constant 7 : i32
      %add3A_369 = arith.addi %mul3A_247, %add3A_368 : i32
      %dma_start3A_370 = arith.constant 0 : i32
      %dma_start3A_371 = tpu.memref_slice %arg7[%add3A_369, %dma_start3A_370] : memref<80x128xi32, #tpu.memory_space<vmem>> -> memref<1x128xi32, #tpu.memory_space<vmem>>
      %dma_start3A_372 = tpu.memref_squeeze %dma_start3A_371 : memref<1x128xi32, #tpu.memory_space<vmem>> -> memref<128xi32, #tpu.memory_space<vmem>>
      %dma_start3A_373 = arith.constant 0 : i32
      %dma_start3A_374 = arith.constant 0 : i32
      %dma_start3A_375 = tpu.memref_slice %arg10[%dma_start3A_373, %dma_start3A_374] : memref<10240x32xf32, #tpu.memory_space<vmem_shared>> -> memref<10240x32xf32, #tpu.memory_space<vmem_shared>>
      tpu.enqueue_indirect_dma source(%dma_start3A_375 : memref<10240x32xf32, #tpu.memory_space<vmem_shared>>) target(%arg18 : memref<128x32xf32, #tpu.memory_space<vmem>>) offsets(%dma_start3A_372 : memref<128xi32, #tpu.memory_space<vmem>>) semaphore(%arg26 : memref<!tpu.dma_semaphore, #tpu.memory_space<semaphore_mem>>)
      %add3A_376 = arith.constant 0 : i32
      %add3A_377 = arith.addi %mul3A_247, %add3A_376 : i32
      %dma_wait3A_378 = arith.constant 0 : i32
      %dma_wait3A_379 = tpu.memref_slice %arg7[%add3A_377, %dma_wait3A_378] : memref<80x128xi32, #tpu.memory_space<vmem>> -> memref<1x128xi32, #tpu.memory_space<vmem>>
      %dma_wait3A_380 = tpu.memref_squeeze %dma_wait3A_379 : memref<1x128xi32, #tpu.memory_space<vmem>> -> memref<128xi32, #tpu.memory_space<vmem>>
      %dma_wait3A_381 = arith.constant 0 : i32
      %dma_wait3A_382 = arith.constant 0 : i32
      %dma_wait3A_383 = tpu.memref_slice %arg10[%dma_wait3A_381, %dma_wait3A_382] : memref<10240x32xf32, #tpu.memory_space<vmem_shared>> -> memref<10240x32xf32, #tpu.memory_space<vmem_shared>>
      tpu.wait_indirect_dma semaphore(%arg19 : memref<!tpu.dma_semaphore, #tpu.memory_space<semaphore_mem>>) src(%dma_wait3A_383 : memref<10240x32xf32, #tpu.memory_space<vmem_shared>>) dst(%arg11 : memref<128x32xf32, #tpu.memory_space<vmem>>)
      %add3A_384 = arith.constant 0 : i32
      %add3A_385 = arith.addi %mul3A_247, %add3A_384 : i32
      %dma_start3A_386 = arith.constant 0 : i32
      %dma_start3A_387 = tpu.memref_slice %arg8[%add3A_385, %dma_start3A_386] : memref<80x128xi32, #tpu.memory_space<vmem>> -> memref<1x128xi32, #tpu.memory_space<vmem>>
      %dma_start3A_388 = tpu.memref_squeeze %dma_start3A_387 : memref<1x128xi32, #tpu.memory_space<vmem>> -> memref<128xi32, #tpu.memory_space<vmem>>
      %dma_start3A_389 = arith.constant 0 : i32
      %dma_start3A_390 = arith.constant 0 : i32
      %dma_start3A_391 = tpu.memref_slice %arg9[%dma_start3A_389, %dma_start3A_390] : memref<10240x32xf32, #tpu.memory_space<vmem_shared>> -> memref<10240x32xf32, #tpu.memory_space<vmem_shared>>
      tpu.enqueue_indirect_dma source(%arg11 : memref<128x32xf32, #tpu.memory_space<vmem>>) target(%dma_start3A_391 : memref<10240x32xf32, #tpu.memory_space<vmem_shared>>) offsets(%dma_start3A_388 : memref<128xi32, #tpu.memory_space<vmem>>) semaphore(%arg27 : memref<!tpu.dma_semaphore, #tpu.memory_space<semaphore_mem>>) {add = true}
      %add3A_392 = arith.constant 1 : i32
      %add3A_393 = arith.addi %mul3A_247, %add3A_392 : i32
      %dma_wait3A_394 = arith.constant 0 : i32
      %dma_wait3A_395 = tpu.memref_slice %arg7[%add3A_393, %dma_wait3A_394] : memref<80x128xi32, #tpu.memory_space<vmem>> -> memref<1x128xi32, #tpu.memory_space<vmem>>
      %dma_wait3A_396 = tpu.memref_squeeze %dma_wait3A_395 : memref<1x128xi32, #tpu.memory_space<vmem>> -> memref<128xi32, #tpu.memory_space<vmem>>
      %dma_wait3A_397 = arith.constant 0 : i32
      %dma_wait3A_398 = arith.constant 0 : i32
      %dma_wait3A_399 = tpu.memref_slice %arg10[%dma_wait3A_397, %dma_wait3A_398] : memref<10240x32xf32, #tpu.memory_space<vmem_shared>> -> memref<10240x32xf32, #tpu.memory_space<vmem_shared>>
      tpu.wait_indirect_dma semaphore(%arg20 : memref<!tpu.dma_semaphore, #tpu.memory_space<semaphore_mem>>) src(%dma_wait3A_399 : memref<10240x32xf32, #tpu.memory_space<vmem_shared>>) dst(%arg12 : memref<128x32xf32, #tpu.memory_space<vmem>>)
      %add3A_400 = arith.constant 1 : i32
      %add3A_401 = arith.addi %mul3A_247, %add3A_400 : i32
      %dma_start3A_402 = arith.constant 0 : i32
      %dma_start3A_403 = tpu.memref_slice %arg8[%add3A_401, %dma_start3A_402] : memref<80x128xi32, #tpu.memory_space<vmem>> -> memref<1x128xi32, #tpu.memory_space<vmem>>
      %dma_start3A_404 = tpu.memref_squeeze %dma_start3A_403 : memref<1x128xi32, #tpu.memory_space<vmem>> -> memref<128xi32, #tpu.memory_space<vmem>>
      %dma_start3A_405 = arith.constant 0 : i32
      %dma_start3A_406 = arith.constant 0 : i32
      %dma_start3A_407 = tpu.memref_slice %arg9[%dma_start3A_405, %dma_start3A_406] : memref<10240x32xf32, #tpu.memory_space<vmem_shared>> -> memref<10240x32xf32, #tpu.memory_space<vmem_shared>>
      tpu.enqueue_indirect_dma source(%arg12 : memref<128x32xf32, #tpu.memory_space<vmem>>) target(%dma_start3A_407 : memref<10240x32xf32, #tpu.memory_space<vmem_shared>>) offsets(%dma_start3A_404 : memref<128xi32, #tpu.memory_space<vmem>>) semaphore(%arg28 : memref<!tpu.dma_semaphore, #tpu.memory_space<semaphore_mem>>) {add = true}
      %add3A_408 = arith.constant 2 : i32
      %add3A_409 = arith.addi %mul3A_247, %add3A_408 : i32
      %dma_wait3A_410 = arith.constant 0 : i32
      %dma_wait3A_411 = tpu.memref_slice %arg7[%add3A_409, %dma_wait3A_410] : memref<80x128xi32, #tpu.memory_space<vmem>> -> memref<1x128xi32, #tpu.memory_space<vmem>>
      %dma_wait3A_412 = tpu.memref_squeeze %dma_wait3A_411 : memref<1x128xi32, #tpu.memory_space<vmem>> -> memref<128xi32, #tpu.memory_space<vmem>>
      %dma_wait3A_413 = arith.constant 0 : i32
      %dma_wait3A_414 = arith.constant 0 : i32
      %dma_wait3A_415 = tpu.memref_slice %arg10[%dma_wait3A_413, %dma_wait3A_414] : memref<10240x32xf32, #tpu.memory_space<vmem_shared>> -> memref<10240x32xf32, #tpu.memory_space<vmem_shared>>
      tpu.wait_indirect_dma semaphore(%arg21 : memref<!tpu.dma_semaphore, #tpu.memory_space<semaphore_mem>>) src(%dma_wait3A_415 : memref<10240x32xf32, #tpu.memory_space<vmem_shared>>) dst(%arg13 : memref<128x32xf32, #tpu.memory_space<vmem>>)
      %add3A_416 = arith.constant 2 : i32
      %add3A_417 = arith.addi %mul3A_247, %add3A_416 : i32
      %dma_start3A_418 = arith.constant 0 : i32
      %dma_start3A_419 = tpu.memref_slice %arg8[%add3A_417, %dma_start3A_418] : memref<80x128xi32, #tpu.memory_space<vmem>> -> memref<1x128xi32, #tpu.memory_space<vmem>>
      %dma_start3A_420 = tpu.memref_squeeze %dma_start3A_419 : memref<1x128xi32, #tpu.memory_space<vmem>> -> memref<128xi32, #tpu.memory_space<vmem>>
      %dma_start3A_421 = arith.constant 0 : i32
      %dma_start3A_422 = arith.constant 0 : i32
      %dma_start3A_423 = tpu.memref_slice %arg9[%dma_start3A_421, %dma_start3A_422] : memref<10240x32xf32, #tpu.memory_space<vmem_shared>> -> memref<10240x32xf32, #tpu.memory_space<vmem_shared>>
      tpu.enqueue_indirect_dma source(%arg13 : memref<128x32xf32, #tpu.memory_space<vmem>>) target(%dma_start3A_423 : memref<10240x32xf32, #tpu.memory_space<vmem_shared>>) offsets(%dma_start3A_420 : memref<128xi32, #tpu.memory_space<vmem>>) semaphore(%arg29 : memref<!tpu.dma_semaphore, #tpu.memory_space<semaphore_mem>>) {add = true}
      %add3A_424 = arith.constant 3 : i32
      %add3A_425 = arith.addi %mul3A_247, %add3A_424 : i32
      %dma_wait3A_426 = arith.constant 0 : i32
      %dma_wait3A_427 = tpu.memref_slice %arg7[%add3A_425, %dma_wait3A_426] : memref<80x128xi32, #tpu.memory_space<vmem>> -> memref<1x128xi32, #tpu.memory_space<vmem>>
      %dma_wait3A_428 = tpu.memref_squeeze %dma_wait3A_427 : memref<1x128xi32, #tpu.memory_space<vmem>> -> memref<128xi32, #tpu.memory_space<vmem>>
      %dma_wait3A_429 = arith.constant 0 : i32
      %dma_wait3A_430 = arith.constant 0 : i32
      %dma_wait3A_431 = tpu.memref_slice %arg10[%dma_wait3A_429, %dma_wait3A_430] : memref<10240x32xf32, #tpu.memory_space<vmem_shared>> -> memref<10240x32xf32, #tpu.memory_space<vmem_shared>>
      tpu.wait_indirect_dma semaphore(%arg22 : memref<!tpu.dma_semaphore, #tpu.memory_space<semaphore_mem>>) src(%dma_wait3A_431 : memref<10240x32xf32, #tpu.memory_space<vmem_shared>>) dst(%arg14 : memref<128x32xf32, #tpu.memory_space<vmem>>)
      %add3A_432 = arith.constant 3 : i32
      %add3A_433 = arith.addi %mul3A_247, %add3A_432 : i32
      %dma_start3A_434 = arith.constant 0 : i32
      %dma_start3A_435 = tpu.memref_slice %arg8[%add3A_433, %dma_start3A_434] : memref<80x128xi32, #tpu.memory_space<vmem>> -> memref<1x128xi32, #tpu.memory_space<vmem>>
      %dma_start3A_436 = tpu.memref_squeeze %dma_start3A_435 : memref<1x128xi32, #tpu.memory_space<vmem>> -> memref<128xi32, #tpu.memory_space<vmem>>
      %dma_start3A_437 = arith.constant 0 : i32
      %dma_start3A_438 = arith.constant 0 : i32
      %dma_start3A_439 = tpu.memref_slice %arg9[%dma_start3A_437, %dma_start3A_438] : memref<10240x32xf32, #tpu.memory_space<vmem_shared>> -> memref<10240x32xf32, #tpu.memory_space<vmem_shared>>
      tpu.enqueue_indirect_dma source(%arg14 : memref<128x32xf32, #tpu.memory_space<vmem>>) target(%dma_start3A_439 : memref<10240x32xf32, #tpu.memory_space<vmem_shared>>) offsets(%dma_start3A_436 : memref<128xi32, #tpu.memory_space<vmem>>) semaphore(%arg30 : memref<!tpu.dma_semaphore, #tpu.memory_space<semaphore_mem>>) {add = true}
      %add3A_440 = arith.constant 4 : i32
      %add3A_441 = arith.addi %mul3A_247, %add3A_440 : i32
      %dma_wait3A_442 = arith.constant 0 : i32
      %dma_wait3A_443 = tpu.memref_slice %arg7[%add3A_441, %dma_wait3A_442] : memref<80x128xi32, #tpu.memory_space<vmem>> -> memref<1x128xi32, #tpu.memory_space<vmem>>
      %dma_wait3A_444 = tpu.memref_squeeze %dma_wait3A_443 : memref<1x128xi32, #tpu.memory_space<vmem>> -> memref<128xi32, #tpu.memory_space<vmem>>
      %dma_wait3A_445 = arith.constant 0 : i32
      %dma_wait3A_446 = arith.constant 0 : i32
      %dma_wait3A_447 = tpu.memref_slice %arg10[%dma_wait3A_445, %dma_wait3A_446] : memref<10240x32xf32, #tpu.memory_space<vmem_shared>> -> memref<10240x32xf32, #tpu.memory_space<vmem_shared>>
      tpu.wait_indirect_dma semaphore(%arg23 : memref<!tpu.dma_semaphore, #tpu.memory_space<semaphore_mem>>) src(%dma_wait3A_447 : memref<10240x32xf32, #tpu.memory_space<vmem_shared>>) dst(%arg15 : memref<128x32xf32, #tpu.memory_space<vmem>>)
      %add3A_448 = arith.constant 4 : i32
      %add3A_449 = arith.addi %mul3A_247, %add3A_448 : i32
      %dma_start3A_450 = arith.constant 0 : i32
      %dma_start3A_451 = tpu.memref_slice %arg8[%add3A_449, %dma_start3A_450] : memref<80x128xi32, #tpu.memory_space<vmem>> -> memref<1x128xi32, #tpu.memory_space<vmem>>
      %dma_start3A_452 = tpu.memref_squeeze %dma_start3A_451 : memref<1x128xi32, #tpu.memory_space<vmem>> -> memref<128xi32, #tpu.memory_space<vmem>>
      %dma_start3A_453 = arith.constant 0 : i32
      %dma_start3A_454 = arith.constant 0 : i32
      %dma_start3A_455 = tpu.memref_slice %arg9[%dma_start3A_453, %dma_start3A_454] : memref<10240x32xf32, #tpu.memory_space<vmem_shared>> -> memref<10240x32xf32, #tpu.memory_space<vmem_shared>>
      tpu.enqueue_indirect_dma source(%arg15 : memref<128x32xf32, #tpu.memory_space<vmem>>) target(%dma_start3A_455 : memref<10240x32xf32, #tpu.memory_space<vmem_shared>>) offsets(%dma_start3A_452 : memref<128xi32, #tpu.memory_space<vmem>>) semaphore(%arg31 : memref<!tpu.dma_semaphore, #tpu.memory_space<semaphore_mem>>) {add = true}
      %add3A_456 = arith.constant 5 : i32
      %add3A_457 = arith.addi %mul3A_247, %add3A_456 : i32
      %dma_wait3A_458 = arith.constant 0 : i32
      %dma_wait3A_459 = tpu.memref_slice %arg7[%add3A_457, %dma_wait3A_458] : memref<80x128xi32, #tpu.memory_space<vmem>> -> memref<1x128xi32, #tpu.memory_space<vmem>>
      %dma_wait3A_460 = tpu.memref_squeeze %dma_wait3A_459 : memref<1x128xi32, #tpu.memory_space<vmem>> -> memref<128xi32, #tpu.memory_space<vmem>>
      %dma_wait3A_461 = arith.constant 0 : i32
      %dma_wait3A_462 = arith.constant 0 : i32
      %dma_wait3A_463 = tpu.memref_slice %arg10[%dma_wait3A_461, %dma_wait3A_462] : memref<10240x32xf32, #tpu.memory_space<vmem_shared>> -> memref<10240x32xf32, #tpu.memory_space<vmem_shared>>
      tpu.wait_indirect_dma semaphore(%arg24 : memref<!tpu.dma_semaphore, #tpu.memory_space<semaphore_mem>>) src(%dma_wait3A_463 : memref<10240x32xf32, #tpu.memory_space<vmem_shared>>) dst(%arg16 : memref<128x32xf32, #tpu.memory_space<vmem>>)
      %add3A_464 = arith.constant 5 : i32
      %add3A_465 = arith.addi %mul3A_247, %add3A_464 : i32
      %dma_start3A_466 = arith.constant 0 : i32
      %dma_start3A_467 = tpu.memref_slice %arg8[%add3A_465, %dma_start3A_466] : memref<80x128xi32, #tpu.memory_space<vmem>> -> memref<1x128xi32, #tpu.memory_space<vmem>>
      %dma_start3A_468 = tpu.memref_squeeze %dma_start3A_467 : memref<1x128xi32, #tpu.memory_space<vmem>> -> memref<128xi32, #tpu.memory_space<vmem>>
      %dma_start3A_469 = arith.constant 0 : i32
      %dma_start3A_470 = arith.constant 0 : i32
      %dma_start3A_471 = tpu.memref_slice %arg9[%dma_start3A_469, %dma_start3A_470] : memref<10240x32xf32, #tpu.memory_space<vmem_shared>> -> memref<10240x32xf32, #tpu.memory_space<vmem_shared>>
      tpu.enqueue_indirect_dma source(%arg16 : memref<128x32xf32, #tpu.memory_space<vmem>>) target(%dma_start3A_471 : memref<10240x32xf32, #tpu.memory_space<vmem_shared>>) offsets(%dma_start3A_468 : memref<128xi32, #tpu.memory_space<vmem>>) semaphore(%arg32 : memref<!tpu.dma_semaphore, #tpu.memory_space<semaphore_mem>>) {add = true}
      %add3A_472 = arith.constant 6 : i32
      %add3A_473 = arith.addi %mul3A_247, %add3A_472 : i32
      %dma_wait3A_474 = arith.constant 0 : i32
      %dma_wait3A_475 = tpu.memref_slice %arg7[%add3A_473, %dma_wait3A_474] : memref<80x128xi32, #tpu.memory_space<vmem>> -> memref<1x128xi32, #tpu.memory_space<vmem>>
      %dma_wait3A_476 = tpu.memref_squeeze %dma_wait3A_475 : memref<1x128xi32, #tpu.memory_space<vmem>> -> memref<128xi32, #tpu.memory_space<vmem>>
      %dma_wait3A_477 = arith.constant 0 : i32
      %dma_wait3A_478 = arith.constant 0 : i32
      %dma_wait3A_479 = tpu.memref_slice %arg10[%dma_wait3A_477, %dma_wait3A_478] : memref<10240x32xf32, #tpu.memory_space<vmem_shared>> -> memref<10240x32xf32, #tpu.memory_space<vmem_shared>>
      tpu.wait_indirect_dma semaphore(%arg25 : memref<!tpu.dma_semaphore, #tpu.memory_space<semaphore_mem>>) src(%dma_wait3A_479 : memref<10240x32xf32, #tpu.memory_space<vmem_shared>>) dst(%arg17 : memref<128x32xf32, #tpu.memory_space<vmem>>)
      %add3A_480 = arith.constant 6 : i32
      %add3A_481 = arith.addi %mul3A_247, %add3A_480 : i32
      %dma_start3A_482 = arith.constant 0 : i32
      %dma_start3A_483 = tpu.memref_slice %arg8[%add3A_481, %dma_start3A_482] : memref<80x128xi32, #tpu.memory_space<vmem>> -> memref<1x128xi32, #tpu.memory_space<vmem>>
      %dma_start3A_484 = tpu.memref_squeeze %dma_start3A_483 : memref<1x128xi32, #tpu.memory_space<vmem>> -> memref<128xi32, #tpu.memory_space<vmem>>
      %dma_start3A_485 = arith.constant 0 : i32
      %dma_start3A_486 = arith.constant 0 : i32
      %dma_start3A_487 = tpu.memref_slice %arg9[%dma_start3A_485, %dma_start3A_486] : memref<10240x32xf32, #tpu.memory_space<vmem_shared>> -> memref<10240x32xf32, #tpu.memory_space<vmem_shared>>
      tpu.enqueue_indirect_dma source(%arg17 : memref<128x32xf32, #tpu.memory_space<vmem>>) target(%dma_start3A_487 : memref<10240x32xf32, #tpu.memory_space<vmem_shared>>) offsets(%dma_start3A_484 : memref<128xi32, #tpu.memory_space<vmem>>) semaphore(%arg33 : memref<!tpu.dma_semaphore, #tpu.memory_space<semaphore_mem>>) {add = true}
      %add3A_488 = arith.constant 7 : i32
      %add3A_489 = arith.addi %mul3A_247, %add3A_488 : i32
      %dma_wait3A_490 = arith.constant 0 : i32
      %dma_wait3A_491 = tpu.memref_slice %arg7[%add3A_489, %dma_wait3A_490] : memref<80x128xi32, #tpu.memory_space<vmem>> -> memref<1x128xi32, #tpu.memory_space<vmem>>
      %dma_wait3A_492 = tpu.memref_squeeze %dma_wait3A_491 : memref<1x128xi32, #tpu.memory_space<vmem>> -> memref<128xi32, #tpu.memory_space<vmem>>
      %dma_wait3A_493 = arith.constant 0 : i32
      %dma_wait3A_494 = arith.constant 0 : i32
      %dma_wait3A_495 = tpu.memref_slice %arg10[%dma_wait3A_493, %dma_wait3A_494] : memref<10240x32xf32, #tpu.memory_space<vmem_shared>> -> memref<10240x32xf32, #tpu.memory_space<vmem_shared>>
      tpu.wait_indirect_dma semaphore(%arg26 : memref<!tpu.dma_semaphore, #tpu.memory_space<semaphore_mem>>) src(%dma_wait3A_495 : memref<10240x32xf32, #tpu.memory_space<vmem_shared>>) dst(%arg18 : memref<128x32xf32, #tpu.memory_space<vmem>>)
      %add3A_496 = arith.constant 7 : i32
      %add3A_497 = arith.addi %mul3A_247, %add3A_496 : i32
      %dma_start3A_498 = arith.constant 0 : i32
      %dma_start3A_499 = tpu.memref_slice %arg8[%add3A_497, %dma_start3A_498] : memref<80x128xi32, #tpu.memory_space<vmem>> -> memref<1x128xi32, #tpu.memory_space<vmem>>
      %dma_start3A_500 = tpu.memref_squeeze %dma_start3A_499 : memref<1x128xi32, #tpu.memory_space<vmem>> -> memref<128xi32, #tpu.memory_space<vmem>>
      %dma_start3A_501 = arith.constant 0 : i32
      %dma_start3A_502 = arith.constant 0 : i32
      %dma_start3A_503 = tpu.memref_slice %arg9[%dma_start3A_501, %dma_start3A_502] : memref<10240x32xf32, #tpu.memory_space<vmem_shared>> -> memref<10240x32xf32, #tpu.memory_space<vmem_shared>>
      tpu.enqueue_indirect_dma source(%arg18 : memref<128x32xf32, #tpu.memory_space<vmem>>) target(%dma_start3A_503 : memref<10240x32xf32, #tpu.memory_space<vmem_shared>>) offsets(%dma_start3A_500 : memref<128xi32, #tpu.memory_space<vmem>>) semaphore(%arg34 : memref<!tpu.dma_semaphore, #tpu.memory_space<semaphore_mem>>) {add = true}
    }
    %scan3A_183 = arith.constant 9 : i32
    %dma_wait3A_184 = arith.constant 0 : i32
    %dma_wait3A_185 = arith.constant 0 : i32
    %dma_wait3A_186 = tpu.memref_slice %arg8[%dma_wait3A_184, %dma_wait3A_185] : memref<80x128xi32, #tpu.memory_space<vmem>> -> memref<1x128xi32, #tpu.memory_space<vmem>>
    %dma_wait3A_187 = tpu.memref_squeeze %dma_wait3A_186 : memref<1x128xi32, #tpu.memory_space<vmem>> -> memref<128xi32, #tpu.memory_space<vmem>>
    %dma_wait3A_188 = arith.constant 0 : i32
    %dma_wait3A_189 = arith.constant 0 : i32
    %dma_wait3A_190 = tpu.memref_slice %arg9[%dma_wait3A_188, %dma_wait3A_189] : memref<10240x32xf32, #tpu.memory_space<vmem_shared>> -> memref<10240x32xf32, #tpu.memory_space<vmem_shared>>
    tpu.wait_indirect_dma semaphore(%arg27 : memref<!tpu.dma_semaphore, #tpu.memory_space<semaphore_mem>>) src(%arg11 : memref<128x32xf32, #tpu.memory_space<vmem>>) dst(%dma_wait3A_190 : memref<10240x32xf32, #tpu.memory_space<vmem_shared>>)
    %dma_wait3A_191 = arith.constant 1 : i32
    %dma_wait3A_192 = arith.constant 0 : i32
    %dma_wait3A_193 = tpu.memref_slice %arg8[%dma_wait3A_191, %dma_wait3A_192] : memref<80x128xi32, #tpu.memory_space<vmem>> -> memref<1x128xi32, #tpu.memory_space<vmem>>
    %dma_wait3A_194 = tpu.memref_squeeze %dma_wait3A_193 : memref<1x128xi32, #tpu.memory_space<vmem>> -> memref<128xi32, #tpu.memory_space<vmem>>
    %dma_wait3A_195 = arith.constant 0 : i32
    %dma_wait3A_196 = arith.constant 0 : i32
    %dma_wait3A_197 = tpu.memref_slice %arg9[%dma_wait3A_195, %dma_wait3A_196] : memref<10240x32xf32, #tpu.memory_space<vmem_shared>> -> memref<10240x32xf32, #tpu.memory_space<vmem_shared>>
    tpu.wait_indirect_dma semaphore(%arg28 : memref<!tpu.dma_semaphore, #tpu.memory_space<semaphore_mem>>) src(%arg12 : memref<128x32xf32, #tpu.memory_space<vmem>>) dst(%dma_wait3A_197 : memref<10240x32xf32, #tpu.memory_space<vmem_shared>>)
    %dma_wait3A_198 = arith.constant 2 : i32
    %dma_wait3A_199 = arith.constant 0 : i32
    %dma_wait3A_200 = tpu.memref_slice %arg8[%dma_wait3A_198, %dma_wait3A_199] : memref<80x128xi32, #tpu.memory_space<vmem>> -> memref<1x128xi32, #tpu.memory_space<vmem>>
    %dma_wait3A_201 = tpu.memref_squeeze %dma_wait3A_200 : memref<1x128xi32, #tpu.memory_space<vmem>> -> memref<128xi32, #tpu.memory_space<vmem>>
    %dma_wait3A_202 = arith.constant 0 : i32
    %dma_wait3A_203 = arith.constant 0 : i32
    %dma_wait3A_204 = tpu.memref_slice %arg9[%dma_wait3A_202, %dma_wait3A_203] : memref<10240x32xf32, #tpu.memory_space<vmem_shared>> -> memref<10240x32xf32, #tpu.memory_space<vmem_shared>>
    tpu.wait_indirect_dma semaphore(%arg29 : memref<!tpu.dma_semaphore, #tpu.memory_space<semaphore_mem>>) src(%arg13 : memref<128x32xf32, #tpu.memory_space<vmem>>) dst(%dma_wait3A_204 : memref<10240x32xf32, #tpu.memory_space<vmem_shared>>)
    %dma_wait3A_205 = arith.constant 3 : i32
    %dma_wait3A_206 = arith.constant 0 : i32
    %dma_wait3A_207 = tpu.memref_slice %arg8[%dma_wait3A_205, %dma_wait3A_206] : memref<80x128xi32, #tpu.memory_space<vmem>> -> memref<1x128xi32, #tpu.memory_space<vmem>>
    %dma_wait3A_208 = tpu.memref_squeeze %dma_wait3A_207 : memref<1x128xi32, #tpu.memory_space<vmem>> -> memref<128xi32, #tpu.memory_space<vmem>>
    %dma_wait3A_209 = arith.constant 0 : i32
    %dma_wait3A_210 = arith.constant 0 : i32
    %dma_wait3A_211 = tpu.memref_slice %arg9[%dma_wait3A_209, %dma_wait3A_210] : memref<10240x32xf32, #tpu.memory_space<vmem_shared>> -> memref<10240x32xf32, #tpu.memory_space<vmem_shared>>
    tpu.wait_indirect_dma semaphore(%arg30 : memref<!tpu.dma_semaphore, #tpu.memory_space<semaphore_mem>>) src(%arg14 : memref<128x32xf32, #tpu.memory_space<vmem>>) dst(%dma_wait3A_211 : memref<10240x32xf32, #tpu.memory_space<vmem_shared>>)
    %dma_wait3A_212 = arith.constant 4 : i32
    %dma_wait3A_213 = arith.constant 0 : i32
    %dma_wait3A_214 = tpu.memref_slice %arg8[%dma_wait3A_212, %dma_wait3A_213] : memref<80x128xi32, #tpu.memory_space<vmem>> -> memref<1x128xi32, #tpu.memory_space<vmem>>
    %dma_wait3A_215 = tpu.memref_squeeze %dma_wait3A_214 : memref<1x128xi32, #tpu.memory_space<vmem>> -> memref<128xi32, #tpu.memory_space<vmem>>
    %dma_wait3A_216 = arith.constant 0 : i32
    %dma_wait3A_217 = arith.constant 0 : i32
    %dma_wait3A_218 = tpu.memref_slice %arg9[%dma_wait3A_216, %dma_wait3A_217] : memref<10240x32xf32, #tpu.memory_space<vmem_shared>> -> memref<10240x32xf32, #tpu.memory_space<vmem_shared>>
    tpu.wait_indirect_dma semaphore(%arg31 : memref<!tpu.dma_semaphore, #tpu.memory_space<semaphore_mem>>) src(%arg15 : memref<128x32xf32, #tpu.memory_space<vmem>>) dst(%dma_wait3A_218 : memref<10240x32xf32, #tpu.memory_space<vmem_shared>>)
    %dma_wait3A_219 = arith.constant 5 : i32
    %dma_wait3A_220 = arith.constant 0 : i32
    %dma_wait3A_221 = tpu.memref_slice %arg8[%dma_wait3A_219, %dma_wait3A_220] : memref<80x128xi32, #tpu.memory_space<vmem>> -> memref<1x128xi32, #tpu.memory_space<vmem>>
    %dma_wait3A_222 = tpu.memref_squeeze %dma_wait3A_221 : memref<1x128xi32, #tpu.memory_space<vmem>> -> memref<128xi32, #tpu.memory_space<vmem>>
    %dma_wait3A_223 = arith.constant 0 : i32
    %dma_wait3A_224 = arith.constant 0 : i32
    %dma_wait3A_225 = tpu.memref_slice %arg9[%dma_wait3A_223, %dma_wait3A_224] : memref<10240x32xf32, #tpu.memory_space<vmem_shared>> -> memref<10240x32xf32, #tpu.memory_space<vmem_shared>>
    tpu.wait_indirect_dma semaphore(%arg32 : memref<!tpu.dma_semaphore, #tpu.memory_space<semaphore_mem>>) src(%arg16 : memref<128x32xf32, #tpu.memory_space<vmem>>) dst(%dma_wait3A_225 : memref<10240x32xf32, #tpu.memory_space<vmem_shared>>)
    %dma_wait3A_226 = arith.constant 6 : i32
    %dma_wait3A_227 = arith.constant 0 : i32
    %dma_wait3A_228 = tpu.memref_slice %arg8[%dma_wait3A_226, %dma_wait3A_227] : memref<80x128xi32, #tpu.memory_space<vmem>> -> memref<1x128xi32, #tpu.memory_space<vmem>>
    %dma_wait3A_229 = tpu.memref_squeeze %dma_wait3A_228 : memref<1x128xi32, #tpu.memory_space<vmem>> -> memref<128xi32, #tpu.memory_space<vmem>>
    %dma_wait3A_230 = arith.constant 0 : i32
    %dma_wait3A_231 = arith.constant 0 : i32
    %dma_wait3A_232 = tpu.memref_slice %arg9[%dma_wait3A_230, %dma_wait3A_231] : memref<10240x32xf32, #tpu.memory_space<vmem_shared>> -> memref<10240x32xf32, #tpu.memory_space<vmem_shared>>
    tpu.wait_indirect_dma semaphore(%arg33 : memref<!tpu.dma_semaphore, #tpu.memory_space<semaphore_mem>>) src(%arg17 : memref<128x32xf32, #tpu.memory_space<vmem>>) dst(%dma_wait3A_232 : memref<10240x32xf32, #tpu.memory_space<vmem_shared>>)
    %dma_wait3A_233 = arith.constant 7 : i32
    %dma_wait3A_234 = arith.constant 0 : i32
    %dma_wait3A_235 = tpu.memref_slice %arg8[%dma_wait3A_233, %dma_wait3A_234] : memref<80x128xi32, #tpu.memory_space<vmem>> -> memref<1x128xi32, #tpu.memory_space<vmem>>
    %dma_wait3A_236 = tpu.memref_squeeze %dma_wait3A_235 : memref<1x128xi32, #tpu.memory_space<vmem>> -> memref<128xi32, #tpu.memory_space<vmem>>
    %dma_wait3A_237 = arith.constant 0 : i32
    %dma_wait3A_238 = arith.constant 0 : i32
    %dma_wait3A_239 = tpu.memref_slice %arg9[%dma_wait3A_237, %dma_wait3A_238] : memref<10240x32xf32, #tpu.memory_space<vmem_shared>> -> memref<10240x32xf32, #tpu.memory_space<vmem_shared>>
    tpu.wait_indirect_dma semaphore(%arg34 : memref<!tpu.dma_semaphore, #tpu.memory_space<semaphore_mem>>) src(%arg18 : memref<128x32xf32, #tpu.memory_space<vmem>>) dst(%dma_wait3A_239 : memref<10240x32xf32, #tpu.memory_space<vmem_shared>>)
    %barrier3A_240 = arith.constant 0 : index
    tpu.barrier barrier_id(%barrier3A_240)
    %mul3A_241 = arith.constant 640 : i32
    %mul3A_242 = arith.muli %arg1, %mul3A_241 : i32
    %mul3A_243 = arith.constant 640 : i32
    %mul3A_244 = arith.muli %arg1, %mul3A_243 : i32
    "tpu.region"() ({
      %run_scoped3A = tpu.sem_alloc : memref<!tpu.dma_semaphore, #tpu.memory_space<semaphore_mem>>
      %dma_start3A_245 = arith.constant 0 : i32
      %dma_start3A_246 = tpu.memref_slice %arg6[%arg0, %mul3A_244, %dma_start3A_245] : memref<2x10240x32xf32, #tpu.memory_space<hbm>> -> memref<1x640x32xf32, #tpu.memory_space<hbm>>
      %dma_start3A_247 = tpu.memref_squeeze %dma_start3A_246 : memref<1x640x32xf32, #tpu.memory_space<hbm>> -> memref<640x32xf32, #tpu.memory_space<hbm>>
      %dma_start3A_248 = arith.constant 0 : i32
      %dma_start3A_249 = tpu.memref_slice %arg9[%mul3A_242, %dma_start3A_248] : memref<10240x32xf32, #tpu.memory_space<vmem_shared>> -> memref<640x32xf32, #tpu.memory_space<vmem_shared>>
      tpu.enqueue_dma source(%dma_start3A_249 : memref<640x32xf32, #tpu.memory_space<vmem_shared>>) target(%dma_start3A_247 : memref<640x32xf32, #tpu.memory_space<hbm>>) target_semaphore(%run_scoped3A : memref<!tpu.dma_semaphore, #tpu.memory_space<semaphore_mem>>)
      %dma_wait3A_250 = arith.constant 0 : i32
      %dma_wait3A_251 = tpu.memref_slice %arg6[%arg0, %mul3A_244, %dma_wait3A_250] : memref<2x10240x32xf32, #tpu.memory_space<hbm>> -> memref<1x640x32xf32, #tpu.memory_space<hbm>>
      %dma_wait3A_252 = tpu.memref_squeeze %dma_wait3A_251 : memref<1x640x32xf32, #tpu.memory_space<hbm>> -> memref<640x32xf32, #tpu.memory_space<hbm>>
      %dma_wait3A_253 = arith.constant 0 : i32
      %dma_wait3A_254 = tpu.memref_slice %arg9[%mul3A_242, %dma_wait3A_253] : memref<10240x32xf32, #tpu.memory_space<vmem_shared>> -> memref<640x32xf32, #tpu.memory_space<vmem_shared>>
      tpu.wait_dma2 semaphore(%run_scoped3A : memref<!tpu.dma_semaphore, #tpu.memory_space<semaphore_mem>>) src(%dma_wait3A_254 : memref<640x32xf32, #tpu.memory_space<vmem_shared>>) dst(%dma_wait3A_252 : memref<640x32xf32, #tpu.memory_space<hbm>>)
      tpu.yield
    }) : () -> ()
    return
  }
}

module attributes {stable_mosaic.version = 14 : i64} {
  func.func @_tc_pre_body(%arg0: memref<2x10240x8xf32, #tpu.memory_space<vmem>>, %arg1: memref<10240x128xf32, #tpu.memory_space<vmem>>, %arg2: memref<128x32xf32, #tpu.memory_space<vmem>>, %arg3: memref<10240x32xf32, #tpu.memory_space<vmem>>, %arg4: memref<10240x8xf32, #tpu.memory_space<vmem>>) attributes {dimension_semantics = [], scalar_prefetch = 0 : i64, scratch_operands = 0 : i64, tpu.core_type = #tpu.core_type<tc>} {
    %get3A = arith.constant 0 : index
    %get3A_0 = arith.constant 0 : index
    %get3A_1 = arith.constant 0 : index
    %get3A_2 = vector.load %arg0[%get3A, %get3A_0, %get3A_1] : memref<2x10240x8xf32, #tpu.memory_space<vmem>>, vector<1x10240x8xf32>
    %get3A_3 = vector.shape_cast %get3A_2 : vector<1x10240x8xf32> to vector<10240x8xf32>
    %get3A_4 = arith.constant 1 : index
    %get3A_5 = arith.constant 0 : index
    %get3A_6 = arith.constant 0 : index
    %get3A_7 = vector.load %arg0[%get3A_4, %get3A_5, %get3A_6] : memref<2x10240x8xf32, #tpu.memory_space<vmem>>, vector<1x10240x8xf32>
    %get3A_8 = vector.shape_cast %get3A_7 : vector<1x10240x8xf32> to vector<10240x8xf32>
    %add3A = arith.addf %get3A_3, %get3A_8 : vector<10240x8xf32>
    %add3A_9 = arith.constant 1.000000e+00 : f32
    %add3A_10 = vector.broadcast %add3A_9 : f32 to vector<10240x8xf32>
    %add3A_11 = arith.addf %add3A, %add3A_10 : vector<10240x8xf32>
    %iota3A = tpu.iota {dimensions = array<i32: 0>} : vector<10240x8xi32>
    %lt3A = arith.constant 10000 : i32
    %lt3A_12 = vector.broadcast %lt3A : i32 to vector<10240x8xi32>
    %lt3A_13 = arith.cmpi slt, %iota3A, %lt3A_12 : vector<10240x8xi32>
    %rsqrt3A = math.rsqrt %add3A_11 : vector<10240x8xf32>
    %jit3A = arith.constant 0.000000e+00 : f32
    %broadcast_in_dim3A = vector.broadcast %jit3A : f32 to vector<10240x8xf32>
    %select_n3A = arith.select %lt3A_13, %rsqrt3A, %broadcast_in_dim3A : vector<10240x8xi1>, vector<10240x8xf32>
    %swap3A = arith.constant 0 : index
    %swap3A_14 = arith.constant 0 : index
    %swap3A_15 = vector.load %arg4[%swap3A, %swap3A_14] : memref<10240x8xf32, #tpu.memory_space<vmem>>, vector<10240x8xf32>
    tpu.vector_store %arg4[%swap3A, %swap3A_14], %select_n3A {strides = array<i32>} : memref<10240x8xf32, #tpu.memory_space<vmem>>, vector<10240x8xf32>,
    %get3A_16 = arith.constant 0 : index
    %get3A_17 = arith.constant 0 : index
    %get3A_18 = vector.load %arg1[%get3A_16, %get3A_17] : memref<10240x128xf32, #tpu.memory_space<vmem>>, vector<10240x128xf32>
    %get3A_19 = arith.constant 0 : index
    %get3A_20 = arith.constant 0 : index
    %get3A_21 = vector.load %arg2[%get3A_19, %get3A_20] : memref<128x32xf32, #tpu.memory_space<vmem>>, vector<128x32xf32>
    %dot_general3A = arith.constant dense<0.000000e+00> : vector<10240x32xf32>
    %dot_general3A_22 = tpu.matmul %get3A_18, %get3A_21, %dot_general3A {dimension_numbers = #tpu.dot_dimension_numbers<[1], [0], [0], [1], [0, 0, 1, 1], [], []>, transpose_lhs_hint = false} : vector<10240x128xf32>, vector<128x32xf32>, vector<10240x32xf32> -> vector<10240x32xf32>
    %slice3A = vector.extract_strided_slice %select_n3A {offsets = [0, 0], sizes = [10240, 1], strides = [1, 1]} : vector<10240x8xf32> to vector<10240x1xf32>
    %mul3A = vector.broadcast %slice3A : vector<10240x1xf32> to vector<10240x32xf32>
    %mul3A_23 = arith.mulf %mul3A, %dot_general3A_22 : vector<10240x32xf32>
    %swap3A_24 = arith.constant 0 : index
    %swap3A_25 = arith.constant 0 : index
    %swap3A_26 = vector.load %arg3[%swap3A_24, %swap3A_25] : memref<10240x32xf32, #tpu.memory_space<vmem>>, vector<10240x32xf32>
    tpu.vector_store %arg3[%swap3A_24, %swap3A_25], %mul3A_23 {strides = array<i32>} : memref<10240x32xf32, #tpu.memory_space<vmem>>, vector<10240x32xf32>,
    return
  }
}

module attributes {stable_mosaic.version = 14 : i64} {
  func.func @_tc_mid1_body(%arg0: memref<2x10240x32xf32, #tpu.memory_space<vmem>>, %arg1: memref<10240x32xf32, #tpu.memory_space<vmem>>, %arg2: memref<10240x8xf32, #tpu.memory_space<vmem>>, %arg3: memref<1x32xf32, #tpu.memory_space<vmem>>, %arg4: memref<1x32xf32, #tpu.memory_space<vmem>>, %arg5: memref<1x32xf32, #tpu.memory_space<vmem>>, %arg6: memref<10240x32xf32, #tpu.memory_space<vmem>>) attributes {dimension_semantics = [], scalar_prefetch = 0 : i64, scratch_operands = 0 : i64, tpu.core_type = #tpu.core_type<tc>} {
    %get3A = arith.constant 0 : index
    %get3A_0 = arith.constant 0 : index
    %get3A_1 = vector.load %arg2[%get3A, %get3A_0] : memref<10240x8xf32, #tpu.memory_space<vmem>>, vector<10240x8xf32>
    %slice3A = vector.extract_strided_slice %get3A_1 {offsets = [0, 0], sizes = [10240, 1], strides = [1, 1]} : vector<10240x8xf32> to vector<10240x1xf32>
    %get3A_2 = arith.constant 0 : index
    %get3A_3 = arith.constant 0 : index
    %get3A_4 = arith.constant 0 : index
    %get3A_5 = vector.load %arg0[%get3A_2, %get3A_3, %get3A_4] : memref<2x10240x32xf32, #tpu.memory_space<vmem>>, vector<1x10240x32xf32>
    %get3A_6 = vector.shape_cast %get3A_5 : vector<1x10240x32xf32> to vector<10240x32xf32>
    %get3A_7 = arith.constant 1 : index
    %get3A_8 = arith.constant 0 : index
    %get3A_9 = arith.constant 0 : index
    %get3A_10 = vector.load %arg0[%get3A_7, %get3A_8, %get3A_9] : memref<2x10240x32xf32, #tpu.memory_space<vmem>>, vector<1x10240x32xf32>
    %get3A_11 = vector.shape_cast %get3A_10 : vector<1x10240x32xf32> to vector<10240x32xf32>
    %add3A = arith.addf %get3A_6, %get3A_11 : vector<10240x32xf32>
    %get3A_12 = arith.constant 0 : index
    %get3A_13 = arith.constant 0 : index
    %get3A_14 = vector.load %arg1[%get3A_12, %get3A_13] : memref<10240x32xf32, #tpu.memory_space<vmem>>, vector<10240x32xf32>
    %add3A_15 = arith.addf %add3A, %get3A_14 : vector<10240x32xf32>
    %mul3A = vector.broadcast %slice3A : vector<10240x1xf32> to vector<10240x32xf32>
    %mul3A_16 = arith.mulf %mul3A, %add3A_15 : vector<10240x32xf32>
    %get3A_17 = arith.constant 0 : index
    %get3A_18 = arith.constant 0 : index
    %get3A_19 = vector.load %arg3[%get3A_17, %get3A_18] : memref<1x32xf32, #tpu.memory_space<vmem>>, vector<1x32xf32>
    %add3A_20 = vector.broadcast %get3A_19 : vector<1x32xf32> to vector<10240x32xf32>
    %add3A_21 = arith.addf %mul3A_16, %add3A_20 : vector<10240x32xf32>
    %iota3A = tpu.iota {dimensions = array<i32: 0>} : vector<10240x32xi32>
    %lt3A = arith.constant 10000 : i32
    %lt3A_22 = vector.broadcast %lt3A : i32 to vector<10240x32xi32>
    %lt3A_23 = arith.cmpi slt, %iota3A, %lt3A_22 : vector<10240x32xi32>
    %get3A_24 = arith.constant 0 : index
    %get3A_25 = arith.constant 0 : index
    %get3A_26 = vector.load %arg4[%get3A_24, %get3A_25] : memref<1x32xf32, #tpu.memory_space<vmem>>, vector<1x32xf32>
    %get3A_27 = arith.constant 0 : index
    %get3A_28 = arith.constant 0 : index
    %get3A_29 = vector.load %arg5[%get3A_27, %get3A_28] : memref<1x32xf32, #tpu.memory_space<vmem>>, vector<1x32xf32>
    %jit3A = arith.constant 0.000000e+00 : f32
    %broadcast_in_dim3A = vector.broadcast %jit3A : f32 to vector<10240x32xf32>
    %select_n3A = arith.select %lt3A_23, %add3A_21, %broadcast_in_dim3A : vector<10240x32xi1>, vector<10240x32xf32>
    %reduce_sum3A = arith.constant dense<0.000000e+00> : vector<32xf32>
    %reduce_sum3A_30 = vector.multi_reduction <add>, %select_n3A, %reduce_sum3A [0] : vector<10240x32xf32> to vector<32xf32>
    %broadcast_in_dim3A_31 = vector.shape_cast %reduce_sum3A_30 : vector<32xf32> to vector<1x32xf32>
    %div3A = arith.constant 1.000000e+04 : f32
    %div3A_32 = vector.broadcast %div3A : f32 to vector<1x32xf32>
    %div3A_33 = arith.divf %broadcast_in_dim3A_31, %div3A_32 : vector<1x32xf32>
    %sub3A = vector.broadcast %div3A_33 : vector<1x32xf32> to vector<10240x32xf32>
    %sub3A_34 = arith.subf %add3A_21, %sub3A : vector<10240x32xf32>
    %jit3A_35 = arith.constant 0.000000e+00 : f32
    %broadcast_in_dim3A_36 = vector.broadcast %jit3A_35 : f32 to vector<10240x32xf32>
    %select_n3A_37 = arith.select %lt3A_23, %sub3A_34, %broadcast_in_dim3A_36 : vector<10240x32xi1>, vector<10240x32xf32>
    %mul3A_38 = arith.mulf %select_n3A_37, %select_n3A_37 : vector<10240x32xf32>
    %reduce_sum3A_39 = arith.constant dense<0.000000e+00> : vector<32xf32>
    %reduce_sum3A_40 = vector.multi_reduction <add>, %mul3A_38, %reduce_sum3A_39 [0] : vector<10240x32xf32> to vector<32xf32>
    %broadcast_in_dim3A_41 = vector.shape_cast %reduce_sum3A_40 : vector<32xf32> to vector<1x32xf32>
    %div3A_42 = arith.constant 1.000000e+04 : f32
    %div3A_43 = vector.broadcast %div3A_42 : f32 to vector<1x32xf32>
    %div3A_44 = arith.divf %broadcast_in_dim3A_41, %div3A_43 : vector<1x32xf32>
    %sub3A_45 = vector.broadcast %div3A_33 : vector<1x32xf32> to vector<10240x32xf32>
    %sub3A_46 = arith.subf %add3A_21, %sub3A_45 : vector<10240x32xf32>
    %add3A_47 = arith.constant 9.99999974E-6 : f32
    %add3A_48 = vector.broadcast %add3A_47 : f32 to vector<1x32xf32>
    %add3A_49 = arith.addf %div3A_44, %add3A_48 : vector<1x32xf32>
    %rsqrt3A = math.rsqrt %add3A_49 : vector<1x32xf32>
    %mul3A_50 = vector.broadcast %rsqrt3A : vector<1x32xf32> to vector<10240x32xf32>
    %mul3A_51 = arith.mulf %sub3A_46, %mul3A_50 : vector<10240x32xf32>
    %mul3A_52 = vector.broadcast %get3A_26 : vector<1x32xf32> to vector<10240x32xf32>
    %mul3A_53 = arith.mulf %mul3A_51, %mul3A_52 : vector<10240x32xf32>
    %add3A_54 = vector.broadcast %get3A_29 : vector<1x32xf32> to vector<10240x32xf32>
    %add3A_55 = arith.addf %mul3A_53, %add3A_54 : vector<10240x32xf32>
    %max3A = arith.constant 0.000000e+00 : f32
    %max3A_56 = vector.broadcast %max3A : f32 to vector<10240x32xf32>
    %max3A_57 = arith.maximumf %add3A_55, %max3A_56 : vector<10240x32xf32>
    %mul3A_58 = vector.broadcast %slice3A : vector<10240x1xf32> to vector<10240x32xf32>
    %mul3A_59 = arith.mulf %mul3A_58, %max3A_57 : vector<10240x32xf32>
    %jit3A_60 = arith.constant 0.000000e+00 : f32
    %broadcast_in_dim3A_61 = vector.broadcast %jit3A_60 : f32 to vector<10240x32xf32>
    %select_n3A_62 = arith.select %lt3A_23, %mul3A_59, %broadcast_in_dim3A_61 : vector<10240x32xi1>, vector<10240x32xf32>
    %swap3A = arith.constant 0 : index
    %swap3A_63 = arith.constant 0 : index
    %swap3A_64 = vector.load %arg6[%swap3A, %swap3A_63] : memref<10240x32xf32, #tpu.memory_space<vmem>>, vector<10240x32xf32>
    tpu.vector_store %arg6[%swap3A, %swap3A_63], %select_n3A_62 {strides = array<i32>} : memref<10240x32xf32, #tpu.memory_space<vmem>>, vector<10240x32xf32>,
    return
  }
}

module attributes {stable_mosaic.version = 14 : i64} {
  func.func @_tc_mid2_body(%arg0: memref<2x10240x32xf32, #tpu.memory_space<vmem>>, %arg1: memref<10240x32xf32, #tpu.memory_space<vmem>>, %arg2: memref<10240x8xf32, #tpu.memory_space<vmem>>, %arg3: memref<32x64xf32, #tpu.memory_space<vmem>>, %arg4: memref<1x64xf32, #tpu.memory_space<vmem>>, %arg5: memref<1x64xf32, #tpu.memory_space<vmem>>, %arg6: memref<1x64xf32, #tpu.memory_space<vmem>>, %arg7: memref<10240x64xf32, #tpu.memory_space<vmem>>) attributes {dimension_semantics = [], scalar_prefetch = 0 : i64, scratch_operands = 0 : i64, tpu.core_type = #tpu.core_type<tc>} {
    %get3A = arith.constant 0 : index
    %get3A_0 = arith.constant 0 : index
    %get3A_1 = vector.load %arg2[%get3A, %get3A_0] : memref<10240x8xf32, #tpu.memory_space<vmem>>, vector<10240x8xf32>
    %slice3A = vector.extract_strided_slice %get3A_1 {offsets = [0, 0], sizes = [10240, 1], strides = [1, 1]} : vector<10240x8xf32> to vector<10240x1xf32>
    %get3A_2 = arith.constant 0 : index
    %get3A_3 = arith.constant 0 : index
    %get3A_4 = arith.constant 0 : index
    %get3A_5 = vector.load %arg0[%get3A_2, %get3A_3, %get3A_4] : memref<2x10240x32xf32, #tpu.memory_space<vmem>>, vector<1x10240x32xf32>
    %get3A_6 = vector.shape_cast %get3A_5 : vector<1x10240x32xf32> to vector<10240x32xf32>
    %get3A_7 = arith.constant 1 : index
    %get3A_8 = arith.constant 0 : index
    %get3A_9 = arith.constant 0 : index
    %get3A_10 = vector.load %arg0[%get3A_7, %get3A_8, %get3A_9] : memref<2x10240x32xf32, #tpu.memory_space<vmem>>, vector<1x10240x32xf32>
    %get3A_11 = vector.shape_cast %get3A_10 : vector<1x10240x32xf32> to vector<10240x32xf32>
    %add3A = arith.addf %get3A_6, %get3A_11 : vector<10240x32xf32>
    %get3A_12 = arith.constant 0 : index
    %get3A_13 = arith.constant 0 : index
    %get3A_14 = vector.load %arg1[%get3A_12, %get3A_13] : memref<10240x32xf32, #tpu.memory_space<vmem>>, vector<10240x32xf32>
    %add3A_15 = arith.addf %add3A, %get3A_14 : vector<10240x32xf32>
    %mul3A = vector.broadcast %slice3A : vector<10240x1xf32> to vector<10240x32xf32>
    %mul3A_16 = arith.mulf %mul3A, %add3A_15 : vector<10240x32xf32>
    %get3A_17 = arith.constant 0 : index
    %get3A_18 = arith.constant 0 : index
    %get3A_19 = vector.load %arg3[%get3A_17, %get3A_18] : memref<32x64xf32, #tpu.memory_space<vmem>>, vector<32x64xf32>
    %dot_general3A = arith.constant dense<0.000000e+00> : vector<10240x64xf32>
    %dot_general3A_20 = tpu.matmul %mul3A_16, %get3A_19, %dot_general3A {dimension_numbers = #tpu.dot_dimension_numbers<[1], [0], [0], [1], [0, 0, 1, 1], [], []>, transpose_lhs_hint = false} : vector<10240x32xf32>, vector<32x64xf32>, vector<10240x64xf32> -> vector<10240x64xf32>
    %get3A_21 = arith.constant 0 : index
    %get3A_22 = arith.constant 0 : index
    %get3A_23 = vector.load %arg4[%get3A_21, %get3A_22] : memref<1x64xf32, #tpu.memory_space<vmem>>, vector<1x64xf32>
    %add3A_24 = vector.broadcast %get3A_23 : vector<1x64xf32> to vector<10240x64xf32>
    %add3A_25 = arith.addf %dot_general3A_20, %add3A_24 : vector<10240x64xf32>
    %iota3A = tpu.iota {dimensions = array<i32: 0>} : vector<10240x64xi32>
    %lt3A = arith.constant 10000 : i32
    %lt3A_26 = vector.broadcast %lt3A : i32 to vector<10240x64xi32>
    %lt3A_27 = arith.cmpi slt, %iota3A, %lt3A_26 : vector<10240x64xi32>
    %get3A_28 = arith.constant 0 : index
    %get3A_29 = arith.constant 0 : index
    %get3A_30 = vector.load %arg5[%get3A_28, %get3A_29] : memref<1x64xf32, #tpu.memory_space<vmem>>, vector<1x64xf32>
    %get3A_31 = arith.constant 0 : index
    %get3A_32 = arith.constant 0 : index
    %get3A_33 = vector.load %arg6[%get3A_31, %get3A_32] : memref<1x64xf32, #tpu.memory_space<vmem>>, vector<1x64xf32>
    %jit3A = arith.constant 0.000000e+00 : f32
    %broadcast_in_dim3A = vector.broadcast %jit3A : f32 to vector<10240x64xf32>
    %select_n3A = arith.select %lt3A_27, %add3A_25, %broadcast_in_dim3A : vector<10240x64xi1>, vector<10240x64xf32>
    %reduce_sum3A = arith.constant dense<0.000000e+00> : vector<64xf32>
    %reduce_sum3A_34 = vector.multi_reduction <add>, %select_n3A, %reduce_sum3A [0] : vector<10240x64xf32> to vector<64xf32>
    %broadcast_in_dim3A_35 = vector.shape_cast %reduce_sum3A_34 : vector<64xf32> to vector<1x64xf32>
    %div3A = arith.constant 1.000000e+04 : f32
    %div3A_36 = vector.broadcast %div3A : f32 to vector<1x64xf32>
    %div3A_37 = arith.divf %broadcast_in_dim3A_35, %div3A_36 : vector<1x64xf32>
    %sub3A = vector.broadcast %div3A_37 : vector<1x64xf32> to vector<10240x64xf32>
    %sub3A_38 = arith.subf %add3A_25, %sub3A : vector<10240x64xf32>
    %jit3A_39 = arith.constant 0.000000e+00 : f32
    %broadcast_in_dim3A_40 = vector.broadcast %jit3A_39 : f32 to vector<10240x64xf32>
    %select_n3A_41 = arith.select %lt3A_27, %sub3A_38, %broadcast_in_dim3A_40 : vector<10240x64xi1>, vector<10240x64xf32>
    %mul3A_42 = arith.mulf %select_n3A_41, %select_n3A_41 : vector<10240x64xf32>
    %reduce_sum3A_43 = arith.constant dense<0.000000e+00> : vector<64xf32>
    %reduce_sum3A_44 = vector.multi_reduction <add>, %mul3A_42, %reduce_sum3A_43 [0] : vector<10240x64xf32> to vector<64xf32>
    %broadcast_in_dim3A_45 = vector.shape_cast %reduce_sum3A_44 : vector<64xf32> to vector<1x64xf32>
    %div3A_46 = arith.constant 1.000000e+04 : f32
    %div3A_47 = vector.broadcast %div3A_46 : f32 to vector<1x64xf32>
    %div3A_48 = arith.divf %broadcast_in_dim3A_45, %div3A_47 : vector<1x64xf32>
    %sub3A_49 = vector.broadcast %div3A_37 : vector<1x64xf32> to vector<10240x64xf32>
    %sub3A_50 = arith.subf %add3A_25, %sub3A_49 : vector<10240x64xf32>
    %add3A_51 = arith.constant 9.99999974E-6 : f32
    %add3A_52 = vector.broadcast %add3A_51 : f32 to vector<1x64xf32>
    %add3A_53 = arith.addf %div3A_48, %add3A_52 : vector<1x64xf32>
    %rsqrt3A = math.rsqrt %add3A_53 : vector<1x64xf32>
    %mul3A_54 = vector.broadcast %rsqrt3A : vector<1x64xf32> to vector<10240x64xf32>
    %mul3A_55 = arith.mulf %sub3A_50, %mul3A_54 : vector<10240x64xf32>
    %mul3A_56 = vector.broadcast %get3A_30 : vector<1x64xf32> to vector<10240x64xf32>
    %mul3A_57 = arith.mulf %mul3A_55, %mul3A_56 : vector<10240x64xf32>
    %add3A_58 = vector.broadcast %get3A_33 : vector<1x64xf32> to vector<10240x64xf32>
    %add3A_59 = arith.addf %mul3A_57, %add3A_58 : vector<10240x64xf32>
    %max3A = arith.constant 0.000000e+00 : f32
    %max3A_60 = vector.broadcast %max3A : f32 to vector<10240x64xf32>
    %max3A_61 = arith.maximumf %add3A_59, %max3A_60 : vector<10240x64xf32>
    %mul3A_62 = vector.broadcast %slice3A : vector<10240x1xf32> to vector<10240x64xf32>
    %mul3A_63 = arith.mulf %mul3A_62, %max3A_61 : vector<10240x64xf32>
    %jit3A_64 = arith.constant 0.000000e+00 : f32
    %broadcast_in_dim3A_65 = vector.broadcast %jit3A_64 : f32 to vector<10240x64xf32>
    %select_n3A_66 = arith.select %lt3A_27, %mul3A_63, %broadcast_in_dim3A_65 : vector<10240x64xi1>, vector<10240x64xf32>
    %swap3A = arith.constant 0 : index
    %swap3A_67 = arith.constant 0 : index
    %swap3A_68 = vector.load %arg7[%swap3A, %swap3A_67] : memref<10240x64xf32, #tpu.memory_space<vmem>>, vector<10240x64xf32>
    tpu.vector_store %arg7[%swap3A, %swap3A_67], %select_n3A_66 {strides = array<i32>} : memref<10240x64xf32, #tpu.memory_space<vmem>>, vector<10240x64xf32>,
    return
  }
}

module attributes {stable_mosaic.version = 14 : i64} {
  func.func @_tc_fin_body(%arg0: memref<2x10240x32xf32, #tpu.memory_space<vmem>>, %arg1: memref<2x10240x32xf32, #tpu.memory_space<vmem>>, %arg2: memref<10240x64xf32, #tpu.memory_space<vmem>>, %arg3: memref<10240x8xf32, #tpu.memory_space<vmem>>, %arg4: memref<64x128xf32, #tpu.memory_space<vmem>>, %arg5: memref<1x128xf32, #tpu.memory_space<vmem>>, %arg6: memref<1x128xf32, #tpu.memory_space<vmem>>, %arg7: memref<1x128xf32, #tpu.memory_space<vmem>>, %arg8: memref<128x16xf32, #tpu.memory_space<vmem>>, %arg9: memref<1x16xf32, #tpu.memory_space<vmem>>, %arg10: memref<10240x16xf32, #tpu.memory_space<vmem>>) attributes {dimension_semantics = [], scalar_prefetch = 0 : i64, scratch_operands = 0 : i64, tpu.core_type = #tpu.core_type<tc>} {
    %get3A = arith.constant 0 : index
    %get3A_0 = arith.constant 0 : index
    %get3A_1 = vector.load %arg3[%get3A, %get3A_0] : memref<10240x8xf32, #tpu.memory_space<vmem>>, vector<10240x8xf32>
    %slice3A = vector.extract_strided_slice %get3A_1 {offsets = [0, 0], sizes = [10240, 1], strides = [1, 1]} : vector<10240x8xf32> to vector<10240x1xf32>
    %get3A_2 = arith.constant 0 : index
    %get3A_3 = arith.constant 0 : index
    %get3A_4 = arith.constant 0 : index
    %get3A_5 = vector.load %arg0[%get3A_2, %get3A_3, %get3A_4] : memref<2x10240x32xf32, #tpu.memory_space<vmem>>, vector<1x10240x32xf32>
    %get3A_6 = vector.shape_cast %get3A_5 : vector<1x10240x32xf32> to vector<10240x32xf32>
    %get3A_7 = arith.constant 1 : index
    %get3A_8 = arith.constant 0 : index
    %get3A_9 = arith.constant 0 : index
    %get3A_10 = vector.load %arg0[%get3A_7, %get3A_8, %get3A_9] : memref<2x10240x32xf32, #tpu.memory_space<vmem>>, vector<1x10240x32xf32>
    %get3A_11 = vector.shape_cast %get3A_10 : vector<1x10240x32xf32> to vector<10240x32xf32>
    %add3A = arith.addf %get3A_6, %get3A_11 : vector<10240x32xf32>
    %get3A_12 = arith.constant 0 : index
    %get3A_13 = arith.constant 0 : index
    %get3A_14 = arith.constant 0 : index
    %get3A_15 = vector.load %arg1[%get3A_12, %get3A_13, %get3A_14] : memref<2x10240x32xf32, #tpu.memory_space<vmem>>, vector<1x10240x32xf32>
    %get3A_16 = vector.shape_cast %get3A_15 : vector<1x10240x32xf32> to vector<10240x32xf32>
    %get3A_17 = arith.constant 1 : index
    %get3A_18 = arith.constant 0 : index
    %get3A_19 = arith.constant 0 : index
    %get3A_20 = vector.load %arg1[%get3A_17, %get3A_18, %get3A_19] : memref<2x10240x32xf32, #tpu.memory_space<vmem>>, vector<1x10240x32xf32>
    %get3A_21 = vector.shape_cast %get3A_20 : vector<1x10240x32xf32> to vector<10240x32xf32>
    %add3A_22 = arith.addf %get3A_16, %get3A_21 : vector<10240x32xf32>
    %concatenate3A = tpu.concatenate %add3A, %add3A_22 in 1 : vector<10240x32xf32>, vector<10240x32xf32> -> vector<10240x64xf32>
    %get3A_23 = arith.constant 0 : index
    %get3A_24 = arith.constant 0 : index
    %get3A_25 = vector.load %arg2[%get3A_23, %get3A_24] : memref<10240x64xf32, #tpu.memory_space<vmem>>, vector<10240x64xf32>
    %add3A_26 = arith.addf %concatenate3A, %get3A_25 : vector<10240x64xf32>
    %mul3A = vector.broadcast %slice3A : vector<10240x1xf32> to vector<10240x64xf32>
    %mul3A_27 = arith.mulf %mul3A, %add3A_26 : vector<10240x64xf32>
    %get3A_28 = arith.constant 0 : index
    %get3A_29 = arith.constant 0 : index
    %get3A_30 = vector.load %arg4[%get3A_28, %get3A_29] : memref<64x128xf32, #tpu.memory_space<vmem>>, vector<64x128xf32>
    %dot_general3A = arith.constant dense<0.000000e+00> : vector<10240x128xf32>
    %dot_general3A_31 = tpu.matmul %mul3A_27, %get3A_30, %dot_general3A {dimension_numbers = #tpu.dot_dimension_numbers<[1], [0], [0], [1], [0, 0, 1, 1], [], []>, transpose_lhs_hint = false} : vector<10240x64xf32>, vector<64x128xf32>, vector<10240x128xf32> -> vector<10240x128xf32>
    %get3A_32 = arith.constant 0 : index
    %get3A_33 = arith.constant 0 : index
    %get3A_34 = vector.load %arg5[%get3A_32, %get3A_33] : memref<1x128xf32, #tpu.memory_space<vmem>>, vector<1x128xf32>
    %add3A_35 = vector.broadcast %get3A_34 : vector<1x128xf32> to vector<10240x128xf32>
    %add3A_36 = arith.addf %dot_general3A_31, %add3A_35 : vector<10240x128xf32>
    %iota3A = tpu.iota {dimensions = array<i32: 0>} : vector<10240x128xi32>
    %lt3A = arith.constant 10000 : i32
    %lt3A_37 = vector.broadcast %lt3A : i32 to vector<10240x128xi32>
    %lt3A_38 = arith.cmpi slt, %iota3A, %lt3A_37 : vector<10240x128xi32>
    %get3A_39 = arith.constant 0 : index
    %get3A_40 = arith.constant 0 : index
    %get3A_41 = vector.load %arg6[%get3A_39, %get3A_40] : memref<1x128xf32, #tpu.memory_space<vmem>>, vector<1x128xf32>
    %get3A_42 = arith.constant 0 : index
    %get3A_43 = arith.constant 0 : index
    %get3A_44 = vector.load %arg7[%get3A_42, %get3A_43] : memref<1x128xf32, #tpu.memory_space<vmem>>, vector<1x128xf32>
    %jit3A = arith.constant 0.000000e+00 : f32
    %broadcast_in_dim3A = vector.broadcast %jit3A : f32 to vector<10240x128xf32>
    %select_n3A = arith.select %lt3A_38, %add3A_36, %broadcast_in_dim3A : vector<10240x128xi1>, vector<10240x128xf32>
    %reduce_sum3A = arith.constant dense<0.000000e+00> : vector<128xf32>
    %reduce_sum3A_45 = vector.multi_reduction <add>, %select_n3A, %reduce_sum3A [0] : vector<10240x128xf32> to vector<128xf32>
    %broadcast_in_dim3A_46 = vector.shape_cast %reduce_sum3A_45 : vector<128xf32> to vector<1x128xf32>
    %div3A = arith.constant 1.000000e+04 : f32
    %div3A_47 = vector.broadcast %div3A : f32 to vector<1x128xf32>
    %div3A_48 = arith.divf %broadcast_in_dim3A_46, %div3A_47 : vector<1x128xf32>
    %sub3A = vector.broadcast %div3A_48 : vector<1x128xf32> to vector<10240x128xf32>
    %sub3A_49 = arith.subf %add3A_36, %sub3A : vector<10240x128xf32>
    %jit3A_50 = arith.constant 0.000000e+00 : f32
    %broadcast_in_dim3A_51 = vector.broadcast %jit3A_50 : f32 to vector<10240x128xf32>
    %select_n3A_52 = arith.select %lt3A_38, %sub3A_49, %broadcast_in_dim3A_51 : vector<10240x128xi1>, vector<10240x128xf32>
    %mul3A_53 = arith.mulf %select_n3A_52, %select_n3A_52 : vector<10240x128xf32>
    %reduce_sum3A_54 = arith.constant dense<0.000000e+00> : vector<128xf32>
    %reduce_sum3A_55 = vector.multi_reduction <add>, %mul3A_53, %reduce_sum3A_54 [0] : vector<10240x128xf32> to vector<128xf32>
    %broadcast_in_dim3A_56 = vector.shape_cast %reduce_sum3A_55 : vector<128xf32> to vector<1x128xf32>
    %div3A_57 = arith.constant 1.000000e+04 : f32
    %div3A_58 = vector.broadcast %div3A_57 : f32 to vector<1x128xf32>
    %div3A_59 = arith.divf %broadcast_in_dim3A_56, %div3A_58 : vector<1x128xf32>
    %sub3A_60 = vector.broadcast %div3A_48 : vector<1x128xf32> to vector<10240x128xf32>
    %sub3A_61 = arith.subf %add3A_36, %sub3A_60 : vector<10240x128xf32>
    %add3A_62 = arith.constant 9.99999974E-6 : f32
    %add3A_63 = vector.broadcast %add3A_62 : f32 to vector<1x128xf32>
    %add3A_64 = arith.addf %div3A_59, %add3A_63 : vector<1x128xf32>
    %rsqrt3A = math.rsqrt %add3A_64 : vector<1x128xf32>
    %mul3A_65 = vector.broadcast %rsqrt3A : vector<1x128xf32> to vector<10240x128xf32>
    %mul3A_66 = arith.mulf %sub3A_61, %mul3A_65 : vector<10240x128xf32>
    %mul3A_67 = vector.broadcast %get3A_41 : vector<1x128xf32> to vector<10240x128xf32>
    %mul3A_68 = arith.mulf %mul3A_66, %mul3A_67 : vector<10240x128xf32>
    %add3A_69 = vector.broadcast %get3A_44 : vector<1x128xf32> to vector<10240x128xf32>
    %add3A_70 = arith.addf %mul3A_68, %add3A_69 : vector<10240x128xf32>
    %max3A = arith.constant 0.000000e+00 : f32
    %max3A_71 = vector.broadcast %max3A : f32 to vector<10240x128xf32>
    %max3A_72 = arith.maximumf %add3A_70, %max3A_71 : vector<10240x128xf32>
    %get3A_73 = arith.constant 0 : index
    %get3A_74 = arith.constant 0 : index
    %get3A_75 = vector.load %arg8[%get3A_73, %get3A_74] : memref<128x16xf32, #tpu.memory_space<vmem>>, vector<128x16xf32>
    %dot_general3A_76 = arith.constant dense<0.000000e+00> : vector<10240x16xf32>
    %dot_general3A_77 = tpu.matmul %max3A_72, %get3A_75, %dot_general3A_76 {dimension_numbers = #tpu.dot_dimension_numbers<[1], [0], [0], [1], [0, 0, 1, 1], [], []>, transpose_lhs_hint = false} : vector<10240x128xf32>, vector<128x16xf32>, vector<10240x16xf32> -> vector<10240x16xf32>
    %get3A_78 = arith.constant 0 : index
    %get3A_79 = arith.constant 0 : index
    %get3A_80 = vector.load %arg9[%get3A_78, %get3A_79] : memref<1x16xf32, #tpu.memory_space<vmem>>, vector<1x16xf32>
    %add3A_81 = vector.broadcast %get3A_80 : vector<1x16xf32> to vector<10240x16xf32>
    %add3A_82 = arith.addf %dot_general3A_77, %add3A_81 : vector<10240x16xf32>
    %reduce_max3A = arith.constant dense<0xFF800000> : vector<10240xf32>
    %reduce_max3A_83 = vector.multi_reduction <maximumf>, %add3A_82, %reduce_max3A [1] : vector<10240x16xf32> to vector<10240xf32>
    %broadcast_in_dim3A_84 = vector.shape_cast %reduce_max3A_83 : vector<10240xf32> to vector<10240x1xf32>
    %sub3A_85 = vector.broadcast %broadcast_in_dim3A_84 : vector<10240x1xf32> to vector<10240x16xf32>
    %sub3A_86 = arith.subf %add3A_82, %sub3A_85 : vector<10240x16xf32>
    %exp3A = math.exp %sub3A_86 : vector<10240x16xf32>
    %reduce_sum3A_87 = arith.constant dense<0.000000e+00> : vector<10240xf32>
    %reduce_sum3A_88 = vector.multi_reduction <add>, %exp3A, %reduce_sum3A_87 [1] : vector<10240x16xf32> to vector<10240xf32>
    %broadcast_in_dim3A_89 = vector.shape_cast %reduce_sum3A_88 : vector<10240xf32> to vector<10240x1xf32>
    %log3A = math.log %broadcast_in_dim3A_89 : vector<10240x1xf32>
    %add3A_90 = arith.addf %log3A, %broadcast_in_dim3A_84 : vector<10240x1xf32>
    %sub3A_91 = vector.broadcast %add3A_90 : vector<10240x1xf32> to vector<10240x16xf32>
    %sub3A_92 = arith.subf %add3A_82, %sub3A_91 : vector<10240x16xf32>
    %swap3A = arith.constant 0 : index
    %swap3A_93 = arith.constant 0 : index
    %swap3A_94 = vector.load %arg10[%swap3A, %swap3A_93] : memref<10240x16xf32, #tpu.memory_space<vmem>>, vector<10240x16xf32>
    tpu.vector_store %arg10[%swap3A, %swap3A_93], %sub3A_92 {strides = array<i32>} : memref<10240x16xf32, #tpu.memory_space<vmem>>, vector<10240x16xf32>,
    return
  }
}

</mosaic_0001>

<sc_bundles>
// kernel: kernel.11.cloned.1.call-start
scs
__scs_entry_jumppad:
0x0: {  	(pc) =	sbr.rel $0x88, $3  }
0x1: {  	(tag) =	ssettag $0x0;
	lr =	simm.s32 $0x1  }
0x2: {  	[smem:$0x3F91] =	sst lr;
	_ =	strace $0xD0000000  }
0x3: {  	_ = 	snop  }
0x4: {  	_ = 	snop  }
0x5: {  	_ = 	snop  }
0x6: {  	_ = 	snop  }
0x7: {  	_ = 	snop  }
__scs_overlays_trampoline_lowered:
0x8: {  	[smem:$0x3FA0] =	sst s0  }
0x9: {  	[smem:$0x3FA1] =	sst s1  }
0xa: {  	[smem:$0x3FA2] =	sst s2  }
0xb: {  	[smem:$0x3FA3] =	sst s3  }
0xc: {  	[smem:$0x3FA4] =	sst s4  }
0xd: {  	[smem:$0x3FA5] =	sst s5  }
0xe: {  	[smem:$0x3FA6] =	sst s6  }
0xf: {  	[smem:$0x3FA7] =	sst s7  }
0x10: {  	[smem:$0x3FA8] =	sst s8  }
0x11: {  	[smem:$0x3FA9] =	sst s9;
	s0 =	simm.s32 @!p0 $0x0  }
0x12: {  	s1 =	sld [smem:$0x3F8F];
	s0 =	simm.s32 @p0 $0x1  }
0x13: {  	[smem:$0x3FAA] =	sst s0;
	s0 =	simm.s32 @!p1 $0x0  }
0x14: {  	s2 =	sld [smem:$0x3F8E];
	s0 =	simm.s32 @p1 $0x1  }
0x15: {  	[smem:$0x3FAB] =	sst s0;
	s0 =	simm.s32 @!p2 $0x0  }
0x16: {  	s3 =	sld [smem:$0x3FDB];
	s0 =	simm.s32 @p2 $0x1  }
0x17: {  	s4 =	simm.s32 $0x1BF5;
	[smem:$0x3FAD] =	sst s0  }
0x18: {  	s0 =	sld [smem:$0x3F90];
	_ =	swait.ge [sflag:s4], $0x0  }
0x19: {  	s7 =	sld [smem:$0x3F91]  }
0x1a: {  	s8 =	sadd.s32 $0xFFFFE003, lr  }
0x1b: {  	s9 =	sadd.s32 $0xFFFFFEF7, lr;
	s5 =	simm.s32 $0xFFFFFFFF;
	p2 =	slt.u32 s8, $0xFFFFF086  }
0x1c: {  	p1 =	slt.u32 s9, $0xF7A;
	s5 =	simm.s32 @!p2 $0x0  }
0x1d: {  	s5 =	simm.s32 @p1 $0x1;
	p0 =	seq.s32 s7, s2  }
0x1e: {  	s7 =	smul.u32 @!p0 $0xF7A, s2;
	p2 =	seq.s32 @!p0 s5, $0x0  }
0x1f: {  	s9 =	smul.u32 $0xF7A, s1;
	s8 =	simm.s32 @!p0 $0x1BF5;
	p2 =	por !p2, p0  }
0x20: {  	[sflag:s8] =	ssyncset.s32 @!p0 $0xFFFFF086;
	s6 =	sadd.s32 @!p0 s3, s7;
	s7 =	simm.s32 @!p0 $0x108  }
0x21: {  	s3 =	sadd.s32 s3, s9;
	s6 =	sadd.s32 @!p0 $0x88, s6;
	s7 =	simm.s32 @p2 $0x1082  }
0x22: {  	[simem:s7], [sflag:s8] =	dma.local @!p0 [hbm:s6], $0xF7A  }
0x23: {  	s9 =	sor.u32 $0xD0000000, s2;
	s6 =	simm.s32 $0x108;
	_ =	swait.ge @!p0 [sflag:s8], $0x0  }
0x24: {  	s3 =	sadd.s32 $0x88, s3;
	s6 =	simm.s32 @!p1 $0x1082;
	[sflag:s4] =	ssyncset.s32 $0xFFFFF086  }
0x25: {  	[simem:s6], [sflag:s4] =	dma.local [hbm:s3], $0xF7A  }
0x26: {  	[smem:$0x3F91] =	sst s1;
	(tag) =	ssettag s2;
	_ =	strace s9  }
0x27: {  	s1 =	sld [smem:$0x3FA1]  }
0x28: {  	s2 =	sld [smem:$0x3FA2]  }
0x29: {  	s4 =	sld [smem:$0x3FA4]  }
0x2a: {  	p0 =	seq.s32 s5, $0x0;
	s5 =	sld [smem:$0x3FA5]  }
0x2b: {  	s6 =	sld [smem:$0x3FA6]  }
0x2c: {  	s7 =	sld [smem:$0x3FA7]  }
0x2d: {  	s3 =	simm.s32 $0x108;
	s8 =	sld [smem:$0x3FA8]  }
0x2e: {  	s3 =	simm.s32 @!p0 $0x1082;
	s9 =	sld [smem:$0x3FA9]  }
0x2f: {  	lr =	sadd.s32 s0, s3;
	s0 =	sld [smem:$0x3FA0]  }
0x30: {  	s3 =	sld [smem:$0x3FA3]  }
0x31: {  	[smem:$0x3FAC] =	sst s10  }
0x32: {  	s10 =	sld [smem:$0x3FAA];
	_ =	sdelay $0x3  }
0x33: {  	p0 =	seq.s32 s10, $0x1;
	s10 =	sld [smem:$0x3FAC];
	_ =	sdelay $0x3  }
0x34: {  	[smem:$0x3FAC] =	sst s10  }
0x35: {  	s10 =	sld [smem:$0x3FAB];
	_ =	sdelay $0x3  }
0x36: {  	p1 =	seq.s32 s10, $0x1;
	s10 =	sld [smem:$0x3FAC];
	_ =	sdelay $0x3  }
0x37: {  	[smem:$0x3FAC] =	sst s10  }
0x38: {  	s10 =	sld [smem:$0x3FAD]  }
0x39: {  	_ = 	snop;
	(pc) =	sbr.ind lr, $3  }
0x3a: {  	_ = 	snop  }
0x3b: {  	_ = 	snop  }
0x3c: {  	p2 =	seq.s32 s10, $0x1;
	s10 =	sld [smem:$0x3FAC]  }
0x3d: {  	_ =	shalt  }
0x3e: {  	_ =	shalt  }
0x3f: {  	_ =	shalt  }
0x40: {  	_ =	shalt  }
0x41: {  	_ =	shalt  }
0x42: {  	_ =	shalt  }
0x43: {  	_ =	shalt  }
0x44: {  	_ =	shalt  }
0x45: {  	_ =	shalt  }
0x46: {  	_ =	shalt  }
0x47: {  	_ =	shalt  }
0x48: {  	_ =	shalt  }
0x49: {  	_ =	shalt  }
0x4a: {  	_ =	shalt  }
0x4b: {  	_ =	shalt  }
0x4c: {  	_ =	shalt  }
0x4d: {  	_ =	shalt  }
0x4e: {  	_ =	shalt  }
0x4f: {  	_ =	shalt  }
0x50: {  	_ =	shalt  }
0x51: {  	_ =	shalt  }
0x52: {  	_ =	shalt  }
0x53: {  	_ =	shalt  }
0x54: {  	_ =	shalt  }
0x55: {  	_ =	shalt  }
0x56: {  	_ =	shalt  }
0x57: {  	_ =	shalt  }
0x58: {  	_ =	shalt  }
0x59: {  	_ =	shalt  }
0x5a: {  	_ =	shalt  }
0x5b: {  	_ =	shalt  }
0x5c: {  	_ =	shalt  }
0x5d: {  	_ =	shalt  }
0x5e: {  	_ =	shalt  }
0x5f: {  	_ =	shalt  }
0x60: {  	_ =	shalt  }
0x61: {  	_ =	shalt  }
0x62: {  	_ =	shalt  }
0x63: {  	_ =	shalt  }
0x64: {  	_ =	shalt  }
0x65: {  	_ =	shalt  }
0x66: {  	_ =	shalt  }
0x67: {  	_ =	shalt  }
0x68: {  	_ =	shalt  }
0x69: {  	_ =	shalt  }
0x6a: {  	_ =	shalt  }
0x6b: {  	_ =	shalt  }
0x6c: {  	_ =	shalt  }
0x6d: {  	_ =	shalt  }
0x6e: {  	_ =	shalt  }
0x6f: {  	_ =	shalt  }
0x70: {  	_ =	shalt  }
0x71: {  	_ =	shalt  }
0x72: {  	_ =	shalt  }
0x73: {  	_ =	shalt  }
0x74: {  	_ =	shalt  }
0x75: {  	_ =	shalt  }
0x76: {  	_ =	shalt  }
0x77: {  	_ =	shalt  }
0x78: {  	_ =	shalt  }
0x79: {  	_ =	shalt  }
0x7a: {  	_ =	shalt  }
0x7b: {  	_ =	shalt  }
0x7c: {  	_ =	shalt  }
0x7d: {  	_ =	shalt  }
0x7e: {  	_ =	shalt  }
0x7f: {  	_ =	shalt  }
0x80: {  	_ =	shalt  }
0x81: {  	_ =	shalt  }
0x82: {  	_ =	shalt  }
0x83: {  	_ =	shalt  }
0x84: {  	_ =	shalt  }
0x85: {  	_ =	shalt  }
0x86: {  	_ =	shalt  }
0x87: {  	_ =	shalt  }
.Lfunc_end0:
.L_simem_size_0:
called_computation_lowered:
.L_overlay_start_0:
0x88: {  	s2 =	sld [smem:$0x3FD9]  }
0x89: {  	s3 =	sld [smem:$0x3FFE];
	_ =	sdelay $0x1  }
0x8a: {  	s1 =	srdreg.scid  }
0x8b: {  	s0 =	sand.u32 $0x1, s1  }
0x8c: {  	s17 =	sshll.u32 s0, $0xA;
	s2 =	sadd.s32 s3, s2  }
0x8d: {  	s2 =	sadd.s32 s2, s17  }
0x8e: {  	[smem:$0x3FB8] =	sst s2  }
0x8f: {  	_ = 	snop  }
0x90: {  	s2 =	sld [smem:$0x3FD0];
	(tm) =	ssettm $0x1  }
0x91: {  	s18 =	sld [smem:$0x3FFB];
	_ =	sdelay $0x3  }
0x92: {  	_ =	strace s18  }
0x93: {  	s3 =	sld [smem:$0x3FFC];
	_ =	sdelay $0x3  }
0x94: {  	_ =	strace s3  }
0x95: {  	s3 =	sld [smem:$0x3FFD];
	_ =	sdelay $0x3  }
0x96: {  	_ =	strace s3  }
0x97: {  	_ =	strace $0x8FFFFFFF  }
0x98: {  	s19 =	sld [smem:$0x3FDB];
	_ =	sdelay $0x1  }
0x99: {  	s4 =	simm.s32 $_scs_section_size  }
0x9a: {  	s5 =	simm.s32 $_size__tile_overlayer_lowered;
	s6 =	simm.s32 $_tile_overlayer_lowered  }
0x9b: {  	s22 =	simm.s32 $0x1BFF;
	s21 =	sshll.u32 s6, $0x1;
	s3 =	sadd.s32 s4, s19  }
0x9c: {  	s7 =	simm.s32 $0x0;
	s20 =	sshll.u32 s5, $0x1;
	s5 =	sadd.s32 s21, s3  }
0x9d: {  	[timem:s7], [sflag:s22] =	dma.local [hbm:s5], s20  }
0x9e: {  	_ =	swait.ge [sflag:s22], s20  }
0x9f: {  	s4 =	ssub.s32 $0x0, s20;
	[sflag:s22] =	ssyncset.done $0x0  }
0xa0: {  	[sflag:s22] =	ssyncadd.s32 s4;
	_ =	sdelay $0x1  }
0xa1: {  	s23 =	simm.s32 $0x1B8B  }
0xa2: {  	_ =	swait.ge [sflag:s23], $0x1  }
0xa3: {  	[sflag:s23] =	ssyncset.done $0x0  }
0xa4: {  	s25 =	simm.s32 $0x1B8E;
	s24 =	sld [smem:$0x3FFE];
	[sflag:s23] =	ssyncadd.s32 $0xFFFFFFFF  }
0xa5: {  	s26 =	simm.s32 $execute0_lowered;
	[smem:$0x3FD2] =	sst s25  }
0xa6: {  	s5 =	sshll.u32 s26, $0x1;
	_ =	strace $0x80000046;
	[dreg:$0x1] =	wrdreg $0xFFFFFFFF  }
0xa7: {  	s28 =	simm.s32 $_size_execute0_lowered;
	s3 =	sadd.s32 s3, s5;
	[dreg:$0x0] =	wrdreg $0x0  }
0xa8: {  	s5 =	sshll.u32 s28, $0x1;
	[dreg:$0x2] =	wrdreg s3  }
0xa9: {  	[dreg:$0x3] =	wrdreg s5  }
0xaa: {  	[dreg:$0x4] =	wrdreg $0xC0  }
0xab: {  	_ =	task [dreg:s7], $0x5FFFF  }
0xac: {  	[dreg:$0x1] =	wrdreg $0xFFFFFFFF  }
0xad: {  	[dreg:$0x0] =	wrdreg $0x60  }
0xae: {  	[dreg:$0x2] =	wrdreg s24  }
0xaf: {  	[dreg:$0x3] =	wrdreg s2  }
0xb0: {  	[dreg:$0x4] =	wrdreg $0x2C000  }
0xb1: {  	[dreg:$0x5] =	wrdreg $0x9  }
0xb2: {  	_ =	task.clear_ibuf [dreg:s7], $0x6FFFF;
	_ =	strace $0x90000046  }
0xb3: {  	s29 =	simm.s32 $0x9;
	_ =	strace $0x80000048  }
0xb4: {  	_ =	swait.ge [sflag:s29], $0x1  }
0xb5: {  	[sflag:s29] =	ssyncadd.s32 $0xFFFFFFFF  }
0xb6: {  	_ =	strace $0x90000048  }
0xb7: {  	_ =	sfence  }
0xb8: {  	s30 =	sld [smem:$0x0];
	_ =	sdelay $0x2  }
0xb9: {  	s31 =	sshll.u32 s1, $0xD;
	s1 =	sshrl.u32 s1, $0x2  }
0xba: {  	s3 =	sand.u32 $0x4000, s31;
	s1 =	sadd.s32 s1, s30  }
0xbb: {  	s0 =	sor.u32 s3, s0;
	s1 =	sshll.u32 s1, $0x11  }
0xbc: {  	s0 =	sor.u32 s1, s0  }
0xbd: {  	s0 =	sadd.s32 $0x8F2B, s0  }
0xbe: {  	[sflag:s0] =	ssyncadd.remote.s32 $0x1  }
0xbf: {  	_ =	sfence.sel $0xFFFF  }
0xc0: {  	[dreg:$0x0] =	wrdreg $0xFFFFFFFF;
	(pc) =	sbr.abs _section_cstart, $3  }
0xc1: {  	[dreg:$0x1] =	wrdreg $0xFFFFFFFF  }
0xc2: {  	_ =	task.clear_ibuf [dreg:s7], $0x2FFFF;
	_ =	strace $0x9FFFFFFF  }
0xc3: {  	(tm) =	ssettm $0x7FFFFFFF  }
tec
execute0_lowered:
.L_overlay_start_1:
0x0: {  	(tag) =	ssettag $0x1  }
0x1: {  	s5 =	rddreg [dreg:$0x0]  }
0x2: {  	s6 =	rddreg [dreg:$0x1]  }
0x3: {  	s0 =	srdreg.scid;
	s2 =	rddreg [dreg:$0x2]  }
0x4: {  	s1 =	stileid.u32;
	s3 =	simm.s32 $0x0;
	s12 =	simm.s32 $0x2800  }
0x5: {  	s13 =	simm.s32 $0x80;
	s14 =	simm.s32 $0x100;
	s15 =	simm.s32 $0x180  }
0x6: {  	s16 =	simm.s32 $0x200;
	s17 =	simm.s32 $0x280;
	s18 =	simm.s32 $0x300  }
0x7: {  	s19 =	simm.s32 $0x380;
	s20 =	simm.s32 $0x1;
	s21 =	simm.s32 $0x2  }
0x8: {  	s22 =	simm.s32 $0x3;
	s23 =	simm.s32 $0x4;
	s24 =	simm.s32 $0x5  }
0x9: {  	s25 =	simm.s32 $0x6;
	s28 =	simm.s32 $0x8;
	s29 =	simm.s32 $0x0  }
0xa: {  	s4 =	sand.u32 $0x1, s0;
	s8 =	smul.u32 $0x1400, s1;
	[smem:$0x7FF] =	sst s3  }
0xb: {  	s31 =	sshll.u32 s1, $0x6;
	s7 =	sshll.u32 s4, $0x4;
	s9 =	smul.u32 $0x14000, s4  }
0xc: {  	_ =	strace $0x80000047;
	s10 =	ssub.s32 $0x2, s4;
	s4 =	sadd.s32 $0xD400, s5  }
0xd: {  	s7 =	sor.u32 s1, s7;
	s11 =	sshrl.u32 s10, $0x1;
	s26 =	sadd.s32 s8, s2  }
0xe: {  	s30 =	sshrl.u32 s8, $0x3;
	s7 =	smul.u32 $0x500, s7;
	s9 =	sadd.s32 s8, s9  }
0xf: {  	s10 =	ssub.s32 s10, s11;
	s11 =	simm.s32 $0x9;
	s9 =	sshrl.u32 s9, $0x3  }
0x10: {  	s7 =	sadd.s32 s7, s5;
	s9 =	sadd.s32 s9, s5;
	s5 =	sadd.s32 s6, s30  }
0x11: {  	s6 =	sor.u32 $0x1C09, s31;
	s7 =	sadd.s32 $0x3400, s7;
	s8 =	sadd.s32 $0xD600, s9  }
0x12: {  	s9 =	smax.u32 s10, $0x1;
	s10 =	sshrl.u32 s26, $0x3;
	s26 =	simm.s32 $0x7  }
.LBB2_1:
0x13: {  	[spmem:s10], [sflag:s6] =	dma.local [hbm:s5], $0x280  }
0x14: {  	_ =	swait.ge [sflag:s11], $0x280  }
0x15: {  	[sflag:s11] =	ssyncset.done $0x0  }
0x16: {  	[sflag:s11] =	ssyncadd.s32 $0xFFFFFD80  }
0x17: {  	[tilespmem:s3], [sflag:$0x9] =	stream.linear.gather [hbm4b:s7+s3], $0x2800, $0x38;
	[tilespmem:$0x4000] =	vst v63  }
0x18: {  	_ =	swait.ge [sflag:s11], $0x2800  }
0x19: {  	[sflag:s11] =	ssyncset.done $0x0  }
0x1a: {  	[sflag:s11] =	ssyncadd.s32 $0xFFFFD800  }
0x1b: {  	[tilespmem:s12], [sflag:$0x9] =	stream.linear.gather [hbm4b:s4+s3], $0x400, $0x38;
	[tilespmem:$0x4000] =	vst v63  }
0x1c: {  	_ =	swait.ge [sflag:s11], $0x400  }
0x1d: {  	[sflag:s11] =	ssyncset.done $0x0  }
0x1e: {  	[sflag:s11] =	ssyncadd.s32 $0xFFFFFC00  }
0x1f: {  	[bflag:$0x0] =	sbarrier.arrive $0xFFFF  }
0x20: {  	[spmem:s2] =	stream.indirect.scatter.add.f32 [tilespmem:s12], [sflag:$0x1], $0x8, s3, s13, $0xb8;
	[tilespmem:$0x4000] =	vst v63  }
0x21: {  	_ = 	snop  }
0x22: {  	[spmem:s2] =	stream.indirect.scatter.add.f32 [tilespmem:s12], [sflag:$0x2], $0x8, s13, s13, $0xb8;
	[tilespmem:$0x4000] =	vst v63  }
0x23: {  	_ = 	snop  }
0x24: {  	[spmem:s2] =	stream.indirect.scatter.add.f32 [tilespmem:s12], [sflag:$0x3], $0x8, s14, s13, $0xb8;
	[tilespmem:$0x4000] =	vst v63  }
0x25: {  	_ = 	snop  }
0x26: {  	[spmem:s2] =	stream.indirect.scatter.add.f32 [tilespmem:s12], [sflag:$0x4], $0x8, s15, s13, $0xb8;
	[tilespmem:$0x4000] =	vst v63  }
0x27: {  	_ = 	snop  }
0x28: {  	[spmem:s2] =	stream.indirect.scatter.add.f32 [tilespmem:s12], [sflag:$0x5], $0x8, s16, s13, $0xb8;
	[tilespmem:$0x4000] =	vst v63  }
0x29: {  	_ = 	snop  }
0x2a: {  	[spmem:s2] =	stream.indirect.scatter.add.f32 [tilespmem:s12], [sflag:$0x6], $0x8, s17, s13, $0xb8;
	[tilespmem:$0x4000] =	vst v63  }
0x2b: {  	_ = 	snop  }
0x2c: {  	[spmem:s2] =	stream.indirect.scatter.add.f32 [tilespmem:s12], [sflag:$0x7], $0x8, s18, s13, $0xb8;
	[tilespmem:$0x4000] =	vst v63  }
0x2d: {  	_ = 	snop  }
0x2e: {  	[spmem:s2] =	stream.indirect.scatter.add.f32 [tilespmem:s12], [sflag:$0x8], $0x8, s19, s13, $0xb8;
	[tilespmem:$0x4000] =	vst v63  }
0x2f: {  	_ =	swait.ge [sflag:s20], $0x400  }
0x30: {  	[sflag:s20] =	ssyncset.done $0x0  }
0x31: {  	s30 =	simm.s32 $0x400;
	[sflag:s20] =	ssyncadd.s32 $0xFFFFFC00  }
0x32: {  	[spmem:s2] =	stream.indirect.scatter.add.f32 [tilespmem:s12], [sflag:$0x1], $0x8, s30, s13, $0xb8;
	[tilespmem:$0x4000] =	vst v63  }
0x33: {  	_ =	swait.ge [sflag:s21], $0x400  }
0x34: {  	[sflag:s21] =	ssyncset.done $0x0  }
0x35: {  	s30 =	simm.s32 $0x480;
	[sflag:s21] =	ssyncadd.s32 $0xFFFFFC00  }
0x36: {  	[spmem:s2] =	stream.indirect.scatter.add.f32 [tilespmem:s12], [sflag:$0x2], $0x8, s30, s13, $0xb8;
	[tilespmem:$0x4000] =	vst v63  }
0x37: {  	_ =	swait.ge [sflag:s22], $0x400  }
0x38: {  	[sflag:s22] =	ssyncset.done $0x0  }
0x39: {  	s30 =	simm.s32 $0x500;
	[sflag:s22] =	ssyncadd.s32 $0xFFFFFC00  }
0x3a: {  	[spmem:s2] =	stream.indirect.scatter.add.f32 [tilespmem:s12], [sflag:$0x3], $0x8, s30, s13, $0xb8;
	[tilespmem:$0x4000] =	vst v63  }
0x3b: {  	_ =	swait.ge [sflag:s23], $0x400  }
0x3c: {  	[sflag:s23] =	ssyncset.done $0x0  }
0x3d: {  	s30 =	simm.s32 $0x580;
	[sflag:s23] =	ssyncadd.s32 $0xFFFFFC00  }
0x3e: {  	[spmem:s2] =	stream.indirect.scatter.add.f32 [tilespmem:s12], [sflag:$0x4], $0x8, s30, s13, $0xb8;
	[tilespmem:$0x4000] =	vst v63  }
0x3f: {  	_ =	swait.ge [sflag:s24], $0x400  }
0x40: {  	[sflag:s24] =	ssyncset.done $0x0  }
0x41: {  	s30 =	simm.s32 $0x600;
	[sflag:s24] =	ssyncadd.s32 $0xFFFFFC00  }
0x42: {  	[spmem:s2] =	stream.indirect.scatter.add.f32 [tilespmem:s12], [sflag:$0x5], $0x8, s30, s13, $0xb8;
	[tilespmem:$0x4000] =	vst v63  }
0x43: {  	_ =	swait.ge [sflag:s25], $0x400  }
0x44: {  	[sflag:s25] =	ssyncset.done $0x0  }
0x45: {  	s30 =	simm.s32 $0x680;
	[sflag:s25] =	ssyncadd.s32 $0xFFFFFC00  }
0x46: {  	[spmem:s2] =	stream.indirect.scatter.add.f32 [tilespmem:s12], [sflag:$0x6], $0x8, s30, s13, $0xb8;
	[tilespmem:$0x4000] =	vst v63  }
0x47: {  	_ =	swait.ge [sflag:s26], $0x400  }
0x48: {  	[sflag:s26] =	ssyncset.done $0x0  }
0x49: {  	s30 =	simm.s32 $0x700;
	[sflag:s26] =	ssyncadd.s32 $0xFFFFFC00  }
0x4a: {  	[spmem:s2] =	stream.indirect.scatter.add.f32 [tilespmem:s12], [sflag:$0x7], $0x8, s30, s13, $0xb8;
	[tilespmem:$0x4000] =	vst v63  }
0x4b: {  	_ =	swait.ge [sflag:s28], $0x400  }
0x4c: {  	[sflag:s28] =	ssyncset.done $0x0  }
0x4d: {  	s31 =	simm.s32 $0x780;
	s30 =	simm.s32 $0x1000;
	[sflag:s28] =	ssyncadd.s32 $0xFFFFFC00  }
.LBB2_2:
0x4e: {  	[spmem:s2] =	stream.indirect.scatter.add.f32 [tilespmem:s12], [sflag:$0x8], $0x8, s31, s13, $0xb8;
	[tilespmem:$0x4000] =	vst v63  }
0x4f: {  	s31 =	smov.u32 s30  }
0x50: {  	p0 =	sne.s32 s30, $0x8000;
	s30 =	sadd.s32 $0x1000, s30;
	_ =	swait.ge [sflag:s20], $0x400  }
0x51: {  	s31 =	sshra.s32 s31, $0x2;
	[sflag:s20] =	ssyncset.done $0x0  }
0x52: {  	s0 =	sadd.s32 $0x400, s31;
	[sflag:s20] =	ssyncadd.s32 $0xFFFFFC00  }
0x53: {  	[spmem:s2] =	stream.indirect.scatter.add.f32 [tilespmem:s12], [sflag:$0x1], $0x8, s0, s13, $0xb8;
	[tilespmem:$0x4000] =	vst v63  }
0x54: {  	_ =	swait.ge [sflag:s21], $0x400  }
0x55: {  	[sflag:s21] =	ssyncset.done $0x0  }
0x56: {  	s0 =	sadd.s32 $0x480, s31;
	[sflag:s21] =	ssyncadd.s32 $0xFFFFFC00  }
0x57: {  	[spmem:s2] =	stream.indirect.scatter.add.f32 [tilespmem:s12], [sflag:$0x2], $0x8, s0, s13, $0xb8;
	[tilespmem:$0x4000] =	vst v63  }
0x58: {  	_ =	swait.ge [sflag:s22], $0x400  }
0x59: {  	[sflag:s22] =	ssyncset.done $0x0  }
0x5a: {  	s0 =	sadd.s32 $0x500, s31;
	[sflag:s22] =	ssyncadd.s32 $0xFFFFFC00  }
0x5b: {  	[spmem:s2] =	stream.indirect.scatter.add.f32 [tilespmem:s12], [sflag:$0x3], $0x8, s0, s13, $0xb8;
	[tilespmem:$0x4000] =	vst v63  }
0x5c: {  	_ =	swait.ge [sflag:s23], $0x400  }
0x5d: {  	[sflag:s23] =	ssyncset.done $0x0  }
0x5e: {  	s0 =	sadd.s32 $0x580, s31;
	[sflag:s23] =	ssyncadd.s32 $0xFFFFFC00  }
0x5f: {  	[spmem:s2] =	stream.indirect.scatter.add.f32 [tilespmem:s12], [sflag:$0x4], $0x8, s0, s13, $0xb8;
	[tilespmem:$0x4000] =	vst v63  }
0x60: {  	_ =	swait.ge [sflag:s24], $0x400  }
0x61: {  	[sflag:s24] =	ssyncset.done $0x0  }
0x62: {  	s0 =	sadd.s32 $0x600, s31;
	[sflag:s24] =	ssyncadd.s32 $0xFFFFFC00  }
0x63: {  	[spmem:s2] =	stream.indirect.scatter.add.f32 [tilespmem:s12], [sflag:$0x5], $0x8, s0, s13, $0xb8;
	[tilespmem:$0x4000] =	vst v63  }
0x64: {  	_ =	swait.ge [sflag:s25], $0x400  }
0x65: {  	[sflag:s25] =	ssyncset.done $0x0  }
0x66: {  	s0 =	sadd.s32 $0x680, s31;
	[sflag:s25] =	ssyncadd.s32 $0xFFFFFC00  }
0x67: {  	[spmem:s2] =	stream.indirect.scatter.add.f32 [tilespmem:s12], [sflag:$0x6], $0x8, s0, s13, $0xb8;
	[tilespmem:$0x4000] =	vst v63  }
0x68: {  	_ =	swait.ge [sflag:s26], $0x400  }
0x69: {  	[sflag:s26] =	ssyncset.done $0x0  }
.Ltmp0:
0x6a: {  	s0 =	sadd.s32 $0x700, s31;
	[sflag:s26] =	ssyncadd.s32 $0xFFFFFC00;
	(pc) =	sbr.rel @p0 .LBB2_2-.Ltmp0, $4  }
0x6b: {  	[spmem:s2] =	stream.indirect.scatter.add.f32 [tilespmem:s12], [sflag:$0x7], $0x8, s0, s13, $0xb8;
	[tilespmem:$0x4000] =	vst v63  }
0x6c: {  	_ =	swait.ge [sflag:s28], $0x400  }
0x6d: {  	[sflag:s28] =	ssyncset.done $0x0  }
0x6e: {  	s31 =	sadd.s32 $0x780, s31;
	[sflag:s28] =	ssyncadd.s32 $0xFFFFFC00  }
0x6f: {  	[spmem:s2] =	stream.indirect.scatter.add.f32 [tilespmem:s12], [sflag:$0x8], $0x8, s31, s13, $0xb8;
	[tilespmem:$0x4000] =	vst v63  }
0x70: {  	_ =	swait.ge [sflag:s20], $0x400  }
0x71: {  	[sflag:s20] =	ssyncset.done $0x0  }
0x72: {  	[sflag:s20] =	ssyncadd.s32 $0xFFFFFC00  }
0x73: {  	_ =	swait.ge [sflag:s21], $0x400  }
0x74: {  	[sflag:s21] =	ssyncset.done $0x0  }
0x75: {  	[sflag:s21] =	ssyncadd.s32 $0xFFFFFC00  }
0x76: {  	_ =	swait.ge [sflag:s22], $0x400  }
0x77: {  	[sflag:s22] =	ssyncset.done $0x0  }
0x78: {  	[sflag:s22] =	ssyncadd.s32 $0xFFFFFC00  }
0x79: {  	_ =	swait.ge [sflag:s23], $0x400  }
0x7a: {  	[sflag:s23] =	ssyncset.done $0x0  }
0x7b: {  	[sflag:s23] =	ssyncadd.s32 $0xFFFFFC00  }
0x7c: {  	_ =	swait.ge [sflag:s24], $0x400  }
0x7d: {  	[sflag:s24] =	ssyncset.done $0x0  }
0x7e: {  	[sflag:s24] =	ssyncadd.s32 $0xFFFFFC00  }
0x7f: {  	_ =	swait.ge [sflag:s25], $0x400  }
0x80: {  	[sflag:s25] =	ssyncset.done $0x0  }
0x81: {  	[sflag:s25] =	ssyncadd.s32 $0xFFFFFC00  }
0x82: {  	_ =	swait.ge [sflag:s26], $0x400  }
0x83: {  	[sflag:s26] =	ssyncset.done $0x0  }
0x84: {  	[sflag:s26] =	ssyncadd.s32 $0xFFFFFC00  }
0x85: {  	_ =	swait.ge [sflag:s28], $0x400  }
0x86: {  	s29 =	sadd.s32 $0x1, s29;
	[sflag:s28] =	ssyncset.done $0x0  }
0x87: {  	p0 =	sne.s32 s29, s9;
	[sflag:s28] =	ssyncadd.s32 $0xFFFFFC00  }
.Ltmp1:
0x88: {  	[bflag:$0x0] =	sbarrier.arrive $0xFFFF;
	(pc) =	sbr.rel @p0 .LBB2_1-.Ltmp1, $4  }
0x89: {  	[hbm:s8], [sflag:s6] =	dma.local [spmem:s10], $0x280  }
0x8a: {  	_ =	swait.ge [sflag:s11], $0x280  }
0x8b: {  	[sflag:s11] =	ssyncset.done $0x0  }
0x8c: {  	[sflag:s11] =	ssyncadd.s32 $0xFFFFFD80  }
0x8d: {  	_ =	sfence.sel $0x180000  }
0x8e: {  	[bflag:$0x0] =	sbarrier.arrive $0xFFFF  }
0x8f: {  	_ =	strace $0x90000047  }
0x90: {  	[bflag:$0x2] =	sbarrier.arrive $0xFFFF  }
0x91: {  	p0 =	sne.s32 s1, $0x0;
	s0 =	rddreg [dreg:$0x3]  }
0x92: {  	s0 =	sadd.s32 @!p0 $0x100000, s0  }
0x93: {  	[sflag:s0] =	ssyncadd.tile.s32 @!p0 $0x1;
	_ =	shalt  }
.Lfunc_end2:
_tile_overlayer_lowered:
.L_overlay_start_2:
0x94: {  	(tag) =	ssettag $0x2  }
0x95: {  	s0 =	rddreg [dreg:$0x0];
	s2 =	stileid.u32  }
0x96: {  	s1 =	rddreg [dreg:$0x1];
	p0 =	sne.s32 s2, $0x0  }
0x97: {  	s3 =	rddreg [dreg:$0x2];
	[bflag:$0x3] =	sbarrier.arrive $0xFFFF;
	s2 =	simm.s32 @!p0 $0x1C09  }
0x98: {  	[timem:s3], [sflag:s2] =	dma.local @!p0 [hbm:s0], s1  }
0x99: {  	s0 =	simm.s32 @!p0 $0x9  }
0x9a: {  	_ =	swait.ge @!p0 [sflag:s0], s1  }
0x9b: {  	s1 =	ssub.s32 @!p0 $0x0, s1;
	[sflag:s0] =	ssyncset.done @!p0 $0x0  }
0x9c: {  	[sflag:s0] =	ssyncadd.s32 @!p0 s1  }
0x9d: {  	[bflag:$0x3] =	sbarrier.arrive $0xFFFF  }
0x9e: {  	_ =	shalt  }

// kernel: kernel.14.cloned.1.call-start
scs
__scs_entry_jumppad:
0x0: {  	(pc) =	sbr.rel $0x88, $3  }
0x1: {  	(tag) =	ssettag $0x0;
	lr =	simm.s32 $0x1  }
0x2: {  	[smem:$0x3F91] =	sst lr;
	_ =	strace $0xD0000000  }
0x3: {  	_ = 	snop  }
0x4: {  	_ = 	snop  }
0x5: {  	_ = 	snop  }
0x6: {  	_ = 	snop  }
0x7: {  	_ = 	snop  }
__scs_overlays_trampoline_lowered:
0x8: {  	[smem:$0x3FA0] =	sst s0  }
0x9: {  	[smem:$0x3FA1] =	sst s1  }
0xa: {  	[smem:$0x3FA2] =	sst s2  }
0xb: {  	[smem:$0x3FA3] =	sst s3  }
0xc: {  	[smem:$0x3FA4] =	sst s4  }
0xd: {  	[smem:$0x3FA5] =	sst s5  }
0xe: {  	[smem:$0x3FA6] =	sst s6  }
0xf: {  	[smem:$0x3FA7] =	sst s7  }
0x10: {  	[smem:$0x3FA8] =	sst s8  }
0x11: {  	[smem:$0x3FA9] =	sst s9;
	s0 =	simm.s32 @!p0 $0x0  }
0x12: {  	s1 =	sld [smem:$0x3F8F];
	s0 =	simm.s32 @p0 $0x1  }
0x13: {  	[smem:$0x3FAA] =	sst s0;
	s0 =	simm.s32 @!p1 $0x0  }
0x14: {  	s2 =	sld [smem:$0x3F8E];
	s0 =	simm.s32 @p1 $0x1  }
0x15: {  	[smem:$0x3FAB] =	sst s0;
	s0 =	simm.s32 @!p2 $0x0  }
0x16: {  	s3 =	sld [smem:$0x3FDB];
	s0 =	simm.s32 @p2 $0x1  }
0x17: {  	s4 =	simm.s32 $0x1BF5;
	[smem:$0x3FAD] =	sst s0  }
0x18: {  	s0 =	sld [smem:$0x3F90];
	_ =	swait.ge [sflag:s4], $0x0  }
0x19: {  	s7 =	sld [smem:$0x3F91]  }
0x1a: {  	s8 =	sadd.s32 $0xFFFFE003, lr  }
0x1b: {  	s9 =	sadd.s32 $0xFFFFFEF7, lr;
	s5 =	simm.s32 $0xFFFFFFFF;
	p2 =	slt.u32 s8, $0xFFFFF086  }
0x1c: {  	p1 =	slt.u32 s9, $0xF7A;
	s5 =	simm.s32 @!p2 $0x0  }
0x1d: {  	s5 =	simm.s32 @p1 $0x1;
	p0 =	seq.s32 s7, s2  }
0x1e: {  	s7 =	smul.u32 @!p0 $0xF7A, s2;
	p2 =	seq.s32 @!p0 s5, $0x0  }
0x1f: {  	s9 =	smul.u32 $0xF7A, s1;
	s8 =	simm.s32 @!p0 $0x1BF5;
	p2 =	por !p2, p0  }
0x20: {  	[sflag:s8] =	ssyncset.s32 @!p0 $0xFFFFF086;
	s6 =	sadd.s32 @!p0 s3, s7;
	s7 =	simm.s32 @!p0 $0x108  }
0x21: {  	s3 =	sadd.s32 s3, s9;
	s6 =	sadd.s32 @!p0 $0x88, s6;
	s7 =	simm.s32 @p2 $0x1082  }
0x22: {  	[simem:s7], [sflag:s8] =	dma.local @!p0 [hbm:s6], $0xF7A  }
0x23: {  	s9 =	sor.u32 $0xD0000000, s2;
	s6 =	simm.s32 $0x108;
	_ =	swait.ge @!p0 [sflag:s8], $0x0  }
0x24: {  	s3 =	sadd.s32 $0x88, s3;
	s6 =	simm.s32 @!p1 $0x1082;
	[sflag:s4] =	ssyncset.s32 $0xFFFFF086  }
0x25: {  	[simem:s6], [sflag:s4] =	dma.local [hbm:s3], $0xF7A  }
0x26: {  	[smem:$0x3F91] =	sst s1;
	(tag) =	ssettag s2;
	_ =	strace s9  }
0x27: {  	s1 =	sld [smem:$0x3FA1]  }
0x28: {  	s2 =	sld [smem:$0x3FA2]  }
0x29: {  	s4 =	sld [smem:$0x3FA4]  }
0x2a: {  	p0 =	seq.s32 s5, $0x0;
	s5 =	sld [smem:$0x3FA5]  }
0x2b: {  	s6 =	sld [smem:$0x3FA6]  }
0x2c: {  	s7 =	sld [smem:$0x3FA7]  }
0x2d: {  	s3 =	simm.s32 $0x108;
	s8 =	sld [smem:$0x3FA8]  }
0x2e: {  	s3 =	simm.s32 @!p0 $0x1082;
	s9 =	sld [smem:$0x3FA9]  }
0x2f: {  	lr =	sadd.s32 s0, s3;
	s0 =	sld [smem:$0x3FA0]  }
0x30: {  	s3 =	sld [smem:$0x3FA3]  }
0x31: {  	[smem:$0x3FAC] =	sst s10  }
0x32: {  	s10 =	sld [smem:$0x3FAA];
	_ =	sdelay $0x3  }
0x33: {  	p0 =	seq.s32 s10, $0x1;
	s10 =	sld [smem:$0x3FAC];
	_ =	sdelay $0x3  }
0x34: {  	[smem:$0x3FAC] =	sst s10  }
0x35: {  	s10 =	sld [smem:$0x3FAB];
	_ =	sdelay $0x3  }
0x36: {  	p1 =	seq.s32 s10, $0x1;
	s10 =	sld [smem:$0x3FAC];
	_ =	sdelay $0x3  }
0x37: {  	[smem:$0x3FAC] =	sst s10  }
0x38: {  	s10 =	sld [smem:$0x3FAD]  }
0x39: {  	_ = 	snop;
	(pc) =	sbr.ind lr, $3  }
0x3a: {  	_ = 	snop  }
0x3b: {  	_ = 	snop  }
0x3c: {  	p2 =	seq.s32 s10, $0x1;
	s10 =	sld [smem:$0x3FAC]  }
0x3d: {  	_ =	shalt  }
0x3e: {  	_ =	shalt  }
0x3f: {  	_ =	shalt  }
0x40: {  	_ =	shalt  }
0x41: {  	_ =	shalt  }
0x42: {  	_ =	shalt  }
0x43: {  	_ =	shalt  }
0x44: {  	_ =	shalt  }
0x45: {  	_ =	shalt  }
0x46: {  	_ =	shalt  }
0x47: {  	_ =	shalt  }
0x48: {  	_ =	shalt  }
0x49: {  	_ =	shalt  }
0x4a: {  	_ =	shalt  }
0x4b: {  	_ =	shalt  }
0x4c: {  	_ =	shalt  }
0x4d: {  	_ =	shalt  }
0x4e: {  	_ =	shalt  }
0x4f: {  	_ =	shalt  }
0x50: {  	_ =	shalt  }
0x51: {  	_ =	shalt  }
0x52: {  	_ =	shalt  }
0x53: {  	_ =	shalt  }
0x54: {  	_ =	shalt  }
0x55: {  	_ =	shalt  }
0x56: {  	_ =	shalt  }
0x57: {  	_ =	shalt  }
0x58: {  	_ =	shalt  }
0x59: {  	_ =	shalt  }
0x5a: {  	_ =	shalt  }
0x5b: {  	_ =	shalt  }
0x5c: {  	_ =	shalt  }
0x5d: {  	_ =	shalt  }
0x5e: {  	_ =	shalt  }
0x5f: {  	_ =	shalt  }
0x60: {  	_ =	shalt  }
0x61: {  	_ =	shalt  }
0x62: {  	_ =	shalt  }
0x63: {  	_ =	shalt  }
0x64: {  	_ =	shalt  }
0x65: {  	_ =	shalt  }
0x66: {  	_ =	shalt  }
0x67: {  	_ =	shalt  }
0x68: {  	_ =	shalt  }
0x69: {  	_ =	shalt  }
0x6a: {  	_ =	shalt  }
0x6b: {  	_ =	shalt  }
0x6c: {  	_ =	shalt  }
0x6d: {  	_ =	shalt  }
0x6e: {  	_ =	shalt  }
0x6f: {  	_ =	shalt  }
0x70: {  	_ =	shalt  }
0x71: {  	_ =	shalt  }
0x72: {  	_ =	shalt  }
0x73: {  	_ =	shalt  }
0x74: {  	_ =	shalt  }
0x75: {  	_ =	shalt  }
0x76: {  	_ =	shalt  }
0x77: {  	_ =	shalt  }
0x78: {  	_ =	shalt  }
0x79: {  	_ =	shalt  }
0x7a: {  	_ =	shalt  }
0x7b: {  	_ =	shalt  }
0x7c: {  	_ =	shalt  }
0x7d: {  	_ =	shalt  }
0x7e: {  	_ =	shalt  }
0x7f: {  	_ =	shalt  }
0x80: {  	_ =	shalt  }
0x81: {  	_ =	shalt  }
0x82: {  	_ =	shalt  }
0x83: {  	_ =	shalt  }
0x84: {  	_ =	shalt  }
0x85: {  	_ =	shalt  }
0x86: {  	_ =	shalt  }
0x87: {  	_ =	shalt  }
.Lfunc_end0:
.L_simem_size_0:
called_computation.1_lowered:
.L_overlay_start_0:
0x88: {  	s2 =	sld [smem:$0x3FD9]  }
0x89: {  	s3 =	sld [smem:$0x3FFE];
	_ =	sdelay $0x1  }
0x8a: {  	s1 =	srdreg.scid  }
0x8b: {  	s0 =	sand.u32 $0x1, s1  }
0x8c: {  	s16 =	sshll.u32 s0, $0xA;
	s2 =	sadd.s32 s3, s2  }
0x8d: {  	s2 =	sadd.s32 s2, s16  }
0x8e: {  	[smem:$0x3FB8] =	sst s2  }
0x8f: {  	_ = 	snop  }
0x90: {  	(tm) =	ssettm $0x1  }
0x91: {  	s17 =	sld [smem:$0x3FFB];
	_ =	sdelay $0x3  }
0x92: {  	_ =	strace s17  }
0x93: {  	s2 =	sld [smem:$0x3FFC];
	_ =	sdelay $0x3  }
0x94: {  	_ =	strace s2  }
0x95: {  	s2 =	sld [smem:$0x3FFD];
	_ =	sdelay $0x3  }
0x96: {  	_ =	strace s2  }
0x97: {  	_ =	strace $0x8FFFFFFF  }
0x98: {  	s18 =	sld [smem:$0x3FDB];
	_ =	sdelay $0x1  }
0x99: {  	s19 =	simm.s32 $_scs_section_size  }
0x9a: {  	s4 =	simm.s32 $_size__tile_overlayer_lowered;
	s5 =	simm.s32 $_tile_overlayer_lowered  }
0x9b: {  	s22 =	simm.s32 $0x1BFF;
	s21 =	sshll.u32 s5, $0x1;
	s2 =	sadd.s32 s19, s18  }
0x9c: {  	s6 =	simm.s32 $0x0;
	s20 =	sshll.u32 s4, $0x1;
	s4 =	sadd.s32 s21, s2  }
0x9d: {  	[timem:s6], [sflag:s22] =	dma.local [hbm:s4], s20  }
0x9e: {  	_ =	swait.ge [sflag:s22], s20  }
0x9f: {  	s3 =	ssub.s32 $0x0, s20;
	[sflag:s22] =	ssyncset.done $0x0  }
0xa0: {  	[sflag:s22] =	ssyncadd.s32 s3;
	_ =	sdelay $0x1  }
0xa1: {  	s23 =	simm.s32 $0x1B8B  }
0xa2: {  	_ =	swait.ge [sflag:s23], $0x1  }
0xa3: {  	[sflag:s23] =	ssyncset.done $0x0  }
0xa4: {  	s25 =	simm.s32 $0x1B8E;
	s24 =	sld [smem:$0x3FFE];
	[sflag:s23] =	ssyncadd.s32 $0xFFFFFFFF  }
0xa5: {  	s26 =	simm.s32 $execute0_lowered;
	[smem:$0x3FD2] =	sst s25  }
0xa6: {  	s4 =	sshll.u32 s26, $0x1;
	_ =	strace $0x80000049;
	[dreg:$0x1] =	wrdreg $0xFFFFFFFF  }
0xa7: {  	s28 =	simm.s32 $_size_execute0_lowered;
	s2 =	sadd.s32 s2, s4;
	[dreg:$0x0] =	wrdreg $0x0  }
0xa8: {  	s4 =	sshll.u32 s28, $0x1;
	[dreg:$0x2] =	wrdreg s2  }
0xa9: {  	[dreg:$0x3] =	wrdreg s4  }
0xaa: {  	[dreg:$0x4] =	wrdreg $0xC0  }
0xab: {  	_ =	task [dreg:s6], $0x5FFFF  }
0xac: {  	[dreg:$0x1] =	wrdreg $0xFFFFFFFF  }
0xad: {  	[dreg:$0x0] =	wrdreg $0x60  }
0xae: {  	[dreg:$0x2] =	wrdreg s24  }
0xaf: {  	[dreg:$0x3] =	wrdreg $0xA0000  }
0xb0: {  	[dreg:$0x4] =	wrdreg $0x50000  }
0xb1: {  	[dreg:$0x5] =	wrdreg $0x9  }
0xb2: {  	_ =	task.clear_ibuf [dreg:s6], $0x6FFFF;
	_ =	strace $0x90000049  }
0xb3: {  	s29 =	simm.s32 $0x9;
	_ =	strace $0x8000004B  }
0xb4: {  	_ =	swait.ge [sflag:s29], $0x1  }
0xb5: {  	[sflag:s29] =	ssyncadd.s32 $0xFFFFFFFF  }
0xb6: {  	_ =	strace $0x9000004B  }
0xb7: {  	_ =	sfence  }
0xb8: {  	s30 =	sld [smem:$0x0];
	_ =	sdelay $0x2  }
0xb9: {  	s31 =	sshll.u32 s1, $0xD;
	s1 =	sshrl.u32 s1, $0x2  }
0xba: {  	s3 =	sand.u32 $0x4000, s31;
	s1 =	sadd.s32 s1, s30  }
0xbb: {  	s0 =	sor.u32 s3, s0;
	s1 =	sshll.u32 s1, $0x11  }
0xbc: {  	s0 =	sor.u32 s1, s0  }
0xbd: {  	s0 =	sadd.s32 $0x8F2B, s0  }
0xbe: {  	[sflag:s0] =	ssyncadd.remote.s32 $0x1  }
0xbf: {  	_ =	sfence.sel $0xFFFF  }
0xc0: {  	[dreg:$0x0] =	wrdreg $0xFFFFFFFF;
	(pc) =	sbr.abs _section_cstart, $3  }
0xc1: {  	[dreg:$0x1] =	wrdreg $0xFFFFFFFF  }
0xc2: {  	_ =	task.clear_ibuf [dreg:s6], $0x2FFFF;
	_ =	strace $0x9FFFFFFF  }
0xc3: {  	(tm) =	ssettm $0x7FFFFFFF  }
tec
execute0_lowered:
.L_overlay_start_1:
0x0: {  	(tag) =	ssettag $0x1  }
0x1: {  	s0 =	srdreg.scid;
	s4 =	rddreg [dreg:$0x0]  }
0x2: {  	s8 =	stileid.u32;
	s2 =	rddreg [dreg:$0x1]  }
0x3: {  	s3 =	rddreg [dreg:$0x2];
	s7 =	simm.s32 $0x0;
	s16 =	simm.s32 $0x80  }
0x4: {  	s17 =	simm.s32 $0xF000;
	s18 =	simm.s32 $0x10000;
	s20 =	simm.s32 $0x11000  }
0x5: {  	s29 =	simm.s32 $0x15000;
	s31 =	simm.s32 $0x16000;
	s30 =	simm.s32 $0x5  }
0x6: {  	s19 =	simm.s32 $0x7;
	s28 =	simm.s32 $0x8;
	s15 =	simm.s32 $0xD  }
0x7: {  	s10 =	simm.s32 $0xE;
	s11 =	simm.s32 $0xF;
	s12 =	simm.s32 $0x10  }
0x8: {  	s13 =	simm.s32 $0x0;
	s0 =	sand.u32 $0x1, s0;
	s5 =	smul.u32 $0x5000, s8  }
0x9: {  	[smem:$0x7FF] =	sst s7;
	s1 =	sshll.u32 s0, $0x4;
	s6 =	smul.u32 $0x50000, s0  }
0xa: {  	_ =	strace $0x8000004A;
	s0 =	ssub.s32 $0x2, s0;
	s1 =	sor.u32 s8, s1  }
0xb: {  	s21 =	sshrl.u32 s5, $0x3;
	s22 =	sshrl.u32 s0, $0x1;
	s23 =	sadd.s32 s5, s2  }
0xc: {  	s8 =	sshll.u32 s8, $0x6;
	s1 =	smul.u32 $0x500, s1;
	s6 =	sadd.s32 s5, s6  }
0xd: {  	s7 =	sadd.s32 s21, s4;
	s0 =	ssub.s32 s0, s22;
	s8 =	sor.u32 $0x1C11, s8  }
0xe: {  	s5 =	sadd.s32 s5, s3;
	s26 =	sshrl.u32 s23, $0x3;
	s22 =	simm.s32 $0x12000  }
0xf: {  	s21 =	simm.s32 $0x3;
	s23 =	simm.s32 $0x6;
	[dreg:$0x5] =	wrdreg s8  }
0x10: {  	s6 =	sshrl.u32 s6, $0x3;
	s9 =	sadd.s32 $0x1C600, s7;
	[dreg:$0xb] =	wrdreg s26  }
0x11: {  	s7 =	sadd.s32 $0x26600, s7;
	s0 =	smax.u32 s0, $0x1;
	[dreg:$0x4] =	wrdreg s9  }
0x12: {  	s14 =	sshrl.u32 s5, $0x3;
	s26 =	simm.s32 $0x14000;
	[dreg:$0x6] =	wrdreg s7  }
0x13: {  	s5 =	simm.s32 $0x9;
	s1 =	sadd.s32 s1, s4;
	[dreg:$0xa] =	wrdreg s0  }
0x14: {  	s8 =	simm.s32 $0xB;
	[dreg:$0xc] =	wrdreg s14;
	s24 =	sadd.s32 $0x12600, s1  }
0x15: {  	s4 =	sadd.s32 s6, s4;
	s1 =	sadd.s32 $0x3400, s1;
	[dreg:$0x7] =	wrdreg s24  }
0x16: {  	s0 =	simm.s32 $0x2;
	s25 =	sadd.s32 $0x30600, s4;
	[dreg:$0x8] =	wrdreg s1  }
0x17: {  	s7 =	simm.s32 $0xA;
	s9 =	simm.s32 $0xC;
	[dreg:$0x9] =	wrdreg s25  }
0x18: {  	s24 =	simm.s32 $0x13000;
	s1 =	simm.s32 $0x1;
	s25 =	simm.s32 $0x4  }
.LBB2_1:
0x19: {  	[dreg:$0xd] =	wrdreg s13  }
0x1a: {  	s6 =	rddreg [dreg:$0x4]  }
0x1b: {  	s14 =	rddreg [dreg:$0xb]  }
0x1c: {  	s4 =	simm.s32 $0x11;
	s13 =	rddreg [dreg:$0x5]  }
0x1d: {  	[spmem:s14], [sflag:s13] =	dma.local [hbm:s6], $0xA00  }
0x1e: {  	_ =	swait.ge [sflag:s4], $0xA00  }
0x1f: {  	[sflag:s4] =	ssyncset.done $0x0;
	s6 =	rddreg [dreg:$0x6]  }
0x20: {  	s14 =	rddreg [dreg:$0xc];
	[sflag:s4] =	ssyncadd.s32 $0xFFFFF600  }
0x21: {  	[spmem:s14], [sflag:s13] =	dma.local [hbm:s6], $0xA00  }
0x22: {  	_ =	swait.ge [sflag:s4], $0xA00  }
0x23: {  	[sflag:s4] =	ssyncset.done $0x0  }
0x24: {  	s6 =	simm.s32 $0x0;
	s14 =	rddreg [dreg:$0x7];
	[sflag:s4] =	ssyncadd.s32 $0xFFFFF600  }
0x25: {  	[tilespmem:s6], [sflag:$0x11] =	stream.linear.gather [hbm4b:s14+s6], $0x2800, $0x38;
	[tilespmem:$0x17000] =	vst v63  }
0x26: {  	_ =	swait.ge [sflag:s4], $0x2800  }
0x27: {  	[sflag:s4] =	ssyncset.done $0x0  }
0x28: {  	s14 =	simm.s32 $0x2800;
	s13 =	rddreg [dreg:$0x8];
	[sflag:s4] =	ssyncadd.s32 $0xFFFFD800  }
0x29: {  	[tilespmem:s14], [sflag:$0x11] =	stream.linear.gather [hbm4b:s13+s6], $0x2800, $0x38;
	[tilespmem:$0x17000] =	vst v63  }
0x2a: {  	_ =	swait.ge [sflag:s4], $0x2800  }
0x2b: {  	[sflag:s4] =	ssyncset.done $0x0  }
0x2c: {  	[sflag:s4] =	ssyncadd.s32 $0xFFFFD800  }
0x2d: {  	[bflag:$0x0] =	sbarrier.arrive $0xFFFF  }
0x2e: {  	[tilespmem:s17], [sflag:$0x1] =	stream.indirect.gather [spmem:s2], $0x20, s6, s16, $0xb8;
	[tilespmem:$0x17000] =	vst v63  }
0x2f: {  	_ = 	snop  }
0x30: {  	[tilespmem:s18], [sflag:$0x2] =	stream.indirect.gather [spmem:s2], $0x20, s16, s16, $0xb8;
	[tilespmem:$0x17000] =	vst v63  }
0x31: {  	s6 =	simm.s32 $0x100  }
0x32: {  	[tilespmem:s20], [sflag:$0x3] =	stream.indirect.gather [spmem:s2], $0x20, s6, s16, $0xb8;
	[tilespmem:$0x17000] =	vst v63  }
0x33: {  	s13 =	simm.s32 $0x180  }
0x34: {  	[tilespmem:s22], [sflag:$0x4] =	stream.indirect.gather [spmem:s2], $0x20, s13, s16, $0xb8;
	[tilespmem:$0x17000] =	vst v63  }
0x35: {  	s6 =	simm.s32 $0x200  }
0x36: {  	[tilespmem:s24], [sflag:$0x5] =	stream.indirect.gather [spmem:s2], $0x20, s6, s16, $0xb8;
	[tilespmem:$0x17000] =	vst v63  }
0x37: {  	s13 =	simm.s32 $0x280  }
0x38: {  	[tilespmem:s26], [sflag:$0x6] =	stream.indirect.gather [spmem:s2], $0x20, s13, s16, $0xb8;
	[tilespmem:$0x17000] =	vst v63  }
0x39: {  	s6 =	simm.s32 $0x300  }
0x3a: {  	[tilespmem:s29], [sflag:$0x7] =	stream.indirect.gather [spmem:s2], $0x20, s6, s16, $0xb8;
	[tilespmem:$0x17000] =	vst v63  }
0x3b: {  	s13 =	simm.s32 $0x380  }
0x3c: {  	[tilespmem:s31], [sflag:$0x8] =	stream.indirect.gather [spmem:s2], $0x20, s13, s16, $0xb8;
	[tilespmem:$0x17000] =	vst v63  }
0x3d: {  	_ =	swait.ge [sflag:s1], $0x1000  }
0x3e: {  	[sflag:s1] =	ssyncset.done $0x0  }
0x3f: {  	[sflag:s1] =	ssyncadd.s32 $0xFFFFF000  }
0x40: {  	[spmem:s3] =	stream.indirect.scatter.add.f32 [tilespmem:s17], [sflag:$0x9], $0x20, s14, s16, $0xb8;
	[tilespmem:$0x17000] =	vst v63  }
0x41: {  	_ =	swait.ge [sflag:s0], $0x1000  }
0x42: {  	[sflag:s0] =	ssyncset.done $0x0  }
0x43: {  	s14 =	simm.s32 $0x2880;
	[sflag:s0] =	ssyncadd.s32 $0xFFFFF000  }
0x44: {  	[spmem:s3] =	stream.indirect.scatter.add.f32 [tilespmem:s18], [sflag:$0xA], $0x20, s14, s16, $0xb8;
	[tilespmem:$0x17000] =	vst v63  }
0x45: {  	_ =	swait.ge [sflag:s21], $0x1000  }
0x46: {  	[sflag:s21] =	ssyncset.done $0x0  }
0x47: {  	s6 =	simm.s32 $0x2900;
	[sflag:s21] =	ssyncadd.s32 $0xFFFFF000  }
0x48: {  	[spmem:s3] =	stream.indirect.scatter.add.f32 [tilespmem:s20], [sflag:$0xB], $0x20, s6, s16, $0xb8;
	[tilespmem:$0x17000] =	vst v63  }
0x49: {  	_ =	swait.ge [sflag:s25], $0x1000  }
0x4a: {  	[sflag:s25] =	ssyncset.done $0x0  }
0x4b: {  	s13 =	simm.s32 $0x2980;
	[sflag:s25] =	ssyncadd.s32 $0xFFFFF000  }
0x4c: {  	[spmem:s3] =	stream.indirect.scatter.add.f32 [tilespmem:s22], [sflag:$0xC], $0x20, s13, s16, $0xb8;
	[tilespmem:$0x17000] =	vst v63  }
0x4d: {  	_ =	swait.ge [sflag:s30], $0x1000  }
0x4e: {  	[sflag:s30] =	ssyncset.done $0x0  }
0x4f: {  	s14 =	simm.s32 $0x2A00;
	[sflag:s30] =	ssyncadd.s32 $0xFFFFF000  }
0x50: {  	[spmem:s3] =	stream.indirect.scatter.add.f32 [tilespmem:s24], [sflag:$0xD], $0x20, s14, s16, $0xb8;
	[tilespmem:$0x17000] =	vst v63  }
0x51: {  	_ =	swait.ge [sflag:s23], $0x1000  }
0x52: {  	[sflag:s23] =	ssyncset.done $0x0  }
0x53: {  	s6 =	simm.s32 $0x2A80;
	[sflag:s23] =	ssyncadd.s32 $0xFFFFF000  }
0x54: {  	[spmem:s3] =	stream.indirect.scatter.add.f32 [tilespmem:s26], [sflag:$0xE], $0x20, s6, s16, $0xb8;
	[tilespmem:$0x17000] =	vst v63  }
0x55: {  	_ =	swait.ge [sflag:s19], $0x1000  }
0x56: {  	[sflag:s19] =	ssyncset.done $0x0  }
0x57: {  	s13 =	simm.s32 $0x2B00;
	[sflag:s19] =	ssyncadd.s32 $0xFFFFF000  }
0x58: {  	[spmem:s3] =	stream.indirect.scatter.add.f32 [tilespmem:s29], [sflag:$0xF], $0x20, s13, s16, $0xb8;
	[tilespmem:$0x17000] =	vst v63  }
0x59: {  	_ =	swait.ge [sflag:s28], $0x1000  }
0x5a: {  	[sflag:s28] =	ssyncset.done $0x0  }
0x5b: {  	s14 =	simm.s32 $0x2B80;
	[sflag:s28] =	ssyncadd.s32 $0xFFFFF000  }
0x5c: {  	[spmem:s3] =	stream.indirect.scatter.add.f32 [tilespmem:s31], [sflag:$0x10], $0x20, s14, s16, $0xb8;
	[tilespmem:$0x17000] =	vst v63  }
0x5d: {  	_ =	swait.ge [sflag:s5], $0x1000  }
0x5e: {  	[sflag:s5] =	ssyncset.done $0x0  }
0x5f: {  	s4 =	simm.s32 $0x400;
	[sflag:s5] =	ssyncadd.s32 $0xFFFFF000  }
0x60: {  	[tilespmem:s17], [sflag:$0x1] =	stream.indirect.gather [spmem:s2], $0x20, s4, s16, $0xb8;
	[tilespmem:$0x17000] =	vst v63  }
0x61: {  	_ =	swait.ge [sflag:s7], $0x1000  }
0x62: {  	[sflag:s7] =	ssyncset.done $0x0  }
0x63: {  	s13 =	simm.s32 $0x480;
	[sflag:s7] =	ssyncadd.s32 $0xFFFFF000  }
0x64: {  	[tilespmem:s18], [sflag:$0x2] =	stream.indirect.gather [spmem:s2], $0x20, s13, s16, $0xb8;
	[tilespmem:$0x17000] =	vst v63  }
0x65: {  	_ =	swait.ge [sflag:s8], $0x1000  }
0x66: {  	[sflag:s8] =	ssyncset.done $0x0  }
0x67: {  	s14 =	simm.s32 $0x500;
	[sflag:s8] =	ssyncadd.s32 $0xFFFFF000  }
0x68: {  	[tilespmem:s20], [sflag:$0x3] =	stream.indirect.gather [spmem:s2], $0x20, s14, s16, $0xb8;
	[tilespmem:$0x17000] =	vst v63  }
0x69: {  	_ =	swait.ge [sflag:s9], $0x1000  }
0x6a: {  	[sflag:s9] =	ssyncset.done $0x0  }
0x6b: {  	s4 =	simm.s32 $0x580;
	[sflag:s9] =	ssyncadd.s32 $0xFFFFF000  }
0x6c: {  	[tilespmem:s22], [sflag:$0x4] =	stream.indirect.gather [spmem:s2], $0x20, s4, s16, $0xb8;
	[tilespmem:$0x17000] =	vst v63  }
0x6d: {  	_ =	swait.ge [sflag:s15], $0x1000  }
0x6e: {  	[sflag:s15] =	ssyncset.done $0x0  }
0x6f: {  	s13 =	simm.s32 $0x600;
	[sflag:s15] =	ssyncadd.s32 $0xFFFFF000  }
0x70: {  	[tilespmem:s24], [sflag:$0x5] =	stream.indirect.gather [spmem:s2], $0x20, s13, s16, $0xb8;
	[tilespmem:$0x17000] =	vst v63  }
0x71: {  	_ =	swait.ge [sflag:s10], $0x1000  }
0x72: {  	[sflag:s10] =	ssyncset.done $0x0  }
0x73: {  	s14 =	simm.s32 $0x680;
	[sflag:s10] =	ssyncadd.s32 $0xFFFFF000  }
0x74: {  	[tilespmem:s26], [sflag:$0x6] =	stream.indirect.gather [spmem:s2], $0x20, s14, s16, $0xb8;
	[tilespmem:$0x17000] =	vst v63  }
0x75: {  	_ =	swait.ge [sflag:s11], $0x1000  }
0x76: {  	[sflag:s11] =	ssyncset.done $0x0  }
0x77: {  	s4 =	simm.s32 $0x700;
	[sflag:s11] =	ssyncadd.s32 $0xFFFFF000  }
0x78: {  	[tilespmem:s29], [sflag:$0x7] =	stream.indirect.gather [spmem:s2], $0x20, s4, s16, $0xb8;
	[tilespmem:$0x17000] =	vst v63  }
0x79: {  	_ =	swait.ge [sflag:s12], $0x1000  }
0x7a: {  	[sflag:s12] =	ssyncset.done $0x0  }
0x7b: {  	s13 =	simm.s32 $0x780;
	[sflag:s12] =	ssyncadd.s32 $0xFFFFF000  }
0x7c: {  	[tilespmem:s31], [sflag:$0x8] =	stream.indirect.gather [spmem:s2], $0x20, s13, s16, $0xb8;
	[tilespmem:$0x17000] =	vst v63  }
0x7d: {  	_ =	swait.ge [sflag:s1], $0x1000  }
0x7e: {  	[sflag:s1] =	ssyncset.done $0x0  }
0x7f: {  	s14 =	simm.s32 $0x2C00;
	[sflag:s1] =	ssyncadd.s32 $0xFFFFF000  }
0x80: {  	[spmem:s3] =	stream.indirect.scatter.add.f32 [tilespmem:s17], [sflag:$0x9], $0x20, s14, s16, $0xb8;
	[tilespmem:$0x17000] =	vst v63  }
0x81: {  	_ =	swait.ge [sflag:s0], $0x1000  }
0x82: {  	[sflag:s0] =	ssyncset.done $0x0  }
0x83: {  	s4 =	simm.s32 $0x2C80;
	[sflag:s0] =	ssyncadd.s32 $0xFFFFF000  }
0x84: {  	[spmem:s3] =	stream.indirect.scatter.add.f32 [tilespmem:s18], [sflag:$0xA], $0x20, s4, s16, $0xb8;
	[tilespmem:$0x17000] =	vst v63  }
0x85: {  	_ =	swait.ge [sflag:s21], $0x1000  }
0x86: {  	[sflag:s21] =	ssyncset.done $0x0  }
0x87: {  	s13 =	simm.s32 $0x2D00;
	[sflag:s21] =	ssyncadd.s32 $0xFFFFF000  }
0x88: {  	[spmem:s3] =	stream.indirect.scatter.add.f32 [tilespmem:s20], [sflag:$0xB], $0x20, s13, s16, $0xb8;
	[tilespmem:$0x17000] =	vst v63  }
0x89: {  	_ =	swait.ge [sflag:s25], $0x1000  }
0x8a: {  	[sflag:s25] =	ssyncset.done $0x0  }
0x8b: {  	s14 =	simm.s32 $0x2D80;
	[sflag:s25] =	ssyncadd.s32 $0xFFFFF000  }
0x8c: {  	[spmem:s3] =	stream.indirect.scatter.add.f32 [tilespmem:s22], [sflag:$0xC], $0x20, s14, s16, $0xb8;
	[tilespmem:$0x17000] =	vst v63  }
0x8d: {  	_ =	swait.ge [sflag:s30], $0x1000  }
0x8e: {  	[sflag:s30] =	ssyncset.done $0x0  }
0x8f: {  	s4 =	simm.s32 $0x2E00;
	[sflag:s30] =	ssyncadd.s32 $0xFFFFF000  }
0x90: {  	[spmem:s3] =	stream.indirect.scatter.add.f32 [tilespmem:s24], [sflag:$0xD], $0x20, s4, s16, $0xb8;
	[tilespmem:$0x17000] =	vst v63  }
0x91: {  	_ =	swait.ge [sflag:s23], $0x1000  }
0x92: {  	[sflag:s23] =	ssyncset.done $0x0  }
0x93: {  	s13 =	simm.s32 $0x2E80;
	[sflag:s23] =	ssyncadd.s32 $0xFFFFF000  }
0x94: {  	[spmem:s3] =	stream.indirect.scatter.add.f32 [tilespmem:s26], [sflag:$0xE], $0x20, s13, s16, $0xb8;
	[tilespmem:$0x17000] =	vst v63  }
0x95: {  	_ =	swait.ge [sflag:s19], $0x1000  }
0x96: {  	[sflag:s19] =	ssyncset.done $0x0  }
0x97: {  	s14 =	simm.s32 $0x2F00;
	[sflag:s19] =	ssyncadd.s32 $0xFFFFF000  }
0x98: {  	[spmem:s3] =	stream.indirect.scatter.add.f32 [tilespmem:s29], [sflag:$0xF], $0x20, s14, s16, $0xb8;
	[tilespmem:$0x17000] =	vst v63  }
0x99: {  	_ =	swait.ge [sflag:s28], $0x1000  }
0x9a: {  	[sflag:s28] =	ssyncset.done $0x0  }
0x9b: {  	s6 =	simm.s32 $0x2F80;
	s14 =	simm.s32 $0x1000;
	[sflag:s28] =	ssyncadd.s32 $0xFFFFF000  }
.LBB2_2:
0x9c: {  	[spmem:s3] =	stream.indirect.scatter.add.f32 [tilespmem:s31], [sflag:$0x10], $0x20, s6, s16, $0xb8;
	[tilespmem:$0x17000] =	vst v63  }
0x9d: {  	s6 =	smov.u32 s14  }
0x9e: {  	p0 =	sne.s32 s14, $0x8000;
	s14 =	sadd.s32 $0x1000, s14;
	_ =	swait.ge [sflag:s5], $0x1000  }
0x9f: {  	s6 =	sshra.s32 s6, $0x2;
	[sflag:s5] =	ssyncset.done $0x0  }
0xa0: {  	s13 =	sadd.s32 $0x400, s6;
	[sflag:s5] =	ssyncadd.s32 $0xFFFFF000  }
0xa1: {  	[tilespmem:s17], [sflag:$0x1] =	stream.indirect.gather [spmem:s2], $0x20, s13, s16, $0xb8;
	[tilespmem:$0x17000] =	vst v63  }
0xa2: {  	_ =	swait.ge [sflag:s7], $0x1000  }
0xa3: {  	[sflag:s7] =	ssyncset.done $0x0  }
0xa4: {  	s13 =	sadd.s32 $0x480, s6;
	[sflag:s7] =	ssyncadd.s32 $0xFFFFF000  }
0xa5: {  	[tilespmem:s18], [sflag:$0x2] =	stream.indirect.gather [spmem:s2], $0x20, s13, s16, $0xb8;
	[tilespmem:$0x17000] =	vst v63  }
0xa6: {  	_ =	swait.ge [sflag:s8], $0x1000  }
0xa7: {  	[sflag:s8] =	ssyncset.done $0x0  }
0xa8: {  	s13 =	sadd.s32 $0x500, s6;
	[sflag:s8] =	ssyncadd.s32 $0xFFFFF000  }
0xa9: {  	[tilespmem:s20], [sflag:$0x3] =	stream.indirect.gather [spmem:s2], $0x20, s13, s16, $0xb8;
	[tilespmem:$0x17000] =	vst v63  }
0xaa: {  	_ =	swait.ge [sflag:s9], $0x1000  }
0xab: {  	[sflag:s9] =	ssyncset.done $0x0  }
0xac: {  	s13 =	sadd.s32 $0x580, s6;
	[sflag:s9] =	ssyncadd.s32 $0xFFFFF000  }
0xad: {  	[tilespmem:s22], [sflag:$0x4] =	stream.indirect.gather [spmem:s2], $0x20, s13, s16, $0xb8;
	[tilespmem:$0x17000] =	vst v63  }
0xae: {  	_ =	swait.ge [sflag:s15], $0x1000  }
0xaf: {  	[sflag:s15] =	ssyncset.done $0x0  }
0xb0: {  	s13 =	sadd.s32 $0x600, s6;
	[sflag:s15] =	ssyncadd.s32 $0xFFFFF000  }
0xb1: {  	[tilespmem:s24], [sflag:$0x5] =	stream.indirect.gather [spmem:s2], $0x20, s13, s16, $0xb8;
	[tilespmem:$0x17000] =	vst v63  }
0xb2: {  	_ =	swait.ge [sflag:s10], $0x1000  }
0xb3: {  	[sflag:s10] =	ssyncset.done $0x0  }
0xb4: {  	s13 =	sadd.s32 $0x680, s6;
	[sflag:s10] =	ssyncadd.s32 $0xFFFFF000  }
0xb5: {  	[tilespmem:s26], [sflag:$0x6] =	stream.indirect.gather [spmem:s2], $0x20, s13, s16, $0xb8;
	[tilespmem:$0x17000] =	vst v63  }
0xb6: {  	_ =	swait.ge [sflag:s11], $0x1000  }
0xb7: {  	[sflag:s11] =	ssyncset.done $0x0  }
0xb8: {  	s13 =	sadd.s32 $0x700, s6;
	[sflag:s11] =	ssyncadd.s32 $0xFFFFF000  }
0xb9: {  	[tilespmem:s29], [sflag:$0x7] =	stream.indirect.gather [spmem:s2], $0x20, s13, s16, $0xb8;
	[tilespmem:$0x17000] =	vst v63  }
0xba: {  	_ =	swait.ge [sflag:s12], $0x1000  }
0xbb: {  	[sflag:s12] =	ssyncset.done $0x0  }
0xbc: {  	s13 =	sadd.s32 $0x780, s6;
	[sflag:s12] =	ssyncadd.s32 $0xFFFFF000  }
0xbd: {  	[tilespmem:s31], [sflag:$0x8] =	stream.indirect.gather [spmem:s2], $0x20, s13, s16, $0xb8;
	[tilespmem:$0x17000] =	vst v63  }
0xbe: {  	_ =	swait.ge [sflag:s1], $0x1000  }
0xbf: {  	[sflag:s1] =	ssyncset.done $0x0  }
0xc0: {  	s13 =	sadd.s32 $0x2C00, s6;
	[sflag:s1] =	ssyncadd.s32 $0xFFFFF000  }
0xc1: {  	[spmem:s3] =	stream.indirect.scatter.add.f32 [tilespmem:s17], [sflag:$0x9], $0x20, s13, s16, $0xb8;
	[tilespmem:$0x17000] =	vst v63  }
0xc2: {  	_ =	swait.ge [sflag:s0], $0x1000  }
0xc3: {  	[sflag:s0] =	ssyncset.done $0x0  }
0xc4: {  	s13 =	sadd.s32 $0x2C80, s6;
	[sflag:s0] =	ssyncadd.s32 $0xFFFFF000  }
0xc5: {  	[spmem:s3] =	stream.indirect.scatter.add.f32 [tilespmem:s18], [sflag:$0xA], $0x20, s13, s16, $0xb8;
	[tilespmem:$0x17000] =	vst v63  }
0xc6: {  	_ =	swait.ge [sflag:s21], $0x1000  }
0xc7: {  	[sflag:s21] =	ssyncset.done $0x0  }
0xc8: {  	s13 =	sadd.s32 $0x2D00, s6;
	[sflag:s21] =	ssyncadd.s32 $0xFFFFF000  }
0xc9: {  	[spmem:s3] =	stream.indirect.scatter.add.f32 [tilespmem:s20], [sflag:$0xB], $0x20, s13, s16, $0xb8;
	[tilespmem:$0x17000] =	vst v63  }
0xca: {  	_ =	swait.ge [sflag:s25], $0x1000  }
0xcb: {  	[sflag:s25] =	ssyncset.done $0x0  }
0xcc: {  	s13 =	sadd.s32 $0x2D80, s6;
	[sflag:s25] =	ssyncadd.s32 $0xFFFFF000  }
0xcd: {  	[spmem:s3] =	stream.indirect.scatter.add.f32 [tilespmem:s22], [sflag:$0xC], $0x20, s13, s16, $0xb8;
	[tilespmem:$0x17000] =	vst v63  }
0xce: {  	_ =	swait.ge [sflag:s30], $0x1000  }
0xcf: {  	[sflag:s30] =	ssyncset.done $0x0  }
0xd0: {  	s13 =	sadd.s32 $0x2E00, s6;
	[sflag:s30] =	ssyncadd.s32 $0xFFFFF000  }
0xd1: {  	[spmem:s3] =	stream.indirect.scatter.add.f32 [tilespmem:s24], [sflag:$0xD], $0x20, s13, s16, $0xb8;
	[tilespmem:$0x17000] =	vst v63  }
0xd2: {  	_ =	swait.ge [sflag:s23], $0x1000  }
0xd3: {  	[sflag:s23] =	ssyncset.done $0x0  }
0xd4: {  	s13 =	sadd.s32 $0x2E80, s6;
	[sflag:s23] =	ssyncadd.s32 $0xFFFFF000  }
0xd5: {  	[spmem:s3] =	stream.indirect.scatter.add.f32 [tilespmem:s26], [sflag:$0xE], $0x20, s13, s16, $0xb8;
	[tilespmem:$0x17000] =	vst v63  }
0xd6: {  	_ =	swait.ge [sflag:s19], $0x1000  }
0xd7: {  	[sflag:s19] =	ssyncset.done $0x0  }
.Ltmp0:
0xd8: {  	s13 =	sadd.s32 $0x2F00, s6;
	[sflag:s19] =	ssyncadd.s32 $0xFFFFF000;
	(pc) =	sbr.rel @p0 .LBB2_2-.Ltmp0, $4  }
0xd9: {  	[spmem:s3] =	stream.indirect.scatter.add.f32 [tilespmem:s29], [sflag:$0xF], $0x20, s13, s16, $0xb8;
	[tilespmem:$0x17000] =	vst v63  }
0xda: {  	_ =	swait.ge [sflag:s28], $0x1000  }
0xdb: {  	[sflag:s28] =	ssyncset.done $0x0  }
0xdc: {  	s6 =	sadd.s32 $0x2F80, s6;
	[sflag:s28] =	ssyncadd.s32 $0xFFFFF000  }
0xdd: {  	[spmem:s3] =	stream.indirect.scatter.add.f32 [tilespmem:s31], [sflag:$0x10], $0x20, s6, s16, $0xb8;
	[tilespmem:$0x17000] =	vst v63  }
0xde: {  	_ =	swait.ge [sflag:s5], $0x1000  }
0xdf: {  	[sflag:s5] =	ssyncset.done $0x0  }
0xe0: {  	[sflag:s5] =	ssyncadd.s32 $0xFFFFF000  }
0xe1: {  	_ =	swait.ge [sflag:s7], $0x1000  }
0xe2: {  	[sflag:s7] =	ssyncset.done $0x0  }
0xe3: {  	[sflag:s7] =	ssyncadd.s32 $0xFFFFF000  }
0xe4: {  	_ =	swait.ge [sflag:s8], $0x1000  }
0xe5: {  	[sflag:s8] =	ssyncset.done $0x0  }
0xe6: {  	[sflag:s8] =	ssyncadd.s32 $0xFFFFF000  }
0xe7: {  	_ =	swait.ge [sflag:s9], $0x1000  }
0xe8: {  	[sflag:s9] =	ssyncset.done $0x0  }
0xe9: {  	[sflag:s9] =	ssyncadd.s32 $0xFFFFF000  }
0xea: {  	_ =	swait.ge [sflag:s15], $0x1000  }
0xeb: {  	[sflag:s15] =	ssyncset.done $0x0  }
0xec: {  	[sflag:s15] =	ssyncadd.s32 $0xFFFFF000  }
0xed: {  	_ =	swait.ge [sflag:s10], $0x1000  }
0xee: {  	[sflag:s10] =	ssyncset.done $0x0  }
0xef: {  	[sflag:s10] =	ssyncadd.s32 $0xFFFFF000  }
0xf0: {  	_ =	swait.ge [sflag:s11], $0x1000  }
0xf1: {  	[sflag:s11] =	ssyncset.done $0x0  }
0xf2: {  	[sflag:s11] =	ssyncadd.s32 $0xFFFFF000  }
0xf3: {  	_ =	swait.ge [sflag:s12], $0x1000  }
0xf4: {  	[sflag:s12] =	ssyncset.done $0x0  }
0xf5: {  	[sflag:s12] =	ssyncadd.s32 $0xFFFFF000  }
0xf6: {  	[bflag:$0x0] =	sbarrier.arrive $0xFFFF  }
0xf7: {  	s4 =	rddreg [dreg:$0x5]  }
0xf8: {  	s13 =	rddreg [dreg:$0x9]  }
0xf9: {  	s14 =	rddreg [dreg:$0xc]  }
0xfa: {  	[hbm:s13], [sflag:s4] =	dma.local [spmem:s14], $0xA00  }
0xfb: {  	s4 =	simm.s32 $0x11  }
0xfc: {  	_ =	swait.ge [sflag:s4], $0xA00  }
0xfd: {  	s13 =	rddreg [dreg:$0xd]  }
0xfe: {  	s14 =	rddreg [dreg:$0xa];
	s13 =	sadd.s32 $0x1, s13  }
0xff: {  	p0 =	sne.s32 s13, s14  }
.Ltmp1:
0x100: {  	_ = 	snop;
	(pc) =	sbr.rel @p0 .LBB2_1-.Ltmp1, $3  }
0x101: {  	_ =	sdelay $0x1  }
0x102: {  	[sflag:s4] =	ssyncset.done $0x0  }
0x103: {  	[sflag:s4] =	ssyncadd.s32 $0xFFFFF600  }
0x104: {  	_ =	sfence.sel $0x180000  }
0x105: {  	[bflag:$0x0] =	sbarrier.arrive $0xFFFF  }
0x106: {  	_ =	strace $0x9000004A  }
0x107: {  	s0 =	stileid.u32;
	[bflag:$0x2] =	sbarrier.arrive $0xFFFF  }
0x108: {  	p0 =	sne.s32 s0, $0x0;
	s0 =	rddreg [dreg:$0x3]  }
0x109: {  	s0 =	sadd.s32 @!p0 $0x100000, s0  }
0x10a: {  	[sflag:s0] =	ssyncadd.tile.s32 @!p0 $0x1;
	_ =	shalt  }
.Lfunc_end2:
_tile_overlayer_lowered:
.L_overlay_start_2:
0x10b: {  	(tag) =	ssettag $0x2  }
0x10c: {  	s0 =	rddreg [dreg:$0x0];
	s2 =	stileid.u32  }
0x10d: {  	s1 =	rddreg [dreg:$0x1];
	p0 =	sne.s32 s2, $0x0  }
0x10e: {  	s3 =	rddreg [dreg:$0x2];
	[bflag:$0x3] =	sbarrier.arrive $0xFFFF;
	s2 =	simm.s32 @!p0 $0x1C11  }
0x10f: {  	[timem:s3], [sflag:s2] =	dma.local @!p0 [hbm:s0], s1  }
0x110: {  	s0 =	simm.s32 @!p0 $0x11  }
0x111: {  	_ =	swait.ge @!p0 [sflag:s0], s1  }
0x112: {  	s1 =	ssub.s32 @!p0 $0x0, s1;
	[sflag:s0] =	ssyncset.done @!p0 $0x0  }
0x113: {  	[sflag:s0] =	ssyncadd.s32 @!p0 s1  }
0x114: {  	[bflag:$0x3] =	sbarrier.arrive $0xFFFF  }
0x115: {  	_ =	shalt  }

// kernel: kernel.17.cloned.1.call-start
scs
__scs_entry_jumppad:
0x0: {  	(pc) =	sbr.rel $0x88, $3  }
0x1: {  	(tag) =	ssettag $0x0;
	lr =	simm.s32 $0x1  }
0x2: {  	[smem:$0x3F91] =	sst lr;
	_ =	strace $0xD0000000  }
0x3: {  	_ = 	snop  }
0x4: {  	_ = 	snop  }
0x5: {  	_ = 	snop  }
0x6: {  	_ = 	snop  }
0x7: {  	_ = 	snop  }
__scs_overlays_trampoline_lowered:
0x8: {  	[smem:$0x3FA0] =	sst s0  }
0x9: {  	[smem:$0x3FA1] =	sst s1  }
0xa: {  	[smem:$0x3FA2] =	sst s2  }
0xb: {  	[smem:$0x3FA3] =	sst s3  }
0xc: {  	[smem:$0x3FA4] =	sst s4  }
0xd: {  	[smem:$0x3FA5] =	sst s5  }
0xe: {  	[smem:$0x3FA6] =	sst s6  }
0xf: {  	[smem:$0x3FA7] =	sst s7  }
0x10: {  	[smem:$0x3FA8] =	sst s8  }
0x11: {  	[smem:$0x3FA9] =	sst s9;
	s0 =	simm.s32 @!p0 $0x0  }
0x12: {  	s1 =	sld [smem:$0x3F8F];
	s0 =	simm.s32 @p0 $0x1  }
0x13: {  	[smem:$0x3FAA] =	sst s0;
	s0 =	simm.s32 @!p1 $0x0  }
0x14: {  	s2 =	sld [smem:$0x3F8E];
	s0 =	simm.s32 @p1 $0x1  }
0x15: {  	[smem:$0x3FAB] =	sst s0;
	s0 =	simm.s32 @!p2 $0x0  }
0x16: {  	s3 =	sld [smem:$0x3FDB];
	s0 =	simm.s32 @p2 $0x1  }
0x17: {  	s4 =	simm.s32 $0x1BF5;
	[smem:$0x3FAD] =	sst s0  }
0x18: {  	s0 =	sld [smem:$0x3F90];
	_ =	swait.ge [sflag:s4], $0x0  }
0x19: {  	s7 =	sld [smem:$0x3F91]  }
0x1a: {  	s8 =	sadd.s32 $0xFFFFE003, lr  }
0x1b: {  	s9 =	sadd.s32 $0xFFFFFEF7, lr;
	s5 =	simm.s32 $0xFFFFFFFF;
	p2 =	slt.u32 s8, $0xFFFFF086  }
0x1c: {  	p1 =	slt.u32 s9, $0xF7A;
	s5 =	simm.s32 @!p2 $0x0  }
0x1d: {  	s5 =	simm.s32 @p1 $0x1;
	p0 =	seq.s32 s7, s2  }
0x1e: {  	s7 =	smul.u32 @!p0 $0xF7A, s2;
	p2 =	seq.s32 @!p0 s5, $0x0  }
0x1f: {  	s9 =	smul.u32 $0xF7A, s1;
	s8 =	simm.s32 @!p0 $0x1BF5;
	p2 =	por !p2, p0  }
0x20: {  	[sflag:s8] =	ssyncset.s32 @!p0 $0xFFFFF086;
	s6 =	sadd.s32 @!p0 s3, s7;
	s7 =	simm.s32 @!p0 $0x108  }
0x21: {  	s3 =	sadd.s32 s3, s9;
	s6 =	sadd.s32 @!p0 $0x88, s6;
	s7 =	simm.s32 @p2 $0x1082  }
0x22: {  	[simem:s7], [sflag:s8] =	dma.local @!p0 [hbm:s6], $0xF7A  }
0x23: {  	s9 =	sor.u32 $0xD0000000, s2;
	s6 =	simm.s32 $0x108;
	_ =	swait.ge @!p0 [sflag:s8], $0x0  }
0x24: {  	s3 =	sadd.s32 $0x88, s3;
	s6 =	simm.s32 @!p1 $0x1082;
	[sflag:s4] =	ssyncset.s32 $0xFFFFF086  }
0x25: {  	[simem:s6], [sflag:s4] =	dma.local [hbm:s3], $0xF7A  }
0x26: {  	[smem:$0x3F91] =	sst s1;
	(tag) =	ssettag s2;
	_ =	strace s9  }
0x27: {  	s1 =	sld [smem:$0x3FA1]  }
0x28: {  	s2 =	sld [smem:$0x3FA2]  }
0x29: {  	s4 =	sld [smem:$0x3FA4]  }
0x2a: {  	p0 =	seq.s32 s5, $0x0;
	s5 =	sld [smem:$0x3FA5]  }
0x2b: {  	s6 =	sld [smem:$0x3FA6]  }
0x2c: {  	s7 =	sld [smem:$0x3FA7]  }
0x2d: {  	s3 =	simm.s32 $0x108;
	s8 =	sld [smem:$0x3FA8]  }
0x2e: {  	s3 =	simm.s32 @!p0 $0x1082;
	s9 =	sld [smem:$0x3FA9]  }
0x2f: {  	lr =	sadd.s32 s0, s3;
	s0 =	sld [smem:$0x3FA0]  }
0x30: {  	s3 =	sld [smem:$0x3FA3]  }
0x31: {  	[smem:$0x3FAC] =	sst s10  }
0x32: {  	s10 =	sld [smem:$0x3FAA];
	_ =	sdelay $0x3  }
0x33: {  	p0 =	seq.s32 s10, $0x1;
	s10 =	sld [smem:$0x3FAC];
	_ =	sdelay $0x3  }
0x34: {  	[smem:$0x3FAC] =	sst s10  }
0x35: {  	s10 =	sld [smem:$0x3FAB];
	_ =	sdelay $0x3  }
0x36: {  	p1 =	seq.s32 s10, $0x1;
	s10 =	sld [smem:$0x3FAC];
	_ =	sdelay $0x3  }
0x37: {  	[smem:$0x3FAC] =	sst s10  }
0x38: {  	s10 =	sld [smem:$0x3FAD]  }
0x39: {  	_ = 	snop;
	(pc) =	sbr.ind lr, $3  }
0x3a: {  	_ = 	snop  }
0x3b: {  	_ = 	snop  }
0x3c: {  	p2 =	seq.s32 s10, $0x1;
	s10 =	sld [smem:$0x3FAC]  }
0x3d: {  	_ =	shalt  }
0x3e: {  	_ =	shalt  }
0x3f: {  	_ =	shalt  }
0x40: {  	_ =	shalt  }
0x41: {  	_ =	shalt  }
0x42: {  	_ =	shalt  }
0x43: {  	_ =	shalt  }
0x44: {  	_ =	shalt  }
0x45: {  	_ =	shalt  }
0x46: {  	_ =	shalt  }
0x47: {  	_ =	shalt  }
0x48: {  	_ =	shalt  }
0x49: {  	_ =	shalt  }
0x4a: {  	_ =	shalt  }
0x4b: {  	_ =	shalt  }
0x4c: {  	_ =	shalt  }
0x4d: {  	_ =	shalt  }
0x4e: {  	_ =	shalt  }
0x4f: {  	_ =	shalt  }
0x50: {  	_ =	shalt  }
0x51: {  	_ =	shalt  }
0x52: {  	_ =	shalt  }
0x53: {  	_ =	shalt  }
0x54: {  	_ =	shalt  }
0x55: {  	_ =	shalt  }
0x56: {  	_ =	shalt  }
0x57: {  	_ =	shalt  }
0x58: {  	_ =	shalt  }
0x59: {  	_ =	shalt  }
0x5a: {  	_ =	shalt  }
0x5b: {  	_ =	shalt  }
0x5c: {  	_ =	shalt  }
0x5d: {  	_ =	shalt  }
0x5e: {  	_ =	shalt  }
0x5f: {  	_ =	shalt  }
0x60: {  	_ =	shalt  }
0x61: {  	_ =	shalt  }
0x62: {  	_ =	shalt  }
0x63: {  	_ =	shalt  }
0x64: {  	_ =	shalt  }
0x65: {  	_ =	shalt  }
0x66: {  	_ =	shalt  }
0x67: {  	_ =	shalt  }
0x68: {  	_ =	shalt  }
0x69: {  	_ =	shalt  }
0x6a: {  	_ =	shalt  }
0x6b: {  	_ =	shalt  }
0x6c: {  	_ =	shalt  }
0x6d: {  	_ =	shalt  }
0x6e: {  	_ =	shalt  }
0x6f: {  	_ =	shalt  }
0x70: {  	_ =	shalt  }
0x71: {  	_ =	shalt  }
0x72: {  	_ =	shalt  }
0x73: {  	_ =	shalt  }
0x74: {  	_ =	shalt  }
0x75: {  	_ =	shalt  }
0x76: {  	_ =	shalt  }
0x77: {  	_ =	shalt  }
0x78: {  	_ =	shalt  }
0x79: {  	_ =	shalt  }
0x7a: {  	_ =	shalt  }
0x7b: {  	_ =	shalt  }
0x7c: {  	_ =	shalt  }
0x7d: {  	_ =	shalt  }
0x7e: {  	_ =	shalt  }
0x7f: {  	_ =	shalt  }
0x80: {  	_ =	shalt  }
0x81: {  	_ =	shalt  }
0x82: {  	_ =	shalt  }
0x83: {  	_ =	shalt  }
0x84: {  	_ =	shalt  }
0x85: {  	_ =	shalt  }
0x86: {  	_ =	shalt  }
0x87: {  	_ =	shalt  }
.Lfunc_end0:
.L_simem_size_0:
called_computation.2_lowered:
.L_overlay_start_0:
0x88: {  	s2 =	sld [smem:$0x3FD9]  }
0x89: {  	s3 =	sld [smem:$0x3FFE];
	_ =	sdelay $0x1  }
0x8a: {  	s1 =	srdreg.scid  }
0x8b: {  	s0 =	sand.u32 $0x1, s1  }
0x8c: {  	s16 =	sshll.u32 s0, $0xA;
	s2 =	sadd.s32 s3, s2  }
0x8d: {  	s2 =	sadd.s32 s2, s16  }
0x8e: {  	[smem:$0x3FB8] =	sst s2  }
0x8f: {  	_ = 	snop  }
0x90: {  	(tm) =	ssettm $0x1  }
0x91: {  	s17 =	sld [smem:$0x3FFB];
	_ =	sdelay $0x3  }
0x92: {  	_ =	strace s17  }
0x93: {  	s2 =	sld [smem:$0x3FFC];
	_ =	sdelay $0x3  }
0x94: {  	_ =	strace s2  }
0x95: {  	s2 =	sld [smem:$0x3FFD];
	_ =	sdelay $0x3  }
0x96: {  	_ =	strace s2  }
0x97: {  	_ =	strace $0x8FFFFFFF  }
0x98: {  	s18 =	sld [smem:$0x3FDB];
	_ =	sdelay $0x1  }
0x99: {  	s19 =	simm.s32 $_scs_section_size  }
0x9a: {  	s4 =	simm.s32 $_size__tile_overlayer_lowered;
	s5 =	simm.s32 $_tile_overlayer_lowered  }
0x9b: {  	s22 =	simm.s32 $0x1BFF;
	s21 =	sshll.u32 s5, $0x1;
	s2 =	sadd.s32 s19, s18  }
0x9c: {  	s6 =	simm.s32 $0x0;
	s20 =	sshll.u32 s4, $0x1;
	s4 =	sadd.s32 s21, s2  }
0x9d: {  	[timem:s6], [sflag:s22] =	dma.local [hbm:s4], s20  }
0x9e: {  	_ =	swait.ge [sflag:s22], s20  }
0x9f: {  	s3 =	ssub.s32 $0x0, s20;
	[sflag:s22] =	ssyncset.done $0x0  }
0xa0: {  	[sflag:s22] =	ssyncadd.s32 s3;
	_ =	sdelay $0x1  }
0xa1: {  	s23 =	simm.s32 $0x1B8B  }
0xa2: {  	_ =	swait.ge [sflag:s23], $0x1  }
0xa3: {  	[sflag:s23] =	ssyncset.done $0x0  }
0xa4: {  	s25 =	simm.s32 $0x1B8E;
	s24 =	sld [smem:$0x3FFE];
	[sflag:s23] =	ssyncadd.s32 $0xFFFFFFFF  }
0xa5: {  	s26 =	simm.s32 $execute0_lowered;
	[smem:$0x3FD2] =	sst s25  }
0xa6: {  	s4 =	sshll.u32 s26, $0x1;
	_ =	strace $0x8000004C;
	[dreg:$0x1] =	wrdreg $0xFFFFFFFF  }
0xa7: {  	s28 =	simm.s32 $_size_execute0_lowered;
	s2 =	sadd.s32 s2, s4;
	[dreg:$0x0] =	wrdreg $0x0  }
0xa8: {  	s4 =	sshll.u32 s28, $0x1;
	[dreg:$0x2] =	wrdreg s2  }
0xa9: {  	[dreg:$0x3] =	wrdreg s4  }
0xaa: {  	[dreg:$0x4] =	wrdreg $0xC0  }
0xab: {  	_ =	task [dreg:s6], $0x5FFFF  }
0xac: {  	[dreg:$0x1] =	wrdreg $0xFFFFFFFF  }
0xad: {  	[dreg:$0x0] =	wrdreg $0x60  }
0xae: {  	[dreg:$0x2] =	wrdreg s24  }
0xaf: {  	[dreg:$0x3] =	wrdreg $0xA0000  }
0xb0: {  	[dreg:$0x4] =	wrdreg $0x50000  }
0xb1: {  	[dreg:$0x5] =	wrdreg $0x9  }
0xb2: {  	_ =	task.clear_ibuf [dreg:s6], $0x6FFFF;
	_ =	strace $0x9000004C  }
0xb3: {  	s29 =	simm.s32 $0x9;
	_ =	strace $0x8000004E  }
0xb4: {  	_ =	swait.ge [sflag:s29], $0x1  }
0xb5: {  	[sflag:s29] =	ssyncadd.s32 $0xFFFFFFFF  }
0xb6: {  	_ =	strace $0x9000004E  }
0xb7: {  	_ =	sfence  }
0xb8: {  	s30 =	sld [smem:$0x0];
	_ =	sdelay $0x2  }
0xb9: {  	s31 =	sshll.u32 s1, $0xD;
	s1 =	sshrl.u32 s1, $0x2  }
0xba: {  	s3 =	sand.u32 $0x4000, s31;
	s1 =	sadd.s32 s1, s30  }
0xbb: {  	s0 =	sor.u32 s3, s0;
	s1 =	sshll.u32 s1, $0x11  }
0xbc: {  	s0 =	sor.u32 s1, s0  }
0xbd: {  	s0 =	sadd.s32 $0x8F2B, s0  }
0xbe: {  	[sflag:s0] =	ssyncadd.remote.s32 $0x1  }
0xbf: {  	_ =	sfence.sel $0xFFFF  }
0xc0: {  	[dreg:$0x0] =	wrdreg $0xFFFFFFFF;
	(pc) =	sbr.abs _section_cstart, $3  }
0xc1: {  	[dreg:$0x1] =	wrdreg $0xFFFFFFFF  }
0xc2: {  	_ =	task.clear_ibuf [dreg:s6], $0x2FFFF;
	_ =	strace $0x9FFFFFFF  }
0xc3: {  	(tm) =	ssettm $0x7FFFFFFF  }
tec
execute0_lowered:
.L_overlay_start_1:
0x0: {  	(tag) =	ssettag $0x1  }
0x1: {  	s0 =	srdreg.scid;
	s4 =	rddreg [dreg:$0x0]  }
0x2: {  	s8 =	stileid.u32;
	s2 =	rddreg [dreg:$0x1]  }
0x3: {  	s3 =	rddreg [dreg:$0x2];
	s7 =	simm.s32 $0x0;
	s16 =	simm.s32 $0x80  }
0x4: {  	s17 =	simm.s32 $0xF000;
	s18 =	simm.s32 $0x10000;
	s20 =	simm.s32 $0x11000  }
0x5: {  	s29 =	simm.s32 $0x15000;
	s31 =	simm.s32 $0x16000;
	s30 =	simm.s32 $0x5  }
0x6: {  	s19 =	simm.s32 $0x7;
	s28 =	simm.s32 $0x8;
	s15 =	simm.s32 $0xD  }
0x7: {  	s10 =	simm.s32 $0xE;
	s11 =	simm.s32 $0xF;
	s12 =	simm.s32 $0x10  }
0x8: {  	s13 =	simm.s32 $0x0;
	s0 =	sand.u32 $0x1, s0;
	s5 =	smul.u32 $0x5000, s8  }
0x9: {  	[smem:$0x7FF] =	sst s7;
	s1 =	sshll.u32 s0, $0x4;
	s6 =	smul.u32 $0x50000, s0  }
0xa: {  	_ =	strace $0x8000004D;
	s0 =	ssub.s32 $0x2, s0;
	s1 =	sor.u32 s8, s1  }
0xb: {  	s21 =	sshrl.u32 s5, $0x3;
	s22 =	sshrl.u32 s0, $0x1;
	s23 =	sadd.s32 s5, s2  }
0xc: {  	s8 =	sshll.u32 s8, $0x6;
	s1 =	smul.u32 $0x500, s1;
	s6 =	sadd.s32 s5, s6  }
0xd: {  	s7 =	sadd.s32 s21, s4;
	s0 =	ssub.s32 s0, s22;
	s8 =	sor.u32 $0x1C11, s8  }
0xe: {  	s5 =	sadd.s32 s5, s3;
	s26 =	sshrl.u32 s23, $0x3;
	s22 =	simm.s32 $0x12000  }
0xf: {  	s21 =	simm.s32 $0x3;
	s23 =	simm.s32 $0x6;
	[dreg:$0x5] =	wrdreg s8  }
0x10: {  	s6 =	sshrl.u32 s6, $0x3;
	s9 =	sadd.s32 $0x1C600, s7;
	[dreg:$0xb] =	wrdreg s26  }
0x11: {  	s7 =	sadd.s32 $0x26600, s7;
	s0 =	smax.u32 s0, $0x1;
	[dreg:$0x4] =	wrdreg s9  }
0x12: {  	s14 =	sshrl.u32 s5, $0x3;
	s26 =	simm.s32 $0x14000;
	[dreg:$0x6] =	wrdreg s7  }
0x13: {  	s5 =	simm.s32 $0x9;
	s1 =	sadd.s32 s1, s4;
	[dreg:$0xa] =	wrdreg s0  }
0x14: {  	s8 =	simm.s32 $0xB;
	[dreg:$0xc] =	wrdreg s14;
	s24 =	sadd.s32 $0x12600, s1  }
0x15: {  	s4 =	sadd.s32 s6, s4;
	s1 =	sadd.s32 $0x3400, s1;
	[dreg:$0x7] =	wrdreg s24  }
0x16: {  	s0 =	simm.s32 $0x2;
	s25 =	sadd.s32 $0x30600, s4;
	[dreg:$0x8] =	wrdreg s1  }
0x17: {  	s7 =	simm.s32 $0xA;
	s9 =	simm.s32 $0xC;
	[dreg:$0x9] =	wrdreg s25  }
0x18: {  	s24 =	simm.s32 $0x13000;
	s1 =	simm.s32 $0x1;
	s25 =	simm.s32 $0x4  }
.LBB2_1:
0x19: {  	[dreg:$0xd] =	wrdreg s13  }
0x1a: {  	s6 =	rddreg [dreg:$0x4]  }
0x1b: {  	s14 =	rddreg [dreg:$0xb]  }
0x1c: {  	s4 =	simm.s32 $0x11;
	s13 =	rddreg [dreg:$0x5]  }
0x1d: {  	[spmem:s14], [sflag:s13] =	dma.local [hbm:s6], $0xA00  }
0x1e: {  	_ =	swait.ge [sflag:s4], $0xA00  }
0x1f: {  	[sflag:s4] =	ssyncset.done $0x0;
	s6 =	rddreg [dreg:$0x6]  }
0x20: {  	s14 =	rddreg [dreg:$0xc];
	[sflag:s4] =	ssyncadd.s32 $0xFFFFF600  }
0x21: {  	[spmem:s14], [sflag:s13] =	dma.local [hbm:s6], $0xA00  }
0x22: {  	_ =	swait.ge [sflag:s4], $0xA00  }
0x23: {  	[sflag:s4] =	ssyncset.done $0x0  }
0x24: {  	s6 =	simm.s32 $0x0;
	s14 =	rddreg [dreg:$0x7];
	[sflag:s4] =	ssyncadd.s32 $0xFFFFF600  }
0x25: {  	[tilespmem:s6], [sflag:$0x11] =	stream.linear.gather [hbm4b:s14+s6], $0x2800, $0x38;
	[tilespmem:$0x17000] =	vst v63  }
0x26: {  	_ =	swait.ge [sflag:s4], $0x2800  }
0x27: {  	[sflag:s4] =	ssyncset.done $0x0  }
0x28: {  	s14 =	simm.s32 $0x2800;
	s13 =	rddreg [dreg:$0x8];
	[sflag:s4] =	ssyncadd.s32 $0xFFFFD800  }
0x29: {  	[tilespmem:s14], [sflag:$0x11] =	stream.linear.gather [hbm4b:s13+s6], $0x2800, $0x38;
	[tilespmem:$0x17000] =	vst v63  }
0x2a: {  	_ =	swait.ge [sflag:s4], $0x2800  }
0x2b: {  	[sflag:s4] =	ssyncset.done $0x0  }
0x2c: {  	[sflag:s4] =	ssyncadd.s32 $0xFFFFD800  }
0x2d: {  	[bflag:$0x0] =	sbarrier.arrive $0xFFFF  }
0x2e: {  	[tilespmem:s17], [sflag:$0x1] =	stream.indirect.gather [spmem:s2], $0x20, s6, s16, $0xb8;
	[tilespmem:$0x17000] =	vst v63  }
0x2f: {  	_ = 	snop  }
0x30: {  	[tilespmem:s18], [sflag:$0x2] =	stream.indirect.gather [spmem:s2], $0x20, s16, s16, $0xb8;
	[tilespmem:$0x17000] =	vst v63  }
0x31: {  	s6 =	simm.s32 $0x100  }
0x32: {  	[tilespmem:s20], [sflag:$0x3] =	stream.indirect.gather [spmem:s2], $0x20, s6, s16, $0xb8;
	[tilespmem:$0x17000] =	vst v63  }
0x33: {  	s13 =	simm.s32 $0x180  }
0x34: {  	[tilespmem:s22], [sflag:$0x4] =	stream.indirect.gather [spmem:s2], $0x20, s13, s16, $0xb8;
	[tilespmem:$0x17000] =	vst v63  }
0x35: {  	s6 =	simm.s32 $0x200  }
0x36: {  	[tilespmem:s24], [sflag:$0x5] =	stream.indirect.gather [spmem:s2], $0x20, s6, s16, $0xb8;
	[tilespmem:$0x17000] =	vst v63  }
0x37: {  	s13 =	simm.s32 $0x280  }
0x38: {  	[tilespmem:s26], [sflag:$0x6] =	stream.indirect.gather [spmem:s2], $0x20, s13, s16, $0xb8;
	[tilespmem:$0x17000] =	vst v63  }
0x39: {  	s6 =	simm.s32 $0x300  }
0x3a: {  	[tilespmem:s29], [sflag:$0x7] =	stream.indirect.gather [spmem:s2], $0x20, s6, s16, $0xb8;
	[tilespmem:$0x17000] =	vst v63  }
0x3b: {  	s13 =	simm.s32 $0x380  }
0x3c: {  	[tilespmem:s31], [sflag:$0x8] =	stream.indirect.gather [spmem:s2], $0x20, s13, s16, $0xb8;
	[tilespmem:$0x17000] =	vst v63  }
0x3d: {  	_ =	swait.ge [sflag:s1], $0x1000  }
0x3e: {  	[sflag:s1] =	ssyncset.done $0x0  }
0x3f: {  	[sflag:s1] =	ssyncadd.s32 $0xFFFFF000  }
0x40: {  	[spmem:s3] =	stream.indirect.scatter.add.f32 [tilespmem:s17], [sflag:$0x9], $0x20, s14, s16, $0xb8;
	[tilespmem:$0x17000] =	vst v63  }
0x41: {  	_ =	swait.ge [sflag:s0], $0x1000  }
0x42: {  	[sflag:s0] =	ssyncset.done $0x0  }
0x43: {  	s14 =	simm.s32 $0x2880;
	[sflag:s0] =	ssyncadd.s32 $0xFFFFF000  }
0x44: {  	[spmem:s3] =	stream.indirect.scatter.add.f32 [tilespmem:s18], [sflag:$0xA], $0x20, s14, s16, $0xb8;
	[tilespmem:$0x17000] =	vst v63  }
0x45: {  	_ =	swait.ge [sflag:s21], $0x1000  }
0x46: {  	[sflag:s21] =	ssyncset.done $0x0  }
0x47: {  	s6 =	simm.s32 $0x2900;
	[sflag:s21] =	ssyncadd.s32 $0xFFFFF000  }
0x48: {  	[spmem:s3] =	stream.indirect.scatter.add.f32 [tilespmem:s20], [sflag:$0xB], $0x20, s6, s16, $0xb8;
	[tilespmem:$0x17000] =	vst v63  }
0x49: {  	_ =	swait.ge [sflag:s25], $0x1000  }
0x4a: {  	[sflag:s25] =	ssyncset.done $0x0  }
0x4b: {  	s13 =	simm.s32 $0x2980;
	[sflag:s25] =	ssyncadd.s32 $0xFFFFF000  }
0x4c: {  	[spmem:s3] =	stream.indirect.scatter.add.f32 [tilespmem:s22], [sflag:$0xC], $0x20, s13, s16, $0xb8;
	[tilespmem:$0x17000] =	vst v63  }
0x4d: {  	_ =	swait.ge [sflag:s30], $0x1000  }
0x4e: {  	[sflag:s30] =	ssyncset.done $0x0  }
0x4f: {  	s14 =	simm.s32 $0x2A00;
	[sflag:s30] =	ssyncadd.s32 $0xFFFFF000  }
0x50: {  	[spmem:s3] =	stream.indirect.scatter.add.f32 [tilespmem:s24], [sflag:$0xD], $0x20, s14, s16, $0xb8;
	[tilespmem:$0x17000] =	vst v63  }
0x51: {  	_ =	swait.ge [sflag:s23], $0x1000  }
0x52: {  	[sflag:s23] =	ssyncset.done $0x0  }
0x53: {  	s6 =	simm.s32 $0x2A80;
	[sflag:s23] =	ssyncadd.s32 $0xFFFFF000  }
0x54: {  	[spmem:s3] =	stream.indirect.scatter.add.f32 [tilespmem:s26], [sflag:$0xE], $0x20, s6, s16, $0xb8;
	[tilespmem:$0x17000] =	vst v63  }
0x55: {  	_ =	swait.ge [sflag:s19], $0x1000  }
0x56: {  	[sflag:s19] =	ssyncset.done $0x0  }
0x57: {  	s13 =	simm.s32 $0x2B00;
	[sflag:s19] =	ssyncadd.s32 $0xFFFFF000  }
0x58: {  	[spmem:s3] =	stream.indirect.scatter.add.f32 [tilespmem:s29], [sflag:$0xF], $0x20, s13, s16, $0xb8;
	[tilespmem:$0x17000] =	vst v63  }
0x59: {  	_ =	swait.ge [sflag:s28], $0x1000  }
0x5a: {  	[sflag:s28] =	ssyncset.done $0x0  }
0x5b: {  	s14 =	simm.s32 $0x2B80;
	[sflag:s28] =	ssyncadd.s32 $0xFFFFF000  }
0x5c: {  	[spmem:s3] =	stream.indirect.scatter.add.f32 [tilespmem:s31], [sflag:$0x10], $0x20, s14, s16, $0xb8;
	[tilespmem:$0x17000] =	vst v63  }
0x5d: {  	_ =	swait.ge [sflag:s5], $0x1000  }
0x5e: {  	[sflag:s5] =	ssyncset.done $0x0  }
0x5f: {  	s4 =	simm.s32 $0x400;
	[sflag:s5] =	ssyncadd.s32 $0xFFFFF000  }
0x60: {  	[tilespmem:s17], [sflag:$0x1] =	stream.indirect.gather [spmem:s2], $0x20, s4, s16, $0xb8;
	[tilespmem:$0x17000] =	vst v63  }
0x61: {  	_ =	swait.ge [sflag:s7], $0x1000  }
0x62: {  	[sflag:s7] =	ssyncset.done $0x0  }
0x63: {  	s13 =	simm.s32 $0x480;
	[sflag:s7] =	ssyncadd.s32 $0xFFFFF000  }
0x64: {  	[tilespmem:s18], [sflag:$0x2] =	stream.indirect.gather [spmem:s2], $0x20, s13, s16, $0xb8;
	[tilespmem:$0x17000] =	vst v63  }
0x65: {  	_ =	swait.ge [sflag:s8], $0x1000  }
0x66: {  	[sflag:s8] =	ssyncset.done $0x0  }
0x67: {  	s14 =	simm.s32 $0x500;
	[sflag:s8] =	ssyncadd.s32 $0xFFFFF000  }
0x68: {  	[tilespmem:s20], [sflag:$0x3] =	stream.indirect.gather [spmem:s2], $0x20, s14, s16, $0xb8;
	[tilespmem:$0x17000] =	vst v63  }
0x69: {  	_ =	swait.ge [sflag:s9], $0x1000  }
0x6a: {  	[sflag:s9] =	ssyncset.done $0x0  }
0x6b: {  	s4 =	simm.s32 $0x580;
	[sflag:s9] =	ssyncadd.s32 $0xFFFFF000  }
0x6c: {  	[tilespmem:s22], [sflag:$0x4] =	stream.indirect.gather [spmem:s2], $0x20, s4, s16, $0xb8;
	[tilespmem:$0x17000] =	vst v63  }
0x6d: {  	_ =	swait.ge [sflag:s15], $0x1000  }
0x6e: {  	[sflag:s15] =	ssyncset.done $0x0  }
0x6f: {  	s13 =	simm.s32 $0x600;
	[sflag:s15] =	ssyncadd.s32 $0xFFFFF000  }
0x70: {  	[tilespmem:s24], [sflag:$0x5] =	stream.indirect.gather [spmem:s2], $0x20, s13, s16, $0xb8;
	[tilespmem:$0x17000] =	vst v63  }
0x71: {  	_ =	swait.ge [sflag:s10], $0x1000  }
0x72: {  	[sflag:s10] =	ssyncset.done $0x0  }
0x73: {  	s14 =	simm.s32 $0x680;
	[sflag:s10] =	ssyncadd.s32 $0xFFFFF000  }
0x74: {  	[tilespmem:s26], [sflag:$0x6] =	stream.indirect.gather [spmem:s2], $0x20, s14, s16, $0xb8;
	[tilespmem:$0x17000] =	vst v63  }
0x75: {  	_ =	swait.ge [sflag:s11], $0x1000  }
0x76: {  	[sflag:s11] =	ssyncset.done $0x0  }
0x77: {  	s4 =	simm.s32 $0x700;
	[sflag:s11] =	ssyncadd.s32 $0xFFFFF000  }
0x78: {  	[tilespmem:s29], [sflag:$0x7] =	stream.indirect.gather [spmem:s2], $0x20, s4, s16, $0xb8;
	[tilespmem:$0x17000] =	vst v63  }
0x79: {  	_ =	swait.ge [sflag:s12], $0x1000  }
0x7a: {  	[sflag:s12] =	ssyncset.done $0x0  }
0x7b: {  	s13 =	simm.s32 $0x780;
	[sflag:s12] =	ssyncadd.s32 $0xFFFFF000  }
0x7c: {  	[tilespmem:s31], [sflag:$0x8] =	stream.indirect.gather [spmem:s2], $0x20, s13, s16, $0xb8;
	[tilespmem:$0x17000] =	vst v63  }
0x7d: {  	_ =	swait.ge [sflag:s1], $0x1000  }
0x7e: {  	[sflag:s1] =	ssyncset.done $0x0  }
0x7f: {  	s14 =	simm.s32 $0x2C00;
	[sflag:s1] =	ssyncadd.s32 $0xFFFFF000  }
0x80: {  	[spmem:s3] =	stream.indirect.scatter.add.f32 [tilespmem:s17], [sflag:$0x9], $0x20, s14, s16, $0xb8;
	[tilespmem:$0x17000] =	vst v63  }
0x81: {  	_ =	swait.ge [sflag:s0], $0x1000  }
0x82: {  	[sflag:s0] =	ssyncset.done $0x0  }
0x83: {  	s4 =	simm.s32 $0x2C80;
	[sflag:s0] =	ssyncadd.s32 $0xFFFFF000  }
0x84: {  	[spmem:s3] =	stream.indirect.scatter.add.f32 [tilespmem:s18], [sflag:$0xA], $0x20, s4, s16, $0xb8;
	[tilespmem:$0x17000] =	vst v63  }
0x85: {  	_ =	swait.ge [sflag:s21], $0x1000  }
0x86: {  	[sflag:s21] =	ssyncset.done $0x0  }
0x87: {  	s13 =	simm.s32 $0x2D00;
	[sflag:s21] =	ssyncadd.s32 $0xFFFFF000  }
0x88: {  	[spmem:s3] =	stream.indirect.scatter.add.f32 [tilespmem:s20], [sflag:$0xB], $0x20, s13, s16, $0xb8;
	[tilespmem:$0x17000] =	vst v63  }
0x89: {  	_ =	swait.ge [sflag:s25], $0x1000  }
0x8a: {  	[sflag:s25] =	ssyncset.done $0x0  }
0x8b: {  	s14 =	simm.s32 $0x2D80;
	[sflag:s25] =	ssyncadd.s32 $0xFFFFF000  }
0x8c: {  	[spmem:s3] =	stream.indirect.scatter.add.f32 [tilespmem:s22], [sflag:$0xC], $0x20, s14, s16, $0xb8;
	[tilespmem:$0x17000] =	vst v63  }
0x8d: {  	_ =	swait.ge [sflag:s30], $0x1000  }
0x8e: {  	[sflag:s30] =	ssyncset.done $0x0  }
0x8f: {  	s4 =	simm.s32 $0x2E00;
	[sflag:s30] =	ssyncadd.s32 $0xFFFFF000  }
0x90: {  	[spmem:s3] =	stream.indirect.scatter.add.f32 [tilespmem:s24], [sflag:$0xD], $0x20, s4, s16, $0xb8;
	[tilespmem:$0x17000] =	vst v63  }
0x91: {  	_ =	swait.ge [sflag:s23], $0x1000  }
0x92: {  	[sflag:s23] =	ssyncset.done $0x0  }
0x93: {  	s13 =	simm.s32 $0x2E80;
	[sflag:s23] =	ssyncadd.s32 $0xFFFFF000  }
0x94: {  	[spmem:s3] =	stream.indirect.scatter.add.f32 [tilespmem:s26], [sflag:$0xE], $0x20, s13, s16, $0xb8;
	[tilespmem:$0x17000] =	vst v63  }
0x95: {  	_ =	swait.ge [sflag:s19], $0x1000  }
0x96: {  	[sflag:s19] =	ssyncset.done $0x0  }
0x97: {  	s14 =	simm.s32 $0x2F00;
	[sflag:s19] =	ssyncadd.s32 $0xFFFFF000  }
0x98: {  	[spmem:s3] =	stream.indirect.scatter.add.f32 [tilespmem:s29], [sflag:$0xF], $0x20, s14, s16, $0xb8;
	[tilespmem:$0x17000] =	vst v63  }
0x99: {  	_ =	swait.ge [sflag:s28], $0x1000  }
0x9a: {  	[sflag:s28] =	ssyncset.done $0x0  }
0x9b: {  	s6 =	simm.s32 $0x2F80;
	s14 =	simm.s32 $0x1000;
	[sflag:s28] =	ssyncadd.s32 $0xFFFFF000  }
.LBB2_2:
0x9c: {  	[spmem:s3] =	stream.indirect.scatter.add.f32 [tilespmem:s31], [sflag:$0x10], $0x20, s6, s16, $0xb8;
	[tilespmem:$0x17000] =	vst v63  }
0x9d: {  	s6 =	smov.u32 s14  }
0x9e: {  	p0 =	sne.s32 s14, $0x8000;
	s14 =	sadd.s32 $0x1000, s14;
	_ =	swait.ge [sflag:s5], $0x1000  }
0x9f: {  	s6 =	sshra.s32 s6, $0x2;
	[sflag:s5] =	ssyncset.done $0x0  }
0xa0: {  	s13 =	sadd.s32 $0x400, s6;
	[sflag:s5] =	ssyncadd.s32 $0xFFFFF000  }
0xa1: {  	[tilespmem:s17], [sflag:$0x1] =	stream.indirect.gather [spmem:s2], $0x20, s13, s16, $0xb8;
	[tilespmem:$0x17000] =	vst v63  }
0xa2: {  	_ =	swait.ge [sflag:s7], $0x1000  }
0xa3: {  	[sflag:s7] =	ssyncset.done $0x0  }
0xa4: {  	s13 =	sadd.s32 $0x480, s6;
	[sflag:s7] =	ssyncadd.s32 $0xFFFFF000  }
0xa5: {  	[tilespmem:s18], [sflag:$0x2] =	stream.indirect.gather [spmem:s2], $0x20, s13, s16, $0xb8;
	[tilespmem:$0x17000] =	vst v63  }
0xa6: {  	_ =	swait.ge [sflag:s8], $0x1000  }
0xa7: {  	[sflag:s8] =	ssyncset.done $0x0  }
0xa8: {  	s13 =	sadd.s32 $0x500, s6;
	[sflag:s8] =	ssyncadd.s32 $0xFFFFF000  }
0xa9: {  	[tilespmem:s20], [sflag:$0x3] =	stream.indirect.gather [spmem:s2], $0x20, s13, s16, $0xb8;
	[tilespmem:$0x17000] =	vst v63  }
0xaa: {  	_ =	swait.ge [sflag:s9], $0x1000  }
0xab: {  	[sflag:s9] =	ssyncset.done $0x0  }
0xac: {  	s13 =	sadd.s32 $0x580, s6;
	[sflag:s9] =	ssyncadd.s32 $0xFFFFF000  }
0xad: {  	[tilespmem:s22], [sflag:$0x4] =	stream.indirect.gather [spmem:s2], $0x20, s13, s16, $0xb8;
	[tilespmem:$0x17000] =	vst v63  }
0xae: {  	_ =	swait.ge [sflag:s15], $0x1000  }
0xaf: {  	[sflag:s15] =	ssyncset.done $0x0  }
0xb0: {  	s13 =	sadd.s32 $0x600, s6;
	[sflag:s15] =	ssyncadd.s32 $0xFFFFF000  }
0xb1: {  	[tilespmem:s24], [sflag:$0x5] =	stream.indirect.gather [spmem:s2], $0x20, s13, s16, $0xb8;
	[tilespmem:$0x17000] =	vst v63  }
0xb2: {  	_ =	swait.ge [sflag:s10], $0x1000  }
0xb3: {  	[sflag:s10] =	ssyncset.done $0x0  }
0xb4: {  	s13 =	sadd.s32 $0x680, s6;
	[sflag:s10] =	ssyncadd.s32 $0xFFFFF000  }
0xb5: {  	[tilespmem:s26], [sflag:$0x6] =	stream.indirect.gather [spmem:s2], $0x20, s13, s16, $0xb8;
	[tilespmem:$0x17000] =	vst v63  }
0xb6: {  	_ =	swait.ge [sflag:s11], $0x1000  }
0xb7: {  	[sflag:s11] =	ssyncset.done $0x0  }
0xb8: {  	s13 =	sadd.s32 $0x700, s6;
	[sflag:s11] =	ssyncadd.s32 $0xFFFFF000  }
0xb9: {  	[tilespmem:s29], [sflag:$0x7] =	stream.indirect.gather [spmem:s2], $0x20, s13, s16, $0xb8;
	[tilespmem:$0x17000] =	vst v63  }
0xba: {  	_ =	swait.ge [sflag:s12], $0x1000  }
0xbb: {  	[sflag:s12] =	ssyncset.done $0x0  }
0xbc: {  	s13 =	sadd.s32 $0x780, s6;
	[sflag:s12] =	ssyncadd.s32 $0xFFFFF000  }
0xbd: {  	[tilespmem:s31], [sflag:$0x8] =	stream.indirect.gather [spmem:s2], $0x20, s13, s16, $0xb8;
	[tilespmem:$0x17000] =	vst v63  }
0xbe: {  	_ =	swait.ge [sflag:s1], $0x1000  }
0xbf: {  	[sflag:s1] =	ssyncset.done $0x0  }
0xc0: {  	s13 =	sadd.s32 $0x2C00, s6;
	[sflag:s1] =	ssyncadd.s32 $0xFFFFF000  }
0xc1: {  	[spmem:s3] =	stream.indirect.scatter.add.f32 [tilespmem:s17], [sflag:$0x9], $0x20, s13, s16, $0xb8;
	[tilespmem:$0x17000] =	vst v63  }
0xc2: {  	_ =	swait.ge [sflag:s0], $0x1000  }
0xc3: {  	[sflag:s0] =	ssyncset.done $0x0  }
0xc4: {  	s13 =	sadd.s32 $0x2C80, s6;
	[sflag:s0] =	ssyncadd.s32 $0xFFFFF000  }
0xc5: {  	[spmem:s3] =	stream.indirect.scatter.add.f32 [tilespmem:s18], [sflag:$0xA], $0x20, s13, s16, $0xb8;
	[tilespmem:$0x17000] =	vst v63  }
0xc6: {  	_ =	swait.ge [sflag:s21], $0x1000  }
0xc7: {  	[sflag:s21] =	ssyncset.done $0x0  }
0xc8: {  	s13 =	sadd.s32 $0x2D00, s6;
	[sflag:s21] =	ssyncadd.s32 $0xFFFFF000  }
0xc9: {  	[spmem:s3] =	stream.indirect.scatter.add.f32 [tilespmem:s20], [sflag:$0xB], $0x20, s13, s16, $0xb8;
	[tilespmem:$0x17000] =	vst v63  }
0xca: {  	_ =	swait.ge [sflag:s25], $0x1000  }
0xcb: {  	[sflag:s25] =	ssyncset.done $0x0  }
0xcc: {  	s13 =	sadd.s32 $0x2D80, s6;
	[sflag:s25] =	ssyncadd.s32 $0xFFFFF000  }
0xcd: {  	[spmem:s3] =	stream.indirect.scatter.add.f32 [tilespmem:s22], [sflag:$0xC], $0x20, s13, s16, $0xb8;
	[tilespmem:$0x17000] =	vst v63  }
0xce: {  	_ =	swait.ge [sflag:s30], $0x1000  }
0xcf: {  	[sflag:s30] =	ssyncset.done $0x0  }
0xd0: {  	s13 =	sadd.s32 $0x2E00, s6;
	[sflag:s30] =	ssyncadd.s32 $0xFFFFF000  }
0xd1: {  	[spmem:s3] =	stream.indirect.scatter.add.f32 [tilespmem:s24], [sflag:$0xD], $0x20, s13, s16, $0xb8;
	[tilespmem:$0x17000] =	vst v63  }
0xd2: {  	_ =	swait.ge [sflag:s23], $0x1000  }
0xd3: {  	[sflag:s23] =	ssyncset.done $0x0  }
0xd4: {  	s13 =	sadd.s32 $0x2E80, s6;
	[sflag:s23] =	ssyncadd.s32 $0xFFFFF000  }
0xd5: {  	[spmem:s3] =	stream.indirect.scatter.add.f32 [tilespmem:s26], [sflag:$0xE], $0x20, s13, s16, $0xb8;
	[tilespmem:$0x17000] =	vst v63  }
0xd6: {  	_ =	swait.ge [sflag:s19], $0x1000  }
0xd7: {  	[sflag:s19] =	ssyncset.done $0x0  }
.Ltmp0:
0xd8: {  	s13 =	sadd.s32 $0x2F00, s6;
	[sflag:s19] =	ssyncadd.s32 $0xFFFFF000;
	(pc) =	sbr.rel @p0 .LBB2_2-.Ltmp0, $4  }
0xd9: {  	[spmem:s3] =	stream.indirect.scatter.add.f32 [tilespmem:s29], [sflag:$0xF], $0x20, s13, s16, $0xb8;
	[tilespmem:$0x17000] =	vst v63  }
0xda: {  	_ =	swait.ge [sflag:s28], $0x1000  }
0xdb: {  	[sflag:s28] =	ssyncset.done $0x0  }
0xdc: {  	s6 =	sadd.s32 $0x2F80, s6;
	[sflag:s28] =	ssyncadd.s32 $0xFFFFF000  }
0xdd: {  	[spmem:s3] =	stream.indirect.scatter.add.f32 [tilespmem:s31], [sflag:$0x10], $0x20, s6, s16, $0xb8;
	[tilespmem:$0x17000] =	vst v63  }
0xde: {  	_ =	swait.ge [sflag:s5], $0x1000  }
0xdf: {  	[sflag:s5] =	ssyncset.done $0x0  }
0xe0: {  	[sflag:s5] =	ssyncadd.s32 $0xFFFFF000  }
0xe1: {  	_ =	swait.ge [sflag:s7], $0x1000  }
0xe2: {  	[sflag:s7] =	ssyncset.done $0x0  }
0xe3: {  	[sflag:s7] =	ssyncadd.s32 $0xFFFFF000  }
0xe4: {  	_ =	swait.ge [sflag:s8], $0x1000  }
0xe5: {  	[sflag:s8] =	ssyncset.done $0x0  }
0xe6: {  	[sflag:s8] =	ssyncadd.s32 $0xFFFFF000  }
0xe7: {  	_ =	swait.ge [sflag:s9], $0x1000  }
0xe8: {  	[sflag:s9] =	ssyncset.done $0x0  }
0xe9: {  	[sflag:s9] =	ssyncadd.s32 $0xFFFFF000  }
0xea: {  	_ =	swait.ge [sflag:s15], $0x1000  }
0xeb: {  	[sflag:s15] =	ssyncset.done $0x0  }
0xec: {  	[sflag:s15] =	ssyncadd.s32 $0xFFFFF000  }
0xed: {  	_ =	swait.ge [sflag:s10], $0x1000  }
0xee: {  	[sflag:s10] =	ssyncset.done $0x0  }
0xef: {  	[sflag:s10] =	ssyncadd.s32 $0xFFFFF000  }
0xf0: {  	_ =	swait.ge [sflag:s11], $0x1000  }
0xf1: {  	[sflag:s11] =	ssyncset.done $0x0  }
0xf2: {  	[sflag:s11] =	ssyncadd.s32 $0xFFFFF000  }
0xf3: {  	_ =	swait.ge [sflag:s12], $0x1000  }
0xf4: {  	[sflag:s12] =	ssyncset.done $0x0  }
0xf5: {  	[sflag:s12] =	ssyncadd.s32 $0xFFFFF000  }
0xf6: {  	[bflag:$0x0] =	sbarrier.arrive $0xFFFF  }
0xf7: {  	s4 =	rddreg [dreg:$0x5]  }
0xf8: {  	s13 =	rddreg [dreg:$0x9]  }
0xf9: {  	s14 =	rddreg [dreg:$0xc]  }
0xfa: {  	[hbm:s13], [sflag:s4] =	dma.local [spmem:s14], $0xA00  }
0xfb: {  	s4 =	simm.s32 $0x11  }
0xfc: {  	_ =	swait.ge [sflag:s4], $0xA00  }
0xfd: {  	s13 =	rddreg [dreg:$0xd]  }
0xfe: {  	s14 =	rddreg [dreg:$0xa];
	s13 =	sadd.s32 $0x1, s13  }
0xff: {  	p0 =	sne.s32 s13, s14  }
.Ltmp1:
0x100: {  	_ = 	snop;
	(pc) =	sbr.rel @p0 .LBB2_1-.Ltmp1, $3  }
0x101: {  	_ =	sdelay $0x1  }
0x102: {  	[sflag:s4] =	ssyncset.done $0x0  }
0x103: {  	[sflag:s4] =	ssyncadd.s32 $0xFFFFF600  }
0x104: {  	_ =	sfence.sel $0x180000  }
0x105: {  	[bflag:$0x0] =	sbarrier.arrive $0xFFFF  }
0x106: {  	_ =	strace $0x9000004D  }
0x107: {  	s0 =	stileid.u32;
	[bflag:$0x2] =	sbarrier.arrive $0xFFFF  }
0x108: {  	p0 =	sne.s32 s0, $0x0;
	s0 =	rddreg [dreg:$0x3]  }
0x109: {  	s0 =	sadd.s32 @!p0 $0x100000, s0  }
0x10a: {  	[sflag:s0] =	ssyncadd.tile.s32 @!p0 $0x1;
	_ =	shalt  }
.Lfunc_end2:
_tile_overlayer_lowered:
.L_overlay_start_2:
0x10b: {  	(tag) =	ssettag $0x2  }
0x10c: {  	s0 =	rddreg [dreg:$0x0];
	s2 =	stileid.u32  }
0x10d: {  	s1 =	rddreg [dreg:$0x1];
	p0 =	sne.s32 s2, $0x0  }
0x10e: {  	s3 =	rddreg [dreg:$0x2];
	[bflag:$0x3] =	sbarrier.arrive $0xFFFF;
	s2 =	simm.s32 @!p0 $0x1C11  }
0x10f: {  	[timem:s3], [sflag:s2] =	dma.local @!p0 [hbm:s0], s1  }
0x110: {  	s0 =	simm.s32 @!p0 $0x11  }
0x111: {  	_ =	swait.ge @!p0 [sflag:s0], s1  }
0x112: {  	s1 =	ssub.s32 @!p0 $0x0, s1;
	[sflag:s0] =	ssyncset.done @!p0 $0x0  }
0x113: {  	[sflag:s0] =	ssyncadd.s32 @!p0 s1  }
0x114: {  	[bflag:$0x3] =	sbarrier.arrive $0xFFFF  }
0x115: {  	_ =	shalt  }

// kernel: kernel.20.cloned.1.call-start
scs
__scs_entry_jumppad:
0x0: {  	(pc) =	sbr.rel $0x88, $3  }
0x1: {  	(tag) =	ssettag $0x0;
	lr =	simm.s32 $0x1  }
0x2: {  	[smem:$0x3F91] =	sst lr;
	_ =	strace $0xD0000000  }
0x3: {  	_ = 	snop  }
0x4: {  	_ = 	snop  }
0x5: {  	_ = 	snop  }
0x6: {  	_ = 	snop  }
0x7: {  	_ = 	snop  }
__scs_overlays_trampoline_lowered:
0x8: {  	[smem:$0x3FA0] =	sst s0  }
0x9: {  	[smem:$0x3FA1] =	sst s1  }
0xa: {  	[smem:$0x3FA2] =	sst s2  }
0xb: {  	[smem:$0x3FA3] =	sst s3  }
0xc: {  	[smem:$0x3FA4] =	sst s4  }
0xd: {  	[smem:$0x3FA5] =	sst s5  }
0xe: {  	[smem:$0x3FA6] =	sst s6  }
0xf: {  	[smem:$0x3FA7] =	sst s7  }
0x10: {  	[smem:$0x3FA8] =	sst s8  }
0x11: {  	[smem:$0x3FA9] =	sst s9;
	s0 =	simm.s32 @!p0 $0x0  }
0x12: {  	s1 =	sld [smem:$0x3F8F];
	s0 =	simm.s32 @p0 $0x1  }
0x13: {  	[smem:$0x3FAA] =	sst s0;
	s0 =	simm.s32 @!p1 $0x0  }
0x14: {  	s2 =	sld [smem:$0x3F8E];
	s0 =	simm.s32 @p1 $0x1  }
0x15: {  	[smem:$0x3FAB] =	sst s0;
	s0 =	simm.s32 @!p2 $0x0  }
0x16: {  	s3 =	sld [smem:$0x3FDB];
	s0 =	simm.s32 @p2 $0x1  }
0x17: {  	s4 =	simm.s32 $0x1BF5;
	[smem:$0x3FAD] =	sst s0  }
0x18: {  	s0 =	sld [smem:$0x3F90];
	_ =	swait.ge [sflag:s4], $0x0  }
0x19: {  	s7 =	sld [smem:$0x3F91]  }
0x1a: {  	s8 =	sadd.s32 $0xFFFFE003, lr  }
0x1b: {  	s9 =	sadd.s32 $0xFFFFFEF7, lr;
	s5 =	simm.s32 $0xFFFFFFFF;
	p2 =	slt.u32 s8, $0xFFFFF086  }
0x1c: {  	p1 =	slt.u32 s9, $0xF7A;
	s5 =	simm.s32 @!p2 $0x0  }
0x1d: {  	s5 =	simm.s32 @p1 $0x1;
	p0 =	seq.s32 s7, s2  }
0x1e: {  	s7 =	smul.u32 @!p0 $0xF7A, s2;
	p2 =	seq.s32 @!p0 s5, $0x0  }
0x1f: {  	s9 =	smul.u32 $0xF7A, s1;
	s8 =	simm.s32 @!p0 $0x1BF5;
	p2 =	por !p2, p0  }
0x20: {  	[sflag:s8] =	ssyncset.s32 @!p0 $0xFFFFF086;
	s6 =	sadd.s32 @!p0 s3, s7;
	s7 =	simm.s32 @!p0 $0x108  }
0x21: {  	s3 =	sadd.s32 s3, s9;
	s6 =	sadd.s32 @!p0 $0x88, s6;
	s7 =	simm.s32 @p2 $0x1082  }
0x22: {  	[simem:s7], [sflag:s8] =	dma.local @!p0 [hbm:s6], $0xF7A  }
0x23: {  	s9 =	sor.u32 $0xD0000000, s2;
	s6 =	simm.s32 $0x108;
	_ =	swait.ge @!p0 [sflag:s8], $0x0  }
0x24: {  	s3 =	sadd.s32 $0x88, s3;
	s6 =	simm.s32 @!p1 $0x1082;
	[sflag:s4] =	ssyncset.s32 $0xFFFFF086  }
0x25: {  	[simem:s6], [sflag:s4] =	dma.local [hbm:s3], $0xF7A  }
0x26: {  	[smem:$0x3F91] =	sst s1;
	(tag) =	ssettag s2;
	_ =	strace s9  }
0x27: {  	s1 =	sld [smem:$0x3FA1]  }
0x28: {  	s2 =	sld [smem:$0x3FA2]  }
0x29: {  	s4 =	sld [smem:$0x3FA4]  }
0x2a: {  	p0 =	seq.s32 s5, $0x0;
	s5 =	sld [smem:$0x3FA5]  }
0x2b: {  	s6 =	sld [smem:$0x3FA6]  }
0x2c: {  	s7 =	sld [smem:$0x3FA7]  }
0x2d: {  	s3 =	simm.s32 $0x108;
	s8 =	sld [smem:$0x3FA8]  }
0x2e: {  	s3 =	simm.s32 @!p0 $0x1082;
	s9 =	sld [smem:$0x3FA9]  }
0x2f: {  	lr =	sadd.s32 s0, s3;
	s0 =	sld [smem:$0x3FA0]  }
0x30: {  	s3 =	sld [smem:$0x3FA3]  }
0x31: {  	[smem:$0x3FAC] =	sst s10  }
0x32: {  	s10 =	sld [smem:$0x3FAA];
	_ =	sdelay $0x3  }
0x33: {  	p0 =	seq.s32 s10, $0x1;
	s10 =	sld [smem:$0x3FAC];
	_ =	sdelay $0x3  }
0x34: {  	[smem:$0x3FAC] =	sst s10  }
0x35: {  	s10 =	sld [smem:$0x3FAB];
	_ =	sdelay $0x3  }
0x36: {  	p1 =	seq.s32 s10, $0x1;
	s10 =	sld [smem:$0x3FAC];
	_ =	sdelay $0x3  }
0x37: {  	[smem:$0x3FAC] =	sst s10  }
0x38: {  	s10 =	sld [smem:$0x3FAD]  }
0x39: {  	_ = 	snop;
	(pc) =	sbr.ind lr, $3  }
0x3a: {  	_ = 	snop  }
0x3b: {  	_ = 	snop  }
0x3c: {  	p2 =	seq.s32 s10, $0x1;
	s10 =	sld [smem:$0x3FAC]  }
0x3d: {  	_ =	shalt  }
0x3e: {  	_ =	shalt  }
0x3f: {  	_ =	shalt  }
0x40: {  	_ =	shalt  }
0x41: {  	_ =	shalt  }
0x42: {  	_ =	shalt  }
0x43: {  	_ =	shalt  }
0x44: {  	_ =	shalt  }
0x45: {  	_ =	shalt  }
0x46: {  	_ =	shalt  }
0x47: {  	_ =	shalt  }
0x48: {  	_ =	shalt  }
0x49: {  	_ =	shalt  }
0x4a: {  	_ =	shalt  }
0x4b: {  	_ =	shalt  }
0x4c: {  	_ =	shalt  }
0x4d: {  	_ =	shalt  }
0x4e: {  	_ =	shalt  }
0x4f: {  	_ =	shalt  }
0x50: {  	_ =	shalt  }
0x51: {  	_ =	shalt  }
0x52: {  	_ =	shalt  }
0x53: {  	_ =	shalt  }
0x54: {  	_ =	shalt  }
0x55: {  	_ =	shalt  }
0x56: {  	_ =	shalt  }
0x57: {  	_ =	shalt  }
0x58: {  	_ =	shalt  }
0x59: {  	_ =	shalt  }
0x5a: {  	_ =	shalt  }
0x5b: {  	_ =	shalt  }
0x5c: {  	_ =	shalt  }
0x5d: {  	_ =	shalt  }
0x5e: {  	_ =	shalt  }
0x5f: {  	_ =	shalt  }
0x60: {  	_ =	shalt  }
0x61: {  	_ =	shalt  }
0x62: {  	_ =	shalt  }
0x63: {  	_ =	shalt  }
0x64: {  	_ =	shalt  }
0x65: {  	_ =	shalt  }
0x66: {  	_ =	shalt  }
0x67: {  	_ =	shalt  }
0x68: {  	_ =	shalt  }
0x69: {  	_ =	shalt  }
0x6a: {  	_ =	shalt  }
0x6b: {  	_ =	shalt  }
0x6c: {  	_ =	shalt  }
0x6d: {  	_ =	shalt  }
0x6e: {  	_ =	shalt  }
0x6f: {  	_ =	shalt  }
0x70: {  	_ =	shalt  }
0x71: {  	_ =	shalt  }
0x72: {  	_ =	shalt  }
0x73: {  	_ =	shalt  }
0x74: {  	_ =	shalt  }
0x75: {  	_ =	shalt  }
0x76: {  	_ =	shalt  }
0x77: {  	_ =	shalt  }
0x78: {  	_ =	shalt  }
0x79: {  	_ =	shalt  }
0x7a: {  	_ =	shalt  }
0x7b: {  	_ =	shalt  }
0x7c: {  	_ =	shalt  }
0x7d: {  	_ =	shalt  }
0x7e: {  	_ =	shalt  }
0x7f: {  	_ =	shalt  }
0x80: {  	_ =	shalt  }
0x81: {  	_ =	shalt  }
0x82: {  	_ =	shalt  }
0x83: {  	_ =	shalt  }
0x84: {  	_ =	shalt  }
0x85: {  	_ =	shalt  }
0x86: {  	_ =	shalt  }
0x87: {  	_ =	shalt  }
.Lfunc_end0:
.L_simem_size_0:
called_computation.3_lowered:
.L_overlay_start_0:
0x88: {  	s2 =	sld [smem:$0x3FD9]  }
0x89: {  	s3 =	sld [smem:$0x3FFE];
	_ =	sdelay $0x1  }
0x8a: {  	s1 =	srdreg.scid  }
0x8b: {  	s0 =	sand.u32 $0x1, s1  }
0x8c: {  	s17 =	sshll.u32 s0, $0xA;
	s2 =	sadd.s32 s3, s2  }
0x8d: {  	s2 =	sadd.s32 s2, s17  }
0x8e: {  	[smem:$0x3FB8] =	sst s2  }
0x8f: {  	_ = 	snop  }
0x90: {  	(tm) =	ssettm $0x1  }
0x91: {  	s18 =	sld [smem:$0x3FFB];
	_ =	sdelay $0x3  }
0x92: {  	_ =	strace s18  }
0x93: {  	s2 =	sld [smem:$0x3FFC];
	_ =	sdelay $0x3  }
0x94: {  	_ =	strace s2  }
0x95: {  	s2 =	sld [smem:$0x3FFD];
	_ =	sdelay $0x3  }
0x96: {  	_ =	strace s2  }
0x97: {  	_ =	strace $0x8FFFFFFF  }
0x98: {  	s19 =	sld [smem:$0x3FDB];
	_ =	sdelay $0x1  }
0x99: {  	s20 =	simm.s32 $_scs_section_size  }
0x9a: {  	s4 =	simm.s32 $_size__tile_overlayer_lowered;
	s5 =	simm.s32 $_tile_overlayer_lowered  }
0x9b: {  	s6 =	simm.s32 $0x1BFF;
	s21 =	sshll.u32 s5, $0x1;
	s3 =	sadd.s32 s20, s19  }
0x9c: {  	s22 =	simm.s32 $0x0;
	s4 =	sshll.u32 s4, $0x1;
	s5 =	sadd.s32 s21, s3  }
0x9d: {  	[timem:s22], [sflag:s6] =	dma.local [hbm:s5], s4  }
0x9e: {  	_ =	swait.ge [sflag:s6], s4  }
0x9f: {  	s4 =	ssub.s32 $0x0, s4;
	[sflag:s6] =	ssyncset.done $0x0  }
0xa0: {  	[sflag:s6] =	ssyncadd.s32 s4;
	_ =	sdelay $0x1  }
0xa1: {  	s23 =	simm.s32 $0x1B8B  }
0xa2: {  	_ =	swait.ge [sflag:s23], $0x1  }
0xa3: {  	[sflag:s23] =	ssyncset.done $0x0  }
0xa4: {  	[sflag:s23] =	ssyncadd.s32 $0xFFFFFFFF  }
0xa5: {  	s4 =	sld [smem:$0x0]  }
0xa6: {  	s5 =	sand.u32 $0xFFFFFFFE, s1  }
0xa7: {  	p0 =	sne.s32 s1, s5  }
0xa8: {  	s5 =	sshll.u32 @p0 s5, $0xE  }
0xa9: {  	s5 =	sadd.s32 @p0 $0x11B8D, s5;
	s6 =	sshll.u32 @p0 s4, $0x11  }
0xaa: {  	s5 =	sor.u32 @p0 s6, s5  }
0xab: {  	[sflag:s5] =	ssyncadd.remote.s32 @p0 $0x1;
	_ =	sdelay $0x1  }
0xac: {  	s5 =	simm.s32 @p0 $0x1B8D  }
0xad: {  	_ =	swait.eq @p0 [sflag:s5], $0x1  }
0xae: {  	[sflag:s5] =	ssyncadd.s32 @p0 $0xFFFFFFFF  }
0xaf: {  	s6 =	sshll.u32 @!p0 s1, $0xE  }
0xb0: {  	s6 =	sor.u32 @!p0 $0x4000, s6;
	s5 =	simm.s32 @!p0 $0x1B8D  }
0xb1: {  	s4 =	sshll.u32 @!p0 s4, $0x11;
	s6 =	sadd.s32 @!p0 $0x11B8D, s6;
	_ =	swait.eq @!p0 [sflag:s5], $0x1  }
0xb2: {  	s4 =	sor.u32 @!p0 s4, s6;
	[sflag:s5] =	ssyncadd.s32 @!p0 $0xFFFFFFFF  }
0xb3: {  	s25 =	simm.s32 $0x1B8E;
	s24 =	sld [smem:$0x3FFE];
	[sflag:s4] =	ssyncadd.remote.s32 @!p0 $0x1  }
0xb4: {  	s26 =	simm.s32 $execute0_lowered;
	[smem:$0x3FD2] =	sst s25  }
0xb5: {  	s5 =	sshll.u32 s26, $0x1;
	_ =	strace $0x80000052;
	[dreg:$0x1] =	wrdreg $0xFFFFFFFF  }
0xb6: {  	s28 =	simm.s32 $_size_execute0_lowered;
	s3 =	sadd.s32 s3, s5;
	[dreg:$0x0] =	wrdreg $0x0  }
0xb7: {  	s5 =	sshll.u32 s28, $0x1;
	[dreg:$0x2] =	wrdreg s3  }
0xb8: {  	[dreg:$0x3] =	wrdreg s5  }
0xb9: {  	[dreg:$0x4] =	wrdreg $0xC0  }
0xba: {  	_ =	task [dreg:s22], $0x5FFFF  }
0xbb: {  	[dreg:$0x1] =	wrdreg $0xFFFFFFFF  }
0xbc: {  	[dreg:$0x0] =	wrdreg $0x60  }
0xbd: {  	[dreg:$0x2] =	wrdreg s24  }
0xbe: {  	[dreg:$0x3] =	wrdreg $0xA0000  }
0xbf: {  	[dreg:$0x4] =	wrdreg $0x50000  }
0xc0: {  	[dreg:$0x5] =	wrdreg $0x9  }
0xc1: {  	_ =	task.clear_ibuf [dreg:s22], $0x6FFFF;
	_ =	strace $0x90000052  }
0xc2: {  	s29 =	simm.s32 $0x9;
	_ =	strace $0x80000054  }
0xc3: {  	_ =	swait.ge [sflag:s29], $0x1  }
0xc4: {  	[sflag:s29] =	ssyncadd.s32 $0xFFFFFFFF  }
0xc5: {  	_ =	strace $0x90000054  }
0xc6: {  	_ =	sfence  }
0xc7: {  	s30 =	sld [smem:$0x0];
	_ =	sdelay $0x2  }
0xc8: {  	s31 =	sshll.u32 s1, $0xD;
	s1 =	sshrl.u32 s1, $0x2  }
0xc9: {  	s4 =	sand.u32 $0x4000, s31;
	s1 =	sadd.s32 s1, s30  }
0xca: {  	s0 =	sor.u32 s4, s0;
	s1 =	sshll.u32 s1, $0x11  }
0xcb: {  	s0 =	sor.u32 s1, s0  }
0xcc: {  	s0 =	sadd.s32 $0x8F2B, s0  }
0xcd: {  	[sflag:s0] =	ssyncadd.remote.s32 $0x1  }
0xce: {  	_ =	sfence.sel $0xFFFF  }
0xcf: {  	[dreg:$0x0] =	wrdreg $0xFFFFFFFF;
	(pc) =	sbr.abs _section_cstart, $3  }
0xd0: {  	[dreg:$0x1] =	wrdreg $0xFFFFFFFF  }
0xd1: {  	_ =	task.clear_ibuf [dreg:s22], $0x2FFFF;
	_ =	strace $0x9FFFFFFF  }
0xd2: {  	(tm) =	ssettm $0x7FFFFFFF  }
0xd3: {  	_ =	shalt  }
tec
execute0_lowered:
.L_overlay_start_1:
0x0: {  	(tag) =	ssettag $0x1  }
0x1: {  	s0 =	srdreg.scid;
	s4 =	rddreg [dreg:$0x0]  }
0x2: {  	s8 =	stileid.u32;
	s2 =	rddreg [dreg:$0x1]  }
0x3: {  	s3 =	rddreg [dreg:$0x2];
	s7 =	simm.s32 $0x0;
	s16 =	simm.s32 $0x80  }
0x4: {  	s17 =	simm.s32 $0xF000;
	s18 =	simm.s32 $0x10000;
	s20 =	simm.s32 $0x11000  }
0x5: {  	s29 =	simm.s32 $0x15000;
	s31 =	simm.s32 $0x16000;
	s30 =	simm.s32 $0x5  }
0x6: {  	s19 =	simm.s32 $0x7;
	s28 =	simm.s32 $0x8;
	s15 =	simm.s32 $0xD  }
0x7: {  	s10 =	simm.s32 $0xE;
	s11 =	simm.s32 $0xF;
	s12 =	simm.s32 $0x10  }
0x8: {  	s13 =	simm.s32 $0x0;
	s0 =	sand.u32 $0x1, s0;
	s5 =	smul.u32 $0x5000, s8  }
0x9: {  	[smem:$0x7FF] =	sst s7;
	s1 =	sshll.u32 s0, $0x4;
	s6 =	smul.u32 $0x50000, s0  }
0xa: {  	_ =	strace $0x80000053;
	s0 =	ssub.s32 $0x2, s0;
	s1 =	sor.u32 s8, s1  }
0xb: {  	s21 =	sshrl.u32 s5, $0x3;
	s22 =	sshrl.u32 s0, $0x1;
	s23 =	sadd.s32 s5, s2  }
0xc: {  	s8 =	sshll.u32 s8, $0x6;
	s1 =	smul.u32 $0x500, s1;
	s6 =	sadd.s32 s5, s6  }
0xd: {  	s7 =	sadd.s32 s21, s4;
	s0 =	ssub.s32 s0, s22;
	s8 =	sor.u32 $0x1C11, s8  }
0xe: {  	s5 =	sadd.s32 s5, s3;
	s26 =	sshrl.u32 s23, $0x3;
	s22 =	simm.s32 $0x12000  }
0xf: {  	s21 =	simm.s32 $0x3;
	s23 =	simm.s32 $0x6;
	[dreg:$0x5] =	wrdreg s8  }
0x10: {  	s6 =	sshrl.u32 s6, $0x3;
	s9 =	sadd.s32 $0x44600, s7;
	[dreg:$0xb] =	wrdreg s26  }
0x11: {  	s7 =	sadd.s32 $0x26600, s7;
	s0 =	smax.u32 s0, $0x1;
	[dreg:$0x4] =	wrdreg s9  }
0x12: {  	s14 =	sshrl.u32 s5, $0x3;
	s26 =	simm.s32 $0x14000;
	[dreg:$0x6] =	wrdreg s7  }
0x13: {  	s5 =	simm.s32 $0x9;
	s1 =	sadd.s32 s1, s4;
	[dreg:$0xa] =	wrdreg s0  }
0x14: {  	s8 =	simm.s32 $0xB;
	[dreg:$0xc] =	wrdreg s14;
	s24 =	sadd.s32 $0x12600, s1  }
0x15: {  	s4 =	sadd.s32 s6, s4;
	s1 =	sadd.s32 $0x3400, s1;
	[dreg:$0x7] =	wrdreg s24  }
0x16: {  	s0 =	simm.s32 $0x2;
	s25 =	sadd.s32 $0x4E600, s4;
	[dreg:$0x8] =	wrdreg s1  }
0x17: {  	s7 =	simm.s32 $0xA;
	s9 =	simm.s32 $0xC;
	[dreg:$0x9] =	wrdreg s25  }
0x18: {  	s24 =	simm.s32 $0x13000;
	s1 =	simm.s32 $0x1;
	s25 =	simm.s32 $0x4  }
.LBB2_1:
0x19: {  	[dreg:$0xd] =	wrdreg s13  }
0x1a: {  	s6 =	rddreg [dreg:$0x4]  }
0x1b: {  	s14 =	rddreg [dreg:$0xb]  }
0x1c: {  	s4 =	simm.s32 $0x11;
	s13 =	rddreg [dreg:$0x5]  }
0x1d: {  	[spmem:s14], [sflag:s13] =	dma.local [hbm:s6], $0xA00  }
0x1e: {  	_ =	swait.ge [sflag:s4], $0xA00  }
0x1f: {  	[sflag:s4] =	ssyncset.done $0x0;
	s6 =	rddreg [dreg:$0x6]  }
0x20: {  	s14 =	rddreg [dreg:$0xc];
	[sflag:s4] =	ssyncadd.s32 $0xFFFFF600  }
0x21: {  	[spmem:s14], [sflag:s13] =	dma.local [hbm:s6], $0xA00  }
0x22: {  	_ =	swait.ge [sflag:s4], $0xA00  }
0x23: {  	[sflag:s4] =	ssyncset.done $0x0  }
0x24: {  	s6 =	simm.s32 $0x0;
	s14 =	rddreg [dreg:$0x7];
	[sflag:s4] =	ssyncadd.s32 $0xFFFFF600  }
0x25: {  	[tilespmem:s6], [sflag:$0x11] =	stream.linear.gather [hbm4b:s14+s6], $0x2800, $0x38;
	[tilespmem:$0x17000] =	vst v63  }
0x26: {  	_ =	swait.ge [sflag:s4], $0x2800  }
0x27: {  	[sflag:s4] =	ssyncset.done $0x0  }
0x28: {  	s14 =	simm.s32 $0x2800;
	s13 =	rddreg [dreg:$0x8];
	[sflag:s4] =	ssyncadd.s32 $0xFFFFD800  }
0x29: {  	[tilespmem:s14], [sflag:$0x11] =	stream.linear.gather [hbm4b:s13+s6], $0x2800, $0x38;
	[tilespmem:$0x17000] =	vst v63  }
0x2a: {  	_ =	swait.ge [sflag:s4], $0x2800  }
0x2b: {  	[sflag:s4] =	ssyncset.done $0x0  }
0x2c: {  	[sflag:s4] =	ssyncadd.s32 $0xFFFFD800  }
0x2d: {  	[bflag:$0x0] =	sbarrier.arrive $0xFFFF  }
0x2e: {  	[tilespmem:s17], [sflag:$0x1] =	stream.indirect.gather [spmem:s2], $0x20, s6, s16, $0xb8;
	[tilespmem:$0x17000] =	vst v63  }
0x2f: {  	_ = 	snop  }
0x30: {  	[tilespmem:s18], [sflag:$0x2] =	stream.indirect.gather [spmem:s2], $0x20, s16, s16, $0xb8;
	[tilespmem:$0x17000] =	vst v63  }
0x31: {  	s6 =	simm.s32 $0x100  }
0x32: {  	[tilespmem:s20], [sflag:$0x3] =	stream.indirect.gather [spmem:s2], $0x20, s6, s16, $0xb8;
	[tilespmem:$0x17000] =	vst v63  }
0x33: {  	s13 =	simm.s32 $0x180  }
0x34: {  	[tilespmem:s22], [sflag:$0x4] =	stream.indirect.gather [spmem:s2], $0x20, s13, s16, $0xb8;
	[tilespmem:$0x17000] =	vst v63  }
0x35: {  	s6 =	simm.s32 $0x200  }
0x36: {  	[tilespmem:s24], [sflag:$0x5] =	stream.indirect.gather [spmem:s2], $0x20, s6, s16, $0xb8;
	[tilespmem:$0x17000] =	vst v63  }
0x37: {  	s13 =	simm.s32 $0x280  }
0x38: {  	[tilespmem:s26], [sflag:$0x6] =	stream.indirect.gather [spmem:s2], $0x20, s13, s16, $0xb8;
	[tilespmem:$0x17000] =	vst v63  }
0x39: {  	s6 =	simm.s32 $0x300  }
0x3a: {  	[tilespmem:s29], [sflag:$0x7] =	stream.indirect.gather [spmem:s2], $0x20, s6, s16, $0xb8;
	[tilespmem:$0x17000] =	vst v63  }
0x3b: {  	s13 =	simm.s32 $0x380  }
0x3c: {  	[tilespmem:s31], [sflag:$0x8] =	stream.indirect.gather [spmem:s2], $0x20, s13, s16, $0xb8;
	[tilespmem:$0x17000] =	vst v63  }
0x3d: {  	_ =	swait.ge [sflag:s1], $0x1000  }
0x3e: {  	[sflag:s1] =	ssyncset.done $0x0  }
0x3f: {  	[sflag:s1] =	ssyncadd.s32 $0xFFFFF000  }
0x40: {  	[spmem:s3] =	stream.indirect.scatter.add.f32 [tilespmem:s17], [sflag:$0x9], $0x20, s14, s16, $0xb8;
	[tilespmem:$0x17000] =	vst v63  }
0x41: {  	_ =	swait.ge [sflag:s0], $0x1000  }
0x42: {  	[sflag:s0] =	ssyncset.done $0x0  }
0x43: {  	s14 =	simm.s32 $0x2880;
	[sflag:s0] =	ssyncadd.s32 $0xFFFFF000  }
0x44: {  	[spmem:s3] =	stream.indirect.scatter.add.f32 [tilespmem:s18], [sflag:$0xA], $0x20, s14, s16, $0xb8;
	[tilespmem:$0x17000] =	vst v63  }
0x45: {  	_ =	swait.ge [sflag:s21], $0x1000  }
0x46: {  	[sflag:s21] =	ssyncset.done $0x0  }
0x47: {  	s6 =	simm.s32 $0x2900;
	[sflag:s21] =	ssyncadd.s32 $0xFFFFF000  }
0x48: {  	[spmem:s3] =	stream.indirect.scatter.add.f32 [tilespmem:s20], [sflag:$0xB], $0x20, s6, s16, $0xb8;
	[tilespmem:$0x17000] =	vst v63  }
0x49: {  	_ =	swait.ge [sflag:s25], $0x1000  }
0x4a: {  	[sflag:s25] =	ssyncset.done $0x0  }
0x4b: {  	s13 =	simm.s32 $0x2980;
	[sflag:s25] =	ssyncadd.s32 $0xFFFFF000  }
0x4c: {  	[spmem:s3] =	stream.indirect.scatter.add.f32 [tilespmem:s22], [sflag:$0xC], $0x20, s13, s16, $0xb8;
	[tilespmem:$0x17000] =	vst v63  }
0x4d: {  	_ =	swait.ge [sflag:s30], $0x1000  }
0x4e: {  	[sflag:s30] =	ssyncset.done $0x0  }
0x4f: {  	s14 =	simm.s32 $0x2A00;
	[sflag:s30] =	ssyncadd.s32 $0xFFFFF000  }
0x50: {  	[spmem:s3] =	stream.indirect.scatter.add.f32 [tilespmem:s24], [sflag:$0xD], $0x20, s14, s16, $0xb8;
	[tilespmem:$0x17000] =	vst v63  }
0x51: {  	_ =	swait.ge [sflag:s23], $0x1000  }
0x52: {  	[sflag:s23] =	ssyncset.done $0x0  }
0x53: {  	s6 =	simm.s32 $0x2A80;
	[sflag:s23] =	ssyncadd.s32 $0xFFFFF000  }
0x54: {  	[spmem:s3] =	stream.indirect.scatter.add.f32 [tilespmem:s26], [sflag:$0xE], $0x20, s6, s16, $0xb8;
	[tilespmem:$0x17000] =	vst v63  }
0x55: {  	_ =	swait.ge [sflag:s19], $0x1000  }
0x56: {  	[sflag:s19] =	ssyncset.done $0x0  }
0x57: {  	s13 =	simm.s32 $0x2B00;
	[sflag:s19] =	ssyncadd.s32 $0xFFFFF000  }
0x58: {  	[spmem:s3] =	stream.indirect.scatter.add.f32 [tilespmem:s29], [sflag:$0xF], $0x20, s13, s16, $0xb8;
	[tilespmem:$0x17000] =	vst v63  }
0x59: {  	_ =	swait.ge [sflag:s28], $0x1000  }
0x5a: {  	[sflag:s28] =	ssyncset.done $0x0  }
0x5b: {  	s14 =	simm.s32 $0x2B80;
	[sflag:s28] =	ssyncadd.s32 $0xFFFFF000  }
0x5c: {  	[spmem:s3] =	stream.indirect.scatter.add.f32 [tilespmem:s31], [sflag:$0x10], $0x20, s14, s16, $0xb8;
	[tilespmem:$0x17000] =	vst v63  }
0x5d: {  	_ =	swait.ge [sflag:s5], $0x1000  }
0x5e: {  	[sflag:s5] =	ssyncset.done $0x0  }
0x5f: {  	s4 =	simm.s32 $0x400;
	[sflag:s5] =	ssyncadd.s32 $0xFFFFF000  }
0x60: {  	[tilespmem:s17], [sflag:$0x1] =	stream.indirect.gather [spmem:s2], $0x20, s4, s16, $0xb8;
	[tilespmem:$0x17000] =	vst v63  }
0x61: {  	_ =	swait.ge [sflag:s7], $0x1000  }
0x62: {  	[sflag:s7] =	ssyncset.done $0x0  }
0x63: {  	s13 =	simm.s32 $0x480;
	[sflag:s7] =	ssyncadd.s32 $0xFFFFF000  }
0x64: {  	[tilespmem:s18], [sflag:$0x2] =	stream.indirect.gather [spmem:s2], $0x20, s13, s16, $0xb8;
	[tilespmem:$0x17000] =	vst v63  }
0x65: {  	_ =	swait.ge [sflag:s8], $0x1000  }
0x66: {  	[sflag:s8] =	ssyncset.done $0x0  }
0x67: {  	s14 =	simm.s32 $0x500;
	[sflag:s8] =	ssyncadd.s32 $0xFFFFF000  }
0x68: {  	[tilespmem:s20], [sflag:$0x3] =	stream.indirect.gather [spmem:s2], $0x20, s14, s16, $0xb8;
	[tilespmem:$0x17000] =	vst v63  }
0x69: {  	_ =	swait.ge [sflag:s9], $0x1000  }
0x6a: {  	[sflag:s9] =	ssyncset.done $0x0  }
0x6b: {  	s4 =	simm.s32 $0x580;
	[sflag:s9] =	ssyncadd.s32 $0xFFFFF000  }
0x6c: {  	[tilespmem:s22], [sflag:$0x4] =	stream.indirect.gather [spmem:s2], $0x20, s4, s16, $0xb8;
	[tilespmem:$0x17000] =	vst v63  }
0x6d: {  	_ =	swait.ge [sflag:s15], $0x1000  }
0x6e: {  	[sflag:s15] =	ssyncset.done $0x0  }
0x6f: {  	s13 =	simm.s32 $0x600;
	[sflag:s15] =	ssyncadd.s32 $0xFFFFF000  }
0x70: {  	[tilespmem:s24], [sflag:$0x5] =	stream.indirect.gather [spmem:s2], $0x20, s13, s16, $0xb8;
	[tilespmem:$0x17000] =	vst v63  }
0x71: {  	_ =	swait.ge [sflag:s10], $0x1000  }
0x72: {  	[sflag:s10] =	ssyncset.done $0x0  }
0x73: {  	s14 =	simm.s32 $0x680;
	[sflag:s10] =	ssyncadd.s32 $0xFFFFF000  }
0x74: {  	[tilespmem:s26], [sflag:$0x6] =	stream.indirect.gather [spmem:s2], $0x20, s14, s16, $0xb8;
	[tilespmem:$0x17000] =	vst v63  }
0x75: {  	_ =	swait.ge [sflag:s11], $0x1000  }
0x76: {  	[sflag:s11] =	ssyncset.done $0x0  }
0x77: {  	s4 =	simm.s32 $0x700;
	[sflag:s11] =	ssyncadd.s32 $0xFFFFF000  }
0x78: {  	[tilespmem:s29], [sflag:$0x7] =	stream.indirect.gather [spmem:s2], $0x20, s4, s16, $0xb8;
	[tilespmem:$0x17000] =	vst v63  }
0x79: {  	_ =	swait.ge [sflag:s12], $0x1000  }
0x7a: {  	[sflag:s12] =	ssyncset.done $0x0  }
0x7b: {  	s13 =	simm.s32 $0x780;
	[sflag:s12] =	ssyncadd.s32 $0xFFFFF000  }
0x7c: {  	[tilespmem:s31], [sflag:$0x8] =	stream.indirect.gather [spmem:s2], $0x20, s13, s16, $0xb8;
	[tilespmem:$0x17000] =	vst v63  }
0x7d: {  	_ =	swait.ge [sflag:s1], $0x1000  }
0x7e: {  	[sflag:s1] =	ssyncset.done $0x0  }
0x7f: {  	s14 =	simm.s32 $0x2C00;
	[sflag:s1] =	ssyncadd.s32 $0xFFFFF000  }
0x80: {  	[spmem:s3] =	stream.indirect.scatter.add.f32 [tilespmem:s17], [sflag:$0x9], $0x20, s14, s16, $0xb8;
	[tilespmem:$0x17000] =	vst v63  }
0x81: {  	_ =	swait.ge [sflag:s0], $0x1000  }
0x82: {  	[sflag:s0] =	ssyncset.done $0x0  }
0x83: {  	s4 =	simm.s32 $0x2C80;
	[sflag:s0] =	ssyncadd.s32 $0xFFFFF000  }
0x84: {  	[spmem:s3] =	stream.indirect.scatter.add.f32 [tilespmem:s18], [sflag:$0xA], $0x20, s4, s16, $0xb8;
	[tilespmem:$0x17000] =	vst v63  }
0x85: {  	_ =	swait.ge [sflag:s21], $0x1000  }
0x86: {  	[sflag:s21] =	ssyncset.done $0x0  }
0x87: {  	s13 =	simm.s32 $0x2D00;
	[sflag:s21] =	ssyncadd.s32 $0xFFFFF000  }
0x88: {  	[spmem:s3] =	stream.indirect.scatter.add.f32 [tilespmem:s20], [sflag:$0xB], $0x20, s13, s16, $0xb8;
	[tilespmem:$0x17000] =	vst v63  }
0x89: {  	_ =	swait.ge [sflag:s25], $0x1000  }
0x8a: {  	[sflag:s25] =	ssyncset.done $0x0  }
0x8b: {  	s14 =	simm.s32 $0x2D80;
	[sflag:s25] =	ssyncadd.s32 $0xFFFFF000  }
0x8c: {  	[spmem:s3] =	stream.indirect.scatter.add.f32 [tilespmem:s22], [sflag:$0xC], $0x20, s14, s16, $0xb8;
	[tilespmem:$0x17000] =	vst v63  }
0x8d: {  	_ =	swait.ge [sflag:s30], $0x1000  }
0x8e: {  	[sflag:s30] =	ssyncset.done $0x0  }
0x8f: {  	s4 =	simm.s32 $0x2E00;
	[sflag:s30] =	ssyncadd.s32 $0xFFFFF000  }
0x90: {  	[spmem:s3] =	stream.indirect.scatter.add.f32 [tilespmem:s24], [sflag:$0xD], $0x20, s4, s16, $0xb8;
	[tilespmem:$0x17000] =	vst v63  }
0x91: {  	_ =	swait.ge [sflag:s23], $0x1000  }
0x92: {  	[sflag:s23] =	ssyncset.done $0x0  }
0x93: {  	s13 =	simm.s32 $0x2E80;
	[sflag:s23] =	ssyncadd.s32 $0xFFFFF000  }
0x94: {  	[spmem:s3] =	stream.indirect.scatter.add.f32 [tilespmem:s26], [sflag:$0xE], $0x20, s13, s16, $0xb8;
	[tilespmem:$0x17000] =	vst v63  }
0x95: {  	_ =	swait.ge [sflag:s19], $0x1000  }
0x96: {  	[sflag:s19] =	ssyncset.done $0x0  }
0x97: {  	s14 =	simm.s32 $0x2F00;
	[sflag:s19] =	ssyncadd.s32 $0xFFFFF000  }
0x98: {  	[spmem:s3] =	stream.indirect.scatter.add.f32 [tilespmem:s29], [sflag:$0xF], $0x20, s14, s16, $0xb8;
	[tilespmem:$0x17000] =	vst v63  }
0x99: {  	_ =	swait.ge [sflag:s28], $0x1000  }
0x9a: {  	[sflag:s28] =	ssyncset.done $0x0  }
0x9b: {  	s6 =	simm.s32 $0x2F80;
	s14 =	simm.s32 $0x1000;
	[sflag:s28] =	ssyncadd.s32 $0xFFFFF000  }
.LBB2_2:
0x9c: {  	[spmem:s3] =	stream.indirect.scatter.add.f32 [tilespmem:s31], [sflag:$0x10], $0x20, s6, s16, $0xb8;
	[tilespmem:$0x17000] =	vst v63  }
0x9d: {  	s6 =	smov.u32 s14  }
0x9e: {  	p0 =	sne.s32 s14, $0x8000;
	s14 =	sadd.s32 $0x1000, s14;
	_ =	swait.ge [sflag:s5], $0x1000  }
0x9f: {  	s6 =	sshra.s32 s6, $0x2;
	[sflag:s5] =	ssyncset.done $0x0  }
0xa0: {  	s13 =	sadd.s32 $0x400, s6;
	[sflag:s5] =	ssyncadd.s32 $0xFFFFF000  }
0xa1: {  	[tilespmem:s17], [sflag:$0x1] =	stream.indirect.gather [spmem:s2], $0x20, s13, s16, $0xb8;
	[tilespmem:$0x17000] =	vst v63  }
0xa2: {  	_ =	swait.ge [sflag:s7], $0x1000  }
0xa3: {  	[sflag:s7] =	ssyncset.done $0x0  }
0xa4: {  	s13 =	sadd.s32 $0x480, s6;
	[sflag:s7] =	ssyncadd.s32 $0xFFFFF000  }
0xa5: {  	[tilespmem:s18], [sflag:$0x2] =	stream.indirect.gather [spmem:s2], $0x20, s13, s16, $0xb8;
	[tilespmem:$0x17000] =	vst v63  }
0xa6: {  	_ =	swait.ge [sflag:s8], $0x1000  }
0xa7: {  	[sflag:s8] =	ssyncset.done $0x0  }
0xa8: {  	s13 =	sadd.s32 $0x500, s6;
	[sflag:s8] =	ssyncadd.s32 $0xFFFFF000  }
0xa9: {  	[tilespmem:s20], [sflag:$0x3] =	stream.indirect.gather [spmem:s2], $0x20, s13, s16, $0xb8;
	[tilespmem:$0x17000] =	vst v63  }
0xaa: {  	_ =	swait.ge [sflag:s9], $0x1000  }
0xab: {  	[sflag:s9] =	ssyncset.done $0x0  }
0xac: {  	s13 =	sadd.s32 $0x580, s6;
	[sflag:s9] =	ssyncadd.s32 $0xFFFFF000  }
0xad: {  	[tilespmem:s22], [sflag:$0x4] =	stream.indirect.gather [spmem:s2], $0x20, s13, s16, $0xb8;
	[tilespmem:$0x17000] =	vst v63  }
0xae: {  	_ =	swait.ge [sflag:s15], $0x1000  }
0xaf: {  	[sflag:s15] =	ssyncset.done $0x0  }
0xb0: {  	s13 =	sadd.s32 $0x600, s6;
	[sflag:s15] =	ssyncadd.s32 $0xFFFFF000  }
0xb1: {  	[tilespmem:s24], [sflag:$0x5] =	stream.indirect.gather [spmem:s2], $0x20, s13, s16, $0xb8;
	[tilespmem:$0x17000] =	vst v63  }
0xb2: {  	_ =	swait.ge [sflag:s10], $0x1000  }
0xb3: {  	[sflag:s10] =	ssyncset.done $0x0  }
0xb4: {  	s13 =	sadd.s32 $0x680, s6;
	[sflag:s10] =	ssyncadd.s32 $0xFFFFF000  }
0xb5: {  	[tilespmem:s26], [sflag:$0x6] =	stream.indirect.gather [spmem:s2], $0x20, s13, s16, $0xb8;
	[tilespmem:$0x17000] =	vst v63  }
0xb6: {  	_ =	swait.ge [sflag:s11], $0x1000  }
0xb7: {  	[sflag:s11] =	ssyncset.done $0x0  }
0xb8: {  	s13 =	sadd.s32 $0x700, s6;
	[sflag:s11] =	ssyncadd.s32 $0xFFFFF000  }
0xb9: {  	[tilespmem:s29], [sflag:$0x7] =	stream.indirect.gather [spmem:s2], $0x20, s13, s16, $0xb8;
	[tilespmem:$0x17000] =	vst v63  }
0xba: {  	_ =	swait.ge [sflag:s12], $0x1000  }
0xbb: {  	[sflag:s12] =	ssyncset.done $0x0  }
0xbc: {  	s13 =	sadd.s32 $0x780, s6;
	[sflag:s12] =	ssyncadd.s32 $0xFFFFF000  }
0xbd: {  	[tilespmem:s31], [sflag:$0x8] =	stream.indirect.gather [spmem:s2], $0x20, s13, s16, $0xb8;
	[tilespmem:$0x17000] =	vst v63  }
0xbe: {  	_ =	swait.ge [sflag:s1], $0x1000  }
0xbf: {  	[sflag:s1] =	ssyncset.done $0x0  }
0xc0: {  	s13 =	sadd.s32 $0x2C00, s6;
	[sflag:s1] =	ssyncadd.s32 $0xFFFFF000  }
0xc1: {  	[spmem:s3] =	stream.indirect.scatter.add.f32 [tilespmem:s17], [sflag:$0x9], $0x20, s13, s16, $0xb8;
	[tilespmem:$0x17000] =	vst v63  }
0xc2: {  	_ =	swait.ge [sflag:s0], $0x1000  }
0xc3: {  	[sflag:s0] =	ssyncset.done $0x0  }
0xc4: {  	s13 =	sadd.s32 $0x2C80, s6;
	[sflag:s0] =	ssyncadd.s32 $0xFFFFF000  }
0xc5: {  	[spmem:s3] =	stream.indirect.scatter.add.f32 [tilespmem:s18], [sflag:$0xA], $0x20, s13, s16, $0xb8;
	[tilespmem:$0x17000] =	vst v63  }
0xc6: {  	_ =	swait.ge [sflag:s21], $0x1000  }
0xc7: {  	[sflag:s21] =	ssyncset.done $0x0  }
0xc8: {  	s13 =	sadd.s32 $0x2D00, s6;
	[sflag:s21] =	ssyncadd.s32 $0xFFFFF000  }
0xc9: {  	[spmem:s3] =	stream.indirect.scatter.add.f32 [tilespmem:s20], [sflag:$0xB], $0x20, s13, s16, $0xb8;
	[tilespmem:$0x17000] =	vst v63  }
0xca: {  	_ =	swait.ge [sflag:s25], $0x1000  }
0xcb: {  	[sflag:s25] =	ssyncset.done $0x0  }
0xcc: {  	s13 =	sadd.s32 $0x2D80, s6;
	[sflag:s25] =	ssyncadd.s32 $0xFFFFF000  }
0xcd: {  	[spmem:s3] =	stream.indirect.scatter.add.f32 [tilespmem:s22], [sflag:$0xC], $0x20, s13, s16, $0xb8;
	[tilespmem:$0x17000] =	vst v63  }
0xce: {  	_ =	swait.ge [sflag:s30], $0x1000  }
0xcf: {  	[sflag:s30] =	ssyncset.done $0x0  }
0xd0: {  	s13 =	sadd.s32 $0x2E00, s6;
	[sflag:s30] =	ssyncadd.s32 $0xFFFFF000  }
0xd1: {  	[spmem:s3] =	stream.indirect.scatter.add.f32 [tilespmem:s24], [sflag:$0xD], $0x20, s13, s16, $0xb8;
	[tilespmem:$0x17000] =	vst v63  }
0xd2: {  	_ =	swait.ge [sflag:s23], $0x1000  }
0xd3: {  	[sflag:s23] =	ssyncset.done $0x0  }
0xd4: {  	s13 =	sadd.s32 $0x2E80, s6;
	[sflag:s23] =	ssyncadd.s32 $0xFFFFF000  }
0xd5: {  	[spmem:s3] =	stream.indirect.scatter.add.f32 [tilespmem:s26], [sflag:$0xE], $0x20, s13, s16, $0xb8;
	[tilespmem:$0x17000] =	vst v63  }
0xd6: {  	_ =	swait.ge [sflag:s19], $0x1000  }
0xd7: {  	[sflag:s19] =	ssyncset.done $0x0  }
.Ltmp0:
0xd8: {  	s13 =	sadd.s32 $0x2F00, s6;
	[sflag:s19] =	ssyncadd.s32 $0xFFFFF000;
	(pc) =	sbr.rel @p0 .LBB2_2-.Ltmp0, $4  }
0xd9: {  	[spmem:s3] =	stream.indirect.scatter.add.f32 [tilespmem:s29], [sflag:$0xF], $0x20, s13, s16, $0xb8;
	[tilespmem:$0x17000] =	vst v63  }
0xda: {  	_ =	swait.ge [sflag:s28], $0x1000  }
0xdb: {  	[sflag:s28] =	ssyncset.done $0x0  }
0xdc: {  	s6 =	sadd.s32 $0x2F80, s6;
	[sflag:s28] =	ssyncadd.s32 $0xFFFFF000  }
0xdd: {  	[spmem:s3] =	stream.indirect.scatter.add.f32 [tilespmem:s31], [sflag:$0x10], $0x20, s6, s16, $0xb8;
	[tilespmem:$0x17000] =	vst v63  }
0xde: {  	_ =	swait.ge [sflag:s5], $0x1000  }
0xdf: {  	[sflag:s5] =	ssyncset.done $0x0  }
0xe0: {  	[sflag:s5] =	ssyncadd.s32 $0xFFFFF000  }
0xe1: {  	_ =	swait.ge [sflag:s7], $0x1000  }
0xe2: {  	[sflag:s7] =	ssyncset.done $0x0  }
0xe3: {  	[sflag:s7] =	ssyncadd.s32 $0xFFFFF000  }
0xe4: {  	_ =	swait.ge [sflag:s8], $0x1000  }
0xe5: {  	[sflag:s8] =	ssyncset.done $0x0  }
0xe6: {  	[sflag:s8] =	ssyncadd.s32 $0xFFFFF000  }
0xe7: {  	_ =	swait.ge [sflag:s9], $0x1000  }
0xe8: {  	[sflag:s9] =	ssyncset.done $0x0  }
0xe9: {  	[sflag:s9] =	ssyncadd.s32 $0xFFFFF000  }
0xea: {  	_ =	swait.ge [sflag:s15], $0x1000  }
0xeb: {  	[sflag:s15] =	ssyncset.done $0x0  }
0xec: {  	[sflag:s15] =	ssyncadd.s32 $0xFFFFF000  }
0xed: {  	_ =	swait.ge [sflag:s10], $0x1000  }
0xee: {  	[sflag:s10] =	ssyncset.done $0x0  }
0xef: {  	[sflag:s10] =	ssyncadd.s32 $0xFFFFF000  }
0xf0: {  	_ =	swait.ge [sflag:s11], $0x1000  }
0xf1: {  	[sflag:s11] =	ssyncset.done $0x0  }
0xf2: {  	[sflag:s11] =	ssyncadd.s32 $0xFFFFF000  }
0xf3: {  	_ =	swait.ge [sflag:s12], $0x1000  }
0xf4: {  	[sflag:s12] =	ssyncset.done $0x0  }
0xf5: {  	[sflag:s12] =	ssyncadd.s32 $0xFFFFF000  }
0xf6: {  	[bflag:$0x0] =	sbarrier.arrive $0xFFFF  }
0xf7: {  	s4 =	rddreg [dreg:$0x5]  }
0xf8: {  	s13 =	rddreg [dreg:$0x9]  }
0xf9: {  	s14 =	rddreg [dreg:$0xc]  }
0xfa: {  	[hbm:s13], [sflag:s4] =	dma.local [spmem:s14], $0xA00  }
0xfb: {  	s4 =	simm.s32 $0x11  }
0xfc: {  	_ =	swait.ge [sflag:s4], $0xA00  }
0xfd: {  	s13 =	rddreg [dreg:$0xd]  }
0xfe: {  	s14 =	rddreg [dreg:$0xa];
	s13 =	sadd.s32 $0x1, s13  }
0xff: {  	p0 =	sne.s32 s13, s14  }
.Ltmp1:
0x100: {  	_ = 	snop;
	(pc) =	sbr.rel @p0 .LBB2_1-.Ltmp1, $3  }
0x101: {  	_ =	sdelay $0x1  }
0x102: {  	[sflag:s4] =	ssyncset.done $0x0  }
0x103: {  	[sflag:s4] =	ssyncadd.s32 $0xFFFFF600  }
0x104: {  	_ =	sfence.sel $0x180000  }
0x105: {  	[bflag:$0x0] =	sbarrier.arrive $0xFFFF  }
0x106: {  	_ =	strace $0x90000053  }
0x107: {  	s0 =	stileid.u32;
	[bflag:$0x2] =	sbarrier.arrive $0xFFFF  }
0x108: {  	p0 =	sne.s32 s0, $0x0;
	s0 =	rddreg [dreg:$0x3]  }
0x109: {  	s0 =	sadd.s32 @!p0 $0x100000, s0  }
0x10a: {  	[sflag:s0] =	ssyncadd.tile.s32 @!p0 $0x1;
	_ =	shalt  }
.Lfunc_end2:
_tile_overlayer_lowered:
.L_overlay_start_2:
0x10b: {  	(tag) =	ssettag $0x2  }
0x10c: {  	s0 =	rddreg [dreg:$0x0];
	s2 =	stileid.u32  }
0x10d: {  	s1 =	rddreg [dreg:$0x1];
	p0 =	sne.s32 s2, $0x0  }
0x10e: {  	s3 =	rddreg [dreg:$0x2];
	[bflag:$0x3] =	sbarrier.arrive $0xFFFF;
	s2 =	simm.s32 @!p0 $0x1C11  }
0x10f: {  	[timem:s3], [sflag:s2] =	dma.local @!p0 [hbm:s0], s1  }
0x110: {  	s0 =	simm.s32 @!p0 $0x11  }
0x111: {  	_ =	swait.ge @!p0 [sflag:s0], s1  }
0x112: {  	s1 =	ssub.s32 @!p0 $0x0, s1;
	[sflag:s0] =	ssyncset.done @!p0 $0x0  }
0x113: {  	[sflag:s0] =	ssyncadd.s32 @!p0 s1  }
0x114: {  	[bflag:$0x3] =	sbarrier.arrive $0xFFFF  }
0x115: {  	_ =	shalt  }

// kernel: kernel.23.cloned.1.call-start
scs
__scs_entry_jumppad:
0x0: {  	(pc) =	sbr.rel $0x88, $3  }
0x1: {  	(tag) =	ssettag $0x0;
	lr =	simm.s32 $0x1  }
0x2: {  	[smem:$0x3F91] =	sst lr;
	_ =	strace $0xD0000000  }
0x3: {  	_ = 	snop  }
0x4: {  	_ = 	snop  }
0x5: {  	_ = 	snop  }
0x6: {  	_ = 	snop  }
0x7: {  	_ = 	snop  }
__scs_overlays_trampoline_lowered:
0x8: {  	[smem:$0x3FA0] =	sst s0  }
0x9: {  	[smem:$0x3FA1] =	sst s1  }
0xa: {  	[smem:$0x3FA2] =	sst s2  }
0xb: {  	[smem:$0x3FA3] =	sst s3  }
0xc: {  	[smem:$0x3FA4] =	sst s4  }
0xd: {  	[smem:$0x3FA5] =	sst s5  }
0xe: {  	[smem:$0x3FA6] =	sst s6  }
0xf: {  	[smem:$0x3FA7] =	sst s7  }
0x10: {  	[smem:$0x3FA8] =	sst s8  }
0x11: {  	[smem:$0x3FA9] =	sst s9;
	s0 =	simm.s32 @!p0 $0x0  }
0x12: {  	s1 =	sld [smem:$0x3F8F];
	s0 =	simm.s32 @p0 $0x1  }
0x13: {  	[smem:$0x3FAA] =	sst s0;
	s0 =	simm.s32 @!p1 $0x0  }
0x14: {  	s2 =	sld [smem:$0x3F8E];
	s0 =	simm.s32 @p1 $0x1  }
0x15: {  	[smem:$0x3FAB] =	sst s0;
	s0 =	simm.s32 @!p2 $0x0  }
0x16: {  	s3 =	sld [smem:$0x3FDB];
	s0 =	simm.s32 @p2 $0x1  }
0x17: {  	s4 =	simm.s32 $0x1BF5;
	[smem:$0x3FAD] =	sst s0  }
0x18: {  	s0 =	sld [smem:$0x3F90];
	_ =	swait.ge [sflag:s4], $0x0  }
0x19: {  	s7 =	sld [smem:$0x3F91]  }
0x1a: {  	s8 =	sadd.s32 $0xFFFFE003, lr  }
0x1b: {  	s9 =	sadd.s32 $0xFFFFFEF7, lr;
	s5 =	simm.s32 $0xFFFFFFFF;
	p2 =	slt.u32 s8, $0xFFFFF086  }
0x1c: {  	p1 =	slt.u32 s9, $0xF7A;
	s5 =	simm.s32 @!p2 $0x0  }
0x1d: {  	s5 =	simm.s32 @p1 $0x1;
	p0 =	seq.s32 s7, s2  }
0x1e: {  	s7 =	smul.u32 @!p0 $0xF7A, s2;
	p2 =	seq.s32 @!p0 s5, $0x0  }
0x1f: {  	s9 =	smul.u32 $0xF7A, s1;
	s8 =	simm.s32 @!p0 $0x1BF5;
	p2 =	por !p2, p0  }
0x20: {  	[sflag:s8] =	ssyncset.s32 @!p0 $0xFFFFF086;
	s6 =	sadd.s32 @!p0 s3, s7;
	s7 =	simm.s32 @!p0 $0x108  }
0x21: {  	s3 =	sadd.s32 s3, s9;
	s6 =	sadd.s32 @!p0 $0x88, s6;
	s7 =	simm.s32 @p2 $0x1082  }
0x22: {  	[simem:s7], [sflag:s8] =	dma.local @!p0 [hbm:s6], $0xF7A  }
0x23: {  	s9 =	sor.u32 $0xD0000000, s2;
	s6 =	simm.s32 $0x108;
	_ =	swait.ge @!p0 [sflag:s8], $0x0  }
0x24: {  	s3 =	sadd.s32 $0x88, s3;
	s6 =	simm.s32 @!p1 $0x1082;
	[sflag:s4] =	ssyncset.s32 $0xFFFFF086  }
0x25: {  	[simem:s6], [sflag:s4] =	dma.local [hbm:s3], $0xF7A  }
0x26: {  	[smem:$0x3F91] =	sst s1;
	(tag) =	ssettag s2;
	_ =	strace s9  }
0x27: {  	s1 =	sld [smem:$0x3FA1]  }
0x28: {  	s2 =	sld [smem:$0x3FA2]  }
0x29: {  	s4 =	sld [smem:$0x3FA4]  }
0x2a: {  	p0 =	seq.s32 s5, $0x0;
	s5 =	sld [smem:$0x3FA5]  }
0x2b: {  	s6 =	sld [smem:$0x3FA6]  }
0x2c: {  	s7 =	sld [smem:$0x3FA7]  }
0x2d: {  	s3 =	simm.s32 $0x108;
	s8 =	sld [smem:$0x3FA8]  }
0x2e: {  	s3 =	simm.s32 @!p0 $0x1082;
	s9 =	sld [smem:$0x3FA9]  }
0x2f: {  	lr =	sadd.s32 s0, s3;
	s0 =	sld [smem:$0x3FA0]  }
0x30: {  	s3 =	sld [smem:$0x3FA3]  }
0x31: {  	[smem:$0x3FAC] =	sst s10  }
0x32: {  	s10 =	sld [smem:$0x3FAA];
	_ =	sdelay $0x3  }
0x33: {  	p0 =	seq.s32 s10, $0x1;
	s10 =	sld [smem:$0x3FAC];
	_ =	sdelay $0x3  }
0x34: {  	[smem:$0x3FAC] =	sst s10  }
0x35: {  	s10 =	sld [smem:$0x3FAB];
	_ =	sdelay $0x3  }
0x36: {  	p1 =	seq.s32 s10, $0x1;
	s10 =	sld [smem:$0x3FAC];
	_ =	sdelay $0x3  }
0x37: {  	[smem:$0x3FAC] =	sst s10  }
0x38: {  	s10 =	sld [smem:$0x3FAD]  }
0x39: {  	_ = 	snop;
	(pc) =	sbr.ind lr, $3  }
0x3a: {  	_ = 	snop  }
0x3b: {  	_ = 	snop  }
0x3c: {  	p2 =	seq.s32 s10, $0x1;
	s10 =	sld [smem:$0x3FAC]  }
0x3d: {  	_ =	shalt  }
0x3e: {  	_ =	shalt  }
0x3f: {  	_ =	shalt  }
0x40: {  	_ =	shalt  }
0x41: {  	_ =	shalt  }
0x42: {  	_ =	shalt  }
0x43: {  	_ =	shalt  }
0x44: {  	_ =	shalt  }
0x45: {  	_ =	shalt  }
0x46: {  	_ =	shalt  }
0x47: {  	_ =	shalt  }
0x48: {  	_ =	shalt  }
0x49: {  	_ =	shalt  }
0x4a: {  	_ =	shalt  }
0x4b: {  	_ =	shalt  }
0x4c: {  	_ =	shalt  }
0x4d: {  	_ =	shalt  }
0x4e: {  	_ =	shalt  }
0x4f: {  	_ =	shalt  }
0x50: {  	_ =	shalt  }
0x51: {  	_ =	shalt  }
0x52: {  	_ =	shalt  }
0x53: {  	_ =	shalt  }
0x54: {  	_ =	shalt  }
0x55: {  	_ =	shalt  }
0x56: {  	_ =	shalt  }
0x57: {  	_ =	shalt  }
0x58: {  	_ =	shalt  }
0x59: {  	_ =	shalt  }
0x5a: {  	_ =	shalt  }
0x5b: {  	_ =	shalt  }
0x5c: {  	_ =	shalt  }
0x5d: {  	_ =	shalt  }
0x5e: {  	_ =	shalt  }
0x5f: {  	_ =	shalt  }
0x60: {  	_ =	shalt  }
0x61: {  	_ =	shalt  }
0x62: {  	_ =	shalt  }
0x63: {  	_ =	shalt  }
0x64: {  	_ =	shalt  }
0x65: {  	_ =	shalt  }
0x66: {  	_ =	shalt  }
0x67: {  	_ =	shalt  }
0x68: {  	_ =	shalt  }
0x69: {  	_ =	shalt  }
0x6a: {  	_ =	shalt  }
0x6b: {  	_ =	shalt  }
0x6c: {  	_ =	shalt  }
0x6d: {  	_ =	shalt  }
0x6e: {  	_ =	shalt  }
0x6f: {  	_ =	shalt  }
0x70: {  	_ =	shalt  }
0x71: {  	_ =	shalt  }
0x72: {  	_ =	shalt  }
0x73: {  	_ =	shalt  }
0x74: {  	_ =	shalt  }
0x75: {  	_ =	shalt  }
0x76: {  	_ =	shalt  }
0x77: {  	_ =	shalt  }
0x78: {  	_ =	shalt  }
0x79: {  	_ =	shalt  }
0x7a: {  	_ =	shalt  }
0x7b: {  	_ =	shalt  }
0x7c: {  	_ =	shalt  }
0x7d: {  	_ =	shalt  }
0x7e: {  	_ =	shalt  }
0x7f: {  	_ =	shalt  }
0x80: {  	_ =	shalt  }
0x81: {  	_ =	shalt  }
0x82: {  	_ =	shalt  }
0x83: {  	_ =	shalt  }
0x84: {  	_ =	shalt  }
0x85: {  	_ =	shalt  }
0x86: {  	_ =	shalt  }
0x87: {  	_ =	shalt  }
.Lfunc_end0:
.L_simem_size_0:
called_computation.4_lowered:
.L_overlay_start_0:
0x88: {  	s2 =	sld [smem:$0x3FD9]  }
0x89: {  	s3 =	sld [smem:$0x3FFE];
	_ =	sdelay $0x1  }
0x8a: {  	s1 =	srdreg.scid  }
0x8b: {  	s0 =	sand.u32 $0x1, s1  }
0x8c: {  	s16 =	sshll.u32 s0, $0xA;
	s2 =	sadd.s32 s3, s2  }
0x8d: {  	s2 =	sadd.s32 s2, s16  }
0x8e: {  	[smem:$0x3FB8] =	sst s2  }
0x8f: {  	_ = 	snop  }
0x90: {  	(tm) =	ssettm $0x1  }
0x91: {  	s17 =	sld [smem:$0x3FFB];
	_ =	sdelay $0x3  }
0x92: {  	_ =	strace s17  }
0x93: {  	s2 =	sld [smem:$0x3FFC];
	_ =	sdelay $0x3  }
0x94: {  	_ =	strace s2  }
0x95: {  	s2 =	sld [smem:$0x3FFD];
	_ =	sdelay $0x3  }
0x96: {  	_ =	strace s2  }
0x97: {  	_ =	strace $0x8FFFFFFF  }
0x98: {  	s18 =	sld [smem:$0x3FDB];
	_ =	sdelay $0x1  }
0x99: {  	s19 =	simm.s32 $_scs_section_size  }
0x9a: {  	s4 =	simm.s32 $_size__tile_overlayer_lowered;
	s5 =	simm.s32 $_tile_overlayer_lowered  }
0x9b: {  	s22 =	simm.s32 $0x1BFF;
	s21 =	sshll.u32 s5, $0x1;
	s2 =	sadd.s32 s19, s18  }
0x9c: {  	s6 =	simm.s32 $0x0;
	s20 =	sshll.u32 s4, $0x1;
	s4 =	sadd.s32 s21, s2  }
0x9d: {  	[timem:s6], [sflag:s22] =	dma.local [hbm:s4], s20  }
0x9e: {  	_ =	swait.ge [sflag:s22], s20  }
0x9f: {  	s3 =	ssub.s32 $0x0, s20;
	[sflag:s22] =	ssyncset.done $0x0  }
0xa0: {  	[sflag:s22] =	ssyncadd.s32 s3;
	_ =	sdelay $0x1  }
0xa1: {  	s23 =	simm.s32 $0x1B8B  }
0xa2: {  	_ =	swait.ge [sflag:s23], $0x1  }
0xa3: {  	[sflag:s23] =	ssyncset.done $0x0  }
0xa4: {  	s25 =	simm.s32 $0x1B8E;
	s24 =	sld [smem:$0x3FFE];
	[sflag:s23] =	ssyncadd.s32 $0xFFFFFFFF  }
0xa5: {  	s26 =	simm.s32 $execute0_lowered;
	[smem:$0x3FD2] =	sst s25  }
0xa6: {  	s4 =	sshll.u32 s26, $0x1;
	_ =	strace $0x8000004F;
	[dreg:$0x1] =	wrdreg $0xFFFFFFFF  }
0xa7: {  	s28 =	simm.s32 $_size_execute0_lowered;
	s2 =	sadd.s32 s2, s4;
	[dreg:$0x0] =	wrdreg $0x0  }
0xa8: {  	s4 =	sshll.u32 s28, $0x1;
	[dreg:$0x2] =	wrdreg s2  }
0xa9: {  	[dreg:$0x3] =	wrdreg s4  }
0xaa: {  	[dreg:$0x4] =	wrdreg $0xC0  }
0xab: {  	_ =	task [dreg:s6], $0x5FFFF  }
0xac: {  	[dreg:$0x1] =	wrdreg $0xFFFFFFFF  }
0xad: {  	[dreg:$0x0] =	wrdreg $0x60  }
0xae: {  	[dreg:$0x2] =	wrdreg s24  }
0xaf: {  	[dreg:$0x3] =	wrdreg $0xA0000  }
0xb0: {  	[dreg:$0x4] =	wrdreg $0x50000  }
0xb1: {  	[dreg:$0x5] =	wrdreg $0xA  }
0xb2: {  	_ =	task.clear_ibuf [dreg:s6], $0x6FFFF;
	_ =	strace $0x9000004F  }
0xb3: {  	s29 =	simm.s32 $0xA;
	_ =	strace $0x80000051  }
0xb4: {  	_ =	swait.ge [sflag:s29], $0x1  }
0xb5: {  	[sflag:s29] =	ssyncadd.s32 $0xFFFFFFFF  }
0xb6: {  	_ =	strace $0x90000051  }
0xb7: {  	_ =	sfence  }
0xb8: {  	s30 =	sld [smem:$0x0];
	_ =	sdelay $0x2  }
0xb9: {  	s31 =	sshll.u32 s1, $0xD;
	s1 =	sshrl.u32 s1, $0x2  }
0xba: {  	s3 =	sand.u32 $0x4000, s31;
	s1 =	sadd.s32 s1, s30  }
0xbb: {  	s0 =	sor.u32 s3, s0;
	s1 =	sshll.u32 s1, $0x11  }
0xbc: {  	s0 =	sor.u32 s1, s0  }
0xbd: {  	s0 =	sadd.s32 $0x8F2B, s0  }
0xbe: {  	[sflag:s0] =	ssyncadd.remote.s32 $0x1  }
0xbf: {  	_ =	sfence.sel $0xFFFF  }
0xc0: {  	[dreg:$0x0] =	wrdreg $0xFFFFFFFF;
	(pc) =	sbr.abs _section_cstart, $3  }
0xc1: {  	[dreg:$0x1] =	wrdreg $0xFFFFFFFF  }
0xc2: {  	_ =	task.clear_ibuf [dreg:s6], $0x2FFFF;
	_ =	strace $0x9FFFFFFF  }
0xc3: {  	(tm) =	ssettm $0x7FFFFFFF  }
tec
execute0_lowered:
.L_overlay_start_1:
0x0: {  	(tag) =	ssettag $0x1  }
0x1: {  	s0 =	srdreg.scid;
	s4 =	rddreg [dreg:$0x0]  }
0x2: {  	s8 =	stileid.u32;
	s2 =	rddreg [dreg:$0x1]  }
0x3: {  	s3 =	rddreg [dreg:$0x2];
	s7 =	simm.s32 $0x0;
	s16 =	simm.s32 $0x80  }
0x4: {  	s17 =	simm.s32 $0xF000;
	s18 =	simm.s32 $0x10000;
	s20 =	simm.s32 $0x11000  }
0x5: {  	s29 =	simm.s32 $0x15000;
	s31 =	simm.s32 $0x16000;
	s30 =	simm.s32 $0x5  }
0x6: {  	s19 =	simm.s32 $0x7;
	s28 =	simm.s32 $0x8;
	s15 =	simm.s32 $0xD  }
0x7: {  	s10 =	simm.s32 $0xE;
	s11 =	simm.s32 $0xF;
	s12 =	simm.s32 $0x10  }
0x8: {  	s13 =	simm.s32 $0x0;
	s0 =	sand.u32 $0x1, s0;
	s5 =	smul.u32 $0x5000, s8  }
0x9: {  	[smem:$0x7FF] =	sst s7;
	s1 =	sshll.u32 s0, $0x4;
	s6 =	smul.u32 $0x50000, s0  }
0xa: {  	_ =	strace $0x80000050;
	s0 =	ssub.s32 $0x2, s0;
	s1 =	sor.u32 s8, s1  }
0xb: {  	s21 =	sshrl.u32 s5, $0x3;
	s22 =	sshrl.u32 s0, $0x1;
	s23 =	sadd.s32 s5, s2  }
0xc: {  	s8 =	sshll.u32 s8, $0x6;
	s1 =	smul.u32 $0x500, s1;
	s6 =	sadd.s32 s5, s6  }
0xd: {  	s7 =	sadd.s32 s21, s4;
	s0 =	ssub.s32 s0, s22;
	s8 =	sor.u32 $0x1C11, s8  }
0xe: {  	s5 =	sadd.s32 s5, s3;
	s26 =	sshrl.u32 s23, $0x3;
	s22 =	simm.s32 $0x12000  }
0xf: {  	s21 =	simm.s32 $0x3;
	s23 =	simm.s32 $0x6;
	[dreg:$0x5] =	wrdreg s8  }
0x10: {  	s6 =	sshrl.u32 s6, $0x3;
	s9 =	sadd.s32 $0x1C600, s7;
	[dreg:$0xb] =	wrdreg s26  }
0x11: {  	s7 =	sadd.s32 $0x26600, s7;
	s0 =	smax.u32 s0, $0x1;
	[dreg:$0x4] =	wrdreg s9  }
0x12: {  	s14 =	sshrl.u32 s5, $0x3;
	s26 =	simm.s32 $0x14000;
	[dreg:$0x6] =	wrdreg s7  }
0x13: {  	s5 =	simm.s32 $0x9;
	s1 =	sadd.s32 s1, s4;
	[dreg:$0xa] =	wrdreg s0  }
0x14: {  	s8 =	simm.s32 $0xB;
	[dreg:$0xc] =	wrdreg s14;
	s24 =	sadd.s32 $0x12600, s1  }
0x15: {  	s4 =	sadd.s32 s6, s4;
	s1 =	sadd.s32 $0x3400, s1;
	[dreg:$0x7] =	wrdreg s24  }
0x16: {  	s0 =	simm.s32 $0x2;
	s25 =	sadd.s32 $0x30600, s4;
	[dreg:$0x8] =	wrdreg s1  }
0x17: {  	s7 =	simm.s32 $0xA;
	s9 =	simm.s32 $0xC;
	[dreg:$0x9] =	wrdreg s25  }
0x18: {  	s24 =	simm.s32 $0x13000;
	s1 =	simm.s32 $0x1;
	s25 =	simm.s32 $0x4  }
.LBB2_1:
0x19: {  	[dreg:$0xd] =	wrdreg s13  }
0x1a: {  	s6 =	rddreg [dreg:$0x4]  }
0x1b: {  	s14 =	rddreg [dreg:$0xb]  }
0x1c: {  	s4 =	simm.s32 $0x11;
	s13 =	rddreg [dreg:$0x5]  }
0x1d: {  	[spmem:s14], [sflag:s13] =	dma.local [hbm:s6], $0xA00  }
0x1e: {  	_ =	swait.ge [sflag:s4], $0xA00  }
0x1f: {  	[sflag:s4] =	ssyncset.done $0x0;
	s6 =	rddreg [dreg:$0x6]  }
0x20: {  	s14 =	rddreg [dreg:$0xc];
	[sflag:s4] =	ssyncadd.s32 $0xFFFFF600  }
0x21: {  	[spmem:s14], [sflag:s13] =	dma.local [hbm:s6], $0xA00  }
0x22: {  	_ =	swait.ge [sflag:s4], $0xA00  }
0x23: {  	[sflag:s4] =	ssyncset.done $0x0  }
0x24: {  	s6 =	simm.s32 $0x0;
	s14 =	rddreg [dreg:$0x7];
	[sflag:s4] =	ssyncadd.s32 $0xFFFFF600  }
0x25: {  	[tilespmem:s6], [sflag:$0x11] =	stream.linear.gather [hbm4b:s14+s6], $0x2800, $0x38;
	[tilespmem:$0x17000] =	vst v63  }
0x26: {  	_ =	swait.ge [sflag:s4], $0x2800  }
0x27: {  	[sflag:s4] =	ssyncset.done $0x0  }
0x28: {  	s14 =	simm.s32 $0x2800;
	s13 =	rddreg [dreg:$0x8];
	[sflag:s4] =	ssyncadd.s32 $0xFFFFD800  }
0x29: {  	[tilespmem:s14], [sflag:$0x11] =	stream.linear.gather [hbm4b:s13+s6], $0x2800, $0x38;
	[tilespmem:$0x17000] =	vst v63  }
0x2a: {  	_ =	swait.ge [sflag:s4], $0x2800  }
0x2b: {  	[sflag:s4] =	ssyncset.done $0x0  }
0x2c: {  	[sflag:s4] =	ssyncadd.s32 $0xFFFFD800  }
0x2d: {  	[bflag:$0x0] =	sbarrier.arrive $0xFFFF  }
0x2e: {  	[tilespmem:s17], [sflag:$0x1] =	stream.indirect.gather [spmem:s2], $0x20, s6, s16, $0xb8;
	[tilespmem:$0x17000] =	vst v63  }
0x2f: {  	_ = 	snop  }
0x30: {  	[tilespmem:s18], [sflag:$0x2] =	stream.indirect.gather [spmem:s2], $0x20, s16, s16, $0xb8;
	[tilespmem:$0x17000] =	vst v63  }
0x31: {  	s6 =	simm.s32 $0x100  }
0x32: {  	[tilespmem:s20], [sflag:$0x3] =	stream.indirect.gather [spmem:s2], $0x20, s6, s16, $0xb8;
	[tilespmem:$0x17000] =	vst v63  }
0x33: {  	s13 =	simm.s32 $0x180  }
0x34: {  	[tilespmem:s22], [sflag:$0x4] =	stream.indirect.gather [spmem:s2], $0x20, s13, s16, $0xb8;
	[tilespmem:$0x17000] =	vst v63  }
0x35: {  	s6 =	simm.s32 $0x200  }
0x36: {  	[tilespmem:s24], [sflag:$0x5] =	stream.indirect.gather [spmem:s2], $0x20, s6, s16, $0xb8;
	[tilespmem:$0x17000] =	vst v63  }
0x37: {  	s13 =	simm.s32 $0x280  }
0x38: {  	[tilespmem:s26], [sflag:$0x6] =	stream.indirect.gather [spmem:s2], $0x20, s13, s16, $0xb8;
	[tilespmem:$0x17000] =	vst v63  }
0x39: {  	s6 =	simm.s32 $0x300  }
0x3a: {  	[tilespmem:s29], [sflag:$0x7] =	stream.indirect.gather [spmem:s2], $0x20, s6, s16, $0xb8;
	[tilespmem:$0x17000] =	vst v63  }
0x3b: {  	s13 =	simm.s32 $0x380  }
0x3c: {  	[tilespmem:s31], [sflag:$0x8] =	stream.indirect.gather [spmem:s2], $0x20, s13, s16, $0xb8;
	[tilespmem:$0x17000] =	vst v63  }
0x3d: {  	_ =	swait.ge [sflag:s1], $0x1000  }
0x3e: {  	[sflag:s1] =	ssyncset.done $0x0  }
0x3f: {  	[sflag:s1] =	ssyncadd.s32 $0xFFFFF000  }
0x40: {  	[spmem:s3] =	stream.indirect.scatter.add.f32 [tilespmem:s17], [sflag:$0x9], $0x20, s14, s16, $0xb8;
	[tilespmem:$0x17000] =	vst v63  }
0x41: {  	_ =	swait.ge [sflag:s0], $0x1000  }
0x42: {  	[sflag:s0] =	ssyncset.done $0x0  }
0x43: {  	s14 =	simm.s32 $0x2880;
	[sflag:s0] =	ssyncadd.s32 $0xFFFFF000  }
0x44: {  	[spmem:s3] =	stream.indirect.scatter.add.f32 [tilespmem:s18], [sflag:$0xA], $0x20, s14, s16, $0xb8;
	[tilespmem:$0x17000] =	vst v63  }
0x45: {  	_ =	swait.ge [sflag:s21], $0x1000  }
0x46: {  	[sflag:s21] =	ssyncset.done $0x0  }
0x47: {  	s6 =	simm.s32 $0x2900;
	[sflag:s21] =	ssyncadd.s32 $0xFFFFF000  }
0x48: {  	[spmem:s3] =	stream.indirect.scatter.add.f32 [tilespmem:s20], [sflag:$0xB], $0x20, s6, s16, $0xb8;
	[tilespmem:$0x17000] =	vst v63  }
0x49: {  	_ =	swait.ge [sflag:s25], $0x1000  }
0x4a: {  	[sflag:s25] =	ssyncset.done $0x0  }
0x4b: {  	s13 =	simm.s32 $0x2980;
	[sflag:s25] =	ssyncadd.s32 $0xFFFFF000  }
0x4c: {  	[spmem:s3] =	stream.indirect.scatter.add.f32 [tilespmem:s22], [sflag:$0xC], $0x20, s13, s16, $0xb8;
	[tilespmem:$0x17000] =	vst v63  }
0x4d: {  	_ =	swait.ge [sflag:s30], $0x1000  }
0x4e: {  	[sflag:s30] =	ssyncset.done $0x0  }
0x4f: {  	s14 =	simm.s32 $0x2A00;
	[sflag:s30] =	ssyncadd.s32 $0xFFFFF000  }
0x50: {  	[spmem:s3] =	stream.indirect.scatter.add.f32 [tilespmem:s24], [sflag:$0xD], $0x20, s14, s16, $0xb8;
	[tilespmem:$0x17000] =	vst v63  }
0x51: {  	_ =	swait.ge [sflag:s23], $0x1000  }
0x52: {  	[sflag:s23] =	ssyncset.done $0x0  }
0x53: {  	s6 =	simm.s32 $0x2A80;
	[sflag:s23] =	ssyncadd.s32 $0xFFFFF000  }
0x54: {  	[spmem:s3] =	stream.indirect.scatter.add.f32 [tilespmem:s26], [sflag:$0xE], $0x20, s6, s16, $0xb8;
	[tilespmem:$0x17000] =	vst v63  }
0x55: {  	_ =	swait.ge [sflag:s19], $0x1000  }
0x56: {  	[sflag:s19] =	ssyncset.done $0x0  }
0x57: {  	s13 =	simm.s32 $0x2B00;
	[sflag:s19] =	ssyncadd.s32 $0xFFFFF000  }
0x58: {  	[spmem:s3] =	stream.indirect.scatter.add.f32 [tilespmem:s29], [sflag:$0xF], $0x20, s13, s16, $0xb8;
	[tilespmem:$0x17000] =	vst v63  }
0x59: {  	_ =	swait.ge [sflag:s28], $0x1000  }
0x5a: {  	[sflag:s28] =	ssyncset.done $0x0  }
0x5b: {  	s14 =	simm.s32 $0x2B80;
	[sflag:s28] =	ssyncadd.s32 $0xFFFFF000  }
0x5c: {  	[spmem:s3] =	stream.indirect.scatter.add.f32 [tilespmem:s31], [sflag:$0x10], $0x20, s14, s16, $0xb8;
	[tilespmem:$0x17000] =	vst v63  }
0x5d: {  	_ =	swait.ge [sflag:s5], $0x1000  }
0x5e: {  	[sflag:s5] =	ssyncset.done $0x0  }
0x5f: {  	s4 =	simm.s32 $0x400;
	[sflag:s5] =	ssyncadd.s32 $0xFFFFF000  }
0x60: {  	[tilespmem:s17], [sflag:$0x1] =	stream.indirect.gather [spmem:s2], $0x20, s4, s16, $0xb8;
	[tilespmem:$0x17000] =	vst v63  }
0x61: {  	_ =	swait.ge [sflag:s7], $0x1000  }
0x62: {  	[sflag:s7] =	ssyncset.done $0x0  }
0x63: {  	s13 =	simm.s32 $0x480;
	[sflag:s7] =	ssyncadd.s32 $0xFFFFF000  }
0x64: {  	[tilespmem:s18], [sflag:$0x2] =	stream.indirect.gather [spmem:s2], $0x20, s13, s16, $0xb8;
	[tilespmem:$0x17000] =	vst v63  }
0x65: {  	_ =	swait.ge [sflag:s8], $0x1000  }
0x66: {  	[sflag:s8] =	ssyncset.done $0x0  }
0x67: {  	s14 =	simm.s32 $0x500;
	[sflag:s8] =	ssyncadd.s32 $0xFFFFF000  }
0x68: {  	[tilespmem:s20], [sflag:$0x3] =	stream.indirect.gather [spmem:s2], $0x20, s14, s16, $0xb8;
	[tilespmem:$0x17000] =	vst v63  }
0x69: {  	_ =	swait.ge [sflag:s9], $0x1000  }
0x6a: {  	[sflag:s9] =	ssyncset.done $0x0  }
0x6b: {  	s4 =	simm.s32 $0x580;
	[sflag:s9] =	ssyncadd.s32 $0xFFFFF000  }
0x6c: {  	[tilespmem:s22], [sflag:$0x4] =	stream.indirect.gather [spmem:s2], $0x20, s4, s16, $0xb8;
	[tilespmem:$0x17000] =	vst v63  }
0x6d: {  	_ =	swait.ge [sflag:s15], $0x1000  }
0x6e: {  	[sflag:s15] =	ssyncset.done $0x0  }
0x6f: {  	s13 =	simm.s32 $0x600;
	[sflag:s15] =	ssyncadd.s32 $0xFFFFF000  }
0x70: {  	[tilespmem:s24], [sflag:$0x5] =	stream.indirect.gather [spmem:s2], $0x20, s13, s16, $0xb8;
	[tilespmem:$0x17000] =	vst v63  }
0x71: {  	_ =	swait.ge [sflag:s10], $0x1000  }
0x72: {  	[sflag:s10] =	ssyncset.done $0x0  }
0x73: {  	s14 =	simm.s32 $0x680;
	[sflag:s10] =	ssyncadd.s32 $0xFFFFF000  }
0x74: {  	[tilespmem:s26], [sflag:$0x6] =	stream.indirect.gather [spmem:s2], $0x20, s14, s16, $0xb8;
	[tilespmem:$0x17000] =	vst v63  }
0x75: {  	_ =	swait.ge [sflag:s11], $0x1000  }
0x76: {  	[sflag:s11] =	ssyncset.done $0x0  }
0x77: {  	s4 =	simm.s32 $0x700;
	[sflag:s11] =	ssyncadd.s32 $0xFFFFF000  }
0x78: {  	[tilespmem:s29], [sflag:$0x7] =	stream.indirect.gather [spmem:s2], $0x20, s4, s16, $0xb8;
	[tilespmem:$0x17000] =	vst v63  }
0x79: {  	_ =	swait.ge [sflag:s12], $0x1000  }
0x7a: {  	[sflag:s12] =	ssyncset.done $0x0  }
0x7b: {  	s13 =	simm.s32 $0x780;
	[sflag:s12] =	ssyncadd.s32 $0xFFFFF000  }
0x7c: {  	[tilespmem:s31], [sflag:$0x8] =	stream.indirect.gather [spmem:s2], $0x20, s13, s16, $0xb8;
	[tilespmem:$0x17000] =	vst v63  }
0x7d: {  	_ =	swait.ge [sflag:s1], $0x1000  }
0x7e: {  	[sflag:s1] =	ssyncset.done $0x0  }
0x7f: {  	s14 =	simm.s32 $0x2C00;
	[sflag:s1] =	ssyncadd.s32 $0xFFFFF000  }
0x80: {  	[spmem:s3] =	stream.indirect.scatter.add.f32 [tilespmem:s17], [sflag:$0x9], $0x20, s14, s16, $0xb8;
	[tilespmem:$0x17000] =	vst v63  }
0x81: {  	_ =	swait.ge [sflag:s0], $0x1000  }
0x82: {  	[sflag:s0] =	ssyncset.done $0x0  }
0x83: {  	s4 =	simm.s32 $0x2C80;
	[sflag:s0] =	ssyncadd.s32 $0xFFFFF000  }
0x84: {  	[spmem:s3] =	stream.indirect.scatter.add.f32 [tilespmem:s18], [sflag:$0xA], $0x20, s4, s16, $0xb8;
	[tilespmem:$0x17000] =	vst v63  }
0x85: {  	_ =	swait.ge [sflag:s21], $0x1000  }
0x86: {  	[sflag:s21] =	ssyncset.done $0x0  }
0x87: {  	s13 =	simm.s32 $0x2D00;
	[sflag:s21] =	ssyncadd.s32 $0xFFFFF000  }
0x88: {  	[spmem:s3] =	stream.indirect.scatter.add.f32 [tilespmem:s20], [sflag:$0xB], $0x20, s13, s16, $0xb8;
	[tilespmem:$0x17000] =	vst v63  }
0x89: {  	_ =	swait.ge [sflag:s25], $0x1000  }
0x8a: {  	[sflag:s25] =	ssyncset.done $0x0  }
0x8b: {  	s14 =	simm.s32 $0x2D80;
	[sflag:s25] =	ssyncadd.s32 $0xFFFFF000  }
0x8c: {  	[spmem:s3] =	stream.indirect.scatter.add.f32 [tilespmem:s22], [sflag:$0xC], $0x20, s14, s16, $0xb8;
	[tilespmem:$0x17000] =	vst v63  }
0x8d: {  	_ =	swait.ge [sflag:s30], $0x1000  }
0x8e: {  	[sflag:s30] =	ssyncset.done $0x0  }
0x8f: {  	s4 =	simm.s32 $0x2E00;
	[sflag:s30] =	ssyncadd.s32 $0xFFFFF000  }
0x90: {  	[spmem:s3] =	stream.indirect.scatter.add.f32 [tilespmem:s24], [sflag:$0xD], $0x20, s4, s16, $0xb8;
	[tilespmem:$0x17000] =	vst v63  }
0x91: {  	_ =	swait.ge [sflag:s23], $0x1000  }
0x92: {  	[sflag:s23] =	ssyncset.done $0x0  }
0x93: {  	s13 =	simm.s32 $0x2E80;
	[sflag:s23] =	ssyncadd.s32 $0xFFFFF000  }
0x94: {  	[spmem:s3] =	stream.indirect.scatter.add.f32 [tilespmem:s26], [sflag:$0xE], $0x20, s13, s16, $0xb8;
	[tilespmem:$0x17000] =	vst v63  }
0x95: {  	_ =	swait.ge [sflag:s19], $0x1000  }
0x96: {  	[sflag:s19] =	ssyncset.done $0x0  }
0x97: {  	s14 =	simm.s32 $0x2F00;
	[sflag:s19] =	ssyncadd.s32 $0xFFFFF000  }
0x98: {  	[spmem:s3] =	stream.indirect.scatter.add.f32 [tilespmem:s29], [sflag:$0xF], $0x20, s14, s16, $0xb8;
	[tilespmem:$0x17000] =	vst v63  }
0x99: {  	_ =	swait.ge [sflag:s28], $0x1000  }
0x9a: {  	[sflag:s28] =	ssyncset.done $0x0  }
0x9b: {  	s6 =	simm.s32 $0x2F80;
	s14 =	simm.s32 $0x1000;
	[sflag:s28] =	ssyncadd.s32 $0xFFFFF000  }
.LBB2_2:
0x9c: {  	[spmem:s3] =	stream.indirect.scatter.add.f32 [tilespmem:s31], [sflag:$0x10], $0x20, s6, s16, $0xb8;
	[tilespmem:$0x17000] =	vst v63  }
0x9d: {  	s6 =	smov.u32 s14  }
0x9e: {  	p0 =	sne.s32 s14, $0x8000;
	s14 =	sadd.s32 $0x1000, s14;
	_ =	swait.ge [sflag:s5], $0x1000  }
0x9f: {  	s6 =	sshra.s32 s6, $0x2;
	[sflag:s5] =	ssyncset.done $0x0  }
0xa0: {  	s13 =	sadd.s32 $0x400, s6;
	[sflag:s5] =	ssyncadd.s32 $0xFFFFF000  }
0xa1: {  	[tilespmem:s17], [sflag:$0x1] =	stream.indirect.gather [spmem:s2], $0x20, s13, s16, $0xb8;
	[tilespmem:$0x17000] =	vst v63  }
0xa2: {  	_ =	swait.ge [sflag:s7], $0x1000  }
0xa3: {  	[sflag:s7] =	ssyncset.done $0x0  }
0xa4: {  	s13 =	sadd.s32 $0x480, s6;
	[sflag:s7] =	ssyncadd.s32 $0xFFFFF000  }
0xa5: {  	[tilespmem:s18], [sflag:$0x2] =	stream.indirect.gather [spmem:s2], $0x20, s13, s16, $0xb8;
	[tilespmem:$0x17000] =	vst v63  }
0xa6: {  	_ =	swait.ge [sflag:s8], $0x1000  }
0xa7: {  	[sflag:s8] =	ssyncset.done $0x0  }
0xa8: {  	s13 =	sadd.s32 $0x500, s6;
	[sflag:s8] =	ssyncadd.s32 $0xFFFFF000  }
0xa9: {  	[tilespmem:s20], [sflag:$0x3] =	stream.indirect.gather [spmem:s2], $0x20, s13, s16, $0xb8;
	[tilespmem:$0x17000] =	vst v63  }
0xaa: {  	_ =	swait.ge [sflag:s9], $0x1000  }
0xab: {  	[sflag:s9] =	ssyncset.done $0x0  }
0xac: {  	s13 =	sadd.s32 $0x580, s6;
	[sflag:s9] =	ssyncadd.s32 $0xFFFFF000  }
0xad: {  	[tilespmem:s22], [sflag:$0x4] =	stream.indirect.gather [spmem:s2], $0x20, s13, s16, $0xb8;
	[tilespmem:$0x17000] =	vst v63  }
0xae: {  	_ =	swait.ge [sflag:s15], $0x1000  }
0xaf: {  	[sflag:s15] =	ssyncset.done $0x0  }
0xb0: {  	s13 =	sadd.s32 $0x600, s6;
	[sflag:s15] =	ssyncadd.s32 $0xFFFFF000  }
0xb1: {  	[tilespmem:s24], [sflag:$0x5] =	stream.indirect.gather [spmem:s2], $0x20, s13, s16, $0xb8;
	[tilespmem:$0x17000] =	vst v63  }
0xb2: {  	_ =	swait.ge [sflag:s10], $0x1000  }
0xb3: {  	[sflag:s10] =	ssyncset.done $0x0  }
0xb4: {  	s13 =	sadd.s32 $0x680, s6;
	[sflag:s10] =	ssyncadd.s32 $0xFFFFF000  }
0xb5: {  	[tilespmem:s26], [sflag:$0x6] =	stream.indirect.gather [spmem:s2], $0x20, s13, s16, $0xb8;
	[tilespmem:$0x17000] =	vst v63  }
0xb6: {  	_ =	swait.ge [sflag:s11], $0x1000  }
0xb7: {  	[sflag:s11] =	ssyncset.done $0x0  }
0xb8: {  	s13 =	sadd.s32 $0x700, s6;
	[sflag:s11] =	ssyncadd.s32 $0xFFFFF000  }
0xb9: {  	[tilespmem:s29], [sflag:$0x7] =	stream.indirect.gather [spmem:s2], $0x20, s13, s16, $0xb8;
	[tilespmem:$0x17000] =	vst v63  }
0xba: {  	_ =	swait.ge [sflag:s12], $0x1000  }
0xbb: {  	[sflag:s12] =	ssyncset.done $0x0  }
0xbc: {  	s13 =	sadd.s32 $0x780, s6;
	[sflag:s12] =	ssyncadd.s32 $0xFFFFF000  }
0xbd: {  	[tilespmem:s31], [sflag:$0x8] =	stream.indirect.gather [spmem:s2], $0x20, s13, s16, $0xb8;
	[tilespmem:$0x17000] =	vst v63  }
0xbe: {  	_ =	swait.ge [sflag:s1], $0x1000  }
0xbf: {  	[sflag:s1] =	ssyncset.done $0x0  }
0xc0: {  	s13 =	sadd.s32 $0x2C00, s6;
	[sflag:s1] =	ssyncadd.s32 $0xFFFFF000  }
0xc1: {  	[spmem:s3] =	stream.indirect.scatter.add.f32 [tilespmem:s17], [sflag:$0x9], $0x20, s13, s16, $0xb8;
	[tilespmem:$0x17000] =	vst v63  }
0xc2: {  	_ =	swait.ge [sflag:s0], $0x1000  }
0xc3: {  	[sflag:s0] =	ssyncset.done $0x0  }
0xc4: {  	s13 =	sadd.s32 $0x2C80, s6;
	[sflag:s0] =	ssyncadd.s32 $0xFFFFF000  }
0xc5: {  	[spmem:s3] =	stream.indirect.scatter.add.f32 [tilespmem:s18], [sflag:$0xA], $0x20, s13, s16, $0xb8;
	[tilespmem:$0x17000] =	vst v63  }
0xc6: {  	_ =	swait.ge [sflag:s21], $0x1000  }
0xc7: {  	[sflag:s21] =	ssyncset.done $0x0  }
0xc8: {  	s13 =	sadd.s32 $0x2D00, s6;
	[sflag:s21] =	ssyncadd.s32 $0xFFFFF000  }
0xc9: {  	[spmem:s3] =	stream.indirect.scatter.add.f32 [tilespmem:s20], [sflag:$0xB], $0x20, s13, s16, $0xb8;
	[tilespmem:$0x17000] =	vst v63  }
0xca: {  	_ =	swait.ge [sflag:s25], $0x1000  }
0xcb: {  	[sflag:s25] =	ssyncset.done $0x0  }
0xcc: {  	s13 =	sadd.s32 $0x2D80, s6;
	[sflag:s25] =	ssyncadd.s32 $0xFFFFF000  }
0xcd: {  	[spmem:s3] =	stream.indirect.scatter.add.f32 [tilespmem:s22], [sflag:$0xC], $0x20, s13, s16, $0xb8;
	[tilespmem:$0x17000] =	vst v63  }
0xce: {  	_ =	swait.ge [sflag:s30], $0x1000  }
0xcf: {  	[sflag:s30] =	ssyncset.done $0x0  }
0xd0: {  	s13 =	sadd.s32 $0x2E00, s6;
	[sflag:s30] =	ssyncadd.s32 $0xFFFFF000  }
0xd1: {  	[spmem:s3] =	stream.indirect.scatter.add.f32 [tilespmem:s24], [sflag:$0xD], $0x20, s13, s16, $0xb8;
	[tilespmem:$0x17000] =	vst v63  }
0xd2: {  	_ =	swait.ge [sflag:s23], $0x1000  }
0xd3: {  	[sflag:s23] =	ssyncset.done $0x0  }
0xd4: {  	s13 =	sadd.s32 $0x2E80, s6;
	[sflag:s23] =	ssyncadd.s32 $0xFFFFF000  }
0xd5: {  	[spmem:s3] =	stream.indirect.scatter.add.f32 [tilespmem:s26], [sflag:$0xE], $0x20, s13, s16, $0xb8;
	[tilespmem:$0x17000] =	vst v63  }
0xd6: {  	_ =	swait.ge [sflag:s19], $0x1000  }
0xd7: {  	[sflag:s19] =	ssyncset.done $0x0  }
.Ltmp0:
0xd8: {  	s13 =	sadd.s32 $0x2F00, s6;
	[sflag:s19] =	ssyncadd.s32 $0xFFFFF000;
	(pc) =	sbr.rel @p0 .LBB2_2-.Ltmp0, $4  }
0xd9: {  	[spmem:s3] =	stream.indirect.scatter.add.f32 [tilespmem:s29], [sflag:$0xF], $0x20, s13, s16, $0xb8;
	[tilespmem:$0x17000] =	vst v63  }
0xda: {  	_ =	swait.ge [sflag:s28], $0x1000  }
0xdb: {  	[sflag:s28] =	ssyncset.done $0x0  }
0xdc: {  	s6 =	sadd.s32 $0x2F80, s6;
	[sflag:s28] =	ssyncadd.s32 $0xFFFFF000  }
0xdd: {  	[spmem:s3] =	stream.indirect.scatter.add.f32 [tilespmem:s31], [sflag:$0x10], $0x20, s6, s16, $0xb8;
	[tilespmem:$0x17000] =	vst v63  }
0xde: {  	_ =	swait.ge [sflag:s5], $0x1000  }
0xdf: {  	[sflag:s5] =	ssyncset.done $0x0  }
0xe0: {  	[sflag:s5] =	ssyncadd.s32 $0xFFFFF000  }
0xe1: {  	_ =	swait.ge [sflag:s7], $0x1000  }
0xe2: {  	[sflag:s7] =	ssyncset.done $0x0  }
0xe3: {  	[sflag:s7] =	ssyncadd.s32 $0xFFFFF000  }
0xe4: {  	_ =	swait.ge [sflag:s8], $0x1000  }
0xe5: {  	[sflag:s8] =	ssyncset.done $0x0  }
0xe6: {  	[sflag:s8] =	ssyncadd.s32 $0xFFFFF000  }
0xe7: {  	_ =	swait.ge [sflag:s9], $0x1000  }
0xe8: {  	[sflag:s9] =	ssyncset.done $0x0  }
0xe9: {  	[sflag:s9] =	ssyncadd.s32 $0xFFFFF000  }
0xea: {  	_ =	swait.ge [sflag:s15], $0x1000  }
0xeb: {  	[sflag:s15] =	ssyncset.done $0x0  }
0xec: {  	[sflag:s15] =	ssyncadd.s32 $0xFFFFF000  }
0xed: {  	_ =	swait.ge [sflag:s10], $0x1000  }
0xee: {  	[sflag:s10] =	ssyncset.done $0x0  }
0xef: {  	[sflag:s10] =	ssyncadd.s32 $0xFFFFF000  }
0xf0: {  	_ =	swait.ge [sflag:s11], $0x1000  }
0xf1: {  	[sflag:s11] =	ssyncset.done $0x0  }
0xf2: {  	[sflag:s11] =	ssyncadd.s32 $0xFFFFF000  }
0xf3: {  	_ =	swait.ge [sflag:s12], $0x1000  }
0xf4: {  	[sflag:s12] =	ssyncset.done $0x0  }
0xf5: {  	[sflag:s12] =	ssyncadd.s32 $0xFFFFF000  }
0xf6: {  	[bflag:$0x0] =	sbarrier.arrive $0xFFFF  }
0xf7: {  	s4 =	rddreg [dreg:$0x5]  }
0xf8: {  	s13 =	rddreg [dreg:$0x9]  }
0xf9: {  	s14 =	rddreg [dreg:$0xc]  }
0xfa: {  	[hbm:s13], [sflag:s4] =	dma.local [spmem:s14], $0xA00  }
0xfb: {  	s4 =	simm.s32 $0x11  }
0xfc: {  	_ =	swait.ge [sflag:s4], $0xA00  }
0xfd: {  	s13 =	rddreg [dreg:$0xd]  }
0xfe: {  	s14 =	rddreg [dreg:$0xa];
	s13 =	sadd.s32 $0x1, s13  }
0xff: {  	p0 =	sne.s32 s13, s14  }
.Ltmp1:
0x100: {  	_ = 	snop;
	(pc) =	sbr.rel @p0 .LBB2_1-.Ltmp1, $3  }
0x101: {  	_ =	sdelay $0x1  }
0x102: {  	[sflag:s4] =	ssyncset.done $0x0  }
0x103: {  	[sflag:s4] =	ssyncadd.s32 $0xFFFFF600  }
0x104: {  	_ =	sfence.sel $0x180000  }
0x105: {  	[bflag:$0x0] =	sbarrier.arrive $0xFFFF  }
0x106: {  	_ =	strace $0x90000050  }
0x107: {  	s0 =	stileid.u32;
	[bflag:$0x2] =	sbarrier.arrive $0xFFFF  }
0x108: {  	p0 =	sne.s32 s0, $0x0;
	s0 =	rddreg [dreg:$0x3]  }
0x109: {  	s0 =	sadd.s32 @!p0 $0x100000, s0  }
0x10a: {  	[sflag:s0] =	ssyncadd.tile.s32 @!p0 $0x1;
	_ =	shalt  }
.Lfunc_end2:
_tile_overlayer_lowered:
.L_overlay_start_2:
0x10b: {  	(tag) =	ssettag $0x2  }
0x10c: {  	s0 =	rddreg [dreg:$0x0];
	s2 =	stileid.u32  }
0x10d: {  	s1 =	rddreg [dreg:$0x1];
	p0 =	sne.s32 s2, $0x0  }
0x10e: {  	s3 =	rddreg [dreg:$0x2];
	[bflag:$0x3] =	sbarrier.arrive $0xFFFF;
	s2 =	simm.s32 @!p0 $0x1C11  }
0x10f: {  	[timem:s3], [sflag:s2] =	dma.local @!p0 [hbm:s0], s1  }
0x110: {  	s0 =	simm.s32 @!p0 $0x11  }
0x111: {  	_ =	swait.ge @!p0 [sflag:s0], s1  }
0x112: {  	s1 =	ssub.s32 @!p0 $0x0, s1;
	[sflag:s0] =	ssyncset.done @!p0 $0x0  }
0x113: {  	[sflag:s0] =	ssyncadd.s32 @!p0 s1  }
0x114: {  	[bflag:$0x3] =	sbarrier.arrive $0xFFFF  }
0x115: {  	_ =	shalt  }

</sc_bundles>
